<compile_context>
chip_gen: v7x
topology: tpu7x:2x2x1
jax: 0.10.2.dev20260603
libtpu: 0.0.44.dev20260713+nightly
codegen_flags: <defaults>
</compile_context>

<pallas_src>
import functools

import jax
import jax.numpy as jnp
from jax import lax
from jax.experimental import pallas as pl
from jax.experimental.pallas import tpu as pltpu
from jax.experimental.pallas import tpu_sc as plsc

N = 10000
E = 160000
D = 256
H = 128
NC = 2
NS = 16
NPAD = 10240
EPC = 64
CH = 160
EPAD = NS * CH * EPC
RPT = NPAD // NS

_mesh = plsc.VectorSubcoreMesh(core_axis_name="c", subcore_axis_name="s")


@functools.partial(
    pl.kernel,
    out_type=jax.ShapeDtypeStruct((NC, NPAD), jnp.float32),
    mesh=_mesh,
    scratch_types=[
        pltpu.VMEM((CH // 2, EPC), jnp.int32),
        pltpu.VMEM((NPAD,), jnp.float32),
        pltpu.VMEM((NS, RPT), jnp.float32),
        pltpu.VMEM((RPT,), jnp.float32),
        pltpu.VMEM_SHARED((NS, NPAD), jnp.float32),
    ],
    compiler_params=pltpu.CompilerParams(needs_layout_passes=False),
)
def _deg_kernel(dst_hbm, deg_hbm, dst_v, hist, part, seg, shared):
    c = lax.axis_index("c")
    s = lax.axis_index("s")
    nch = CH // 2
    pltpu.sync_copy(dst_hbm.at[s, pl.ds(c * nch, nch)], dst_v)

    def _zero(i, _):
        hist[pl.ds(i * 16, 16)] = jnp.zeros((16,), jnp.float32)
        return 0
    lax.fori_loop(0, NPAD // 16, _zero, 0)

    ones = jnp.ones((16,), jnp.float32)

    def _count(j, _):
        for t in range(EPC // 16):
            idx = dst_v[j, pl.ds(t * 16, 16)]
            plsc.addupdate_scatter(hist, [idx], ones)
        return 0
    lax.fori_loop(0, nch, _count, 0)

    pltpu.sync_copy(hist, shared.at[s])
    plsc.subcore_barrier()
    pltpu.sync_copy(shared.at[:, pl.ds(s * RPT, RPT)], part)

    def _sum(v, _):
        t = jnp.zeros((16,), jnp.float32)
        for r in range(NS):
            t = t + part[r, pl.ds(v * 16, 16)]
        seg[pl.ds(v * 16, 16)] = t
        return 0
    lax.fori_loop(0, RPT // 16, _sum, 0)
    pltpu.sync_copy(seg, deg_hbm.at[c, pl.ds(s * RPT, RPT)])


@functools.partial(
    pl.kernel,
    out_type=jax.ShapeDtypeStruct((NC, NPAD, H), jnp.float32),
    mesh=_mesh,
    scratch_types=[
        [pltpu.VMEM((EPC,), jnp.int32)] * 8,
        [pltpu.VMEM((EPC,), jnp.int32)] * 8,
        [pltpu.VMEM((EPC, H), jnp.float32)] * 4,
        pltpu.VMEM_SHARED((NPAD, H), jnp.float32),
        [pltpu.SemaphoreType.DMA] * 8,
        [pltpu.SemaphoreType.DMA] * 8,
        [pltpu.SemaphoreType.DMA] * 4,
    ],
    compiler_params=pltpu.CompilerParams(needs_layout_passes=False),
)
def _agg_kernel(g_hbm, srcg_hbm, dst_hbm, zeros_hbm, agg_hbm,
                src_rg, dst_rg, bufs, acc, isems, jsems, gsems):
    c = lax.axis_index("c")
    s = lax.axis_index("s")
    pltpu.sync_copy(zeros_hbm, acc.at[pl.ds(s * RPT, RPT)])

    NI, NB = 8, 4
    for m in range(NI):
        pltpu.async_copy(srcg_hbm.at[c, s, m], src_rg[m], isems[m])
        pltpu.async_copy(dst_hbm.at[s, m], dst_rg[m], jsems[m])
    plsc.subcore_barrier()
    for b in range(NB):
        pltpu.make_async_copy(srcg_hbm.at[c, s, b], src_rg[b],
                              isems[b]).wait()
        pltpu.async_copy(g_hbm.at[src_rg[b]], bufs[b], gsems[b])

    def _step(u, _):
        for k in range(NI):
            b = k % NB
            j = u * NI + k
            pltpu.make_async_copy(g_hbm.at[src_rg[b]], bufs[b],
                                  gsems[b]).wait()
            pltpu.make_async_copy(dst_hbm.at[s, j], dst_rg[k],
                                  jsems[k]).wait()
            pltpu.sync_copy(bufs[b], acc.at[dst_rg[k]], add=True)

            @pl.when(j + NB < CH)
            def _issue_gather():
                m = (k + NB) % NI
                pltpu.make_async_copy(srcg_hbm.at[c, s, j + NB], src_rg[m],
                                      isems[m]).wait()
                pltpu.async_copy(g_hbm.at[src_rg[m]], bufs[b], gsems[b])

            @pl.when(j + NI < CH)
            def _issue_idx():
                pltpu.async_copy(srcg_hbm.at[c, s, j + NI], src_rg[k],
                                 isems[k])
                pltpu.async_copy(dst_hbm.at[s, j + NI], dst_rg[k],
                                 jsems[k])
        return 0
    lax.fori_loop(0, CH // NI, _step, 0)

    plsc.subcore_barrier()
    pltpu.sync_copy(acc.at[pl.ds(s * RPT, RPT)],
                    agg_hbm.at[c].at[pl.ds(s * RPT, RPT)])


_RB = 1024


def _tc1_body(x_ref, w_ref, deg_ref, g_ref, dinv_ref):
    deg = 1.0 + deg_ref[0] + deg_ref[1]
    dinv = lax.rsqrt(deg)
    h = jnp.dot(x_ref[...], w_ref[...], preferred_element_type=jnp.float32)
    g = h * dinv
    g_ref[...] = jnp.stack([g[:, :H], g[:, H:]], axis=0)
    dinv_ref[...] = dinv


def _tc1(x, w0, degpart):
    return pl.pallas_call(
        _tc1_body,
        grid=(NPAD // _RB,),
        in_specs=[
            pl.BlockSpec((_RB, D), lambda i: (i, 0)),
            pl.BlockSpec((D, D), lambda i: (0, 0)),
            pl.BlockSpec((NC, _RB, 1), lambda i: (0, i, 0)),
        ],
        out_specs=[
            pl.BlockSpec((NC, _RB, H), lambda i: (0, i, 0)),
            pl.BlockSpec((_RB, 1), lambda i: (i, 0)),
        ],
        out_shape=[
            jax.ShapeDtypeStruct((NC, NPAD, H), jnp.float32),
            jax.ShapeDtypeStruct((NPAD, 1), jnp.float32),
        ],
    )(x, w0, degpart)


def _tc2_body(g_ref, agg_ref, dinv_ref, b_ref, w_ref, gout_ref):
    pre = agg_ref[...] + g_ref[...]
    hfull = jnp.concatenate([pre[0], pre[1]], axis=1)
    dinv = dinv_ref[...]
    h1 = jnp.maximum(dinv * hfull + b_ref[...], 0.0)
    m = jnp.dot(h1, w_ref[...], preferred_element_type=jnp.float32)
    g1 = m * dinv
    gout_ref[...] = jnp.stack([g1[:, :H], g1[:, H:]], axis=0)


def _tc2(g0, agg0, dinv, b0, w1):
    return pl.pallas_call(
        _tc2_body,
        grid=(NPAD // _RB,),
        in_specs=[
            pl.BlockSpec((NC, _RB, H), lambda i: (0, i, 0)),
            pl.BlockSpec((NC, _RB, H), lambda i: (0, i, 0)),
            pl.BlockSpec((_RB, 1), lambda i: (i, 0)),
            pl.BlockSpec((1, D), lambda i: (0, 0)),
            pl.BlockSpec((D, D), lambda i: (0, 0)),
        ],
        out_specs=pl.BlockSpec((NC, _RB, H), lambda i: (0, i, 0)),
        out_shape=jax.ShapeDtypeStruct((NC, NPAD, H), jnp.float32),
    )(g0, agg0, dinv, b0, w1)


def _tc3_body(g_ref, agg_ref, dinv_ref, b_ref, out_ref):
    pre = agg_ref[...] + g_ref[...]
    hfull = jnp.concatenate([pre[0], pre[1]], axis=1)
    out_ref[...] = dinv_ref[...] * hfull + b_ref[...]


def _tc3(g1, agg1, dinv, b1):
    return pl.pallas_call(
        _tc3_body,
        grid=(NPAD // _RB,),
        in_specs=[
            pl.BlockSpec((NC, _RB, H), lambda i: (0, i, 0)),
            pl.BlockSpec((NC, _RB, H), lambda i: (0, i, 0)),
            pl.BlockSpec((_RB, 1), lambda i: (i, 0)),
            pl.BlockSpec((1, D), lambda i: (0, 0)),
        ],
        out_specs=pl.BlockSpec((_RB, D), lambda i: (i, 0)),
        out_shape=jax.ShapeDtypeStruct((NPAD, D), jnp.float32),
    )(g1, agg1, dinv, b1)


def kernel(x, edge_index, W0, b0, W1, b1):
    src = edge_index[0].astype(jnp.int32)
    dst = edge_index[1].astype(jnp.int32)
    fill = jnp.full((EPAD - E,), N, dtype=jnp.int32)
    src_p = jnp.concatenate([src, fill])
    dst_p = jnp.concatenate([dst, fill])
    srcg = (src_p[None, :] + jnp.arange(NC, dtype=jnp.int32)[:, None] * NPAD
            ).reshape(NC, NS, CH, EPC)
    dsts = dst_p.reshape(NS, CH, EPC)

    x_pad = jnp.pad(x, ((0, NPAD - N), (0, 0)))
    zeros = jnp.zeros((RPT, H), jnp.float32)

    degpart = _deg_kernel(dsts)
    g0, dinv = _tc1(x_pad, W0, degpart.reshape(NC, NPAD, 1))
    agg0 = _agg_kernel(g0.reshape(NC * NPAD, H), srcg, dsts, zeros)
    g1 = _tc2(g0, agg0, dinv, b0.reshape(1, D), W1)
    agg1 = _agg_kernel(g1.reshape(NC * NPAD, H), srcg, dsts, zeros)
    out = _tc3(g1, agg1, dinv, b1.reshape(1, D))
    return out[:N]

# --- scband reference (transcript-rebuilt; emitter-appended) ---
"""Pipeline reference for scband-gcnencoder-21053929685606 (READ-ONLY COPY).

The authoritative reference and input builder live on the scoring server;
editing this copy changes nothing except your own understanding.
"""

import jax, jax.numpy as jnp
import numpy as np

N = 10000
E = 160000
DIMS = [256, 256, 256]


def setup_inputs(seed: int = 0) -> dict:
    key = jax.random.key(seed)
    ks = jax.random.split(key, 6)
    x = jax.random.normal(ks[0], (N, DIMS[0]), dtype=jnp.float32)
    edge_index = jax.random.randint(ks[1], (2, E), 0, N, dtype=jnp.int32).astype(jnp.int64)
    W0 = jax.random.normal(ks[2], (DIMS[0], DIMS[1]), dtype=jnp.float32) * (1.0 / np.sqrt(DIMS[0]))
    b0 = jnp.zeros((DIMS[1],), dtype=jnp.float32)
    W1 = jax.random.normal(ks[3], (DIMS[1], DIMS[2]), dtype=jnp.float32) * (1.0 / np.sqrt(DIMS[1]))
    b1 = jnp.zeros((DIMS[2],), dtype=jnp.float32)
    return {"x": x, "edge_index": edge_index, "W0": W0, "b0": b0, "W1": W1, "b1": b1}


def _gcn_conv(x, src, dst, W, b):
    # GCNConv: h = D^{-1/2} (A + I) D^{-1/2} (x W) + b
    h = x @ W
    n = x.shape[0]
    loop = jnp.arange(n, dtype=src.dtype)
    s = jnp.concatenate([src, loop])
    d = jnp.concatenate([dst, loop])
    deg = jnp.zeros((n,), dtype=h.dtype).at[d].add(1.0)
    dinv = jnp.where(deg > 0, jax.lax.rsqrt(jnp.maximum(deg, 1e-12)), 0.0)
    norm = dinv[s] * dinv[d]
    msg = h[s] * norm[:, None]
    out = jnp.zeros_like(h).at[d].add(msg)
    return out + b


def reference(x, edge_index, W0, b0, W1, b1):
    src = edge_index[0]
    dst = edge_index[1]
    h = _gcn_conv(x, src, dst, W0, b0)
    h = jax.nn.relu(h)
    # dropout is identity in eval mode
    h = _gcn_conv(h, src, dst, W1, b1)
    return h

if __name__ == "__main__":
    import jax
    _d = setup_inputs()
    print(jax.jit(kernel)(*tuple(_d.values())))

</pallas_src>

<mosaic_0001>
#map = affine_map<(d0, d1) -> (0, 0)>
#map1 = affine_map<(d0, d1) -> (0, 0, 0, 0)>
#map2 = affine_map<(d0, d1) -> (0, 0, 0)>
module attributes {stable_mosaic.version = 14 : i64} {
  func.func @_agg_kernel(%arg0: i32, %arg1: i32, %arg2: memref<20480x128xf32, #tpu.memory_space<hbm>>, %arg3: memref<2x16x160x64xi32, #tpu.memory_space<hbm>>, %arg4: memref<16x160x64xi32, #tpu.memory_space<hbm>>, %arg5: memref<640x128xf32, #tpu.memory_space<hbm>>, %arg6: memref<2x10240x128xf32, #tpu.memory_space<hbm>>, %arg7: memref<64xi32, #tpu.memory_space<vmem>>, %arg8: memref<64xi32, #tpu.memory_space<vmem>>, %arg9: memref<64xi32, #tpu.memory_space<vmem>>, %arg10: memref<64xi32, #tpu.memory_space<vmem>>, %arg11: memref<64xi32, #tpu.memory_space<vmem>>, %arg12: memref<64xi32, #tpu.memory_space<vmem>>, %arg13: memref<64xi32, #tpu.memory_space<vmem>>, %arg14: memref<64xi32, #tpu.memory_space<vmem>>, %arg15: memref<64xi32, #tpu.memory_space<vmem>>, %arg16: memref<64xi32, #tpu.memory_space<vmem>>, %arg17: memref<64xi32, #tpu.memory_space<vmem>>, %arg18: memref<64xi32, #tpu.memory_space<vmem>>, %arg19: memref<64xi32, #tpu.memory_space<vmem>>, %arg20: memref<64xi32, #tpu.memory_space<vmem>>, %arg21: memref<64xi32, #tpu.memory_space<vmem>>, %arg22: memref<64xi32, #tpu.memory_space<vmem>>, %arg23: memref<64x128xf32, #tpu.memory_space<vmem>>, %arg24: memref<64x128xf32, #tpu.memory_space<vmem>>, %arg25: memref<64x128xf32, #tpu.memory_space<vmem>>, %arg26: memref<64x128xf32, #tpu.memory_space<vmem>>, %arg27: memref<10240x128xf32, #tpu.memory_space<vmem_shared>>, %arg28: memref<!tpu.dma_semaphore, #tpu.memory_space<semaphore_mem>>, %arg29: memref<!tpu.dma_semaphore, #tpu.memory_space<semaphore_mem>>, %arg30: memref<!tpu.dma_semaphore, #tpu.memory_space<semaphore_mem>>, %arg31: memref<!tpu.dma_semaphore, #tpu.memory_space<semaphore_mem>>, %arg32: memref<!tpu.dma_semaphore, #tpu.memory_space<semaphore_mem>>, %arg33: memref<!tpu.dma_semaphore, #tpu.memory_space<semaphore_mem>>, %arg34: memref<!tpu.dma_semaphore, #tpu.memory_space<semaphore_mem>>, %arg35: memref<!tpu.dma_semaphore, #tpu.memory_space<semaphore_mem>>, %arg36: memref<!tpu.dma_semaphore, #tpu.memory_space<semaphore_mem>>, %arg37: memref<!tpu.dma_semaphore, #tpu.memory_space<semaphore_mem>>, %arg38: memref<!tpu.dma_semaphore, #tpu.memory_space<semaphore_mem>>, %arg39: memref<!tpu.dma_semaphore, #tpu.memory_space<semaphore_mem>>, %arg40: memref<!tpu.dma_semaphore, #tpu.memory_space<semaphore_mem>>, %arg41: memref<!tpu.dma_semaphore, #tpu.memory_space<semaphore_mem>>, %arg42: memref<!tpu.dma_semaphore, #tpu.memory_space<semaphore_mem>>, %arg43: memref<!tpu.dma_semaphore, #tpu.memory_space<semaphore_mem>>, %arg44: memref<!tpu.dma_semaphore, #tpu.memory_space<semaphore_mem>>, %arg45: memref<!tpu.dma_semaphore, #tpu.memory_space<semaphore_mem>>, %arg46: memref<!tpu.dma_semaphore, #tpu.memory_space<semaphore_mem>>, %arg47: memref<!tpu.dma_semaphore, #tpu.memory_space<semaphore_mem>>) attributes {dimension_semantics = [#tpu.dimension_semantics<core_parallel>, #tpu.dimension_semantics<subcore_parallel>], iteration_bounds = array<i64: 2, 16>, scalar_prefetch = 0 : i64, scratch_operands = 41 : i64, tpu.core_type = #tpu.core_type<sc_vector_subcore>, window_params = [{transform_indices = #map}, {transform_indices = #map1}, {transform_indices = #map2}, {transform_indices = #map}, {transform_indices = #map2}]} {
    %mul3A = arith.constant 640 : i32
    %mul3A_0 = arith.muli %arg1, %mul3A : i32
    "tpu.region"() ({
      %run_scoped3A = tpu.sem_alloc : memref<!tpu.dma_semaphore, #tpu.memory_space<semaphore_mem>>
      %dma_start3A_162 = arith.constant 0 : i32
      %dma_start3A_163 = tpu.memref_slice %arg27[%mul3A_0, %dma_start3A_162] : memref<10240x128xf32, #tpu.memory_space<vmem_shared>> -> memref<640x128xf32, #tpu.memory_space<vmem_shared>>
      tpu.enqueue_dma source(%arg5 : memref<640x128xf32, #tpu.memory_space<hbm>>) target(%dma_start3A_163 : memref<640x128xf32, #tpu.memory_space<vmem_shared>>) target_semaphore(%run_scoped3A : memref<!tpu.dma_semaphore, #tpu.memory_space<semaphore_mem>>)
      %dma_wait3A_164 = arith.constant 0 : i32
      %dma_wait3A_165 = tpu.memref_slice %arg27[%mul3A_0, %dma_wait3A_164] : memref<10240x128xf32, #tpu.memory_space<vmem_shared>> -> memref<640x128xf32, #tpu.memory_space<vmem_shared>>
      tpu.wait_dma2 semaphore(%run_scoped3A : memref<!tpu.dma_semaphore, #tpu.memory_space<semaphore_mem>>) src(%arg5 : memref<640x128xf32, #tpu.memory_space<hbm>>) dst(%dma_wait3A_165 : memref<640x128xf32, #tpu.memory_space<vmem_shared>>)
      tpu.yield
    }) : () -> ()
    %dma_start3A = arith.constant 0 : i32
    %dma_start3A_1 = arith.constant 0 : i32
    %dma_start3A_2 = tpu.memref_slice %arg3[%arg0, %arg1, %dma_start3A, %dma_start3A_1] : memref<2x16x160x64xi32, #tpu.memory_space<hbm>> -> memref<1x1x1x64xi32, #tpu.memory_space<hbm>>
    %dma_start3A_3 = tpu.memref_squeeze %dma_start3A_2 : memref<1x1x1x64xi32, #tpu.memory_space<hbm>> -> memref<64xi32, #tpu.memory_space<hbm>>
    %dma_start3A_4 = arith.constant 0 : i32
    %dma_start3A_5 = tpu.memref_slice %arg3[%arg0, %arg1, %dma_start3A, %dma_start3A_4] : memref<2x16x160x64xi32, #tpu.memory_space<hbm>> -> memref<1x1x1x64xi32, #tpu.memory_space<hbm>>
    %dma_start3A_6 = tpu.memref_squeeze %dma_start3A_5 : memref<1x1x1x64xi32, #tpu.memory_space<hbm>> -> memref<64xi32, #tpu.memory_space<hbm>>
    tpu.enqueue_dma source(%dma_start3A_6 : memref<64xi32, #tpu.memory_space<hbm>>) target(%arg7 : memref<64xi32, #tpu.memory_space<vmem>>) target_semaphore(%arg28 : memref<!tpu.dma_semaphore, #tpu.memory_space<semaphore_mem>>)
    %dma_start3A_7 = arith.constant 0 : i32
    %dma_start3A_8 = arith.constant 0 : i32
    %dma_start3A_9 = tpu.memref_slice %arg4[%arg1, %dma_start3A_7, %dma_start3A_8] : memref<16x160x64xi32, #tpu.memory_space<hbm>> -> memref<1x1x64xi32, #tpu.memory_space<hbm>>
    %dma_start3A_10 = tpu.memref_squeeze %dma_start3A_9 : memref<1x1x64xi32, #tpu.memory_space<hbm>> -> memref<64xi32, #tpu.memory_space<hbm>>
    %dma_start3A_11 = arith.constant 0 : i32
    %dma_start3A_12 = tpu.memref_slice %arg4[%arg1, %dma_start3A_7, %dma_start3A_11] : memref<16x160x64xi32, #tpu.memory_space<hbm>> -> memref<1x1x64xi32, #tpu.memory_space<hbm>>
    %dma_start3A_13 = tpu.memref_squeeze %dma_start3A_12 : memref<1x1x64xi32, #tpu.memory_space<hbm>> -> memref<64xi32, #tpu.memory_space<hbm>>
    tpu.enqueue_dma source(%dma_start3A_13 : memref<64xi32, #tpu.memory_space<hbm>>) target(%arg15 : memref<64xi32, #tpu.memory_space<vmem>>) target_semaphore(%arg36 : memref<!tpu.dma_semaphore, #tpu.memory_space<semaphore_mem>>)
    %dma_start3A_14 = arith.constant 1 : i32
    %dma_start3A_15 = arith.constant 0 : i32
    %dma_start3A_16 = tpu.memref_slice %arg3[%arg0, %arg1, %dma_start3A_14, %dma_start3A_15] : memref<2x16x160x64xi32, #tpu.memory_space<hbm>> -> memref<1x1x1x64xi32, #tpu.memory_space<hbm>>
    %dma_start3A_17 = tpu.memref_squeeze %dma_start3A_16 : memref<1x1x1x64xi32, #tpu.memory_space<hbm>> -> memref<64xi32, #tpu.memory_space<hbm>>
    %dma_start3A_18 = arith.constant 0 : i32
    %dma_start3A_19 = tpu.memref_slice %arg3[%arg0, %arg1, %dma_start3A_14, %dma_start3A_18] : memref<2x16x160x64xi32, #tpu.memory_space<hbm>> -> memref<1x1x1x64xi32, #tpu.memory_space<hbm>>
    %dma_start3A_20 = tpu.memref_squeeze %dma_start3A_19 : memref<1x1x1x64xi32, #tpu.memory_space<hbm>> -> memref<64xi32, #tpu.memory_space<hbm>>
    tpu.enqueue_dma source(%dma_start3A_20 : memref<64xi32, #tpu.memory_space<hbm>>) target(%arg8 : memref<64xi32, #tpu.memory_space<vmem>>) target_semaphore(%arg29 : memref<!tpu.dma_semaphore, #tpu.memory_space<semaphore_mem>>)
    %dma_start3A_21 = arith.constant 1 : i32
    %dma_start3A_22 = arith.constant 0 : i32
    %dma_start3A_23 = tpu.memref_slice %arg4[%arg1, %dma_start3A_21, %dma_start3A_22] : memref<16x160x64xi32, #tpu.memory_space<hbm>> -> memref<1x1x64xi32, #tpu.memory_space<hbm>>
    %dma_start3A_24 = tpu.memref_squeeze %dma_start3A_23 : memref<1x1x64xi32, #tpu.memory_space<hbm>> -> memref<64xi32, #tpu.memory_space<hbm>>
    %dma_start3A_25 = arith.constant 0 : i32
    %dma_start3A_26 = tpu.memref_slice %arg4[%arg1, %dma_start3A_21, %dma_start3A_25] : memref<16x160x64xi32, #tpu.memory_space<hbm>> -> memref<1x1x64xi32, #tpu.memory_space<hbm>>
    %dma_start3A_27 = tpu.memref_squeeze %dma_start3A_26 : memref<1x1x64xi32, #tpu.memory_space<hbm>> -> memref<64xi32, #tpu.memory_space<hbm>>
    tpu.enqueue_dma source(%dma_start3A_27 : memref<64xi32, #tpu.memory_space<hbm>>) target(%arg16 : memref<64xi32, #tpu.memory_space<vmem>>) target_semaphore(%arg37 : memref<!tpu.dma_semaphore, #tpu.memory_space<semaphore_mem>>)
    %dma_start3A_28 = arith.constant 2 : i32
    %dma_start3A_29 = arith.constant 0 : i32
    %dma_start3A_30 = tpu.memref_slice %arg3[%arg0, %arg1, %dma_start3A_28, %dma_start3A_29] : memref<2x16x160x64xi32, #tpu.memory_space<hbm>> -> memref<1x1x1x64xi32, #tpu.memory_space<hbm>>
    %dma_start3A_31 = tpu.memref_squeeze %dma_start3A_30 : memref<1x1x1x64xi32, #tpu.memory_space<hbm>> -> memref<64xi32, #tpu.memory_space<hbm>>
    %dma_start3A_32 = arith.constant 0 : i32
    %dma_start3A_33 = tpu.memref_slice %arg3[%arg0, %arg1, %dma_start3A_28, %dma_start3A_32] : memref<2x16x160x64xi32, #tpu.memory_space<hbm>> -> memref<1x1x1x64xi32, #tpu.memory_space<hbm>>
    %dma_start3A_34 = tpu.memref_squeeze %dma_start3A_33 : memref<1x1x1x64xi32, #tpu.memory_space<hbm>> -> memref<64xi32, #tpu.memory_space<hbm>>
    tpu.enqueue_dma source(%dma_start3A_34 : memref<64xi32, #tpu.memory_space<hbm>>) target(%arg9 : memref<64xi32, #tpu.memory_space<vmem>>) target_semaphore(%arg30 : memref<!tpu.dma_semaphore, #tpu.memory_space<semaphore_mem>>)
    %dma_start3A_35 = arith.constant 2 : i32
    %dma_start3A_36 = arith.constant 0 : i32
    %dma_start3A_37 = tpu.memref_slice %arg4[%arg1, %dma_start3A_35, %dma_start3A_36] : memref<16x160x64xi32, #tpu.memory_space<hbm>> -> memref<1x1x64xi32, #tpu.memory_space<hbm>>
    %dma_start3A_38 = tpu.memref_squeeze %dma_start3A_37 : memref<1x1x64xi32, #tpu.memory_space<hbm>> -> memref<64xi32, #tpu.memory_space<hbm>>
    %dma_start3A_39 = arith.constant 0 : i32
    %dma_start3A_40 = tpu.memref_slice %arg4[%arg1, %dma_start3A_35, %dma_start3A_39] : memref<16x160x64xi32, #tpu.memory_space<hbm>> -> memref<1x1x64xi32, #tpu.memory_space<hbm>>
    %dma_start3A_41 = tpu.memref_squeeze %dma_start3A_40 : memref<1x1x64xi32, #tpu.memory_space<hbm>> -> memref<64xi32, #tpu.memory_space<hbm>>
    tpu.enqueue_dma source(%dma_start3A_41 : memref<64xi32, #tpu.memory_space<hbm>>) target(%arg17 : memref<64xi32, #tpu.memory_space<vmem>>) target_semaphore(%arg38 : memref<!tpu.dma_semaphore, #tpu.memory_space<semaphore_mem>>)
    %dma_start3A_42 = arith.constant 3 : i32
    %dma_start3A_43 = arith.constant 0 : i32
    %dma_start3A_44 = tpu.memref_slice %arg3[%arg0, %arg1, %dma_start3A_42, %dma_start3A_43] : memref<2x16x160x64xi32, #tpu.memory_space<hbm>> -> memref<1x1x1x64xi32, #tpu.memory_space<hbm>>
    %dma_start3A_45 = tpu.memref_squeeze %dma_start3A_44 : memref<1x1x1x64xi32, #tpu.memory_space<hbm>> -> memref<64xi32, #tpu.memory_space<hbm>>
    %dma_start3A_46 = arith.constant 0 : i32
    %dma_start3A_47 = tpu.memref_slice %arg3[%arg0, %arg1, %dma_start3A_42, %dma_start3A_46] : memref<2x16x160x64xi32, #tpu.memory_space<hbm>> -> memref<1x1x1x64xi32, #tpu.memory_space<hbm>>
    %dma_start3A_48 = tpu.memref_squeeze %dma_start3A_47 : memref<1x1x1x64xi32, #tpu.memory_space<hbm>> -> memref<64xi32, #tpu.memory_space<hbm>>
    tpu.enqueue_dma source(%dma_start3A_48 : memref<64xi32, #tpu.memory_space<hbm>>) target(%arg10 : memref<64xi32, #tpu.memory_space<vmem>>) target_semaphore(%arg31 : memref<!tpu.dma_semaphore, #tpu.memory_space<semaphore_mem>>)
    %dma_start3A_49 = arith.constant 3 : i32
    %dma_start3A_50 = arith.constant 0 : i32
    %dma_start3A_51 = tpu.memref_slice %arg4[%arg1, %dma_start3A_49, %dma_start3A_50] : memref<16x160x64xi32, #tpu.memory_space<hbm>> -> memref<1x1x64xi32, #tpu.memory_space<hbm>>
    %dma_start3A_52 = tpu.memref_squeeze %dma_start3A_51 : memref<1x1x64xi32, #tpu.memory_space<hbm>> -> memref<64xi32, #tpu.memory_space<hbm>>
    %dma_start3A_53 = arith.constant 0 : i32
    %dma_start3A_54 = tpu.memref_slice %arg4[%arg1, %dma_start3A_49, %dma_start3A_53] : memref<16x160x64xi32, #tpu.memory_space<hbm>> -> memref<1x1x64xi32, #tpu.memory_space<hbm>>
    %dma_start3A_55 = tpu.memref_squeeze %dma_start3A_54 : memref<1x1x64xi32, #tpu.memory_space<hbm>> -> memref<64xi32, #tpu.memory_space<hbm>>
    tpu.enqueue_dma source(%dma_start3A_55 : memref<64xi32, #tpu.memory_space<hbm>>) target(%arg18 : memref<64xi32, #tpu.memory_space<vmem>>) target_semaphore(%arg39 : memref<!tpu.dma_semaphore, #tpu.memory_space<semaphore_mem>>)
    %dma_start3A_56 = arith.constant 4 : i32
    %dma_start3A_57 = arith.constant 0 : i32
    %dma_start3A_58 = tpu.memref_slice %arg3[%arg0, %arg1, %dma_start3A_56, %dma_start3A_57] : memref<2x16x160x64xi32, #tpu.memory_space<hbm>> -> memref<1x1x1x64xi32, #tpu.memory_space<hbm>>
    %dma_start3A_59 = tpu.memref_squeeze %dma_start3A_58 : memref<1x1x1x64xi32, #tpu.memory_space<hbm>> -> memref<64xi32, #tpu.memory_space<hbm>>
    %dma_start3A_60 = arith.constant 0 : i32
    %dma_start3A_61 = tpu.memref_slice %arg3[%arg0, %arg1, %dma_start3A_56, %dma_start3A_60] : memref<2x16x160x64xi32, #tpu.memory_space<hbm>> -> memref<1x1x1x64xi32, #tpu.memory_space<hbm>>
    %dma_start3A_62 = tpu.memref_squeeze %dma_start3A_61 : memref<1x1x1x64xi32, #tpu.memory_space<hbm>> -> memref<64xi32, #tpu.memory_space<hbm>>
    tpu.enqueue_dma source(%dma_start3A_62 : memref<64xi32, #tpu.memory_space<hbm>>) target(%arg11 : memref<64xi32, #tpu.memory_space<vmem>>) target_semaphore(%arg32 : memref<!tpu.dma_semaphore, #tpu.memory_space<semaphore_mem>>)
    %dma_start3A_63 = arith.constant 4 : i32
    %dma_start3A_64 = arith.constant 0 : i32
    %dma_start3A_65 = tpu.memref_slice %arg4[%arg1, %dma_start3A_63, %dma_start3A_64] : memref<16x160x64xi32, #tpu.memory_space<hbm>> -> memref<1x1x64xi32, #tpu.memory_space<hbm>>
    %dma_start3A_66 = tpu.memref_squeeze %dma_start3A_65 : memref<1x1x64xi32, #tpu.memory_space<hbm>> -> memref<64xi32, #tpu.memory_space<hbm>>
    %dma_start3A_67 = arith.constant 0 : i32
    %dma_start3A_68 = tpu.memref_slice %arg4[%arg1, %dma_start3A_63, %dma_start3A_67] : memref<16x160x64xi32, #tpu.memory_space<hbm>> -> memref<1x1x64xi32, #tpu.memory_space<hbm>>
    %dma_start3A_69 = tpu.memref_squeeze %dma_start3A_68 : memref<1x1x64xi32, #tpu.memory_space<hbm>> -> memref<64xi32, #tpu.memory_space<hbm>>
    tpu.enqueue_dma source(%dma_start3A_69 : memref<64xi32, #tpu.memory_space<hbm>>) target(%arg19 : memref<64xi32, #tpu.memory_space<vmem>>) target_semaphore(%arg40 : memref<!tpu.dma_semaphore, #tpu.memory_space<semaphore_mem>>)
    %dma_start3A_70 = arith.constant 5 : i32
    %dma_start3A_71 = arith.constant 0 : i32
    %dma_start3A_72 = tpu.memref_slice %arg3[%arg0, %arg1, %dma_start3A_70, %dma_start3A_71] : memref<2x16x160x64xi32, #tpu.memory_space<hbm>> -> memref<1x1x1x64xi32, #tpu.memory_space<hbm>>
    %dma_start3A_73 = tpu.memref_squeeze %dma_start3A_72 : memref<1x1x1x64xi32, #tpu.memory_space<hbm>> -> memref<64xi32, #tpu.memory_space<hbm>>
    %dma_start3A_74 = arith.constant 0 : i32
    %dma_start3A_75 = tpu.memref_slice %arg3[%arg0, %arg1, %dma_start3A_70, %dma_start3A_74] : memref<2x16x160x64xi32, #tpu.memory_space<hbm>> -> memref<1x1x1x64xi32, #tpu.memory_space<hbm>>
    %dma_start3A_76 = tpu.memref_squeeze %dma_start3A_75 : memref<1x1x1x64xi32, #tpu.memory_space<hbm>> -> memref<64xi32, #tpu.memory_space<hbm>>
    tpu.enqueue_dma source(%dma_start3A_76 : memref<64xi32, #tpu.memory_space<hbm>>) target(%arg12 : memref<64xi32, #tpu.memory_space<vmem>>) target_semaphore(%arg33 : memref<!tpu.dma_semaphore, #tpu.memory_space<semaphore_mem>>)
    %dma_start3A_77 = arith.constant 5 : i32
    %dma_start3A_78 = arith.constant 0 : i32
    %dma_start3A_79 = tpu.memref_slice %arg4[%arg1, %dma_start3A_77, %dma_start3A_78] : memref<16x160x64xi32, #tpu.memory_space<hbm>> -> memref<1x1x64xi32, #tpu.memory_space<hbm>>
    %dma_start3A_80 = tpu.memref_squeeze %dma_start3A_79 : memref<1x1x64xi32, #tpu.memory_space<hbm>> -> memref<64xi32, #tpu.memory_space<hbm>>
    %dma_start3A_81 = arith.constant 0 : i32
    %dma_start3A_82 = tpu.memref_slice %arg4[%arg1, %dma_start3A_77, %dma_start3A_81] : memref<16x160x64xi32, #tpu.memory_space<hbm>> -> memref<1x1x64xi32, #tpu.memory_space<hbm>>
    %dma_start3A_83 = tpu.memref_squeeze %dma_start3A_82 : memref<1x1x64xi32, #tpu.memory_space<hbm>> -> memref<64xi32, #tpu.memory_space<hbm>>
    tpu.enqueue_dma source(%dma_start3A_83 : memref<64xi32, #tpu.memory_space<hbm>>) target(%arg20 : memref<64xi32, #tpu.memory_space<vmem>>) target_semaphore(%arg41 : memref<!tpu.dma_semaphore, #tpu.memory_space<semaphore_mem>>)
    %dma_start3A_84 = arith.constant 6 : i32
    %dma_start3A_85 = arith.constant 0 : i32
    %dma_start3A_86 = tpu.memref_slice %arg3[%arg0, %arg1, %dma_start3A_84, %dma_start3A_85] : memref<2x16x160x64xi32, #tpu.memory_space<hbm>> -> memref<1x1x1x64xi32, #tpu.memory_space<hbm>>
    %dma_start3A_87 = tpu.memref_squeeze %dma_start3A_86 : memref<1x1x1x64xi32, #tpu.memory_space<hbm>> -> memref<64xi32, #tpu.memory_space<hbm>>
    %dma_start3A_88 = arith.constant 0 : i32
    %dma_start3A_89 = tpu.memref_slice %arg3[%arg0, %arg1, %dma_start3A_84, %dma_start3A_88] : memref<2x16x160x64xi32, #tpu.memory_space<hbm>> -> memref<1x1x1x64xi32, #tpu.memory_space<hbm>>
    %dma_start3A_90 = tpu.memref_squeeze %dma_start3A_89 : memref<1x1x1x64xi32, #tpu.memory_space<hbm>> -> memref<64xi32, #tpu.memory_space<hbm>>
    tpu.enqueue_dma source(%dma_start3A_90 : memref<64xi32, #tpu.memory_space<hbm>>) target(%arg13 : memref<64xi32, #tpu.memory_space<vmem>>) target_semaphore(%arg34 : memref<!tpu.dma_semaphore, #tpu.memory_space<semaphore_mem>>)
    %dma_start3A_91 = arith.constant 6 : i32
    %dma_start3A_92 = arith.constant 0 : i32
    %dma_start3A_93 = tpu.memref_slice %arg4[%arg1, %dma_start3A_91, %dma_start3A_92] : memref<16x160x64xi32, #tpu.memory_space<hbm>> -> memref<1x1x64xi32, #tpu.memory_space<hbm>>
    %dma_start3A_94 = tpu.memref_squeeze %dma_start3A_93 : memref<1x1x64xi32, #tpu.memory_space<hbm>> -> memref<64xi32, #tpu.memory_space<hbm>>
    %dma_start3A_95 = arith.constant 0 : i32
    %dma_start3A_96 = tpu.memref_slice %arg4[%arg1, %dma_start3A_91, %dma_start3A_95] : memref<16x160x64xi32, #tpu.memory_space<hbm>> -> memref<1x1x64xi32, #tpu.memory_space<hbm>>
    %dma_start3A_97 = tpu.memref_squeeze %dma_start3A_96 : memref<1x1x64xi32, #tpu.memory_space<hbm>> -> memref<64xi32, #tpu.memory_space<hbm>>
    tpu.enqueue_dma source(%dma_start3A_97 : memref<64xi32, #tpu.memory_space<hbm>>) target(%arg21 : memref<64xi32, #tpu.memory_space<vmem>>) target_semaphore(%arg42 : memref<!tpu.dma_semaphore, #tpu.memory_space<semaphore_mem>>)
    %dma_start3A_98 = arith.constant 7 : i32
    %dma_start3A_99 = arith.constant 0 : i32
    %dma_start3A_100 = tpu.memref_slice %arg3[%arg0, %arg1, %dma_start3A_98, %dma_start3A_99] : memref<2x16x160x64xi32, #tpu.memory_space<hbm>> -> memref<1x1x1x64xi32, #tpu.memory_space<hbm>>
    %dma_start3A_101 = tpu.memref_squeeze %dma_start3A_100 : memref<1x1x1x64xi32, #tpu.memory_space<hbm>> -> memref<64xi32, #tpu.memory_space<hbm>>
    %dma_start3A_102 = arith.constant 0 : i32
    %dma_start3A_103 = tpu.memref_slice %arg3[%arg0, %arg1, %dma_start3A_98, %dma_start3A_102] : memref<2x16x160x64xi32, #tpu.memory_space<hbm>> -> memref<1x1x1x64xi32, #tpu.memory_space<hbm>>
    %dma_start3A_104 = tpu.memref_squeeze %dma_start3A_103 : memref<1x1x1x64xi32, #tpu.memory_space<hbm>> -> memref<64xi32, #tpu.memory_space<hbm>>
    tpu.enqueue_dma source(%dma_start3A_104 : memref<64xi32, #tpu.memory_space<hbm>>) target(%arg14 : memref<64xi32, #tpu.memory_space<vmem>>) target_semaphore(%arg35 : memref<!tpu.dma_semaphore, #tpu.memory_space<semaphore_mem>>)
    %dma_start3A_105 = arith.constant 7 : i32
    %dma_start3A_106 = arith.constant 0 : i32
    %dma_start3A_107 = tpu.memref_slice %arg4[%arg1, %dma_start3A_105, %dma_start3A_106] : memref<16x160x64xi32, #tpu.memory_space<hbm>> -> memref<1x1x64xi32, #tpu.memory_space<hbm>>
    %dma_start3A_108 = tpu.memref_squeeze %dma_start3A_107 : memref<1x1x64xi32, #tpu.memory_space<hbm>> -> memref<64xi32, #tpu.memory_space<hbm>>
    %dma_start3A_109 = arith.constant 0 : i32
    %dma_start3A_110 = tpu.memref_slice %arg4[%arg1, %dma_start3A_105, %dma_start3A_109] : memref<16x160x64xi32, #tpu.memory_space<hbm>> -> memref<1x1x64xi32, #tpu.memory_space<hbm>>
    %dma_start3A_111 = tpu.memref_squeeze %dma_start3A_110 : memref<1x1x64xi32, #tpu.memory_space<hbm>> -> memref<64xi32, #tpu.memory_space<hbm>>
    tpu.enqueue_dma source(%dma_start3A_111 : memref<64xi32, #tpu.memory_space<hbm>>) target(%arg22 : memref<64xi32, #tpu.memory_space<vmem>>) target_semaphore(%arg43 : memref<!tpu.dma_semaphore, #tpu.memory_space<semaphore_mem>>)
    %barrier3A = arith.constant 0 : index
    tpu.barrier barrier_id(%barrier3A)
    %dma_wait3A = arith.constant 0 : i32
    %dma_wait3A_112 = arith.constant 0 : i32
    %dma_wait3A_113 = tpu.memref_slice %arg3[%arg0, %arg1, %dma_wait3A, %dma_wait3A_112] : memref<2x16x160x64xi32, #tpu.memory_space<hbm>> -> memref<1x1x1x64xi32, #tpu.memory_space<hbm>>
    %dma_wait3A_114 = tpu.memref_squeeze %dma_wait3A_113 : memref<1x1x1x64xi32, #tpu.memory_space<hbm>> -> memref<64xi32, #tpu.memory_space<hbm>>
    %dma_wait3A_115 = arith.constant 0 : i32
    %dma_wait3A_116 = tpu.memref_slice %arg3[%arg0, %arg1, %dma_wait3A, %dma_wait3A_115] : memref<2x16x160x64xi32, #tpu.memory_space<hbm>> -> memref<1x1x1x64xi32, #tpu.memory_space<hbm>>
    %dma_wait3A_117 = tpu.memref_squeeze %dma_wait3A_116 : memref<1x1x1x64xi32, #tpu.memory_space<hbm>> -> memref<64xi32, #tpu.memory_space<hbm>>
    tpu.wait_dma2 semaphore(%arg28 : memref<!tpu.dma_semaphore, #tpu.memory_space<semaphore_mem>>) src(%dma_wait3A_117 : memref<64xi32, #tpu.memory_space<hbm>>) dst(%arg7 : memref<64xi32, #tpu.memory_space<vmem>>)
    %dma_start3A_118 = arith.constant 0 : i32
    %dma_start3A_119 = arith.constant 0 : i32
    %dma_start3A_120 = tpu.memref_slice %arg2[%dma_start3A_118, %dma_start3A_119] : memref<20480x128xf32, #tpu.memory_space<hbm>> -> memref<20480x128xf32, #tpu.memory_space<hbm>>
    tpu.enqueue_indirect_dma source(%dma_start3A_120 : memref<20480x128xf32, #tpu.memory_space<hbm>>) target(%arg23 : memref<64x128xf32, #tpu.memory_space<vmem>>) offsets(%arg7 : memref<64xi32, #tpu.memory_space<vmem>>) semaphore(%arg44 : memref<!tpu.dma_semaphore, #tpu.memory_space<semaphore_mem>>)
    %dma_wait3A_121 = arith.constant 1 : i32
    %dma_wait3A_122 = arith.constant 0 : i32
    %dma_wait3A_123 = tpu.memref_slice %arg3[%arg0, %arg1, %dma_wait3A_121, %dma_wait3A_122] : memref<2x16x160x64xi32, #tpu.memory_space<hbm>> -> memref<1x1x1x64xi32, #tpu.memory_space<hbm>>
    %dma_wait3A_124 = tpu.memref_squeeze %dma_wait3A_123 : memref<1x1x1x64xi32, #tpu.memory_space<hbm>> -> memref<64xi32, #tpu.memory_space<hbm>>
    %dma_wait3A_125 = arith.constant 0 : i32
    %dma_wait3A_126 = tpu.memref_slice %arg3[%arg0, %arg1, %dma_wait3A_121, %dma_wait3A_125] : memref<2x16x160x64xi32, #tpu.memory_space<hbm>> -> memref<1x1x1x64xi32, #tpu.memory_space<hbm>>
    %dma_wait3A_127 = tpu.memref_squeeze %dma_wait3A_126 : memref<1x1x1x64xi32, #tpu.memory_space<hbm>> -> memref<64xi32, #tpu.memory_space<hbm>>
    tpu.wait_dma2 semaphore(%arg29 : memref<!tpu.dma_semaphore, #tpu.memory_space<semaphore_mem>>) src(%dma_wait3A_127 : memref<64xi32, #tpu.memory_space<hbm>>) dst(%arg8 : memref<64xi32, #tpu.memory_space<vmem>>)
    %dma_start3A_128 = arith.constant 0 : i32
    %dma_start3A_129 = arith.constant 0 : i32
    %dma_start3A_130 = tpu.memref_slice %arg2[%dma_start3A_128, %dma_start3A_129] : memref<20480x128xf32, #tpu.memory_space<hbm>> -> memref<20480x128xf32, #tpu.memory_space<hbm>>
    tpu.enqueue_indirect_dma source(%dma_start3A_130 : memref<20480x128xf32, #tpu.memory_space<hbm>>) target(%arg24 : memref<64x128xf32, #tpu.memory_space<vmem>>) offsets(%arg8 : memref<64xi32, #tpu.memory_space<vmem>>) semaphore(%arg45 : memref<!tpu.dma_semaphore, #tpu.memory_space<semaphore_mem>>)
    %dma_wait3A_131 = arith.constant 2 : i32
    %dma_wait3A_132 = arith.constant 0 : i32
    %dma_wait3A_133 = tpu.memref_slice %arg3[%arg0, %arg1, %dma_wait3A_131, %dma_wait3A_132] : memref<2x16x160x64xi32, #tpu.memory_space<hbm>> -> memref<1x1x1x64xi32, #tpu.memory_space<hbm>>
    %dma_wait3A_134 = tpu.memref_squeeze %dma_wait3A_133 : memref<1x1x1x64xi32, #tpu.memory_space<hbm>> -> memref<64xi32, #tpu.memory_space<hbm>>
    %dma_wait3A_135 = arith.constant 0 : i32
    %dma_wait3A_136 = tpu.memref_slice %arg3[%arg0, %arg1, %dma_wait3A_131, %dma_wait3A_135] : memref<2x16x160x64xi32, #tpu.memory_space<hbm>> -> memref<1x1x1x64xi32, #tpu.memory_space<hbm>>
    %dma_wait3A_137 = tpu.memref_squeeze %dma_wait3A_136 : memref<1x1x1x64xi32, #tpu.memory_space<hbm>> -> memref<64xi32, #tpu.memory_space<hbm>>
    tpu.wait_dma2 semaphore(%arg30 : memref<!tpu.dma_semaphore, #tpu.memory_space<semaphore_mem>>) src(%dma_wait3A_137 : memref<64xi32, #tpu.memory_space<hbm>>) dst(%arg9 : memref<64xi32, #tpu.memory_space<vmem>>)
    %dma_start3A_138 = arith.constant 0 : i32
    %dma_start3A_139 = arith.constant 0 : i32
    %dma_start3A_140 = tpu.memref_slice %arg2[%dma_start3A_138, %dma_start3A_139] : memref<20480x128xf32, #tpu.memory_space<hbm>> -> memref<20480x128xf32, #tpu.memory_space<hbm>>
    tpu.enqueue_indirect_dma source(%dma_start3A_140 : memref<20480x128xf32, #tpu.memory_space<hbm>>) target(%arg25 : memref<64x128xf32, #tpu.memory_space<vmem>>) offsets(%arg9 : memref<64xi32, #tpu.memory_space<vmem>>) semaphore(%arg46 : memref<!tpu.dma_semaphore, #tpu.memory_space<semaphore_mem>>)
    %dma_wait3A_141 = arith.constant 3 : i32
    %dma_wait3A_142 = arith.constant 0 : i32
    %dma_wait3A_143 = tpu.memref_slice %arg3[%arg0, %arg1, %dma_wait3A_141, %dma_wait3A_142] : memref<2x16x160x64xi32, #tpu.memory_space<hbm>> -> memref<1x1x1x64xi32, #tpu.memory_space<hbm>>
    %dma_wait3A_144 = tpu.memref_squeeze %dma_wait3A_143 : memref<1x1x1x64xi32, #tpu.memory_space<hbm>> -> memref<64xi32, #tpu.memory_space<hbm>>
    %dma_wait3A_145 = arith.constant 0 : i32
    %dma_wait3A_146 = tpu.memref_slice %arg3[%arg0, %arg1, %dma_wait3A_141, %dma_wait3A_145] : memref<2x16x160x64xi32, #tpu.memory_space<hbm>> -> memref<1x1x1x64xi32, #tpu.memory_space<hbm>>
    %dma_wait3A_147 = tpu.memref_squeeze %dma_wait3A_146 : memref<1x1x1x64xi32, #tpu.memory_space<hbm>> -> memref<64xi32, #tpu.memory_space<hbm>>
    tpu.wait_dma2 semaphore(%arg31 : memref<!tpu.dma_semaphore, #tpu.memory_space<semaphore_mem>>) src(%dma_wait3A_147 : memref<64xi32, #tpu.memory_space<hbm>>) dst(%arg10 : memref<64xi32, #tpu.memory_space<vmem>>)
    %dma_start3A_148 = arith.constant 0 : i32
    %dma_start3A_149 = arith.constant 0 : i32
    %dma_start3A_150 = tpu.memref_slice %arg2[%dma_start3A_148, %dma_start3A_149] : memref<20480x128xf32, #tpu.memory_space<hbm>> -> memref<20480x128xf32, #tpu.memory_space<hbm>>
    tpu.enqueue_indirect_dma source(%dma_start3A_150 : memref<20480x128xf32, #tpu.memory_space<hbm>>) target(%arg26 : memref<64x128xf32, #tpu.memory_space<vmem>>) offsets(%arg10 : memref<64xi32, #tpu.memory_space<vmem>>) semaphore(%arg47 : memref<!tpu.dma_semaphore, #tpu.memory_space<semaphore_mem>>)
    %scan3A = arith.constant 0 : i32
    %scan3A_151 = arith.constant 0 : i32
    %scan3A_152 = arith.constant 20 : i32
    %scan3A_153 = arith.addi %scan3A_151, %scan3A_152 : i32
    %scan3A_154 = arith.constant 1 : i32
    %scan3A_155 = scf.for %scan3A_162 = %scan3A_151 to %scan3A_153 step %scan3A_154 iter_args(%scan3A_163 = %scan3A) -> (i32)  : i32 {
      %mul3A_164 = arith.constant 8 : i32
      %mul3A_165 = arith.muli %scan3A_162, %mul3A_164 : i32
      %add3A = arith.constant 0 : i32
      %add3A_166 = arith.addi %mul3A_165, %add3A : i32
      %dma_wait3A_167 = arith.constant 0 : i32
      %dma_wait3A_168 = arith.constant 0 : i32
      %dma_wait3A_169 = tpu.memref_slice %arg2[%dma_wait3A_167, %dma_wait3A_168] : memref<20480x128xf32, #tpu.memory_space<hbm>> -> memref<20480x128xf32, #tpu.memory_space<hbm>>
      tpu.wait_indirect_dma semaphore(%arg44 : memref<!tpu.dma_semaphore, #tpu.memory_space<semaphore_mem>>) src(%dma_wait3A_169 : memref<20480x128xf32, #tpu.memory_space<hbm>>) dst(%arg23 : memref<64x128xf32, #tpu.memory_space<vmem>>)
      %dma_wait3A_170 = arith.constant 0 : i32
      %dma_wait3A_171 = tpu.memref_slice %arg4[%arg1, %add3A_166, %dma_wait3A_170] : memref<16x160x64xi32, #tpu.memory_space<hbm>> -> memref<1x1x64xi32, #tpu.memory_space<hbm>>
      %dma_wait3A_172 = tpu.memref_squeeze %dma_wait3A_171 : memref<1x1x64xi32, #tpu.memory_space<hbm>> -> memref<64xi32, #tpu.memory_space<hbm>>
      %dma_wait3A_173 = arith.constant 0 : i32
      %dma_wait3A_174 = tpu.memref_slice %arg4[%arg1, %add3A_166, %dma_wait3A_173] : memref<16x160x64xi32, #tpu.memory_space<hbm>> -> memref<1x1x64xi32, #tpu.memory_space<hbm>>
      %dma_wait3A_175 = tpu.memref_squeeze %dma_wait3A_174 : memref<1x1x64xi32, #tpu.memory_space<hbm>> -> memref<64xi32, #tpu.memory_space<hbm>>
      tpu.wait_dma2 semaphore(%arg36 : memref<!tpu.dma_semaphore, #tpu.memory_space<semaphore_mem>>) src(%dma_wait3A_175 : memref<64xi32, #tpu.memory_space<hbm>>) dst(%arg15 : memref<64xi32, #tpu.memory_space<vmem>>)
      "tpu.region"() ({
        %run_scoped3A = tpu.sem_alloc : memref<!tpu.dma_semaphore, #tpu.memory_space<semaphore_mem>>
        %dma_start3A_377 = arith.constant 0 : i32
        %dma_start3A_378 = arith.constant 0 : i32
        %dma_start3A_379 = tpu.memref_slice %arg27[%dma_start3A_377, %dma_start3A_378] : memref<10240x128xf32, #tpu.memory_space<vmem_shared>> -> memref<10240x128xf32, #tpu.memory_space<vmem_shared>>
        tpu.enqueue_indirect_dma source(%arg23 : memref<64x128xf32, #tpu.memory_space<vmem>>) target(%dma_start3A_379 : memref<10240x128xf32, #tpu.memory_space<vmem_shared>>) offsets(%arg15 : memref<64xi32, #tpu.memory_space<vmem>>) semaphore(%run_scoped3A : memref<!tpu.dma_semaphore, #tpu.memory_space<semaphore_mem>>) {add = true}
        %dma_wait3A_380 = arith.constant 0 : i32
        %dma_wait3A_381 = arith.constant 0 : i32
        %dma_wait3A_382 = tpu.memref_slice %arg27[%dma_wait3A_380, %dma_wait3A_381] : memref<10240x128xf32, #tpu.memory_space<vmem_shared>> -> memref<10240x128xf32, #tpu.memory_space<vmem_shared>>
        tpu.wait_indirect_dma semaphore(%run_scoped3A : memref<!tpu.dma_semaphore, #tpu.memory_space<semaphore_mem>>) src(%arg23 : memref<64x128xf32, #tpu.memory_space<vmem>>) dst(%dma_wait3A_382 : memref<10240x128xf32, #tpu.memory_space<vmem_shared>>)
        tpu.yield
      }) : () -> ()
      %add3A_176 = arith.constant 4 : i32
      %add3A_177 = arith.addi %add3A_166, %add3A_176 : i32
      %lt3A = arith.constant 160 : i32
      %lt3A_178 = arith.cmpi slt, %add3A_177, %lt3A : i32
      %convert_element_type3A = arith.extui %lt3A_178 : i1 to i32
      %cond3A = arith.constant 0 : i32
      %cond3A_179 = arith.cmpi ne, %convert_element_type3A, %cond3A : i32
      scf.if %cond3A_179 {
        %add3A_377 = arith.constant 4 : i32
        %add3A_378 = arith.addi %add3A_166, %add3A_377 : i32
        %dma_wait3A_379 = arith.constant 0 : i32
        %dma_wait3A_380 = tpu.memref_slice %arg3[%arg0, %arg1, %add3A_378, %dma_wait3A_379] : memref<2x16x160x64xi32, #tpu.memory_space<hbm>> -> memref<1x1x1x64xi32, #tpu.memory_space<hbm>>
        %dma_wait3A_381 = tpu.memref_squeeze %dma_wait3A_380 : memref<1x1x1x64xi32, #tpu.memory_space<hbm>> -> memref<64xi32, #tpu.memory_space<hbm>>
        %dma_wait3A_382 = arith.constant 0 : i32
        %dma_wait3A_383 = tpu.memref_slice %arg3[%arg0, %arg1, %add3A_378, %dma_wait3A_382] : memref<2x16x160x64xi32, #tpu.memory_space<hbm>> -> memref<1x1x1x64xi32, #tpu.memory_space<hbm>>
        %dma_wait3A_384 = tpu.memref_squeeze %dma_wait3A_383 : memref<1x1x1x64xi32, #tpu.memory_space<hbm>> -> memref<64xi32, #tpu.memory_space<hbm>>
        tpu.wait_dma2 semaphore(%arg32 : memref<!tpu.dma_semaphore, #tpu.memory_space<semaphore_mem>>) src(%dma_wait3A_384 : memref<64xi32, #tpu.memory_space<hbm>>) dst(%arg11 : memref<64xi32, #tpu.memory_space<vmem>>)
        %dma_start3A_385 = arith.constant 0 : i32
        %dma_start3A_386 = arith.constant 0 : i32
        %dma_start3A_387 = tpu.memref_slice %arg2[%dma_start3A_385, %dma_start3A_386] : memref<20480x128xf32, #tpu.memory_space<hbm>> -> memref<20480x128xf32, #tpu.memory_space<hbm>>
        tpu.enqueue_indirect_dma source(%dma_start3A_387 : memref<20480x128xf32, #tpu.memory_space<hbm>>) target(%arg23 : memref<64x128xf32, #tpu.memory_space<vmem>>) offsets(%arg11 : memref<64xi32, #tpu.memory_space<vmem>>) semaphore(%arg44 : memref<!tpu.dma_semaphore, #tpu.memory_space<semaphore_mem>>)
      } else {
      }
      %add3A_180 = arith.constant 8 : i32
      %add3A_181 = arith.addi %add3A_166, %add3A_180 : i32
      %lt3A_182 = arith.constant 160 : i32
      %lt3A_183 = arith.cmpi slt, %add3A_181, %lt3A_182 : i32
      %convert_element_type3A_184 = arith.extui %lt3A_183 : i1 to i32
      %cond3A_185 = arith.constant 0 : i32
      %cond3A_186 = arith.cmpi ne, %convert_element_type3A_184, %cond3A_185 : i32
      scf.if %cond3A_186 {
        %add3A_377 = arith.constant 8 : i32
        %add3A_378 = arith.addi %add3A_166, %add3A_377 : i32
        %dma_start3A_379 = arith.constant 0 : i32
        %dma_start3A_380 = tpu.memref_slice %arg3[%arg0, %arg1, %add3A_378, %dma_start3A_379] : memref<2x16x160x64xi32, #tpu.memory_space<hbm>> -> memref<1x1x1x64xi32, #tpu.memory_space<hbm>>
        %dma_start3A_381 = tpu.memref_squeeze %dma_start3A_380 : memref<1x1x1x64xi32, #tpu.memory_space<hbm>> -> memref<64xi32, #tpu.memory_space<hbm>>
        %dma_start3A_382 = arith.constant 0 : i32
        %dma_start3A_383 = tpu.memref_slice %arg3[%arg0, %arg1, %add3A_378, %dma_start3A_382] : memref<2x16x160x64xi32, #tpu.memory_space<hbm>> -> memref<1x1x1x64xi32, #tpu.memory_space<hbm>>
        %dma_start3A_384 = tpu.memref_squeeze %dma_start3A_383 : memref<1x1x1x64xi32, #tpu.memory_space<hbm>> -> memref<64xi32, #tpu.memory_space<hbm>>
        tpu.enqueue_dma source(%dma_start3A_384 : memref<64xi32, #tpu.memory_space<hbm>>) target(%arg7 : memref<64xi32, #tpu.memory_space<vmem>>) target_semaphore(%arg28 : memref<!tpu.dma_semaphore, #tpu.memory_space<semaphore_mem>>)
        %add3A_385 = arith.constant 8 : i32
        %add3A_386 = arith.addi %add3A_166, %add3A_385 : i32
        %dma_start3A_387 = arith.constant 0 : i32
        %dma_start3A_388 = tpu.memref_slice %arg4[%arg1, %add3A_386, %dma_start3A_387] : memref<16x160x64xi32, #tpu.memory_space<hbm>> -> memref<1x1x64xi32, #tpu.memory_space<hbm>>
        %dma_start3A_389 = tpu.memref_squeeze %dma_start3A_388 : memref<1x1x64xi32, #tpu.memory_space<hbm>> -> memref<64xi32, #tpu.memory_space<hbm>>
        %dma_start3A_390 = arith.constant 0 : i32
        %dma_start3A_391 = tpu.memref_slice %arg4[%arg1, %add3A_386, %dma_start3A_390] : memref<16x160x64xi32, #tpu.memory_space<hbm>> -> memref<1x1x64xi32, #tpu.memory_space<hbm>>
        %dma_start3A_392 = tpu.memref_squeeze %dma_start3A_391 : memref<1x1x64xi32, #tpu.memory_space<hbm>> -> memref<64xi32, #tpu.memory_space<hbm>>
        tpu.enqueue_dma source(%dma_start3A_392 : memref<64xi32, #tpu.memory_space<hbm>>) target(%arg15 : memref<64xi32, #tpu.memory_space<vmem>>) target_semaphore(%arg36 : memref<!tpu.dma_semaphore, #tpu.memory_space<semaphore_mem>>)
      } else {
      }
      %mul3A_187 = arith.constant 8 : i32
      %mul3A_188 = arith.muli %scan3A_162, %mul3A_187 : i32
      %add3A_189 = arith.constant 1 : i32
      %add3A_190 = arith.addi %mul3A_188, %add3A_189 : i32
      %dma_wait3A_191 = arith.constant 0 : i32
      %dma_wait3A_192 = arith.constant 0 : i32
      %dma_wait3A_193 = tpu.memref_slice %arg2[%dma_wait3A_191, %dma_wait3A_192] : memref<20480x128xf32, #tpu.memory_space<hbm>> -> memref<20480x128xf32, #tpu.memory_space<hbm>>
      tpu.wait_indirect_dma semaphore(%arg45 : memref<!tpu.dma_semaphore, #tpu.memory_space<semaphore_mem>>) src(%dma_wait3A_193 : memref<20480x128xf32, #tpu.memory_space<hbm>>) dst(%arg24 : memref<64x128xf32, #tpu.memory_space<vmem>>)
      %dma_wait3A_194 = arith.constant 0 : i32
      %dma_wait3A_195 = tpu.memref_slice %arg4[%arg1, %add3A_190, %dma_wait3A_194] : memref<16x160x64xi32, #tpu.memory_space<hbm>> -> memref<1x1x64xi32, #tpu.memory_space<hbm>>
      %dma_wait3A_196 = tpu.memref_squeeze %dma_wait3A_195 : memref<1x1x64xi32, #tpu.memory_space<hbm>> -> memref<64xi32, #tpu.memory_space<hbm>>
      %dma_wait3A_197 = arith.constant 0 : i32
      %dma_wait3A_198 = tpu.memref_slice %arg4[%arg1, %add3A_190, %dma_wait3A_197] : memref<16x160x64xi32, #tpu.memory_space<hbm>> -> memref<1x1x64xi32, #tpu.memory_space<hbm>>
      %dma_wait3A_199 = tpu.memref_squeeze %dma_wait3A_198 : memref<1x1x64xi32, #tpu.memory_space<hbm>> -> memref<64xi32, #tpu.memory_space<hbm>>
      tpu.wait_dma2 semaphore(%arg37 : memref<!tpu.dma_semaphore, #tpu.memory_space<semaphore_mem>>) src(%dma_wait3A_199 : memref<64xi32, #tpu.memory_space<hbm>>) dst(%arg16 : memref<64xi32, #tpu.memory_space<vmem>>)
      "tpu.region"() ({
        %run_scoped3A = tpu.sem_alloc : memref<!tpu.dma_semaphore, #tpu.memory_space<semaphore_mem>>
        %dma_start3A_377 = arith.constant 0 : i32
        %dma_start3A_378 = arith.constant 0 : i32
        %dma_start3A_379 = tpu.memref_slice %arg27[%dma_start3A_377, %dma_start3A_378] : memref<10240x128xf32, #tpu.memory_space<vmem_shared>> -> memref<10240x128xf32, #tpu.memory_space<vmem_shared>>
        tpu.enqueue_indirect_dma source(%arg24 : memref<64x128xf32, #tpu.memory_space<vmem>>) target(%dma_start3A_379 : memref<10240x128xf32, #tpu.memory_space<vmem_shared>>) offsets(%arg16 : memref<64xi32, #tpu.memory_space<vmem>>) semaphore(%run_scoped3A : memref<!tpu.dma_semaphore, #tpu.memory_space<semaphore_mem>>) {add = true}
        %dma_wait3A_380 = arith.constant 0 : i32
        %dma_wait3A_381 = arith.constant 0 : i32
        %dma_wait3A_382 = tpu.memref_slice %arg27[%dma_wait3A_380, %dma_wait3A_381] : memref<10240x128xf32, #tpu.memory_space<vmem_shared>> -> memref<10240x128xf32, #tpu.memory_space<vmem_shared>>
        tpu.wait_indirect_dma semaphore(%run_scoped3A : memref<!tpu.dma_semaphore, #tpu.memory_space<semaphore_mem>>) src(%arg24 : memref<64x128xf32, #tpu.memory_space<vmem>>) dst(%dma_wait3A_382 : memref<10240x128xf32, #tpu.memory_space<vmem_shared>>)
        tpu.yield
      }) : () -> ()
      %add3A_200 = arith.constant 4 : i32
      %add3A_201 = arith.addi %add3A_190, %add3A_200 : i32
      %lt3A_202 = arith.constant 160 : i32
      %lt3A_203 = arith.cmpi slt, %add3A_201, %lt3A_202 : i32
      %convert_element_type3A_204 = arith.extui %lt3A_203 : i1 to i32
      %cond3A_205 = arith.constant 0 : i32
      %cond3A_206 = arith.cmpi ne, %convert_element_type3A_204, %cond3A_205 : i32
      scf.if %cond3A_206 {
        %add3A_377 = arith.constant 4 : i32
        %add3A_378 = arith.addi %add3A_190, %add3A_377 : i32
        %dma_wait3A_379 = arith.constant 0 : i32
        %dma_wait3A_380 = tpu.memref_slice %arg3[%arg0, %arg1, %add3A_378, %dma_wait3A_379] : memref<2x16x160x64xi32, #tpu.memory_space<hbm>> -> memref<1x1x1x64xi32, #tpu.memory_space<hbm>>
        %dma_wait3A_381 = tpu.memref_squeeze %dma_wait3A_380 : memref<1x1x1x64xi32, #tpu.memory_space<hbm>> -> memref<64xi32, #tpu.memory_space<hbm>>
        %dma_wait3A_382 = arith.constant 0 : i32
        %dma_wait3A_383 = tpu.memref_slice %arg3[%arg0, %arg1, %add3A_378, %dma_wait3A_382] : memref<2x16x160x64xi32, #tpu.memory_space<hbm>> -> memref<1x1x1x64xi32, #tpu.memory_space<hbm>>
        %dma_wait3A_384 = tpu.memref_squeeze %dma_wait3A_383 : memref<1x1x1x64xi32, #tpu.memory_space<hbm>> -> memref<64xi32, #tpu.memory_space<hbm>>
        tpu.wait_dma2 semaphore(%arg33 : memref<!tpu.dma_semaphore, #tpu.memory_space<semaphore_mem>>) src(%dma_wait3A_384 : memref<64xi32, #tpu.memory_space<hbm>>) dst(%arg12 : memref<64xi32, #tpu.memory_space<vmem>>)
        %dma_start3A_385 = arith.constant 0 : i32
        %dma_start3A_386 = arith.constant 0 : i32
        %dma_start3A_387 = tpu.memref_slice %arg2[%dma_start3A_385, %dma_start3A_386] : memref<20480x128xf32, #tpu.memory_space<hbm>> -> memref<20480x128xf32, #tpu.memory_space<hbm>>
        tpu.enqueue_indirect_dma source(%dma_start3A_387 : memref<20480x128xf32, #tpu.memory_space<hbm>>) target(%arg24 : memref<64x128xf32, #tpu.memory_space<vmem>>) offsets(%arg12 : memref<64xi32, #tpu.memory_space<vmem>>) semaphore(%arg45 : memref<!tpu.dma_semaphore, #tpu.memory_space<semaphore_mem>>)
      } else {
      }
      %add3A_207 = arith.constant 8 : i32
      %add3A_208 = arith.addi %add3A_190, %add3A_207 : i32
      %lt3A_209 = arith.constant 160 : i32
      %lt3A_210 = arith.cmpi slt, %add3A_208, %lt3A_209 : i32
      %convert_element_type3A_211 = arith.extui %lt3A_210 : i1 to i32
      %cond3A_212 = arith.constant 0 : i32
      %cond3A_213 = arith.cmpi ne, %convert_element_type3A_211, %cond3A_212 : i32
      scf.if %cond3A_213 {
        %add3A_377 = arith.constant 8 : i32
        %add3A_378 = arith.addi %add3A_190, %add3A_377 : i32
        %dma_start3A_379 = arith.constant 0 : i32
        %dma_start3A_380 = tpu.memref_slice %arg3[%arg0, %arg1, %add3A_378, %dma_start3A_379] : memref<2x16x160x64xi32, #tpu.memory_space<hbm>> -> memref<1x1x1x64xi32, #tpu.memory_space<hbm>>
        %dma_start3A_381 = tpu.memref_squeeze %dma_start3A_380 : memref<1x1x1x64xi32, #tpu.memory_space<hbm>> -> memref<64xi32, #tpu.memory_space<hbm>>
        %dma_start3A_382 = arith.constant 0 : i32
        %dma_start3A_383 = tpu.memref_slice %arg3[%arg0, %arg1, %add3A_378, %dma_start3A_382] : memref<2x16x160x64xi32, #tpu.memory_space<hbm>> -> memref<1x1x1x64xi32, #tpu.memory_space<hbm>>
        %dma_start3A_384 = tpu.memref_squeeze %dma_start3A_383 : memref<1x1x1x64xi32, #tpu.memory_space<hbm>> -> memref<64xi32, #tpu.memory_space<hbm>>
        tpu.enqueue_dma source(%dma_start3A_384 : memref<64xi32, #tpu.memory_space<hbm>>) target(%arg8 : memref<64xi32, #tpu.memory_space<vmem>>) target_semaphore(%arg29 : memref<!tpu.dma_semaphore, #tpu.memory_space<semaphore_mem>>)
        %add3A_385 = arith.constant 8 : i32
        %add3A_386 = arith.addi %add3A_190, %add3A_385 : i32
        %dma_start3A_387 = arith.constant 0 : i32
        %dma_start3A_388 = tpu.memref_slice %arg4[%arg1, %add3A_386, %dma_start3A_387] : memref<16x160x64xi32, #tpu.memory_space<hbm>> -> memref<1x1x64xi32, #tpu.memory_space<hbm>>
        %dma_start3A_389 = tpu.memref_squeeze %dma_start3A_388 : memref<1x1x64xi32, #tpu.memory_space<hbm>> -> memref<64xi32, #tpu.memory_space<hbm>>
        %dma_start3A_390 = arith.constant 0 : i32
        %dma_start3A_391 = tpu.memref_slice %arg4[%arg1, %add3A_386, %dma_start3A_390] : memref<16x160x64xi32, #tpu.memory_space<hbm>> -> memref<1x1x64xi32, #tpu.memory_space<hbm>>
        %dma_start3A_392 = tpu.memref_squeeze %dma_start3A_391 : memref<1x1x64xi32, #tpu.memory_space<hbm>> -> memref<64xi32, #tpu.memory_space<hbm>>
        tpu.enqueue_dma source(%dma_start3A_392 : memref<64xi32, #tpu.memory_space<hbm>>) target(%arg16 : memref<64xi32, #tpu.memory_space<vmem>>) target_semaphore(%arg37 : memref<!tpu.dma_semaphore, #tpu.memory_space<semaphore_mem>>)
      } else {
      }
      %mul3A_214 = arith.constant 8 : i32
      %mul3A_215 = arith.muli %scan3A_162, %mul3A_214 : i32
      %add3A_216 = arith.constant 2 : i32
      %add3A_217 = arith.addi %mul3A_215, %add3A_216 : i32
      %dma_wait3A_218 = arith.constant 0 : i32
      %dma_wait3A_219 = arith.constant 0 : i32
      %dma_wait3A_220 = tpu.memref_slice %arg2[%dma_wait3A_218, %dma_wait3A_219] : memref<20480x128xf32, #tpu.memory_space<hbm>> -> memref<20480x128xf32, #tpu.memory_space<hbm>>
      tpu.wait_indirect_dma semaphore(%arg46 : memref<!tpu.dma_semaphore, #tpu.memory_space<semaphore_mem>>) src(%dma_wait3A_220 : memref<20480x128xf32, #tpu.memory_space<hbm>>) dst(%arg25 : memref<64x128xf32, #tpu.memory_space<vmem>>)
      %dma_wait3A_221 = arith.constant 0 : i32
      %dma_wait3A_222 = tpu.memref_slice %arg4[%arg1, %add3A_217, %dma_wait3A_221] : memref<16x160x64xi32, #tpu.memory_space<hbm>> -> memref<1x1x64xi32, #tpu.memory_space<hbm>>
      %dma_wait3A_223 = tpu.memref_squeeze %dma_wait3A_222 : memref<1x1x64xi32, #tpu.memory_space<hbm>> -> memref<64xi32, #tpu.memory_space<hbm>>
      %dma_wait3A_224 = arith.constant 0 : i32
      %dma_wait3A_225 = tpu.memref_slice %arg4[%arg1, %add3A_217, %dma_wait3A_224] : memref<16x160x64xi32, #tpu.memory_space<hbm>> -> memref<1x1x64xi32, #tpu.memory_space<hbm>>
      %dma_wait3A_226 = tpu.memref_squeeze %dma_wait3A_225 : memref<1x1x64xi32, #tpu.memory_space<hbm>> -> memref<64xi32, #tpu.memory_space<hbm>>
      tpu.wait_dma2 semaphore(%arg38 : memref<!tpu.dma_semaphore, #tpu.memory_space<semaphore_mem>>) src(%dma_wait3A_226 : memref<64xi32, #tpu.memory_space<hbm>>) dst(%arg17 : memref<64xi32, #tpu.memory_space<vmem>>)
      "tpu.region"() ({
        %run_scoped3A = tpu.sem_alloc : memref<!tpu.dma_semaphore, #tpu.memory_space<semaphore_mem>>
        %dma_start3A_377 = arith.constant 0 : i32
        %dma_start3A_378 = arith.constant 0 : i32
        %dma_start3A_379 = tpu.memref_slice %arg27[%dma_start3A_377, %dma_start3A_378] : memref<10240x128xf32, #tpu.memory_space<vmem_shared>> -> memref<10240x128xf32, #tpu.memory_space<vmem_shared>>
        tpu.enqueue_indirect_dma source(%arg25 : memref<64x128xf32, #tpu.memory_space<vmem>>) target(%dma_start3A_379 : memref<10240x128xf32, #tpu.memory_space<vmem_shared>>) offsets(%arg17 : memref<64xi32, #tpu.memory_space<vmem>>) semaphore(%run_scoped3A : memref<!tpu.dma_semaphore, #tpu.memory_space<semaphore_mem>>) {add = true}
        %dma_wait3A_380 = arith.constant 0 : i32
        %dma_wait3A_381 = arith.constant 0 : i32
        %dma_wait3A_382 = tpu.memref_slice %arg27[%dma_wait3A_380, %dma_wait3A_381] : memref<10240x128xf32, #tpu.memory_space<vmem_shared>> -> memref<10240x128xf32, #tpu.memory_space<vmem_shared>>
        tpu.wait_indirect_dma semaphore(%run_scoped3A : memref<!tpu.dma_semaphore, #tpu.memory_space<semaphore_mem>>) src(%arg25 : memref<64x128xf32, #tpu.memory_space<vmem>>) dst(%dma_wait3A_382 : memref<10240x128xf32, #tpu.memory_space<vmem_shared>>)
        tpu.yield
      }) : () -> ()
      %add3A_227 = arith.constant 4 : i32
      %add3A_228 = arith.addi %add3A_217, %add3A_227 : i32
      %lt3A_229 = arith.constant 160 : i32
      %lt3A_230 = arith.cmpi slt, %add3A_228, %lt3A_229 : i32
      %convert_element_type3A_231 = arith.extui %lt3A_230 : i1 to i32
      %cond3A_232 = arith.constant 0 : i32
      %cond3A_233 = arith.cmpi ne, %convert_element_type3A_231, %cond3A_232 : i32
      scf.if %cond3A_233 {
        %add3A_377 = arith.constant 4 : i32
        %add3A_378 = arith.addi %add3A_217, %add3A_377 : i32
        %dma_wait3A_379 = arith.constant 0 : i32
        %dma_wait3A_380 = tpu.memref_slice %arg3[%arg0, %arg1, %add3A_378, %dma_wait3A_379] : memref<2x16x160x64xi32, #tpu.memory_space<hbm>> -> memref<1x1x1x64xi32, #tpu.memory_space<hbm>>
        %dma_wait3A_381 = tpu.memref_squeeze %dma_wait3A_380 : memref<1x1x1x64xi32, #tpu.memory_space<hbm>> -> memref<64xi32, #tpu.memory_space<hbm>>
        %dma_wait3A_382 = arith.constant 0 : i32
        %dma_wait3A_383 = tpu.memref_slice %arg3[%arg0, %arg1, %add3A_378, %dma_wait3A_382] : memref<2x16x160x64xi32, #tpu.memory_space<hbm>> -> memref<1x1x1x64xi32, #tpu.memory_space<hbm>>
        %dma_wait3A_384 = tpu.memref_squeeze %dma_wait3A_383 : memref<1x1x1x64xi32, #tpu.memory_space<hbm>> -> memref<64xi32, #tpu.memory_space<hbm>>
        tpu.wait_dma2 semaphore(%arg34 : memref<!tpu.dma_semaphore, #tpu.memory_space<semaphore_mem>>) src(%dma_wait3A_384 : memref<64xi32, #tpu.memory_space<hbm>>) dst(%arg13 : memref<64xi32, #tpu.memory_space<vmem>>)
        %dma_start3A_385 = arith.constant 0 : i32
        %dma_start3A_386 = arith.constant 0 : i32
        %dma_start3A_387 = tpu.memref_slice %arg2[%dma_start3A_385, %dma_start3A_386] : memref<20480x128xf32, #tpu.memory_space<hbm>> -> memref<20480x128xf32, #tpu.memory_space<hbm>>
        tpu.enqueue_indirect_dma source(%dma_start3A_387 : memref<20480x128xf32, #tpu.memory_space<hbm>>) target(%arg25 : memref<64x128xf32, #tpu.memory_space<vmem>>) offsets(%arg13 : memref<64xi32, #tpu.memory_space<vmem>>) semaphore(%arg46 : memref<!tpu.dma_semaphore, #tpu.memory_space<semaphore_mem>>)
      } else {
      }
      %add3A_234 = arith.constant 8 : i32
      %add3A_235 = arith.addi %add3A_217, %add3A_234 : i32
      %lt3A_236 = arith.constant 160 : i32
      %lt3A_237 = arith.cmpi slt, %add3A_235, %lt3A_236 : i32
      %convert_element_type3A_238 = arith.extui %lt3A_237 : i1 to i32
      %cond3A_239 = arith.constant 0 : i32
      %cond3A_240 = arith.cmpi ne, %convert_element_type3A_238, %cond3A_239 : i32
      scf.if %cond3A_240 {
        %add3A_377 = arith.constant 8 : i32
        %add3A_378 = arith.addi %add3A_217, %add3A_377 : i32
        %dma_start3A_379 = arith.constant 0 : i32
        %dma_start3A_380 = tpu.memref_slice %arg3[%arg0, %arg1, %add3A_378, %dma_start3A_379] : memref<2x16x160x64xi32, #tpu.memory_space<hbm>> -> memref<1x1x1x64xi32, #tpu.memory_space<hbm>>
        %dma_start3A_381 = tpu.memref_squeeze %dma_start3A_380 : memref<1x1x1x64xi32, #tpu.memory_space<hbm>> -> memref<64xi32, #tpu.memory_space<hbm>>
        %dma_start3A_382 = arith.constant 0 : i32
        %dma_start3A_383 = tpu.memref_slice %arg3[%arg0, %arg1, %add3A_378, %dma_start3A_382] : memref<2x16x160x64xi32, #tpu.memory_space<hbm>> -> memref<1x1x1x64xi32, #tpu.memory_space<hbm>>
        %dma_start3A_384 = tpu.memref_squeeze %dma_start3A_383 : memref<1x1x1x64xi32, #tpu.memory_space<hbm>> -> memref<64xi32, #tpu.memory_space<hbm>>
        tpu.enqueue_dma source(%dma_start3A_384 : memref<64xi32, #tpu.memory_space<hbm>>) target(%arg9 : memref<64xi32, #tpu.memory_space<vmem>>) target_semaphore(%arg30 : memref<!tpu.dma_semaphore, #tpu.memory_space<semaphore_mem>>)
        %add3A_385 = arith.constant 8 : i32
        %add3A_386 = arith.addi %add3A_217, %add3A_385 : i32
        %dma_start3A_387 = arith.constant 0 : i32
        %dma_start3A_388 = tpu.memref_slice %arg4[%arg1, %add3A_386, %dma_start3A_387] : memref<16x160x64xi32, #tpu.memory_space<hbm>> -> memref<1x1x64xi32, #tpu.memory_space<hbm>>
        %dma_start3A_389 = tpu.memref_squeeze %dma_start3A_388 : memref<1x1x64xi32, #tpu.memory_space<hbm>> -> memref<64xi32, #tpu.memory_space<hbm>>
        %dma_start3A_390 = arith.constant 0 : i32
        %dma_start3A_391 = tpu.memref_slice %arg4[%arg1, %add3A_386, %dma_start3A_390] : memref<16x160x64xi32, #tpu.memory_space<hbm>> -> memref<1x1x64xi32, #tpu.memory_space<hbm>>
        %dma_start3A_392 = tpu.memref_squeeze %dma_start3A_391 : memref<1x1x64xi32, #tpu.memory_space<hbm>> -> memref<64xi32, #tpu.memory_space<hbm>>
        tpu.enqueue_dma source(%dma_start3A_392 : memref<64xi32, #tpu.memory_space<hbm>>) target(%arg17 : memref<64xi32, #tpu.memory_space<vmem>>) target_semaphore(%arg38 : memref<!tpu.dma_semaphore, #tpu.memory_space<semaphore_mem>>)
      } else {
      }
      %mul3A_241 = arith.constant 8 : i32
      %mul3A_242 = arith.muli %scan3A_162, %mul3A_241 : i32
      %add3A_243 = arith.constant 3 : i32
      %add3A_244 = arith.addi %mul3A_242, %add3A_243 : i32
      %dma_wait3A_245 = arith.constant 0 : i32
      %dma_wait3A_246 = arith.constant 0 : i32
      %dma_wait3A_247 = tpu.memref_slice %arg2[%dma_wait3A_245, %dma_wait3A_246] : memref<20480x128xf32, #tpu.memory_space<hbm>> -> memref<20480x128xf32, #tpu.memory_space<hbm>>
      tpu.wait_indirect_dma semaphore(%arg47 : memref<!tpu.dma_semaphore, #tpu.memory_space<semaphore_mem>>) src(%dma_wait3A_247 : memref<20480x128xf32, #tpu.memory_space<hbm>>) dst(%arg26 : memref<64x128xf32, #tpu.memory_space<vmem>>)
      %dma_wait3A_248 = arith.constant 0 : i32
      %dma_wait3A_249 = tpu.memref_slice %arg4[%arg1, %add3A_244, %dma_wait3A_248] : memref<16x160x64xi32, #tpu.memory_space<hbm>> -> memref<1x1x64xi32, #tpu.memory_space<hbm>>
      %dma_wait3A_250 = tpu.memref_squeeze %dma_wait3A_249 : memref<1x1x64xi32, #tpu.memory_space<hbm>> -> memref<64xi32, #tpu.memory_space<hbm>>
      %dma_wait3A_251 = arith.constant 0 : i32
      %dma_wait3A_252 = tpu.memref_slice %arg4[%arg1, %add3A_244, %dma_wait3A_251] : memref<16x160x64xi32, #tpu.memory_space<hbm>> -> memref<1x1x64xi32, #tpu.memory_space<hbm>>
      %dma_wait3A_253 = tpu.memref_squeeze %dma_wait3A_252 : memref<1x1x64xi32, #tpu.memory_space<hbm>> -> memref<64xi32, #tpu.memory_space<hbm>>
      tpu.wait_dma2 semaphore(%arg39 : memref<!tpu.dma_semaphore, #tpu.memory_space<semaphore_mem>>) src(%dma_wait3A_253 : memref<64xi32, #tpu.memory_space<hbm>>) dst(%arg18 : memref<64xi32, #tpu.memory_space<vmem>>)
      "tpu.region"() ({
        %run_scoped3A = tpu.sem_alloc : memref<!tpu.dma_semaphore, #tpu.memory_space<semaphore_mem>>
        %dma_start3A_377 = arith.constant 0 : i32
        %dma_start3A_378 = arith.constant 0 : i32
        %dma_start3A_379 = tpu.memref_slice %arg27[%dma_start3A_377, %dma_start3A_378] : memref<10240x128xf32, #tpu.memory_space<vmem_shared>> -> memref<10240x128xf32, #tpu.memory_space<vmem_shared>>
        tpu.enqueue_indirect_dma source(%arg26 : memref<64x128xf32, #tpu.memory_space<vmem>>) target(%dma_start3A_379 : memref<10240x128xf32, #tpu.memory_space<vmem_shared>>) offsets(%arg18 : memref<64xi32, #tpu.memory_space<vmem>>) semaphore(%run_scoped3A : memref<!tpu.dma_semaphore, #tpu.memory_space<semaphore_mem>>) {add = true}
        %dma_wait3A_380 = arith.constant 0 : i32
        %dma_wait3A_381 = arith.constant 0 : i32
        %dma_wait3A_382 = tpu.memref_slice %arg27[%dma_wait3A_380, %dma_wait3A_381] : memref<10240x128xf32, #tpu.memory_space<vmem_shared>> -> memref<10240x128xf32, #tpu.memory_space<vmem_shared>>
        tpu.wait_indirect_dma semaphore(%run_scoped3A : memref<!tpu.dma_semaphore, #tpu.memory_space<semaphore_mem>>) src(%arg26 : memref<64x128xf32, #tpu.memory_space<vmem>>) dst(%dma_wait3A_382 : memref<10240x128xf32, #tpu.memory_space<vmem_shared>>)
        tpu.yield
      }) : () -> ()
      %add3A_254 = arith.constant 4 : i32
      %add3A_255 = arith.addi %add3A_244, %add3A_254 : i32
      %lt3A_256 = arith.constant 160 : i32
      %lt3A_257 = arith.cmpi slt, %add3A_255, %lt3A_256 : i32
      %convert_element_type3A_258 = arith.extui %lt3A_257 : i1 to i32
      %cond3A_259 = arith.constant 0 : i32
      %cond3A_260 = arith.cmpi ne, %convert_element_type3A_258, %cond3A_259 : i32
      scf.if %cond3A_260 {
        %add3A_377 = arith.constant 4 : i32
        %add3A_378 = arith.addi %add3A_244, %add3A_377 : i32
        %dma_wait3A_379 = arith.constant 0 : i32
        %dma_wait3A_380 = tpu.memref_slice %arg3[%arg0, %arg1, %add3A_378, %dma_wait3A_379] : memref<2x16x160x64xi32, #tpu.memory_space<hbm>> -> memref<1x1x1x64xi32, #tpu.memory_space<hbm>>
        %dma_wait3A_381 = tpu.memref_squeeze %dma_wait3A_380 : memref<1x1x1x64xi32, #tpu.memory_space<hbm>> -> memref<64xi32, #tpu.memory_space<hbm>>
        %dma_wait3A_382 = arith.constant 0 : i32
        %dma_wait3A_383 = tpu.memref_slice %arg3[%arg0, %arg1, %add3A_378, %dma_wait3A_382] : memref<2x16x160x64xi32, #tpu.memory_space<hbm>> -> memref<1x1x1x64xi32, #tpu.memory_space<hbm>>
        %dma_wait3A_384 = tpu.memref_squeeze %dma_wait3A_383 : memref<1x1x1x64xi32, #tpu.memory_space<hbm>> -> memref<64xi32, #tpu.memory_space<hbm>>
        tpu.wait_dma2 semaphore(%arg35 : memref<!tpu.dma_semaphore, #tpu.memory_space<semaphore_mem>>) src(%dma_wait3A_384 : memref<64xi32, #tpu.memory_space<hbm>>) dst(%arg14 : memref<64xi32, #tpu.memory_space<vmem>>)
        %dma_start3A_385 = arith.constant 0 : i32
        %dma_start3A_386 = arith.constant 0 : i32
        %dma_start3A_387 = tpu.memref_slice %arg2[%dma_start3A_385, %dma_start3A_386] : memref<20480x128xf32, #tpu.memory_space<hbm>> -> memref<20480x128xf32, #tpu.memory_space<hbm>>
        tpu.enqueue_indirect_dma source(%dma_start3A_387 : memref<20480x128xf32, #tpu.memory_space<hbm>>) target(%arg26 : memref<64x128xf32, #tpu.memory_space<vmem>>) offsets(%arg14 : memref<64xi32, #tpu.memory_space<vmem>>) semaphore(%arg47 : memref<!tpu.dma_semaphore, #tpu.memory_space<semaphore_mem>>)
      } else {
      }
      %add3A_261 = arith.constant 8 : i32
      %add3A_262 = arith.addi %add3A_244, %add3A_261 : i32
      %lt3A_263 = arith.constant 160 : i32
      %lt3A_264 = arith.cmpi slt, %add3A_262, %lt3A_263 : i32
      %convert_element_type3A_265 = arith.extui %lt3A_264 : i1 to i32
      %cond3A_266 = arith.constant 0 : i32
      %cond3A_267 = arith.cmpi ne, %convert_element_type3A_265, %cond3A_266 : i32
      scf.if %cond3A_267 {
        %add3A_377 = arith.constant 8 : i32
        %add3A_378 = arith.addi %add3A_244, %add3A_377 : i32
        %dma_start3A_379 = arith.constant 0 : i32
        %dma_start3A_380 = tpu.memref_slice %arg3[%arg0, %arg1, %add3A_378, %dma_start3A_379] : memref<2x16x160x64xi32, #tpu.memory_space<hbm>> -> memref<1x1x1x64xi32, #tpu.memory_space<hbm>>
        %dma_start3A_381 = tpu.memref_squeeze %dma_start3A_380 : memref<1x1x1x64xi32, #tpu.memory_space<hbm>> -> memref<64xi32, #tpu.memory_space<hbm>>
        %dma_start3A_382 = arith.constant 0 : i32
        %dma_start3A_383 = tpu.memref_slice %arg3[%arg0, %arg1, %add3A_378, %dma_start3A_382] : memref<2x16x160x64xi32, #tpu.memory_space<hbm>> -> memref<1x1x1x64xi32, #tpu.memory_space<hbm>>
        %dma_start3A_384 = tpu.memref_squeeze %dma_start3A_383 : memref<1x1x1x64xi32, #tpu.memory_space<hbm>> -> memref<64xi32, #tpu.memory_space<hbm>>
        tpu.enqueue_dma source(%dma_start3A_384 : memref<64xi32, #tpu.memory_space<hbm>>) target(%arg10 : memref<64xi32, #tpu.memory_space<vmem>>) target_semaphore(%arg31 : memref<!tpu.dma_semaphore, #tpu.memory_space<semaphore_mem>>)
        %add3A_385 = arith.constant 8 : i32
        %add3A_386 = arith.addi %add3A_244, %add3A_385 : i32
        %dma_start3A_387 = arith.constant 0 : i32
        %dma_start3A_388 = tpu.memref_slice %arg4[%arg1, %add3A_386, %dma_start3A_387] : memref<16x160x64xi32, #tpu.memory_space<hbm>> -> memref<1x1x64xi32, #tpu.memory_space<hbm>>
        %dma_start3A_389 = tpu.memref_squeeze %dma_start3A_388 : memref<1x1x64xi32, #tpu.memory_space<hbm>> -> memref<64xi32, #tpu.memory_space<hbm>>
        %dma_start3A_390 = arith.constant 0 : i32
        %dma_start3A_391 = tpu.memref_slice %arg4[%arg1, %add3A_386, %dma_start3A_390] : memref<16x160x64xi32, #tpu.memory_space<hbm>> -> memref<1x1x64xi32, #tpu.memory_space<hbm>>
        %dma_start3A_392 = tpu.memref_squeeze %dma_start3A_391 : memref<1x1x64xi32, #tpu.memory_space<hbm>> -> memref<64xi32, #tpu.memory_space<hbm>>
        tpu.enqueue_dma source(%dma_start3A_392 : memref<64xi32, #tpu.memory_space<hbm>>) target(%arg18 : memref<64xi32, #tpu.memory_space<vmem>>) target_semaphore(%arg39 : memref<!tpu.dma_semaphore, #tpu.memory_space<semaphore_mem>>)
      } else {
      }
      %mul3A_268 = arith.constant 8 : i32
      %mul3A_269 = arith.muli %scan3A_162, %mul3A_268 : i32
      %add3A_270 = arith.constant 4 : i32
      %add3A_271 = arith.addi %mul3A_269, %add3A_270 : i32
      %dma_wait3A_272 = arith.constant 0 : i32
      %dma_wait3A_273 = arith.constant 0 : i32
      %dma_wait3A_274 = tpu.memref_slice %arg2[%dma_wait3A_272, %dma_wait3A_273] : memref<20480x128xf32, #tpu.memory_space<hbm>> -> memref<20480x128xf32, #tpu.memory_space<hbm>>
      tpu.wait_indirect_dma semaphore(%arg44 : memref<!tpu.dma_semaphore, #tpu.memory_space<semaphore_mem>>) src(%dma_wait3A_274 : memref<20480x128xf32, #tpu.memory_space<hbm>>) dst(%arg23 : memref<64x128xf32, #tpu.memory_space<vmem>>)
      %dma_wait3A_275 = arith.constant 0 : i32
      %dma_wait3A_276 = tpu.memref_slice %arg4[%arg1, %add3A_271, %dma_wait3A_275] : memref<16x160x64xi32, #tpu.memory_space<hbm>> -> memref<1x1x64xi32, #tpu.memory_space<hbm>>
      %dma_wait3A_277 = tpu.memref_squeeze %dma_wait3A_276 : memref<1x1x64xi32, #tpu.memory_space<hbm>> -> memref<64xi32, #tpu.memory_space<hbm>>
      %dma_wait3A_278 = arith.constant 0 : i32
      %dma_wait3A_279 = tpu.memref_slice %arg4[%arg1, %add3A_271, %dma_wait3A_278] : memref<16x160x64xi32, #tpu.memory_space<hbm>> -> memref<1x1x64xi32, #tpu.memory_space<hbm>>
      %dma_wait3A_280 = tpu.memref_squeeze %dma_wait3A_279 : memref<1x1x64xi32, #tpu.memory_space<hbm>> -> memref<64xi32, #tpu.memory_space<hbm>>
      tpu.wait_dma2 semaphore(%arg40 : memref<!tpu.dma_semaphore, #tpu.memory_space<semaphore_mem>>) src(%dma_wait3A_280 : memref<64xi32, #tpu.memory_space<hbm>>) dst(%arg19 : memref<64xi32, #tpu.memory_space<vmem>>)
      "tpu.region"() ({
        %run_scoped3A = tpu.sem_alloc : memref<!tpu.dma_semaphore, #tpu.memory_space<semaphore_mem>>
        %dma_start3A_377 = arith.constant 0 : i32
        %dma_start3A_378 = arith.constant 0 : i32
        %dma_start3A_379 = tpu.memref_slice %arg27[%dma_start3A_377, %dma_start3A_378] : memref<10240x128xf32, #tpu.memory_space<vmem_shared>> -> memref<10240x128xf32, #tpu.memory_space<vmem_shared>>
        tpu.enqueue_indirect_dma source(%arg23 : memref<64x128xf32, #tpu.memory_space<vmem>>) target(%dma_start3A_379 : memref<10240x128xf32, #tpu.memory_space<vmem_shared>>) offsets(%arg19 : memref<64xi32, #tpu.memory_space<vmem>>) semaphore(%run_scoped3A : memref<!tpu.dma_semaphore, #tpu.memory_space<semaphore_mem>>) {add = true}
        %dma_wait3A_380 = arith.constant 0 : i32
        %dma_wait3A_381 = arith.constant 0 : i32
        %dma_wait3A_382 = tpu.memref_slice %arg27[%dma_wait3A_380, %dma_wait3A_381] : memref<10240x128xf32, #tpu.memory_space<vmem_shared>> -> memref<10240x128xf32, #tpu.memory_space<vmem_shared>>
        tpu.wait_indirect_dma semaphore(%run_scoped3A : memref<!tpu.dma_semaphore, #tpu.memory_space<semaphore_mem>>) src(%arg23 : memref<64x128xf32, #tpu.memory_space<vmem>>) dst(%dma_wait3A_382 : memref<10240x128xf32, #tpu.memory_space<vmem_shared>>)
        tpu.yield
      }) : () -> ()
      %add3A_281 = arith.constant 4 : i32
      %add3A_282 = arith.addi %add3A_271, %add3A_281 : i32
      %lt3A_283 = arith.constant 160 : i32
      %lt3A_284 = arith.cmpi slt, %add3A_282, %lt3A_283 : i32
      %convert_element_type3A_285 = arith.extui %lt3A_284 : i1 to i32
      %cond3A_286 = arith.constant 0 : i32
      %cond3A_287 = arith.cmpi ne, %convert_element_type3A_285, %cond3A_286 : i32
      scf.if %cond3A_287 {
        %add3A_377 = arith.constant 4 : i32
        %add3A_378 = arith.addi %add3A_271, %add3A_377 : i32
        %dma_wait3A_379 = arith.constant 0 : i32
        %dma_wait3A_380 = tpu.memref_slice %arg3[%arg0, %arg1, %add3A_378, %dma_wait3A_379] : memref<2x16x160x64xi32, #tpu.memory_space<hbm>> -> memref<1x1x1x64xi32, #tpu.memory_space<hbm>>
        %dma_wait3A_381 = tpu.memref_squeeze %dma_wait3A_380 : memref<1x1x1x64xi32, #tpu.memory_space<hbm>> -> memref<64xi32, #tpu.memory_space<hbm>>
        %dma_wait3A_382 = arith.constant 0 : i32
        %dma_wait3A_383 = tpu.memref_slice %arg3[%arg0, %arg1, %add3A_378, %dma_wait3A_382] : memref<2x16x160x64xi32, #tpu.memory_space<hbm>> -> memref<1x1x1x64xi32, #tpu.memory_space<hbm>>
        %dma_wait3A_384 = tpu.memref_squeeze %dma_wait3A_383 : memref<1x1x1x64xi32, #tpu.memory_space<hbm>> -> memref<64xi32, #tpu.memory_space<hbm>>
        tpu.wait_dma2 semaphore(%arg28 : memref<!tpu.dma_semaphore, #tpu.memory_space<semaphore_mem>>) src(%dma_wait3A_384 : memref<64xi32, #tpu.memory_space<hbm>>) dst(%arg7 : memref<64xi32, #tpu.memory_space<vmem>>)
        %dma_start3A_385 = arith.constant 0 : i32
        %dma_start3A_386 = arith.constant 0 : i32
        %dma_start3A_387 = tpu.memref_slice %arg2[%dma_start3A_385, %dma_start3A_386] : memref<20480x128xf32, #tpu.memory_space<hbm>> -> memref<20480x128xf32, #tpu.memory_space<hbm>>
        tpu.enqueue_indirect_dma source(%dma_start3A_387 : memref<20480x128xf32, #tpu.memory_space<hbm>>) target(%arg23 : memref<64x128xf32, #tpu.memory_space<vmem>>) offsets(%arg7 : memref<64xi32, #tpu.memory_space<vmem>>) semaphore(%arg44 : memref<!tpu.dma_semaphore, #tpu.memory_space<semaphore_mem>>)
      } else {
      }
      %add3A_288 = arith.constant 8 : i32
      %add3A_289 = arith.addi %add3A_271, %add3A_288 : i32
      %lt3A_290 = arith.constant 160 : i32
      %lt3A_291 = arith.cmpi slt, %add3A_289, %lt3A_290 : i32
      %convert_element_type3A_292 = arith.extui %lt3A_291 : i1 to i32
      %cond3A_293 = arith.constant 0 : i32
      %cond3A_294 = arith.cmpi ne, %convert_element_type3A_292, %cond3A_293 : i32
      scf.if %cond3A_294 {
        %add3A_377 = arith.constant 8 : i32
        %add3A_378 = arith.addi %add3A_271, %add3A_377 : i32
        %dma_start3A_379 = arith.constant 0 : i32
        %dma_start3A_380 = tpu.memref_slice %arg3[%arg0, %arg1, %add3A_378, %dma_start3A_379] : memref<2x16x160x64xi32, #tpu.memory_space<hbm>> -> memref<1x1x1x64xi32, #tpu.memory_space<hbm>>
        %dma_start3A_381 = tpu.memref_squeeze %dma_start3A_380 : memref<1x1x1x64xi32, #tpu.memory_space<hbm>> -> memref<64xi32, #tpu.memory_space<hbm>>
        %dma_start3A_382 = arith.constant 0 : i32
        %dma_start3A_383 = tpu.memref_slice %arg3[%arg0, %arg1, %add3A_378, %dma_start3A_382] : memref<2x16x160x64xi32, #tpu.memory_space<hbm>> -> memref<1x1x1x64xi32, #tpu.memory_space<hbm>>
        %dma_start3A_384 = tpu.memref_squeeze %dma_start3A_383 : memref<1x1x1x64xi32, #tpu.memory_space<hbm>> -> memref<64xi32, #tpu.memory_space<hbm>>
        tpu.enqueue_dma source(%dma_start3A_384 : memref<64xi32, #tpu.memory_space<hbm>>) target(%arg11 : memref<64xi32, #tpu.memory_space<vmem>>) target_semaphore(%arg32 : memref<!tpu.dma_semaphore, #tpu.memory_space<semaphore_mem>>)
        %add3A_385 = arith.constant 8 : i32
        %add3A_386 = arith.addi %add3A_271, %add3A_385 : i32
        %dma_start3A_387 = arith.constant 0 : i32
        %dma_start3A_388 = tpu.memref_slice %arg4[%arg1, %add3A_386, %dma_start3A_387] : memref<16x160x64xi32, #tpu.memory_space<hbm>> -> memref<1x1x64xi32, #tpu.memory_space<hbm>>
        %dma_start3A_389 = tpu.memref_squeeze %dma_start3A_388 : memref<1x1x64xi32, #tpu.memory_space<hbm>> -> memref<64xi32, #tpu.memory_space<hbm>>
        %dma_start3A_390 = arith.constant 0 : i32
        %dma_start3A_391 = tpu.memref_slice %arg4[%arg1, %add3A_386, %dma_start3A_390] : memref<16x160x64xi32, #tpu.memory_space<hbm>> -> memref<1x1x64xi32, #tpu.memory_space<hbm>>
        %dma_start3A_392 = tpu.memref_squeeze %dma_start3A_391 : memref<1x1x64xi32, #tpu.memory_space<hbm>> -> memref<64xi32, #tpu.memory_space<hbm>>
        tpu.enqueue_dma source(%dma_start3A_392 : memref<64xi32, #tpu.memory_space<hbm>>) target(%arg19 : memref<64xi32, #tpu.memory_space<vmem>>) target_semaphore(%arg40 : memref<!tpu.dma_semaphore, #tpu.memory_space<semaphore_mem>>)
      } else {
      }
      %mul3A_295 = arith.constant 8 : i32
      %mul3A_296 = arith.muli %scan3A_162, %mul3A_295 : i32
      %add3A_297 = arith.constant 5 : i32
      %add3A_298 = arith.addi %mul3A_296, %add3A_297 : i32
      %dma_wait3A_299 = arith.constant 0 : i32
      %dma_wait3A_300 = arith.constant 0 : i32
      %dma_wait3A_301 = tpu.memref_slice %arg2[%dma_wait3A_299, %dma_wait3A_300] : memref<20480x128xf32, #tpu.memory_space<hbm>> -> memref<20480x128xf32, #tpu.memory_space<hbm>>
      tpu.wait_indirect_dma semaphore(%arg45 : memref<!tpu.dma_semaphore, #tpu.memory_space<semaphore_mem>>) src(%dma_wait3A_301 : memref<20480x128xf32, #tpu.memory_space<hbm>>) dst(%arg24 : memref<64x128xf32, #tpu.memory_space<vmem>>)
      %dma_wait3A_302 = arith.constant 0 : i32
      %dma_wait3A_303 = tpu.memref_slice %arg4[%arg1, %add3A_298, %dma_wait3A_302] : memref<16x160x64xi32, #tpu.memory_space<hbm>> -> memref<1x1x64xi32, #tpu.memory_space<hbm>>
      %dma_wait3A_304 = tpu.memref_squeeze %dma_wait3A_303 : memref<1x1x64xi32, #tpu.memory_space<hbm>> -> memref<64xi32, #tpu.memory_space<hbm>>
      %dma_wait3A_305 = arith.constant 0 : i32
      %dma_wait3A_306 = tpu.memref_slice %arg4[%arg1, %add3A_298, %dma_wait3A_305] : memref<16x160x64xi32, #tpu.memory_space<hbm>> -> memref<1x1x64xi32, #tpu.memory_space<hbm>>
      %dma_wait3A_307 = tpu.memref_squeeze %dma_wait3A_306 : memref<1x1x64xi32, #tpu.memory_space<hbm>> -> memref<64xi32, #tpu.memory_space<hbm>>
      tpu.wait_dma2 semaphore(%arg41 : memref<!tpu.dma_semaphore, #tpu.memory_space<semaphore_mem>>) src(%dma_wait3A_307 : memref<64xi32, #tpu.memory_space<hbm>>) dst(%arg20 : memref<64xi32, #tpu.memory_space<vmem>>)
      "tpu.region"() ({
        %run_scoped3A = tpu.sem_alloc : memref<!tpu.dma_semaphore, #tpu.memory_space<semaphore_mem>>
        %dma_start3A_377 = arith.constant 0 : i32
        %dma_start3A_378 = arith.constant 0 : i32
        %dma_start3A_379 = tpu.memref_slice %arg27[%dma_start3A_377, %dma_start3A_378] : memref<10240x128xf32, #tpu.memory_space<vmem_shared>> -> memref<10240x128xf32, #tpu.memory_space<vmem_shared>>
        tpu.enqueue_indirect_dma source(%arg24 : memref<64x128xf32, #tpu.memory_space<vmem>>) target(%dma_start3A_379 : memref<10240x128xf32, #tpu.memory_space<vmem_shared>>) offsets(%arg20 : memref<64xi32, #tpu.memory_space<vmem>>) semaphore(%run_scoped3A : memref<!tpu.dma_semaphore, #tpu.memory_space<semaphore_mem>>) {add = true}
        %dma_wait3A_380 = arith.constant 0 : i32
        %dma_wait3A_381 = arith.constant 0 : i32
        %dma_wait3A_382 = tpu.memref_slice %arg27[%dma_wait3A_380, %dma_wait3A_381] : memref<10240x128xf32, #tpu.memory_space<vmem_shared>> -> memref<10240x128xf32, #tpu.memory_space<vmem_shared>>
        tpu.wait_indirect_dma semaphore(%run_scoped3A : memref<!tpu.dma_semaphore, #tpu.memory_space<semaphore_mem>>) src(%arg24 : memref<64x128xf32, #tpu.memory_space<vmem>>) dst(%dma_wait3A_382 : memref<10240x128xf32, #tpu.memory_space<vmem_shared>>)
        tpu.yield
      }) : () -> ()
      %add3A_308 = arith.constant 4 : i32
      %add3A_309 = arith.addi %add3A_298, %add3A_308 : i32
      %lt3A_310 = arith.constant 160 : i32
      %lt3A_311 = arith.cmpi slt, %add3A_309, %lt3A_310 : i32
      %convert_element_type3A_312 = arith.extui %lt3A_311 : i1 to i32
      %cond3A_313 = arith.constant 0 : i32
      %cond3A_314 = arith.cmpi ne, %convert_element_type3A_312, %cond3A_313 : i32
      scf.if %cond3A_314 {
        %add3A_377 = arith.constant 4 : i32
        %add3A_378 = arith.addi %add3A_298, %add3A_377 : i32
        %dma_wait3A_379 = arith.constant 0 : i32
        %dma_wait3A_380 = tpu.memref_slice %arg3[%arg0, %arg1, %add3A_378, %dma_wait3A_379] : memref<2x16x160x64xi32, #tpu.memory_space<hbm>> -> memref<1x1x1x64xi32, #tpu.memory_space<hbm>>
        %dma_wait3A_381 = tpu.memref_squeeze %dma_wait3A_380 : memref<1x1x1x64xi32, #tpu.memory_space<hbm>> -> memref<64xi32, #tpu.memory_space<hbm>>
        %dma_wait3A_382 = arith.constant 0 : i32
        %dma_wait3A_383 = tpu.memref_slice %arg3[%arg0, %arg1, %add3A_378, %dma_wait3A_382] : memref<2x16x160x64xi32, #tpu.memory_space<hbm>> -> memref<1x1x1x64xi32, #tpu.memory_space<hbm>>
        %dma_wait3A_384 = tpu.memref_squeeze %dma_wait3A_383 : memref<1x1x1x64xi32, #tpu.memory_space<hbm>> -> memref<64xi32, #tpu.memory_space<hbm>>
        tpu.wait_dma2 semaphore(%arg29 : memref<!tpu.dma_semaphore, #tpu.memory_space<semaphore_mem>>) src(%dma_wait3A_384 : memref<64xi32, #tpu.memory_space<hbm>>) dst(%arg8 : memref<64xi32, #tpu.memory_space<vmem>>)
        %dma_start3A_385 = arith.constant 0 : i32
        %dma_start3A_386 = arith.constant 0 : i32
        %dma_start3A_387 = tpu.memref_slice %arg2[%dma_start3A_385, %dma_start3A_386] : memref<20480x128xf32, #tpu.memory_space<hbm>> -> memref<20480x128xf32, #tpu.memory_space<hbm>>
        tpu.enqueue_indirect_dma source(%dma_start3A_387 : memref<20480x128xf32, #tpu.memory_space<hbm>>) target(%arg24 : memref<64x128xf32, #tpu.memory_space<vmem>>) offsets(%arg8 : memref<64xi32, #tpu.memory_space<vmem>>) semaphore(%arg45 : memref<!tpu.dma_semaphore, #tpu.memory_space<semaphore_mem>>)
      } else {
      }
      %add3A_315 = arith.constant 8 : i32
      %add3A_316 = arith.addi %add3A_298, %add3A_315 : i32
      %lt3A_317 = arith.constant 160 : i32
      %lt3A_318 = arith.cmpi slt, %add3A_316, %lt3A_317 : i32
      %convert_element_type3A_319 = arith.extui %lt3A_318 : i1 to i32
      %cond3A_320 = arith.constant 0 : i32
      %cond3A_321 = arith.cmpi ne, %convert_element_type3A_319, %cond3A_320 : i32
      scf.if %cond3A_321 {
        %add3A_377 = arith.constant 8 : i32
        %add3A_378 = arith.addi %add3A_298, %add3A_377 : i32
        %dma_start3A_379 = arith.constant 0 : i32
        %dma_start3A_380 = tpu.memref_slice %arg3[%arg0, %arg1, %add3A_378, %dma_start3A_379] : memref<2x16x160x64xi32, #tpu.memory_space<hbm>> -> memref<1x1x1x64xi32, #tpu.memory_space<hbm>>
        %dma_start3A_381 = tpu.memref_squeeze %dma_start3A_380 : memref<1x1x1x64xi32, #tpu.memory_space<hbm>> -> memref<64xi32, #tpu.memory_space<hbm>>
        %dma_start3A_382 = arith.constant 0 : i32
        %dma_start3A_383 = tpu.memref_slice %arg3[%arg0, %arg1, %add3A_378, %dma_start3A_382] : memref<2x16x160x64xi32, #tpu.memory_space<hbm>> -> memref<1x1x1x64xi32, #tpu.memory_space<hbm>>
        %dma_start3A_384 = tpu.memref_squeeze %dma_start3A_383 : memref<1x1x1x64xi32, #tpu.memory_space<hbm>> -> memref<64xi32, #tpu.memory_space<hbm>>
        tpu.enqueue_dma source(%dma_start3A_384 : memref<64xi32, #tpu.memory_space<hbm>>) target(%arg12 : memref<64xi32, #tpu.memory_space<vmem>>) target_semaphore(%arg33 : memref<!tpu.dma_semaphore, #tpu.memory_space<semaphore_mem>>)
        %add3A_385 = arith.constant 8 : i32
        %add3A_386 = arith.addi %add3A_298, %add3A_385 : i32
        %dma_start3A_387 = arith.constant 0 : i32
        %dma_start3A_388 = tpu.memref_slice %arg4[%arg1, %add3A_386, %dma_start3A_387] : memref<16x160x64xi32, #tpu.memory_space<hbm>> -> memref<1x1x64xi32, #tpu.memory_space<hbm>>
        %dma_start3A_389 = tpu.memref_squeeze %dma_start3A_388 : memref<1x1x64xi32, #tpu.memory_space<hbm>> -> memref<64xi32, #tpu.memory_space<hbm>>
        %dma_start3A_390 = arith.constant 0 : i32
        %dma_start3A_391 = tpu.memref_slice %arg4[%arg1, %add3A_386, %dma_start3A_390] : memref<16x160x64xi32, #tpu.memory_space<hbm>> -> memref<1x1x64xi32, #tpu.memory_space<hbm>>
        %dma_start3A_392 = tpu.memref_squeeze %dma_start3A_391 : memref<1x1x64xi32, #tpu.memory_space<hbm>> -> memref<64xi32, #tpu.memory_space<hbm>>
        tpu.enqueue_dma source(%dma_start3A_392 : memref<64xi32, #tpu.memory_space<hbm>>) target(%arg20 : memref<64xi32, #tpu.memory_space<vmem>>) target_semaphore(%arg41 : memref<!tpu.dma_semaphore, #tpu.memory_space<semaphore_mem>>)
      } else {
      }
      %mul3A_322 = arith.constant 8 : i32
      %mul3A_323 = arith.muli %scan3A_162, %mul3A_322 : i32
      %add3A_324 = arith.constant 6 : i32
      %add3A_325 = arith.addi %mul3A_323, %add3A_324 : i32
      %dma_wait3A_326 = arith.constant 0 : i32
      %dma_wait3A_327 = arith.constant 0 : i32
      %dma_wait3A_328 = tpu.memref_slice %arg2[%dma_wait3A_326, %dma_wait3A_327] : memref<20480x128xf32, #tpu.memory_space<hbm>> -> memref<20480x128xf32, #tpu.memory_space<hbm>>
      tpu.wait_indirect_dma semaphore(%arg46 : memref<!tpu.dma_semaphore, #tpu.memory_space<semaphore_mem>>) src(%dma_wait3A_328 : memref<20480x128xf32, #tpu.memory_space<hbm>>) dst(%arg25 : memref<64x128xf32, #tpu.memory_space<vmem>>)
      %dma_wait3A_329 = arith.constant 0 : i32
      %dma_wait3A_330 = tpu.memref_slice %arg4[%arg1, %add3A_325, %dma_wait3A_329] : memref<16x160x64xi32, #tpu.memory_space<hbm>> -> memref<1x1x64xi32, #tpu.memory_space<hbm>>
      %dma_wait3A_331 = tpu.memref_squeeze %dma_wait3A_330 : memref<1x1x64xi32, #tpu.memory_space<hbm>> -> memref<64xi32, #tpu.memory_space<hbm>>
      %dma_wait3A_332 = arith.constant 0 : i32
      %dma_wait3A_333 = tpu.memref_slice %arg4[%arg1, %add3A_325, %dma_wait3A_332] : memref<16x160x64xi32, #tpu.memory_space<hbm>> -> memref<1x1x64xi32, #tpu.memory_space<hbm>>
      %dma_wait3A_334 = tpu.memref_squeeze %dma_wait3A_333 : memref<1x1x64xi32, #tpu.memory_space<hbm>> -> memref<64xi32, #tpu.memory_space<hbm>>
      tpu.wait_dma2 semaphore(%arg42 : memref<!tpu.dma_semaphore, #tpu.memory_space<semaphore_mem>>) src(%dma_wait3A_334 : memref<64xi32, #tpu.memory_space<hbm>>) dst(%arg21 : memref<64xi32, #tpu.memory_space<vmem>>)
      "tpu.region"() ({
        %run_scoped3A = tpu.sem_alloc : memref<!tpu.dma_semaphore, #tpu.memory_space<semaphore_mem>>
        %dma_start3A_377 = arith.constant 0 : i32
        %dma_start3A_378 = arith.constant 0 : i32
        %dma_start3A_379 = tpu.memref_slice %arg27[%dma_start3A_377, %dma_start3A_378] : memref<10240x128xf32, #tpu.memory_space<vmem_shared>> -> memref<10240x128xf32, #tpu.memory_space<vmem_shared>>
        tpu.enqueue_indirect_dma source(%arg25 : memref<64x128xf32, #tpu.memory_space<vmem>>) target(%dma_start3A_379 : memref<10240x128xf32, #tpu.memory_space<vmem_shared>>) offsets(%arg21 : memref<64xi32, #tpu.memory_space<vmem>>) semaphore(%run_scoped3A : memref<!tpu.dma_semaphore, #tpu.memory_space<semaphore_mem>>) {add = true}
        %dma_wait3A_380 = arith.constant 0 : i32
        %dma_wait3A_381 = arith.constant 0 : i32
        %dma_wait3A_382 = tpu.memref_slice %arg27[%dma_wait3A_380, %dma_wait3A_381] : memref<10240x128xf32, #tpu.memory_space<vmem_shared>> -> memref<10240x128xf32, #tpu.memory_space<vmem_shared>>
        tpu.wait_indirect_dma semaphore(%run_scoped3A : memref<!tpu.dma_semaphore, #tpu.memory_space<semaphore_mem>>) src(%arg25 : memref<64x128xf32, #tpu.memory_space<vmem>>) dst(%dma_wait3A_382 : memref<10240x128xf32, #tpu.memory_space<vmem_shared>>)
        tpu.yield
      }) : () -> ()
      %add3A_335 = arith.constant 4 : i32
      %add3A_336 = arith.addi %add3A_325, %add3A_335 : i32
      %lt3A_337 = arith.constant 160 : i32
      %lt3A_338 = arith.cmpi slt, %add3A_336, %lt3A_337 : i32
      %convert_element_type3A_339 = arith.extui %lt3A_338 : i1 to i32
      %cond3A_340 = arith.constant 0 : i32
      %cond3A_341 = arith.cmpi ne, %convert_element_type3A_339, %cond3A_340 : i32
      scf.if %cond3A_341 {
        %add3A_377 = arith.constant 4 : i32
        %add3A_378 = arith.addi %add3A_325, %add3A_377 : i32
        %dma_wait3A_379 = arith.constant 0 : i32
        %dma_wait3A_380 = tpu.memref_slice %arg3[%arg0, %arg1, %add3A_378, %dma_wait3A_379] : memref<2x16x160x64xi32, #tpu.memory_space<hbm>> -> memref<1x1x1x64xi32, #tpu.memory_space<hbm>>
        %dma_wait3A_381 = tpu.memref_squeeze %dma_wait3A_380 : memref<1x1x1x64xi32, #tpu.memory_space<hbm>> -> memref<64xi32, #tpu.memory_space<hbm>>
        %dma_wait3A_382 = arith.constant 0 : i32
        %dma_wait3A_383 = tpu.memref_slice %arg3[%arg0, %arg1, %add3A_378, %dma_wait3A_382] : memref<2x16x160x64xi32, #tpu.memory_space<hbm>> -> memref<1x1x1x64xi32, #tpu.memory_space<hbm>>
        %dma_wait3A_384 = tpu.memref_squeeze %dma_wait3A_383 : memref<1x1x1x64xi32, #tpu.memory_space<hbm>> -> memref<64xi32, #tpu.memory_space<hbm>>
        tpu.wait_dma2 semaphore(%arg30 : memref<!tpu.dma_semaphore, #tpu.memory_space<semaphore_mem>>) src(%dma_wait3A_384 : memref<64xi32, #tpu.memory_space<hbm>>) dst(%arg9 : memref<64xi32, #tpu.memory_space<vmem>>)
        %dma_start3A_385 = arith.constant 0 : i32
        %dma_start3A_386 = arith.constant 0 : i32
        %dma_start3A_387 = tpu.memref_slice %arg2[%dma_start3A_385, %dma_start3A_386] : memref<20480x128xf32, #tpu.memory_space<hbm>> -> memref<20480x128xf32, #tpu.memory_space<hbm>>
        tpu.enqueue_indirect_dma source(%dma_start3A_387 : memref<20480x128xf32, #tpu.memory_space<hbm>>) target(%arg25 : memref<64x128xf32, #tpu.memory_space<vmem>>) offsets(%arg9 : memref<64xi32, #tpu.memory_space<vmem>>) semaphore(%arg46 : memref<!tpu.dma_semaphore, #tpu.memory_space<semaphore_mem>>)
      } else {
      }
      %add3A_342 = arith.constant 8 : i32
      %add3A_343 = arith.addi %add3A_325, %add3A_342 : i32
      %lt3A_344 = arith.constant 160 : i32
      %lt3A_345 = arith.cmpi slt, %add3A_343, %lt3A_344 : i32
      %convert_element_type3A_346 = arith.extui %lt3A_345 : i1 to i32
      %cond3A_347 = arith.constant 0 : i32
      %cond3A_348 = arith.cmpi ne, %convert_element_type3A_346, %cond3A_347 : i32
      scf.if %cond3A_348 {
        %add3A_377 = arith.constant 8 : i32
        %add3A_378 = arith.addi %add3A_325, %add3A_377 : i32
        %dma_start3A_379 = arith.constant 0 : i32
        %dma_start3A_380 = tpu.memref_slice %arg3[%arg0, %arg1, %add3A_378, %dma_start3A_379] : memref<2x16x160x64xi32, #tpu.memory_space<hbm>> -> memref<1x1x1x64xi32, #tpu.memory_space<hbm>>
        %dma_start3A_381 = tpu.memref_squeeze %dma_start3A_380 : memref<1x1x1x64xi32, #tpu.memory_space<hbm>> -> memref<64xi32, #tpu.memory_space<hbm>>
        %dma_start3A_382 = arith.constant 0 : i32
        %dma_start3A_383 = tpu.memref_slice %arg3[%arg0, %arg1, %add3A_378, %dma_start3A_382] : memref<2x16x160x64xi32, #tpu.memory_space<hbm>> -> memref<1x1x1x64xi32, #tpu.memory_space<hbm>>
        %dma_start3A_384 = tpu.memref_squeeze %dma_start3A_383 : memref<1x1x1x64xi32, #tpu.memory_space<hbm>> -> memref<64xi32, #tpu.memory_space<hbm>>
        tpu.enqueue_dma source(%dma_start3A_384 : memref<64xi32, #tpu.memory_space<hbm>>) target(%arg13 : memref<64xi32, #tpu.memory_space<vmem>>) target_semaphore(%arg34 : memref<!tpu.dma_semaphore, #tpu.memory_space<semaphore_mem>>)
        %add3A_385 = arith.constant 8 : i32
        %add3A_386 = arith.addi %add3A_325, %add3A_385 : i32
        %dma_start3A_387 = arith.constant 0 : i32
        %dma_start3A_388 = tpu.memref_slice %arg4[%arg1, %add3A_386, %dma_start3A_387] : memref<16x160x64xi32, #tpu.memory_space<hbm>> -> memref<1x1x64xi32, #tpu.memory_space<hbm>>
        %dma_start3A_389 = tpu.memref_squeeze %dma_start3A_388 : memref<1x1x64xi32, #tpu.memory_space<hbm>> -> memref<64xi32, #tpu.memory_space<hbm>>
        %dma_start3A_390 = arith.constant 0 : i32
        %dma_start3A_391 = tpu.memref_slice %arg4[%arg1, %add3A_386, %dma_start3A_390] : memref<16x160x64xi32, #tpu.memory_space<hbm>> -> memref<1x1x64xi32, #tpu.memory_space<hbm>>
        %dma_start3A_392 = tpu.memref_squeeze %dma_start3A_391 : memref<1x1x64xi32, #tpu.memory_space<hbm>> -> memref<64xi32, #tpu.memory_space<hbm>>
        tpu.enqueue_dma source(%dma_start3A_392 : memref<64xi32, #tpu.memory_space<hbm>>) target(%arg21 : memref<64xi32, #tpu.memory_space<vmem>>) target_semaphore(%arg42 : memref<!tpu.dma_semaphore, #tpu.memory_space<semaphore_mem>>)
      } else {
      }
      %mul3A_349 = arith.constant 8 : i32
      %mul3A_350 = arith.muli %scan3A_162, %mul3A_349 : i32
      %add3A_351 = arith.constant 7 : i32
      %add3A_352 = arith.addi %mul3A_350, %add3A_351 : i32
      %dma_wait3A_353 = arith.constant 0 : i32
      %dma_wait3A_354 = arith.constant 0 : i32
      %dma_wait3A_355 = tpu.memref_slice %arg2[%dma_wait3A_353, %dma_wait3A_354] : memref<20480x128xf32, #tpu.memory_space<hbm>> -> memref<20480x128xf32, #tpu.memory_space<hbm>>
      tpu.wait_indirect_dma semaphore(%arg47 : memref<!tpu.dma_semaphore, #tpu.memory_space<semaphore_mem>>) src(%dma_wait3A_355 : memref<20480x128xf32, #tpu.memory_space<hbm>>) dst(%arg26 : memref<64x128xf32, #tpu.memory_space<vmem>>)
      %dma_wait3A_356 = arith.constant 0 : i32
      %dma_wait3A_357 = tpu.memref_slice %arg4[%arg1, %add3A_352, %dma_wait3A_356] : memref<16x160x64xi32, #tpu.memory_space<hbm>> -> memref<1x1x64xi32, #tpu.memory_space<hbm>>
      %dma_wait3A_358 = tpu.memref_squeeze %dma_wait3A_357 : memref<1x1x64xi32, #tpu.memory_space<hbm>> -> memref<64xi32, #tpu.memory_space<hbm>>
      %dma_wait3A_359 = arith.constant 0 : i32
      %dma_wait3A_360 = tpu.memref_slice %arg4[%arg1, %add3A_352, %dma_wait3A_359] : memref<16x160x64xi32, #tpu.memory_space<hbm>> -> memref<1x1x64xi32, #tpu.memory_space<hbm>>
      %dma_wait3A_361 = tpu.memref_squeeze %dma_wait3A_360 : memref<1x1x64xi32, #tpu.memory_space<hbm>> -> memref<64xi32, #tpu.memory_space<hbm>>
      tpu.wait_dma2 semaphore(%arg43 : memref<!tpu.dma_semaphore, #tpu.memory_space<semaphore_mem>>) src(%dma_wait3A_361 : memref<64xi32, #tpu.memory_space<hbm>>) dst(%arg22 : memref<64xi32, #tpu.memory_space<vmem>>)
      "tpu.region"() ({
        %run_scoped3A = tpu.sem_alloc : memref<!tpu.dma_semaphore, #tpu.memory_space<semaphore_mem>>
        %dma_start3A_377 = arith.constant 0 : i32
        %dma_start3A_378 = arith.constant 0 : i32
        %dma_start3A_379 = tpu.memref_slice %arg27[%dma_start3A_377, %dma_start3A_378] : memref<10240x128xf32, #tpu.memory_space<vmem_shared>> -> memref<10240x128xf32, #tpu.memory_space<vmem_shared>>
        tpu.enqueue_indirect_dma source(%arg26 : memref<64x128xf32, #tpu.memory_space<vmem>>) target(%dma_start3A_379 : memref<10240x128xf32, #tpu.memory_space<vmem_shared>>) offsets(%arg22 : memref<64xi32, #tpu.memory_space<vmem>>) semaphore(%run_scoped3A : memref<!tpu.dma_semaphore, #tpu.memory_space<semaphore_mem>>) {add = true}
        %dma_wait3A_380 = arith.constant 0 : i32
        %dma_wait3A_381 = arith.constant 0 : i32
        %dma_wait3A_382 = tpu.memref_slice %arg27[%dma_wait3A_380, %dma_wait3A_381] : memref<10240x128xf32, #tpu.memory_space<vmem_shared>> -> memref<10240x128xf32, #tpu.memory_space<vmem_shared>>
        tpu.wait_indirect_dma semaphore(%run_scoped3A : memref<!tpu.dma_semaphore, #tpu.memory_space<semaphore_mem>>) src(%arg26 : memref<64x128xf32, #tpu.memory_space<vmem>>) dst(%dma_wait3A_382 : memref<10240x128xf32, #tpu.memory_space<vmem_shared>>)
        tpu.yield
      }) : () -> ()
      %add3A_362 = arith.constant 4 : i32
      %add3A_363 = arith.addi %add3A_352, %add3A_362 : i32
      %lt3A_364 = arith.constant 160 : i32
      %lt3A_365 = arith.cmpi slt, %add3A_363, %lt3A_364 : i32
      %convert_element_type3A_366 = arith.extui %lt3A_365 : i1 to i32
      %cond3A_367 = arith.constant 0 : i32
      %cond3A_368 = arith.cmpi ne, %convert_element_type3A_366, %cond3A_367 : i32
      scf.if %cond3A_368 {
        %add3A_377 = arith.constant 4 : i32
        %add3A_378 = arith.addi %add3A_352, %add3A_377 : i32
        %dma_wait3A_379 = arith.constant 0 : i32
        %dma_wait3A_380 = tpu.memref_slice %arg3[%arg0, %arg1, %add3A_378, %dma_wait3A_379] : memref<2x16x160x64xi32, #tpu.memory_space<hbm>> -> memref<1x1x1x64xi32, #tpu.memory_space<hbm>>
        %dma_wait3A_381 = tpu.memref_squeeze %dma_wait3A_380 : memref<1x1x1x64xi32, #tpu.memory_space<hbm>> -> memref<64xi32, #tpu.memory_space<hbm>>
        %dma_wait3A_382 = arith.constant 0 : i32
        %dma_wait3A_383 = tpu.memref_slice %arg3[%arg0, %arg1, %add3A_378, %dma_wait3A_382] : memref<2x16x160x64xi32, #tpu.memory_space<hbm>> -> memref<1x1x1x64xi32, #tpu.memory_space<hbm>>
        %dma_wait3A_384 = tpu.memref_squeeze %dma_wait3A_383 : memref<1x1x1x64xi32, #tpu.memory_space<hbm>> -> memref<64xi32, #tpu.memory_space<hbm>>
        tpu.wait_dma2 semaphore(%arg31 : memref<!tpu.dma_semaphore, #tpu.memory_space<semaphore_mem>>) src(%dma_wait3A_384 : memref<64xi32, #tpu.memory_space<hbm>>) dst(%arg10 : memref<64xi32, #tpu.memory_space<vmem>>)
        %dma_start3A_385 = arith.constant 0 : i32
        %dma_start3A_386 = arith.constant 0 : i32
        %dma_start3A_387 = tpu.memref_slice %arg2[%dma_start3A_385, %dma_start3A_386] : memref<20480x128xf32, #tpu.memory_space<hbm>> -> memref<20480x128xf32, #tpu.memory_space<hbm>>
        tpu.enqueue_indirect_dma source(%dma_start3A_387 : memref<20480x128xf32, #tpu.memory_space<hbm>>) target(%arg26 : memref<64x128xf32, #tpu.memory_space<vmem>>) offsets(%arg10 : memref<64xi32, #tpu.memory_space<vmem>>) semaphore(%arg47 : memref<!tpu.dma_semaphore, #tpu.memory_space<semaphore_mem>>)
      } else {
      }
      %add3A_369 = arith.constant 8 : i32
      %add3A_370 = arith.addi %add3A_352, %add3A_369 : i32
      %lt3A_371 = arith.constant 160 : i32
      %lt3A_372 = arith.cmpi slt, %add3A_370, %lt3A_371 : i32
      %convert_element_type3A_373 = arith.extui %lt3A_372 : i1 to i32
      %cond3A_374 = arith.constant 0 : i32
      %cond3A_375 = arith.cmpi ne, %convert_element_type3A_373, %cond3A_374 : i32
      scf.if %cond3A_375 {
        %add3A_377 = arith.constant 8 : i32
        %add3A_378 = arith.addi %add3A_352, %add3A_377 : i32
        %dma_start3A_379 = arith.constant 0 : i32
        %dma_start3A_380 = tpu.memref_slice %arg3[%arg0, %arg1, %add3A_378, %dma_start3A_379] : memref<2x16x160x64xi32, #tpu.memory_space<hbm>> -> memref<1x1x1x64xi32, #tpu.memory_space<hbm>>
        %dma_start3A_381 = tpu.memref_squeeze %dma_start3A_380 : memref<1x1x1x64xi32, #tpu.memory_space<hbm>> -> memref<64xi32, #tpu.memory_space<hbm>>
        %dma_start3A_382 = arith.constant 0 : i32
        %dma_start3A_383 = tpu.memref_slice %arg3[%arg0, %arg1, %add3A_378, %dma_start3A_382] : memref<2x16x160x64xi32, #tpu.memory_space<hbm>> -> memref<1x1x1x64xi32, #tpu.memory_space<hbm>>
        %dma_start3A_384 = tpu.memref_squeeze %dma_start3A_383 : memref<1x1x1x64xi32, #tpu.memory_space<hbm>> -> memref<64xi32, #tpu.memory_space<hbm>>
        tpu.enqueue_dma source(%dma_start3A_384 : memref<64xi32, #tpu.memory_space<hbm>>) target(%arg14 : memref<64xi32, #tpu.memory_space<vmem>>) target_semaphore(%arg35 : memref<!tpu.dma_semaphore, #tpu.memory_space<semaphore_mem>>)
        %add3A_385 = arith.constant 8 : i32
        %add3A_386 = arith.addi %add3A_352, %add3A_385 : i32
        %dma_start3A_387 = arith.constant 0 : i32
        %dma_start3A_388 = tpu.memref_slice %arg4[%arg1, %add3A_386, %dma_start3A_387] : memref<16x160x64xi32, #tpu.memory_space<hbm>> -> memref<1x1x64xi32, #tpu.memory_space<hbm>>
        %dma_start3A_389 = tpu.memref_squeeze %dma_start3A_388 : memref<1x1x64xi32, #tpu.memory_space<hbm>> -> memref<64xi32, #tpu.memory_space<hbm>>
        %dma_start3A_390 = arith.constant 0 : i32
        %dma_start3A_391 = tpu.memref_slice %arg4[%arg1, %add3A_386, %dma_start3A_390] : memref<16x160x64xi32, #tpu.memory_space<hbm>> -> memref<1x1x64xi32, #tpu.memory_space<hbm>>
        %dma_start3A_392 = tpu.memref_squeeze %dma_start3A_391 : memref<1x1x64xi32, #tpu.memory_space<hbm>> -> memref<64xi32, #tpu.memory_space<hbm>>
        tpu.enqueue_dma source(%dma_start3A_392 : memref<64xi32, #tpu.memory_space<hbm>>) target(%arg22 : memref<64xi32, #tpu.memory_space<vmem>>) target_semaphore(%arg43 : memref<!tpu.dma_semaphore, #tpu.memory_space<semaphore_mem>>)
      } else {
      }
      %scan3A_376 = arith.constant 0 : i32
      scf.yield %scan3A_376 : i32
    }
    %scan3A_156 = arith.constant 20 : i32
    %barrier3A_157 = arith.constant 0 : index
    tpu.barrier barrier_id(%barrier3A_157)
    %mul3A_158 = arith.constant 640 : i32
    %mul3A_159 = arith.muli %arg1, %mul3A_158 : i32
    %mul3A_160 = arith.constant 640 : i32
    %mul3A_161 = arith.muli %arg1, %mul3A_160 : i32
    "tpu.region"() ({
      %run_scoped3A = tpu.sem_alloc : memref<!tpu.dma_semaphore, #tpu.memory_space<semaphore_mem>>
      %dma_start3A_162 = arith.constant 0 : i32
      %dma_start3A_163 = arith.constant 0 : i32
      %dma_start3A_164 = tpu.memref_slice %arg6[%arg0, %dma_start3A_162, %dma_start3A_163] : memref<2x10240x128xf32, #tpu.memory_space<hbm>> -> memref<1x10240x128xf32, #tpu.memory_space<hbm>>
      %dma_start3A_165 = tpu.memref_squeeze %dma_start3A_164 : memref<1x10240x128xf32, #tpu.memory_space<hbm>> -> memref<10240x128xf32, #tpu.memory_space<hbm>>
      %dma_start3A_166 = arith.constant 0 : i32
      %dma_start3A_167 = tpu.memref_slice %dma_start3A_165[%mul3A_161, %dma_start3A_166] : memref<10240x128xf32, #tpu.memory_space<hbm>> -> memref<640x128xf32, #tpu.memory_space<hbm>>
      %dma_start3A_168 = arith.constant 0 : i32
      %dma_start3A_169 = tpu.memref_slice %arg27[%mul3A_159, %dma_start3A_168] : memref<10240x128xf32, #tpu.memory_space<vmem_shared>> -> memref<640x128xf32, #tpu.memory_space<vmem_shared>>
      tpu.enqueue_dma source(%dma_start3A_169 : memref<640x128xf32, #tpu.memory_space<vmem_shared>>) target(%dma_start3A_167 : memref<640x128xf32, #tpu.memory_space<hbm>>) target_semaphore(%run_scoped3A : memref<!tpu.dma_semaphore, #tpu.memory_space<semaphore_mem>>)
      %dma_wait3A_170 = arith.constant 0 : i32
      %dma_wait3A_171 = arith.constant 0 : i32
      %dma_wait3A_172 = tpu.memref_slice %arg6[%arg0, %dma_wait3A_170, %dma_wait3A_171] : memref<2x10240x128xf32, #tpu.memory_space<hbm>> -> memref<1x10240x128xf32, #tpu.memory_space<hbm>>
      %dma_wait3A_173 = tpu.memref_squeeze %dma_wait3A_172 : memref<1x10240x128xf32, #tpu.memory_space<hbm>> -> memref<10240x128xf32, #tpu.memory_space<hbm>>
      %dma_wait3A_174 = arith.constant 0 : i32
      %dma_wait3A_175 = tpu.memref_slice %dma_wait3A_173[%mul3A_161, %dma_wait3A_174] : memref<10240x128xf32, #tpu.memory_space<hbm>> -> memref<640x128xf32, #tpu.memory_space<hbm>>
      %dma_wait3A_176 = arith.constant 0 : i32
      %dma_wait3A_177 = tpu.memref_slice %arg27[%mul3A_159, %dma_wait3A_176] : memref<10240x128xf32, #tpu.memory_space<vmem_shared>> -> memref<640x128xf32, #tpu.memory_space<vmem_shared>>
      tpu.wait_dma2 semaphore(%run_scoped3A : memref<!tpu.dma_semaphore, #tpu.memory_space<semaphore_mem>>) src(%dma_wait3A_177 : memref<640x128xf32, #tpu.memory_space<vmem_shared>>) dst(%dma_wait3A_175 : memref<640x128xf32, #tpu.memory_space<hbm>>)
      tpu.yield
    }) : () -> ()
    return
  }
}

#map = affine_map<(d0, d1) -> (0, 0, 0)>
#map1 = affine_map<(d0, d1) -> (0, 0)>
module attributes {stable_mosaic.version = 14 : i64} {
  func.func @_deg_kernel(%arg0: i32, %arg1: i32, %arg2: memref<16x160x64xi32, #tpu.memory_space<hbm>>, %arg3: memref<2x10240xf32, #tpu.memory_space<hbm>>, %arg4: memref<80x64xi32, #tpu.memory_space<vmem>>, %arg5: memref<10240xf32, #tpu.memory_space<vmem>>, %arg6: memref<16x640xf32, #tpu.memory_space<vmem>>, %arg7: memref<640xf32, #tpu.memory_space<vmem>>, %arg8: memref<16x10240xf32, #tpu.memory_space<vmem_shared>>) attributes {dimension_semantics = [#tpu.dimension_semantics<core_parallel>, #tpu.dimension_semantics<subcore_parallel>], iteration_bounds = array<i64: 2, 16>, scalar_prefetch = 0 : i64, scratch_operands = 5 : i64, tpu.core_type = #tpu.core_type<sc_vector_subcore>, window_params = [{transform_indices = #map}, {transform_indices = #map1}]} {
    %mul3A = arith.constant 80 : i32
    %mul3A_0 = arith.muli %arg0, %mul3A : i32
    "tpu.region"() ({
      %run_scoped3A = tpu.sem_alloc : memref<!tpu.dma_semaphore, #tpu.memory_space<semaphore_mem>>
      %dma_start3A = arith.constant 0 : i32
      %dma_start3A_26 = tpu.memref_slice %arg2[%arg1, %mul3A_0, %dma_start3A] : memref<16x160x64xi32, #tpu.memory_space<hbm>> -> memref<1x80x64xi32, #tpu.memory_space<hbm>>
      %dma_start3A_27 = tpu.memref_squeeze %dma_start3A_26 : memref<1x80x64xi32, #tpu.memory_space<hbm>> -> memref<80x64xi32, #tpu.memory_space<hbm>>
      %dma_start3A_28 = arith.constant 0 : i32
      %dma_start3A_29 = tpu.memref_slice %arg2[%arg1, %mul3A_0, %dma_start3A_28] : memref<16x160x64xi32, #tpu.memory_space<hbm>> -> memref<1x80x64xi32, #tpu.memory_space<hbm>>
      %dma_start3A_30 = tpu.memref_squeeze %dma_start3A_29 : memref<1x80x64xi32, #tpu.memory_space<hbm>> -> memref<80x64xi32, #tpu.memory_space<hbm>>
      tpu.enqueue_dma source(%dma_start3A_30 : memref<80x64xi32, #tpu.memory_space<hbm>>) target(%arg4 : memref<80x64xi32, #tpu.memory_space<vmem>>) target_semaphore(%run_scoped3A : memref<!tpu.dma_semaphore, #tpu.memory_space<semaphore_mem>>)
      %dma_wait3A = arith.constant 0 : i32
      %dma_wait3A_31 = tpu.memref_slice %arg2[%arg1, %mul3A_0, %dma_wait3A] : memref<16x160x64xi32, #tpu.memory_space<hbm>> -> memref<1x80x64xi32, #tpu.memory_space<hbm>>
      %dma_wait3A_32 = tpu.memref_squeeze %dma_wait3A_31 : memref<1x80x64xi32, #tpu.memory_space<hbm>> -> memref<80x64xi32, #tpu.memory_space<hbm>>
      %dma_wait3A_33 = arith.constant 0 : i32
      %dma_wait3A_34 = tpu.memref_slice %arg2[%arg1, %mul3A_0, %dma_wait3A_33] : memref<16x160x64xi32, #tpu.memory_space<hbm>> -> memref<1x80x64xi32, #tpu.memory_space<hbm>>
      %dma_wait3A_35 = tpu.memref_squeeze %dma_wait3A_34 : memref<1x80x64xi32, #tpu.memory_space<hbm>> -> memref<80x64xi32, #tpu.memory_space<hbm>>
      tpu.wait_dma2 semaphore(%run_scoped3A : memref<!tpu.dma_semaphore, #tpu.memory_space<semaphore_mem>>) src(%dma_wait3A_35 : memref<80x64xi32, #tpu.memory_space<hbm>>) dst(%arg4 : memref<80x64xi32, #tpu.memory_space<vmem>>)
      tpu.yield
    }) : () -> ()
    %scan3A = arith.constant 0 : i32
    %scan3A_1 = arith.constant 0 : i32
    %scan3A_2 = arith.constant 640 : i32
    %scan3A_3 = arith.addi %scan3A_1, %scan3A_2 : i32
    %scan3A_4 = arith.constant 1 : i32
    %scan3A_5 = scf.for %scan3A_26 = %scan3A_1 to %scan3A_3 step %scan3A_4 iter_args(%scan3A_27 = %scan3A) -> (i32)  : i32 {
      %broadcast_in_dim3A_28 = arith.constant 0.000000e+00 : f32
      %broadcast_in_dim3A_29 = vector.broadcast %broadcast_in_dim3A_28 : f32 to vector<16xf32>
      %mul3A_30 = arith.constant 16 : i32
      %mul3A_31 = arith.muli %scan3A_26, %mul3A_30 : i32
      %swap3A = arith.index_cast %mul3A_31 : i32 to index
      %swap3A_32 = tpu.vector_load %arg5[%swap3A] {strides = array<i32>} : memref<10240xf32, #tpu.memory_space<vmem>>, vector<16xf32>,
      tpu.vector_store %arg5[%swap3A], %broadcast_in_dim3A_29 {strides = array<i32>} : memref<10240xf32, #tpu.memory_space<vmem>>, vector<16xf32>,
      %scan3A_33 = arith.constant 0 : i32
      scf.yield %scan3A_33 : i32
    }
    %scan3A_6 = arith.constant 640 : i32
    %broadcast_in_dim3A = arith.constant 1.000000e+00 : f32
    %broadcast_in_dim3A_7 = vector.broadcast %broadcast_in_dim3A : f32 to vector<16xf32>
    %scan3A_8 = arith.constant 0 : i32
    %scan3A_9 = arith.constant 0 : i32
    %scan3A_10 = arith.constant 80 : i32
    %scan3A_11 = arith.addi %scan3A_9, %scan3A_10 : i32
    %scan3A_12 = arith.constant 1 : i32
    %scan3A_13 = scf.for %scan3A_26 = %scan3A_9 to %scan3A_11 step %scan3A_12 iter_args(%scan3A_27 = %scan3A_8) -> (i32)  : i32 {
      %get3A = arith.index_cast %scan3A_26 : i32 to index
      %get3A_28 = arith.constant 0 : index
      %get3A_29 = tpu.vector_load %arg4[%get3A, %get3A_28] {strides = array<i32>} : memref<80x64xi32, #tpu.memory_space<vmem>>, vector<16xi32>,
      tpu.vector_store_idx %arg5[%get3A_29], %broadcast_in_dim3A_7 {add = true} : memref<10240xf32, #tpu.memory_space<vmem>>[vector<16xi32>], vector<16xf32>,
      %get3A_30 = arith.index_cast %scan3A_26 : i32 to index
      %get3A_31 = arith.constant 16 : index
      %get3A_32 = tpu.vector_load %arg4[%get3A_30, %get3A_31] {strides = array<i32>} : memref<80x64xi32, #tpu.memory_space<vmem>>, vector<16xi32>,
      tpu.vector_store_idx %arg5[%get3A_32], %broadcast_in_dim3A_7 {add = true} : memref<10240xf32, #tpu.memory_space<vmem>>[vector<16xi32>], vector<16xf32>,
      %get3A_33 = arith.index_cast %scan3A_26 : i32 to index
      %get3A_34 = arith.constant 32 : index
      %get3A_35 = tpu.vector_load %arg4[%get3A_33, %get3A_34] {strides = array<i32>} : memref<80x64xi32, #tpu.memory_space<vmem>>, vector<16xi32>,
      tpu.vector_store_idx %arg5[%get3A_35], %broadcast_in_dim3A_7 {add = true} : memref<10240xf32, #tpu.memory_space<vmem>>[vector<16xi32>], vector<16xf32>,
      %get3A_36 = arith.index_cast %scan3A_26 : i32 to index
      %get3A_37 = arith.constant 48 : index
      %get3A_38 = tpu.vector_load %arg4[%get3A_36, %get3A_37] {strides = array<i32>} : memref<80x64xi32, #tpu.memory_space<vmem>>, vector<16xi32>,
      tpu.vector_store_idx %arg5[%get3A_38], %broadcast_in_dim3A_7 {add = true} : memref<10240xf32, #tpu.memory_space<vmem>>[vector<16xi32>], vector<16xf32>,
      %scan3A_39 = arith.constant 0 : i32
      scf.yield %scan3A_39 : i32
    }
    %scan3A_14 = arith.constant 80 : i32
    "tpu.region"() ({
      %run_scoped3A = tpu.sem_alloc : memref<!tpu.dma_semaphore, #tpu.memory_space<semaphore_mem>>
      %dma_start3A = arith.constant 0 : i32
      %dma_start3A_26 = tpu.memref_slice %arg8[%arg1, %dma_start3A] : memref<16x10240xf32, #tpu.memory_space<vmem_shared>> -> memref<1x10240xf32, #tpu.memory_space<vmem_shared>>
      %dma_start3A_27 = tpu.memref_squeeze %dma_start3A_26 : memref<1x10240xf32, #tpu.memory_space<vmem_shared>> -> memref<10240xf32, #tpu.memory_space<vmem_shared>>
      %dma_start3A_28 = arith.constant 0 : i32
      %dma_start3A_29 = tpu.memref_slice %arg8[%arg1, %dma_start3A_28] : memref<16x10240xf32, #tpu.memory_space<vmem_shared>> -> memref<1x10240xf32, #tpu.memory_space<vmem_shared>>
      %dma_start3A_30 = tpu.memref_squeeze %dma_start3A_29 : memref<1x10240xf32, #tpu.memory_space<vmem_shared>> -> memref<10240xf32, #tpu.memory_space<vmem_shared>>
      tpu.enqueue_dma source(%arg5 : memref<10240xf32, #tpu.memory_space<vmem>>) target(%dma_start3A_30 : memref<10240xf32, #tpu.memory_space<vmem_shared>>) target_semaphore(%run_scoped3A : memref<!tpu.dma_semaphore, #tpu.memory_space<semaphore_mem>>)
      %dma_wait3A = arith.constant 0 : i32
      %dma_wait3A_31 = tpu.memref_slice %arg8[%arg1, %dma_wait3A] : memref<16x10240xf32, #tpu.memory_space<vmem_shared>> -> memref<1x10240xf32, #tpu.memory_space<vmem_shared>>
      %dma_wait3A_32 = tpu.memref_squeeze %dma_wait3A_31 : memref<1x10240xf32, #tpu.memory_space<vmem_shared>> -> memref<10240xf32, #tpu.memory_space<vmem_shared>>
      %dma_wait3A_33 = arith.constant 0 : i32
      %dma_wait3A_34 = tpu.memref_slice %arg8[%arg1, %dma_wait3A_33] : memref<16x10240xf32, #tpu.memory_space<vmem_shared>> -> memref<1x10240xf32, #tpu.memory_space<vmem_shared>>
      %dma_wait3A_35 = tpu.memref_squeeze %dma_wait3A_34 : memref<1x10240xf32, #tpu.memory_space<vmem_shared>> -> memref<10240xf32, #tpu.memory_space<vmem_shared>>
      tpu.wait_dma2 semaphore(%run_scoped3A : memref<!tpu.dma_semaphore, #tpu.memory_space<semaphore_mem>>) src(%arg5 : memref<10240xf32, #tpu.memory_space<vmem>>) dst(%dma_wait3A_35 : memref<10240xf32, #tpu.memory_space<vmem_shared>>)
      tpu.yield
    }) : () -> ()
    %barrier3A = arith.constant 0 : index
    tpu.barrier barrier_id(%barrier3A)
    %mul3A_15 = arith.constant 640 : i32
    %mul3A_16 = arith.muli %arg1, %mul3A_15 : i32
    "tpu.region"() ({
      %run_scoped3A = tpu.sem_alloc : memref<!tpu.dma_semaphore, #tpu.memory_space<semaphore_mem>>
      %dma_start3A = arith.constant 0 : i32
      %dma_start3A_26 = tpu.memref_slice %arg8[%dma_start3A, %mul3A_16] : memref<16x10240xf32, #tpu.memory_space<vmem_shared>> -> memref<16x640xf32, #tpu.memory_space<vmem_shared>>
      %dma_start3A_27 = arith.constant 0 : i32
      %dma_start3A_28 = tpu.memref_slice %arg8[%dma_start3A_27, %mul3A_16] : memref<16x10240xf32, #tpu.memory_space<vmem_shared>> -> memref<16x640xf32, #tpu.memory_space<vmem_shared>>
      tpu.enqueue_dma source(%dma_start3A_28 : memref<16x640xf32, #tpu.memory_space<vmem_shared>>) target(%arg6 : memref<16x640xf32, #tpu.memory_space<vmem>>) target_semaphore(%run_scoped3A : memref<!tpu.dma_semaphore, #tpu.memory_space<semaphore_mem>>)
      %dma_wait3A = arith.constant 0 : i32
      %dma_wait3A_29 = tpu.memref_slice %arg8[%dma_wait3A, %mul3A_16] : memref<16x10240xf32, #tpu.memory_space<vmem_shared>> -> memref<16x640xf32, #tpu.memory_space<vmem_shared>>
      %dma_wait3A_30 = arith.constant 0 : i32
      %dma_wait3A_31 = tpu.memref_slice %arg8[%dma_wait3A_30, %mul3A_16] : memref<16x10240xf32, #tpu.memory_space<vmem_shared>> -> memref<16x640xf32, #tpu.memory_space<vmem_shared>>
      tpu.wait_dma2 semaphore(%run_scoped3A : memref<!tpu.dma_semaphore, #tpu.memory_space<semaphore_mem>>) src(%dma_wait3A_31 : memref<16x640xf32, #tpu.memory_space<vmem_shared>>) dst(%arg6 : memref<16x640xf32, #tpu.memory_space<vmem>>)
      tpu.yield
    }) : () -> ()
    %scan3A_17 = arith.constant 0 : i32
    %scan3A_18 = arith.constant 0 : i32
    %scan3A_19 = arith.constant 40 : i32
    %scan3A_20 = arith.addi %scan3A_18, %scan3A_19 : i32
    %scan3A_21 = arith.constant 1 : i32
    %scan3A_22 = scf.for %scan3A_26 = %scan3A_18 to %scan3A_20 step %scan3A_21 iter_args(%scan3A_27 = %scan3A_17) -> (i32)  : i32 {
      %broadcast_in_dim3A_28 = arith.constant 0.000000e+00 : f32
      %broadcast_in_dim3A_29 = vector.broadcast %broadcast_in_dim3A_28 : f32 to vector<16xf32>
      %mul3A_30 = arith.constant 16 : i32
      %mul3A_31 = arith.muli %scan3A_26, %mul3A_30 : i32
      %get3A = arith.constant 0 : i32
      %get3A_32 = arith.index_cast %get3A : i32 to index
      %get3A_33 = arith.index_cast %mul3A_31 : i32 to index
      %get3A_34 = tpu.vector_load %arg6[%get3A_32, %get3A_33] {strides = array<i32>} : memref<16x640xf32, #tpu.memory_space<vmem>>, vector<16xf32>,
      %add3A = arith.addf %broadcast_in_dim3A_29, %get3A_34 : vector<16xf32>
      %mul3A_35 = arith.constant 16 : i32
      %mul3A_36 = arith.muli %scan3A_26, %mul3A_35 : i32
      %get3A_37 = arith.constant 1 : i32
      %get3A_38 = arith.index_cast %get3A_37 : i32 to index
      %get3A_39 = arith.index_cast %mul3A_36 : i32 to index
      %get3A_40 = tpu.vector_load %arg6[%get3A_38, %get3A_39] {strides = array<i32>} : memref<16x640xf32, #tpu.memory_space<vmem>>, vector<16xf32>,
      %add3A_41 = arith.addf %add3A, %get3A_40 : vector<16xf32>
      %mul3A_42 = arith.constant 16 : i32
      %mul3A_43 = arith.muli %scan3A_26, %mul3A_42 : i32
      %get3A_44 = arith.constant 2 : i32
      %get3A_45 = arith.index_cast %get3A_44 : i32 to index
      %get3A_46 = arith.index_cast %mul3A_43 : i32 to index
      %get3A_47 = tpu.vector_load %arg6[%get3A_45, %get3A_46] {strides = array<i32>} : memref<16x640xf32, #tpu.memory_space<vmem>>, vector<16xf32>,
      %add3A_48 = arith.addf %add3A_41, %get3A_47 : vector<16xf32>
      %mul3A_49 = arith.constant 16 : i32
      %mul3A_50 = arith.muli %scan3A_26, %mul3A_49 : i32
      %get3A_51 = arith.constant 3 : i32
      %get3A_52 = arith.index_cast %get3A_51 : i32 to index
      %get3A_53 = arith.index_cast %mul3A_50 : i32 to index
      %get3A_54 = tpu.vector_load %arg6[%get3A_52, %get3A_53] {strides = array<i32>} : memref<16x640xf32, #tpu.memory_space<vmem>>, vector<16xf32>,
      %add3A_55 = arith.addf %add3A_48, %get3A_54 : vector<16xf32>
      %mul3A_56 = arith.constant 16 : i32
      %mul3A_57 = arith.muli %scan3A_26, %mul3A_56 : i32
      %get3A_58 = arith.constant 4 : i32
      %get3A_59 = arith.index_cast %get3A_58 : i32 to index
      %get3A_60 = arith.index_cast %mul3A_57 : i32 to index
      %get3A_61 = tpu.vector_load %arg6[%get3A_59, %get3A_60] {strides = array<i32>} : memref<16x640xf32, #tpu.memory_space<vmem>>, vector<16xf32>,
      %add3A_62 = arith.addf %add3A_55, %get3A_61 : vector<16xf32>
      %mul3A_63 = arith.constant 16 : i32
      %mul3A_64 = arith.muli %scan3A_26, %mul3A_63 : i32
      %get3A_65 = arith.constant 5 : i32
      %get3A_66 = arith.index_cast %get3A_65 : i32 to index
      %get3A_67 = arith.index_cast %mul3A_64 : i32 to index
      %get3A_68 = tpu.vector_load %arg6[%get3A_66, %get3A_67] {strides = array<i32>} : memref<16x640xf32, #tpu.memory_space<vmem>>, vector<16xf32>,
      %add3A_69 = arith.addf %add3A_62, %get3A_68 : vector<16xf32>
      %mul3A_70 = arith.constant 16 : i32
      %mul3A_71 = arith.muli %scan3A_26, %mul3A_70 : i32
      %get3A_72 = arith.constant 6 : i32
      %get3A_73 = arith.index_cast %get3A_72 : i32 to index
      %get3A_74 = arith.index_cast %mul3A_71 : i32 to index
      %get3A_75 = tpu.vector_load %arg6[%get3A_73, %get3A_74] {strides = array<i32>} : memref<16x640xf32, #tpu.memory_space<vmem>>, vector<16xf32>,
      %add3A_76 = arith.addf %add3A_69, %get3A_75 : vector<16xf32>
      %mul3A_77 = arith.constant 16 : i32
      %mul3A_78 = arith.muli %scan3A_26, %mul3A_77 : i32
      %get3A_79 = arith.constant 7 : i32
      %get3A_80 = arith.index_cast %get3A_79 : i32 to index
      %get3A_81 = arith.index_cast %mul3A_78 : i32 to index
      %get3A_82 = tpu.vector_load %arg6[%get3A_80, %get3A_81] {strides = array<i32>} : memref<16x640xf32, #tpu.memory_space<vmem>>, vector<16xf32>,
      %add3A_83 = arith.addf %add3A_76, %get3A_82 : vector<16xf32>
      %mul3A_84 = arith.constant 16 : i32
      %mul3A_85 = arith.muli %scan3A_26, %mul3A_84 : i32
      %get3A_86 = arith.constant 8 : i32
      %get3A_87 = arith.index_cast %get3A_86 : i32 to index
      %get3A_88 = arith.index_cast %mul3A_85 : i32 to index
      %get3A_89 = tpu.vector_load %arg6[%get3A_87, %get3A_88] {strides = array<i32>} : memref<16x640xf32, #tpu.memory_space<vmem>>, vector<16xf32>,
      %add3A_90 = arith.addf %add3A_83, %get3A_89 : vector<16xf32>
      %mul3A_91 = arith.constant 16 : i32
      %mul3A_92 = arith.muli %scan3A_26, %mul3A_91 : i32
      %get3A_93 = arith.constant 9 : i32
      %get3A_94 = arith.index_cast %get3A_93 : i32 to index
      %get3A_95 = arith.index_cast %mul3A_92 : i32 to index
      %get3A_96 = tpu.vector_load %arg6[%get3A_94, %get3A_95] {strides = array<i32>} : memref<16x640xf32, #tpu.memory_space<vmem>>, vector<16xf32>,
      %add3A_97 = arith.addf %add3A_90, %get3A_96 : vector<16xf32>
      %mul3A_98 = arith.constant 16 : i32
      %mul3A_99 = arith.muli %scan3A_26, %mul3A_98 : i32
      %get3A_100 = arith.constant 10 : i32
      %get3A_101 = arith.index_cast %get3A_100 : i32 to index
      %get3A_102 = arith.index_cast %mul3A_99 : i32 to index
      %get3A_103 = tpu.vector_load %arg6[%get3A_101, %get3A_102] {strides = array<i32>} : memref<16x640xf32, #tpu.memory_space<vmem>>, vector<16xf32>,
      %add3A_104 = arith.addf %add3A_97, %get3A_103 : vector<16xf32>
      %mul3A_105 = arith.constant 16 : i32
      %mul3A_106 = arith.muli %scan3A_26, %mul3A_105 : i32
      %get3A_107 = arith.constant 11 : i32
      %get3A_108 = arith.index_cast %get3A_107 : i32 to index
      %get3A_109 = arith.index_cast %mul3A_106 : i32 to index
      %get3A_110 = tpu.vector_load %arg6[%get3A_108, %get3A_109] {strides = array<i32>} : memref<16x640xf32, #tpu.memory_space<vmem>>, vector<16xf32>,
      %add3A_111 = arith.addf %add3A_104, %get3A_110 : vector<16xf32>
      %mul3A_112 = arith.constant 16 : i32
      %mul3A_113 = arith.muli %scan3A_26, %mul3A_112 : i32
      %get3A_114 = arith.constant 12 : i32
      %get3A_115 = arith.index_cast %get3A_114 : i32 to index
      %get3A_116 = arith.index_cast %mul3A_113 : i32 to index
      %get3A_117 = tpu.vector_load %arg6[%get3A_115, %get3A_116] {strides = array<i32>} : memref<16x640xf32, #tpu.memory_space<vmem>>, vector<16xf32>,
      %add3A_118 = arith.addf %add3A_111, %get3A_117 : vector<16xf32>
      %mul3A_119 = arith.constant 16 : i32
      %mul3A_120 = arith.muli %scan3A_26, %mul3A_119 : i32
      %get3A_121 = arith.constant 13 : i32
      %get3A_122 = arith.index_cast %get3A_121 : i32 to index
      %get3A_123 = arith.index_cast %mul3A_120 : i32 to index
      %get3A_124 = tpu.vector_load %arg6[%get3A_122, %get3A_123] {strides = array<i32>} : memref<16x640xf32, #tpu.memory_space<vmem>>, vector<16xf32>,
      %add3A_125 = arith.addf %add3A_118, %get3A_124 : vector<16xf32>
      %mul3A_126 = arith.constant 16 : i32
      %mul3A_127 = arith.muli %scan3A_26, %mul3A_126 : i32
      %get3A_128 = arith.constant 14 : i32
      %get3A_129 = arith.index_cast %get3A_128 : i32 to index
      %get3A_130 = arith.index_cast %mul3A_127 : i32 to index
      %get3A_131 = tpu.vector_load %arg6[%get3A_129, %get3A_130] {strides = array<i32>} : memref<16x640xf32, #tpu.memory_space<vmem>>, vector<16xf32>,
      %add3A_132 = arith.addf %add3A_125, %get3A_131 : vector<16xf32>
      %mul3A_133 = arith.constant 16 : i32
      %mul3A_134 = arith.muli %scan3A_26, %mul3A_133 : i32
      %get3A_135 = arith.constant 15 : i32
      %get3A_136 = arith.index_cast %get3A_135 : i32 to index
      %get3A_137 = arith.index_cast %mul3A_134 : i32 to index
      %get3A_138 = tpu.vector_load %arg6[%get3A_136, %get3A_137] {strides = array<i32>} : memref<16x640xf32, #tpu.memory_space<vmem>>, vector<16xf32>,
      %add3A_139 = arith.addf %add3A_132, %get3A_138 : vector<16xf32>
      %mul3A_140 = arith.constant 16 : i32
      %mul3A_141 = arith.muli %scan3A_26, %mul3A_140 : i32
      %swap3A = arith.index_cast %mul3A_141 : i32 to index
      %swap3A_142 = tpu.vector_load %arg7[%swap3A] {strides = array<i32>} : memref<640xf32, #tpu.memory_space<vmem>>, vector<16xf32>,
      tpu.vector_store %arg7[%swap3A], %add3A_139 {strides = array<i32>} : memref<640xf32, #tpu.memory_space<vmem>>, vector<16xf32>,
      %scan3A_143 = arith.constant 0 : i32
      scf.yield %scan3A_143 : i32
    }
    %scan3A_23 = arith.constant 40 : i32
    %mul3A_24 = arith.constant 640 : i32
    %mul3A_25 = arith.muli %arg1, %mul3A_24 : i32
    "tpu.region"() ({
      %run_scoped3A = tpu.sem_alloc : memref<!tpu.dma_semaphore, #tpu.memory_space<semaphore_mem>>
      %dma_start3A = tpu.memref_slice %arg3[%arg0, %mul3A_25] : memref<2x10240xf32, #tpu.memory_space<hbm>> -> memref<1x640xf32, #tpu.memory_space<hbm>>
      %dma_start3A_26 = tpu.memref_squeeze %dma_start3A : memref<1x640xf32, #tpu.memory_space<hbm>> -> memref<640xf32, #tpu.memory_space<hbm>>
      %dma_start3A_27 = tpu.memref_slice %arg3[%arg0, %mul3A_25] : memref<2x10240xf32, #tpu.memory_space<hbm>> -> memref<1x640xf32, #tpu.memory_space<hbm>>
      %dma_start3A_28 = tpu.memref_squeeze %dma_start3A_27 : memref<1x640xf32, #tpu.memory_space<hbm>> -> memref<640xf32, #tpu.memory_space<hbm>>
      tpu.enqueue_dma source(%arg7 : memref<640xf32, #tpu.memory_space<vmem>>) target(%dma_start3A_28 : memref<640xf32, #tpu.memory_space<hbm>>) target_semaphore(%run_scoped3A : memref<!tpu.dma_semaphore, #tpu.memory_space<semaphore_mem>>)
      %dma_wait3A = tpu.memref_slice %arg3[%arg0, %mul3A_25] : memref<2x10240xf32, #tpu.memory_space<hbm>> -> memref<1x640xf32, #tpu.memory_space<hbm>>
      %dma_wait3A_29 = tpu.memref_squeeze %dma_wait3A : memref<1x640xf32, #tpu.memory_space<hbm>> -> memref<640xf32, #tpu.memory_space<hbm>>
      %dma_wait3A_30 = tpu.memref_slice %arg3[%arg0, %mul3A_25] : memref<2x10240xf32, #tpu.memory_space<hbm>> -> memref<1x640xf32, #tpu.memory_space<hbm>>
      %dma_wait3A_31 = tpu.memref_squeeze %dma_wait3A_30 : memref<1x640xf32, #tpu.memory_space<hbm>> -> memref<640xf32, #tpu.memory_space<hbm>>
      tpu.wait_dma2 semaphore(%run_scoped3A : memref<!tpu.dma_semaphore, #tpu.memory_space<semaphore_mem>>) src(%arg7 : memref<640xf32, #tpu.memory_space<vmem>>) dst(%dma_wait3A_31 : memref<640xf32, #tpu.memory_space<hbm>>)
      tpu.yield
    }) : () -> ()
    return
  }
}

#map = affine_map<(d0, d1) -> (0, 0)>
#map1 = affine_map<(d0, d1) -> (0, 0, 0, 0)>
#map2 = affine_map<(d0, d1) -> (0, 0, 0)>
module attributes {stable_mosaic.version = 14 : i64} {
  func.func @_agg_kernel(%arg0: i32, %arg1: i32, %arg2: memref<20480x128xf32, #tpu.memory_space<hbm>>, %arg3: memref<2x16x160x64xi32, #tpu.memory_space<hbm>>, %arg4: memref<16x160x64xi32, #tpu.memory_space<hbm>>, %arg5: memref<640x128xf32, #tpu.memory_space<hbm>>, %arg6: memref<2x10240x128xf32, #tpu.memory_space<hbm>>, %arg7: memref<64xi32, #tpu.memory_space<vmem>>, %arg8: memref<64xi32, #tpu.memory_space<vmem>>, %arg9: memref<64xi32, #tpu.memory_space<vmem>>, %arg10: memref<64xi32, #tpu.memory_space<vmem>>, %arg11: memref<64xi32, #tpu.memory_space<vmem>>, %arg12: memref<64xi32, #tpu.memory_space<vmem>>, %arg13: memref<64xi32, #tpu.memory_space<vmem>>, %arg14: memref<64xi32, #tpu.memory_space<vmem>>, %arg15: memref<64xi32, #tpu.memory_space<vmem>>, %arg16: memref<64xi32, #tpu.memory_space<vmem>>, %arg17: memref<64xi32, #tpu.memory_space<vmem>>, %arg18: memref<64xi32, #tpu.memory_space<vmem>>, %arg19: memref<64xi32, #tpu.memory_space<vmem>>, %arg20: memref<64xi32, #tpu.memory_space<vmem>>, %arg21: memref<64xi32, #tpu.memory_space<vmem>>, %arg22: memref<64xi32, #tpu.memory_space<vmem>>, %arg23: memref<64x128xf32, #tpu.memory_space<vmem>>, %arg24: memref<64x128xf32, #tpu.memory_space<vmem>>, %arg25: memref<64x128xf32, #tpu.memory_space<vmem>>, %arg26: memref<64x128xf32, #tpu.memory_space<vmem>>, %arg27: memref<10240x128xf32, #tpu.memory_space<vmem_shared>>, %arg28: memref<!tpu.dma_semaphore, #tpu.memory_space<semaphore_mem>>, %arg29: memref<!tpu.dma_semaphore, #tpu.memory_space<semaphore_mem>>, %arg30: memref<!tpu.dma_semaphore, #tpu.memory_space<semaphore_mem>>, %arg31: memref<!tpu.dma_semaphore, #tpu.memory_space<semaphore_mem>>, %arg32: memref<!tpu.dma_semaphore, #tpu.memory_space<semaphore_mem>>, %arg33: memref<!tpu.dma_semaphore, #tpu.memory_space<semaphore_mem>>, %arg34: memref<!tpu.dma_semaphore, #tpu.memory_space<semaphore_mem>>, %arg35: memref<!tpu.dma_semaphore, #tpu.memory_space<semaphore_mem>>, %arg36: memref<!tpu.dma_semaphore, #tpu.memory_space<semaphore_mem>>, %arg37: memref<!tpu.dma_semaphore, #tpu.memory_space<semaphore_mem>>, %arg38: memref<!tpu.dma_semaphore, #tpu.memory_space<semaphore_mem>>, %arg39: memref<!tpu.dma_semaphore, #tpu.memory_space<semaphore_mem>>, %arg40: memref<!tpu.dma_semaphore, #tpu.memory_space<semaphore_mem>>, %arg41: memref<!tpu.dma_semaphore, #tpu.memory_space<semaphore_mem>>, %arg42: memref<!tpu.dma_semaphore, #tpu.memory_space<semaphore_mem>>, %arg43: memref<!tpu.dma_semaphore, #tpu.memory_space<semaphore_mem>>, %arg44: memref<!tpu.dma_semaphore, #tpu.memory_space<semaphore_mem>>, %arg45: memref<!tpu.dma_semaphore, #tpu.memory_space<semaphore_mem>>, %arg46: memref<!tpu.dma_semaphore, #tpu.memory_space<semaphore_mem>>, %arg47: memref<!tpu.dma_semaphore, #tpu.memory_space<semaphore_mem>>) attributes {dimension_semantics = [#tpu.dimension_semantics<core_parallel>, #tpu.dimension_semantics<subcore_parallel>], iteration_bounds = array<i64: 2, 16>, scalar_prefetch = 0 : i64, scratch_operands = 41 : i64, tpu.core_type = #tpu.core_type<sc_vector_subcore>, window_params = [{transform_indices = #map}, {transform_indices = #map1}, {transform_indices = #map2}, {transform_indices = #map}, {transform_indices = #map2}]} {
    %mul3A = arith.constant 640 : i32
    %mul3A_0 = arith.muli %arg1, %mul3A : i32
    "tpu.region"() ({
      %run_scoped3A = tpu.sem_alloc : memref<!tpu.dma_semaphore, #tpu.memory_space<semaphore_mem>>
      %dma_start3A_162 = arith.constant 0 : i32
      %dma_start3A_163 = tpu.memref_slice %arg27[%mul3A_0, %dma_start3A_162] : memref<10240x128xf32, #tpu.memory_space<vmem_shared>> -> memref<640x128xf32, #tpu.memory_space<vmem_shared>>
      tpu.enqueue_dma source(%arg5 : memref<640x128xf32, #tpu.memory_space<hbm>>) target(%dma_start3A_163 : memref<640x128xf32, #tpu.memory_space<vmem_shared>>) target_semaphore(%run_scoped3A : memref<!tpu.dma_semaphore, #tpu.memory_space<semaphore_mem>>)
      %dma_wait3A_164 = arith.constant 0 : i32
      %dma_wait3A_165 = tpu.memref_slice %arg27[%mul3A_0, %dma_wait3A_164] : memref<10240x128xf32, #tpu.memory_space<vmem_shared>> -> memref<640x128xf32, #tpu.memory_space<vmem_shared>>
      tpu.wait_dma2 semaphore(%run_scoped3A : memref<!tpu.dma_semaphore, #tpu.memory_space<semaphore_mem>>) src(%arg5 : memref<640x128xf32, #tpu.memory_space<hbm>>) dst(%dma_wait3A_165 : memref<640x128xf32, #tpu.memory_space<vmem_shared>>)
      tpu.yield
    }) : () -> ()
    %dma_start3A = arith.constant 0 : i32
    %dma_start3A_1 = arith.constant 0 : i32
    %dma_start3A_2 = tpu.memref_slice %arg3[%arg0, %arg1, %dma_start3A, %dma_start3A_1] : memref<2x16x160x64xi32, #tpu.memory_space<hbm>> -> memref<1x1x1x64xi32, #tpu.memory_space<hbm>>
    %dma_start3A_3 = tpu.memref_squeeze %dma_start3A_2 : memref<1x1x1x64xi32, #tpu.memory_space<hbm>> -> memref<64xi32, #tpu.memory_space<hbm>>
    %dma_start3A_4 = arith.constant 0 : i32
    %dma_start3A_5 = tpu.memref_slice %arg3[%arg0, %arg1, %dma_start3A, %dma_start3A_4] : memref<2x16x160x64xi32, #tpu.memory_space<hbm>> -> memref<1x1x1x64xi32, #tpu.memory_space<hbm>>
    %dma_start3A_6 = tpu.memref_squeeze %dma_start3A_5 : memref<1x1x1x64xi32, #tpu.memory_space<hbm>> -> memref<64xi32, #tpu.memory_space<hbm>>
    tpu.enqueue_dma source(%dma_start3A_6 : memref<64xi32, #tpu.memory_space<hbm>>) target(%arg7 : memref<64xi32, #tpu.memory_space<vmem>>) target_semaphore(%arg28 : memref<!tpu.dma_semaphore, #tpu.memory_space<semaphore_mem>>)
    %dma_start3A_7 = arith.constant 0 : i32
    %dma_start3A_8 = arith.constant 0 : i32
    %dma_start3A_9 = tpu.memref_slice %arg4[%arg1, %dma_start3A_7, %dma_start3A_8] : memref<16x160x64xi32, #tpu.memory_space<hbm>> -> memref<1x1x64xi32, #tpu.memory_space<hbm>>
    %dma_start3A_10 = tpu.memref_squeeze %dma_start3A_9 : memref<1x1x64xi32, #tpu.memory_space<hbm>> -> memref<64xi32, #tpu.memory_space<hbm>>
    %dma_start3A_11 = arith.constant 0 : i32
    %dma_start3A_12 = tpu.memref_slice %arg4[%arg1, %dma_start3A_7, %dma_start3A_11] : memref<16x160x64xi32, #tpu.memory_space<hbm>> -> memref<1x1x64xi32, #tpu.memory_space<hbm>>
    %dma_start3A_13 = tpu.memref_squeeze %dma_start3A_12 : memref<1x1x64xi32, #tpu.memory_space<hbm>> -> memref<64xi32, #tpu.memory_space<hbm>>
    tpu.enqueue_dma source(%dma_start3A_13 : memref<64xi32, #tpu.memory_space<hbm>>) target(%arg15 : memref<64xi32, #tpu.memory_space<vmem>>) target_semaphore(%arg36 : memref<!tpu.dma_semaphore, #tpu.memory_space<semaphore_mem>>)
    %dma_start3A_14 = arith.constant 1 : i32
    %dma_start3A_15 = arith.constant 0 : i32
    %dma_start3A_16 = tpu.memref_slice %arg3[%arg0, %arg1, %dma_start3A_14, %dma_start3A_15] : memref<2x16x160x64xi32, #tpu.memory_space<hbm>> -> memref<1x1x1x64xi32, #tpu.memory_space<hbm>>
    %dma_start3A_17 = tpu.memref_squeeze %dma_start3A_16 : memref<1x1x1x64xi32, #tpu.memory_space<hbm>> -> memref<64xi32, #tpu.memory_space<hbm>>
    %dma_start3A_18 = arith.constant 0 : i32
    %dma_start3A_19 = tpu.memref_slice %arg3[%arg0, %arg1, %dma_start3A_14, %dma_start3A_18] : memref<2x16x160x64xi32, #tpu.memory_space<hbm>> -> memref<1x1x1x64xi32, #tpu.memory_space<hbm>>
    %dma_start3A_20 = tpu.memref_squeeze %dma_start3A_19 : memref<1x1x1x64xi32, #tpu.memory_space<hbm>> -> memref<64xi32, #tpu.memory_space<hbm>>
    tpu.enqueue_dma source(%dma_start3A_20 : memref<64xi32, #tpu.memory_space<hbm>>) target(%arg8 : memref<64xi32, #tpu.memory_space<vmem>>) target_semaphore(%arg29 : memref<!tpu.dma_semaphore, #tpu.memory_space<semaphore_mem>>)
    %dma_start3A_21 = arith.constant 1 : i32
    %dma_start3A_22 = arith.constant 0 : i32
    %dma_start3A_23 = tpu.memref_slice %arg4[%arg1, %dma_start3A_21, %dma_start3A_22] : memref<16x160x64xi32, #tpu.memory_space<hbm>> -> memref<1x1x64xi32, #tpu.memory_space<hbm>>
    %dma_start3A_24 = tpu.memref_squeeze %dma_start3A_23 : memref<1x1x64xi32, #tpu.memory_space<hbm>> -> memref<64xi32, #tpu.memory_space<hbm>>
    %dma_start3A_25 = arith.constant 0 : i32
    %dma_start3A_26 = tpu.memref_slice %arg4[%arg1, %dma_start3A_21, %dma_start3A_25] : memref<16x160x64xi32, #tpu.memory_space<hbm>> -> memref<1x1x64xi32, #tpu.memory_space<hbm>>
    %dma_start3A_27 = tpu.memref_squeeze %dma_start3A_26 : memref<1x1x64xi32, #tpu.memory_space<hbm>> -> memref<64xi32, #tpu.memory_space<hbm>>
    tpu.enqueue_dma source(%dma_start3A_27 : memref<64xi32, #tpu.memory_space<hbm>>) target(%arg16 : memref<64xi32, #tpu.memory_space<vmem>>) target_semaphore(%arg37 : memref<!tpu.dma_semaphore, #tpu.memory_space<semaphore_mem>>)
    %dma_start3A_28 = arith.constant 2 : i32
    %dma_start3A_29 = arith.constant 0 : i32
    %dma_start3A_30 = tpu.memref_slice %arg3[%arg0, %arg1, %dma_start3A_28, %dma_start3A_29] : memref<2x16x160x64xi32, #tpu.memory_space<hbm>> -> memref<1x1x1x64xi32, #tpu.memory_space<hbm>>
    %dma_start3A_31 = tpu.memref_squeeze %dma_start3A_30 : memref<1x1x1x64xi32, #tpu.memory_space<hbm>> -> memref<64xi32, #tpu.memory_space<hbm>>
    %dma_start3A_32 = arith.constant 0 : i32
    %dma_start3A_33 = tpu.memref_slice %arg3[%arg0, %arg1, %dma_start3A_28, %dma_start3A_32] : memref<2x16x160x64xi32, #tpu.memory_space<hbm>> -> memref<1x1x1x64xi32, #tpu.memory_space<hbm>>
    %dma_start3A_34 = tpu.memref_squeeze %dma_start3A_33 : memref<1x1x1x64xi32, #tpu.memory_space<hbm>> -> memref<64xi32, #tpu.memory_space<hbm>>
    tpu.enqueue_dma source(%dma_start3A_34 : memref<64xi32, #tpu.memory_space<hbm>>) target(%arg9 : memref<64xi32, #tpu.memory_space<vmem>>) target_semaphore(%arg30 : memref<!tpu.dma_semaphore, #tpu.memory_space<semaphore_mem>>)
    %dma_start3A_35 = arith.constant 2 : i32
    %dma_start3A_36 = arith.constant 0 : i32
    %dma_start3A_37 = tpu.memref_slice %arg4[%arg1, %dma_start3A_35, %dma_start3A_36] : memref<16x160x64xi32, #tpu.memory_space<hbm>> -> memref<1x1x64xi32, #tpu.memory_space<hbm>>
    %dma_start3A_38 = tpu.memref_squeeze %dma_start3A_37 : memref<1x1x64xi32, #tpu.memory_space<hbm>> -> memref<64xi32, #tpu.memory_space<hbm>>
    %dma_start3A_39 = arith.constant 0 : i32
    %dma_start3A_40 = tpu.memref_slice %arg4[%arg1, %dma_start3A_35, %dma_start3A_39] : memref<16x160x64xi32, #tpu.memory_space<hbm>> -> memref<1x1x64xi32, #tpu.memory_space<hbm>>
    %dma_start3A_41 = tpu.memref_squeeze %dma_start3A_40 : memref<1x1x64xi32, #tpu.memory_space<hbm>> -> memref<64xi32, #tpu.memory_space<hbm>>
    tpu.enqueue_dma source(%dma_start3A_41 : memref<64xi32, #tpu.memory_space<hbm>>) target(%arg17 : memref<64xi32, #tpu.memory_space<vmem>>) target_semaphore(%arg38 : memref<!tpu.dma_semaphore, #tpu.memory_space<semaphore_mem>>)
    %dma_start3A_42 = arith.constant 3 : i32
    %dma_start3A_43 = arith.constant 0 : i32
    %dma_start3A_44 = tpu.memref_slice %arg3[%arg0, %arg1, %dma_start3A_42, %dma_start3A_43] : memref<2x16x160x64xi32, #tpu.memory_space<hbm>> -> memref<1x1x1x64xi32, #tpu.memory_space<hbm>>
    %dma_start3A_45 = tpu.memref_squeeze %dma_start3A_44 : memref<1x1x1x64xi32, #tpu.memory_space<hbm>> -> memref<64xi32, #tpu.memory_space<hbm>>
    %dma_start3A_46 = arith.constant 0 : i32
    %dma_start3A_47 = tpu.memref_slice %arg3[%arg0, %arg1, %dma_start3A_42, %dma_start3A_46] : memref<2x16x160x64xi32, #tpu.memory_space<hbm>> -> memref<1x1x1x64xi32, #tpu.memory_space<hbm>>
    %dma_start3A_48 = tpu.memref_squeeze %dma_start3A_47 : memref<1x1x1x64xi32, #tpu.memory_space<hbm>> -> memref<64xi32, #tpu.memory_space<hbm>>
    tpu.enqueue_dma source(%dma_start3A_48 : memref<64xi32, #tpu.memory_space<hbm>>) target(%arg10 : memref<64xi32, #tpu.memory_space<vmem>>) target_semaphore(%arg31 : memref<!tpu.dma_semaphore, #tpu.memory_space<semaphore_mem>>)
    %dma_start3A_49 = arith.constant 3 : i32
    %dma_start3A_50 = arith.constant 0 : i32
    %dma_start3A_51 = tpu.memref_slice %arg4[%arg1, %dma_start3A_49, %dma_start3A_50] : memref<16x160x64xi32, #tpu.memory_space<hbm>> -> memref<1x1x64xi32, #tpu.memory_space<hbm>>
    %dma_start3A_52 = tpu.memref_squeeze %dma_start3A_51 : memref<1x1x64xi32, #tpu.memory_space<hbm>> -> memref<64xi32, #tpu.memory_space<hbm>>
    %dma_start3A_53 = arith.constant 0 : i32
    %dma_start3A_54 = tpu.memref_slice %arg4[%arg1, %dma_start3A_49, %dma_start3A_53] : memref<16x160x64xi32, #tpu.memory_space<hbm>> -> memref<1x1x64xi32, #tpu.memory_space<hbm>>
    %dma_start3A_55 = tpu.memref_squeeze %dma_start3A_54 : memref<1x1x64xi32, #tpu.memory_space<hbm>> -> memref<64xi32, #tpu.memory_space<hbm>>
    tpu.enqueue_dma source(%dma_start3A_55 : memref<64xi32, #tpu.memory_space<hbm>>) target(%arg18 : memref<64xi32, #tpu.memory_space<vmem>>) target_semaphore(%arg39 : memref<!tpu.dma_semaphore, #tpu.memory_space<semaphore_mem>>)
    %dma_start3A_56 = arith.constant 4 : i32
    %dma_start3A_57 = arith.constant 0 : i32
    %dma_start3A_58 = tpu.memref_slice %arg3[%arg0, %arg1, %dma_start3A_56, %dma_start3A_57] : memref<2x16x160x64xi32, #tpu.memory_space<hbm>> -> memref<1x1x1x64xi32, #tpu.memory_space<hbm>>
    %dma_start3A_59 = tpu.memref_squeeze %dma_start3A_58 : memref<1x1x1x64xi32, #tpu.memory_space<hbm>> -> memref<64xi32, #tpu.memory_space<hbm>>
    %dma_start3A_60 = arith.constant 0 : i32
    %dma_start3A_61 = tpu.memref_slice %arg3[%arg0, %arg1, %dma_start3A_56, %dma_start3A_60] : memref<2x16x160x64xi32, #tpu.memory_space<hbm>> -> memref<1x1x1x64xi32, #tpu.memory_space<hbm>>
    %dma_start3A_62 = tpu.memref_squeeze %dma_start3A_61 : memref<1x1x1x64xi32, #tpu.memory_space<hbm>> -> memref<64xi32, #tpu.memory_space<hbm>>
    tpu.enqueue_dma source(%dma_start3A_62 : memref<64xi32, #tpu.memory_space<hbm>>) target(%arg11 : memref<64xi32, #tpu.memory_space<vmem>>) target_semaphore(%arg32 : memref<!tpu.dma_semaphore, #tpu.memory_space<semaphore_mem>>)
    %dma_start3A_63 = arith.constant 4 : i32
    %dma_start3A_64 = arith.constant 0 : i32
    %dma_start3A_65 = tpu.memref_slice %arg4[%arg1, %dma_start3A_63, %dma_start3A_64] : memref<16x160x64xi32, #tpu.memory_space<hbm>> -> memref<1x1x64xi32, #tpu.memory_space<hbm>>
    %dma_start3A_66 = tpu.memref_squeeze %dma_start3A_65 : memref<1x1x64xi32, #tpu.memory_space<hbm>> -> memref<64xi32, #tpu.memory_space<hbm>>
    %dma_start3A_67 = arith.constant 0 : i32
    %dma_start3A_68 = tpu.memref_slice %arg4[%arg1, %dma_start3A_63, %dma_start3A_67] : memref<16x160x64xi32, #tpu.memory_space<hbm>> -> memref<1x1x64xi32, #tpu.memory_space<hbm>>
    %dma_start3A_69 = tpu.memref_squeeze %dma_start3A_68 : memref<1x1x64xi32, #tpu.memory_space<hbm>> -> memref<64xi32, #tpu.memory_space<hbm>>
    tpu.enqueue_dma source(%dma_start3A_69 : memref<64xi32, #tpu.memory_space<hbm>>) target(%arg19 : memref<64xi32, #tpu.memory_space<vmem>>) target_semaphore(%arg40 : memref<!tpu.dma_semaphore, #tpu.memory_space<semaphore_mem>>)
    %dma_start3A_70 = arith.constant 5 : i32
    %dma_start3A_71 = arith.constant 0 : i32
    %dma_start3A_72 = tpu.memref_slice %arg3[%arg0, %arg1, %dma_start3A_70, %dma_start3A_71] : memref<2x16x160x64xi32, #tpu.memory_space<hbm>> -> memref<1x1x1x64xi32, #tpu.memory_space<hbm>>
    %dma_start3A_73 = tpu.memref_squeeze %dma_start3A_72 : memref<1x1x1x64xi32, #tpu.memory_space<hbm>> -> memref<64xi32, #tpu.memory_space<hbm>>
    %dma_start3A_74 = arith.constant 0 : i32
    %dma_start3A_75 = tpu.memref_slice %arg3[%arg0, %arg1, %dma_start3A_70, %dma_start3A_74] : memref<2x16x160x64xi32, #tpu.memory_space<hbm>> -> memref<1x1x1x64xi32, #tpu.memory_space<hbm>>
    %dma_start3A_76 = tpu.memref_squeeze %dma_start3A_75 : memref<1x1x1x64xi32, #tpu.memory_space<hbm>> -> memref<64xi32, #tpu.memory_space<hbm>>
    tpu.enqueue_dma source(%dma_start3A_76 : memref<64xi32, #tpu.memory_space<hbm>>) target(%arg12 : memref<64xi32, #tpu.memory_space<vmem>>) target_semaphore(%arg33 : memref<!tpu.dma_semaphore, #tpu.memory_space<semaphore_mem>>)
    %dma_start3A_77 = arith.constant 5 : i32
    %dma_start3A_78 = arith.constant 0 : i32
    %dma_start3A_79 = tpu.memref_slice %arg4[%arg1, %dma_start3A_77, %dma_start3A_78] : memref<16x160x64xi32, #tpu.memory_space<hbm>> -> memref<1x1x64xi32, #tpu.memory_space<hbm>>
    %dma_start3A_80 = tpu.memref_squeeze %dma_start3A_79 : memref<1x1x64xi32, #tpu.memory_space<hbm>> -> memref<64xi32, #tpu.memory_space<hbm>>
    %dma_start3A_81 = arith.constant 0 : i32
    %dma_start3A_82 = tpu.memref_slice %arg4[%arg1, %dma_start3A_77, %dma_start3A_81] : memref<16x160x64xi32, #tpu.memory_space<hbm>> -> memref<1x1x64xi32, #tpu.memory_space<hbm>>
    %dma_start3A_83 = tpu.memref_squeeze %dma_start3A_82 : memref<1x1x64xi32, #tpu.memory_space<hbm>> -> memref<64xi32, #tpu.memory_space<hbm>>
    tpu.enqueue_dma source(%dma_start3A_83 : memref<64xi32, #tpu.memory_space<hbm>>) target(%arg20 : memref<64xi32, #tpu.memory_space<vmem>>) target_semaphore(%arg41 : memref<!tpu.dma_semaphore, #tpu.memory_space<semaphore_mem>>)
    %dma_start3A_84 = arith.constant 6 : i32
    %dma_start3A_85 = arith.constant 0 : i32
    %dma_start3A_86 = tpu.memref_slice %arg3[%arg0, %arg1, %dma_start3A_84, %dma_start3A_85] : memref<2x16x160x64xi32, #tpu.memory_space<hbm>> -> memref<1x1x1x64xi32, #tpu.memory_space<hbm>>
    %dma_start3A_87 = tpu.memref_squeeze %dma_start3A_86 : memref<1x1x1x64xi32, #tpu.memory_space<hbm>> -> memref<64xi32, #tpu.memory_space<hbm>>
    %dma_start3A_88 = arith.constant 0 : i32
    %dma_start3A_89 = tpu.memref_slice %arg3[%arg0, %arg1, %dma_start3A_84, %dma_start3A_88] : memref<2x16x160x64xi32, #tpu.memory_space<hbm>> -> memref<1x1x1x64xi32, #tpu.memory_space<hbm>>
    %dma_start3A_90 = tpu.memref_squeeze %dma_start3A_89 : memref<1x1x1x64xi32, #tpu.memory_space<hbm>> -> memref<64xi32, #tpu.memory_space<hbm>>
    tpu.enqueue_dma source(%dma_start3A_90 : memref<64xi32, #tpu.memory_space<hbm>>) target(%arg13 : memref<64xi32, #tpu.memory_space<vmem>>) target_semaphore(%arg34 : memref<!tpu.dma_semaphore, #tpu.memory_space<semaphore_mem>>)
    %dma_start3A_91 = arith.constant 6 : i32
    %dma_start3A_92 = arith.constant 0 : i32
    %dma_start3A_93 = tpu.memref_slice %arg4[%arg1, %dma_start3A_91, %dma_start3A_92] : memref<16x160x64xi32, #tpu.memory_space<hbm>> -> memref<1x1x64xi32, #tpu.memory_space<hbm>>
    %dma_start3A_94 = tpu.memref_squeeze %dma_start3A_93 : memref<1x1x64xi32, #tpu.memory_space<hbm>> -> memref<64xi32, #tpu.memory_space<hbm>>
    %dma_start3A_95 = arith.constant 0 : i32
    %dma_start3A_96 = tpu.memref_slice %arg4[%arg1, %dma_start3A_91, %dma_start3A_95] : memref<16x160x64xi32, #tpu.memory_space<hbm>> -> memref<1x1x64xi32, #tpu.memory_space<hbm>>
    %dma_start3A_97 = tpu.memref_squeeze %dma_start3A_96 : memref<1x1x64xi32, #tpu.memory_space<hbm>> -> memref<64xi32, #tpu.memory_space<hbm>>
    tpu.enqueue_dma source(%dma_start3A_97 : memref<64xi32, #tpu.memory_space<hbm>>) target(%arg21 : memref<64xi32, #tpu.memory_space<vmem>>) target_semaphore(%arg42 : memref<!tpu.dma_semaphore, #tpu.memory_space<semaphore_mem>>)
    %dma_start3A_98 = arith.constant 7 : i32
    %dma_start3A_99 = arith.constant 0 : i32
    %dma_start3A_100 = tpu.memref_slice %arg3[%arg0, %arg1, %dma_start3A_98, %dma_start3A_99] : memref<2x16x160x64xi32, #tpu.memory_space<hbm>> -> memref<1x1x1x64xi32, #tpu.memory_space<hbm>>
    %dma_start3A_101 = tpu.memref_squeeze %dma_start3A_100 : memref<1x1x1x64xi32, #tpu.memory_space<hbm>> -> memref<64xi32, #tpu.memory_space<hbm>>
    %dma_start3A_102 = arith.constant 0 : i32
    %dma_start3A_103 = tpu.memref_slice %arg3[%arg0, %arg1, %dma_start3A_98, %dma_start3A_102] : memref<2x16x160x64xi32, #tpu.memory_space<hbm>> -> memref<1x1x1x64xi32, #tpu.memory_space<hbm>>
    %dma_start3A_104 = tpu.memref_squeeze %dma_start3A_103 : memref<1x1x1x64xi32, #tpu.memory_space<hbm>> -> memref<64xi32, #tpu.memory_space<hbm>>
    tpu.enqueue_dma source(%dma_start3A_104 : memref<64xi32, #tpu.memory_space<hbm>>) target(%arg14 : memref<64xi32, #tpu.memory_space<vmem>>) target_semaphore(%arg35 : memref<!tpu.dma_semaphore, #tpu.memory_space<semaphore_mem>>)
    %dma_start3A_105 = arith.constant 7 : i32
    %dma_start3A_106 = arith.constant 0 : i32
    %dma_start3A_107 = tpu.memref_slice %arg4[%arg1, %dma_start3A_105, %dma_start3A_106] : memref<16x160x64xi32, #tpu.memory_space<hbm>> -> memref<1x1x64xi32, #tpu.memory_space<hbm>>
    %dma_start3A_108 = tpu.memref_squeeze %dma_start3A_107 : memref<1x1x64xi32, #tpu.memory_space<hbm>> -> memref<64xi32, #tpu.memory_space<hbm>>
    %dma_start3A_109 = arith.constant 0 : i32
    %dma_start3A_110 = tpu.memref_slice %arg4[%arg1, %dma_start3A_105, %dma_start3A_109] : memref<16x160x64xi32, #tpu.memory_space<hbm>> -> memref<1x1x64xi32, #tpu.memory_space<hbm>>
    %dma_start3A_111 = tpu.memref_squeeze %dma_start3A_110 : memref<1x1x64xi32, #tpu.memory_space<hbm>> -> memref<64xi32, #tpu.memory_space<hbm>>
    tpu.enqueue_dma source(%dma_start3A_111 : memref<64xi32, #tpu.memory_space<hbm>>) target(%arg22 : memref<64xi32, #tpu.memory_space<vmem>>) target_semaphore(%arg43 : memref<!tpu.dma_semaphore, #tpu.memory_space<semaphore_mem>>)
    %barrier3A = arith.constant 0 : index
    tpu.barrier barrier_id(%barrier3A)
    %dma_wait3A = arith.constant 0 : i32
    %dma_wait3A_112 = arith.constant 0 : i32
    %dma_wait3A_113 = tpu.memref_slice %arg3[%arg0, %arg1, %dma_wait3A, %dma_wait3A_112] : memref<2x16x160x64xi32, #tpu.memory_space<hbm>> -> memref<1x1x1x64xi32, #tpu.memory_space<hbm>>
    %dma_wait3A_114 = tpu.memref_squeeze %dma_wait3A_113 : memref<1x1x1x64xi32, #tpu.memory_space<hbm>> -> memref<64xi32, #tpu.memory_space<hbm>>
    %dma_wait3A_115 = arith.constant 0 : i32
    %dma_wait3A_116 = tpu.memref_slice %arg3[%arg0, %arg1, %dma_wait3A, %dma_wait3A_115] : memref<2x16x160x64xi32, #tpu.memory_space<hbm>> -> memref<1x1x1x64xi32, #tpu.memory_space<hbm>>
    %dma_wait3A_117 = tpu.memref_squeeze %dma_wait3A_116 : memref<1x1x1x64xi32, #tpu.memory_space<hbm>> -> memref<64xi32, #tpu.memory_space<hbm>>
    tpu.wait_dma2 semaphore(%arg28 : memref<!tpu.dma_semaphore, #tpu.memory_space<semaphore_mem>>) src(%dma_wait3A_117 : memref<64xi32, #tpu.memory_space<hbm>>) dst(%arg7 : memref<64xi32, #tpu.memory_space<vmem>>)
    %dma_start3A_118 = arith.constant 0 : i32
    %dma_start3A_119 = arith.constant 0 : i32
    %dma_start3A_120 = tpu.memref_slice %arg2[%dma_start3A_118, %dma_start3A_119] : memref<20480x128xf32, #tpu.memory_space<hbm>> -> memref<20480x128xf32, #tpu.memory_space<hbm>>
    tpu.enqueue_indirect_dma source(%dma_start3A_120 : memref<20480x128xf32, #tpu.memory_space<hbm>>) target(%arg23 : memref<64x128xf32, #tpu.memory_space<vmem>>) offsets(%arg7 : memref<64xi32, #tpu.memory_space<vmem>>) semaphore(%arg44 : memref<!tpu.dma_semaphore, #tpu.memory_space<semaphore_mem>>)
    %dma_wait3A_121 = arith.constant 1 : i32
    %dma_wait3A_122 = arith.constant 0 : i32
    %dma_wait3A_123 = tpu.memref_slice %arg3[%arg0, %arg1, %dma_wait3A_121, %dma_wait3A_122] : memref<2x16x160x64xi32, #tpu.memory_space<hbm>> -> memref<1x1x1x64xi32, #tpu.memory_space<hbm>>
    %dma_wait3A_124 = tpu.memref_squeeze %dma_wait3A_123 : memref<1x1x1x64xi32, #tpu.memory_space<hbm>> -> memref<64xi32, #tpu.memory_space<hbm>>
    %dma_wait3A_125 = arith.constant 0 : i32
    %dma_wait3A_126 = tpu.memref_slice %arg3[%arg0, %arg1, %dma_wait3A_121, %dma_wait3A_125] : memref<2x16x160x64xi32, #tpu.memory_space<hbm>> -> memref<1x1x1x64xi32, #tpu.memory_space<hbm>>
    %dma_wait3A_127 = tpu.memref_squeeze %dma_wait3A_126 : memref<1x1x1x64xi32, #tpu.memory_space<hbm>> -> memref<64xi32, #tpu.memory_space<hbm>>
    tpu.wait_dma2 semaphore(%arg29 : memref<!tpu.dma_semaphore, #tpu.memory_space<semaphore_mem>>) src(%dma_wait3A_127 : memref<64xi32, #tpu.memory_space<hbm>>) dst(%arg8 : memref<64xi32, #tpu.memory_space<vmem>>)
    %dma_start3A_128 = arith.constant 0 : i32
    %dma_start3A_129 = arith.constant 0 : i32
    %dma_start3A_130 = tpu.memref_slice %arg2[%dma_start3A_128, %dma_start3A_129] : memref<20480x128xf32, #tpu.memory_space<hbm>> -> memref<20480x128xf32, #tpu.memory_space<hbm>>
    tpu.enqueue_indirect_dma source(%dma_start3A_130 : memref<20480x128xf32, #tpu.memory_space<hbm>>) target(%arg24 : memref<64x128xf32, #tpu.memory_space<vmem>>) offsets(%arg8 : memref<64xi32, #tpu.memory_space<vmem>>) semaphore(%arg45 : memref<!tpu.dma_semaphore, #tpu.memory_space<semaphore_mem>>)
    %dma_wait3A_131 = arith.constant 2 : i32
    %dma_wait3A_132 = arith.constant 0 : i32
    %dma_wait3A_133 = tpu.memref_slice %arg3[%arg0, %arg1, %dma_wait3A_131, %dma_wait3A_132] : memref<2x16x160x64xi32, #tpu.memory_space<hbm>> -> memref<1x1x1x64xi32, #tpu.memory_space<hbm>>
    %dma_wait3A_134 = tpu.memref_squeeze %dma_wait3A_133 : memref<1x1x1x64xi32, #tpu.memory_space<hbm>> -> memref<64xi32, #tpu.memory_space<hbm>>
    %dma_wait3A_135 = arith.constant 0 : i32
    %dma_wait3A_136 = tpu.memref_slice %arg3[%arg0, %arg1, %dma_wait3A_131, %dma_wait3A_135] : memref<2x16x160x64xi32, #tpu.memory_space<hbm>> -> memref<1x1x1x64xi32, #tpu.memory_space<hbm>>
    %dma_wait3A_137 = tpu.memref_squeeze %dma_wait3A_136 : memref<1x1x1x64xi32, #tpu.memory_space<hbm>> -> memref<64xi32, #tpu.memory_space<hbm>>
    tpu.wait_dma2 semaphore(%arg30 : memref<!tpu.dma_semaphore, #tpu.memory_space<semaphore_mem>>) src(%dma_wait3A_137 : memref<64xi32, #tpu.memory_space<hbm>>) dst(%arg9 : memref<64xi32, #tpu.memory_space<vmem>>)
    %dma_start3A_138 = arith.constant 0 : i32
    %dma_start3A_139 = arith.constant 0 : i32
    %dma_start3A_140 = tpu.memref_slice %arg2[%dma_start3A_138, %dma_start3A_139] : memref<20480x128xf32, #tpu.memory_space<hbm>> -> memref<20480x128xf32, #tpu.memory_space<hbm>>
    tpu.enqueue_indirect_dma source(%dma_start3A_140 : memref<20480x128xf32, #tpu.memory_space<hbm>>) target(%arg25 : memref<64x128xf32, #tpu.memory_space<vmem>>) offsets(%arg9 : memref<64xi32, #tpu.memory_space<vmem>>) semaphore(%arg46 : memref<!tpu.dma_semaphore, #tpu.memory_space<semaphore_mem>>)
    %dma_wait3A_141 = arith.constant 3 : i32
    %dma_wait3A_142 = arith.constant 0 : i32
    %dma_wait3A_143 = tpu.memref_slice %arg3[%arg0, %arg1, %dma_wait3A_141, %dma_wait3A_142] : memref<2x16x160x64xi32, #tpu.memory_space<hbm>> -> memref<1x1x1x64xi32, #tpu.memory_space<hbm>>
    %dma_wait3A_144 = tpu.memref_squeeze %dma_wait3A_143 : memref<1x1x1x64xi32, #tpu.memory_space<hbm>> -> memref<64xi32, #tpu.memory_space<hbm>>
    %dma_wait3A_145 = arith.constant 0 : i32
    %dma_wait3A_146 = tpu.memref_slice %arg3[%arg0, %arg1, %dma_wait3A_141, %dma_wait3A_145] : memref<2x16x160x64xi32, #tpu.memory_space<hbm>> -> memref<1x1x1x64xi32, #tpu.memory_space<hbm>>
    %dma_wait3A_147 = tpu.memref_squeeze %dma_wait3A_146 : memref<1x1x1x64xi32, #tpu.memory_space<hbm>> -> memref<64xi32, #tpu.memory_space<hbm>>
    tpu.wait_dma2 semaphore(%arg31 : memref<!tpu.dma_semaphore, #tpu.memory_space<semaphore_mem>>) src(%dma_wait3A_147 : memref<64xi32, #tpu.memory_space<hbm>>) dst(%arg10 : memref<64xi32, #tpu.memory_space<vmem>>)
    %dma_start3A_148 = arith.constant 0 : i32
    %dma_start3A_149 = arith.constant 0 : i32
    %dma_start3A_150 = tpu.memref_slice %arg2[%dma_start3A_148, %dma_start3A_149] : memref<20480x128xf32, #tpu.memory_space<hbm>> -> memref<20480x128xf32, #tpu.memory_space<hbm>>
    tpu.enqueue_indirect_dma source(%dma_start3A_150 : memref<20480x128xf32, #tpu.memory_space<hbm>>) target(%arg26 : memref<64x128xf32, #tpu.memory_space<vmem>>) offsets(%arg10 : memref<64xi32, #tpu.memory_space<vmem>>) semaphore(%arg47 : memref<!tpu.dma_semaphore, #tpu.memory_space<semaphore_mem>>)
    %scan3A = arith.constant 0 : i32
    %scan3A_151 = arith.constant 0 : i32
    %scan3A_152 = arith.constant 20 : i32
    %scan3A_153 = arith.addi %scan3A_151, %scan3A_152 : i32
    %scan3A_154 = arith.constant 1 : i32
    %scan3A_155 = scf.for %scan3A_162 = %scan3A_151 to %scan3A_153 step %scan3A_154 iter_args(%scan3A_163 = %scan3A) -> (i32)  : i32 {
      %mul3A_164 = arith.constant 8 : i32
      %mul3A_165 = arith.muli %scan3A_162, %mul3A_164 : i32
      %add3A = arith.constant 0 : i32
      %add3A_166 = arith.addi %mul3A_165, %add3A : i32
      %dma_wait3A_167 = arith.constant 0 : i32
      %dma_wait3A_168 = arith.constant 0 : i32
      %dma_wait3A_169 = tpu.memref_slice %arg2[%dma_wait3A_167, %dma_wait3A_168] : memref<20480x128xf32, #tpu.memory_space<hbm>> -> memref<20480x128xf32, #tpu.memory_space<hbm>>
      tpu.wait_indirect_dma semaphore(%arg44 : memref<!tpu.dma_semaphore, #tpu.memory_space<semaphore_mem>>) src(%dma_wait3A_169 : memref<20480x128xf32, #tpu.memory_space<hbm>>) dst(%arg23 : memref<64x128xf32, #tpu.memory_space<vmem>>)
      %dma_wait3A_170 = arith.constant 0 : i32
      %dma_wait3A_171 = tpu.memref_slice %arg4[%arg1, %add3A_166, %dma_wait3A_170] : memref<16x160x64xi32, #tpu.memory_space<hbm>> -> memref<1x1x64xi32, #tpu.memory_space<hbm>>
      %dma_wait3A_172 = tpu.memref_squeeze %dma_wait3A_171 : memref<1x1x64xi32, #tpu.memory_space<hbm>> -> memref<64xi32, #tpu.memory_space<hbm>>
      %dma_wait3A_173 = arith.constant 0 : i32
      %dma_wait3A_174 = tpu.memref_slice %arg4[%arg1, %add3A_166, %dma_wait3A_173] : memref<16x160x64xi32, #tpu.memory_space<hbm>> -> memref<1x1x64xi32, #tpu.memory_space<hbm>>
      %dma_wait3A_175 = tpu.memref_squeeze %dma_wait3A_174 : memref<1x1x64xi32, #tpu.memory_space<hbm>> -> memref<64xi32, #tpu.memory_space<hbm>>
      tpu.wait_dma2 semaphore(%arg36 : memref<!tpu.dma_semaphore, #tpu.memory_space<semaphore_mem>>) src(%dma_wait3A_175 : memref<64xi32, #tpu.memory_space<hbm>>) dst(%arg15 : memref<64xi32, #tpu.memory_space<vmem>>)
      "tpu.region"() ({
        %run_scoped3A = tpu.sem_alloc : memref<!tpu.dma_semaphore, #tpu.memory_space<semaphore_mem>>
        %dma_start3A_377 = arith.constant 0 : i32
        %dma_start3A_378 = arith.constant 0 : i32
        %dma_start3A_379 = tpu.memref_slice %arg27[%dma_start3A_377, %dma_start3A_378] : memref<10240x128xf32, #tpu.memory_space<vmem_shared>> -> memref<10240x128xf32, #tpu.memory_space<vmem_shared>>
        tpu.enqueue_indirect_dma source(%arg23 : memref<64x128xf32, #tpu.memory_space<vmem>>) target(%dma_start3A_379 : memref<10240x128xf32, #tpu.memory_space<vmem_shared>>) offsets(%arg15 : memref<64xi32, #tpu.memory_space<vmem>>) semaphore(%run_scoped3A : memref<!tpu.dma_semaphore, #tpu.memory_space<semaphore_mem>>) {add = true}
        %dma_wait3A_380 = arith.constant 0 : i32
        %dma_wait3A_381 = arith.constant 0 : i32
        %dma_wait3A_382 = tpu.memref_slice %arg27[%dma_wait3A_380, %dma_wait3A_381] : memref<10240x128xf32, #tpu.memory_space<vmem_shared>> -> memref<10240x128xf32, #tpu.memory_space<vmem_shared>>
        tpu.wait_indirect_dma semaphore(%run_scoped3A : memref<!tpu.dma_semaphore, #tpu.memory_space<semaphore_mem>>) src(%arg23 : memref<64x128xf32, #tpu.memory_space<vmem>>) dst(%dma_wait3A_382 : memref<10240x128xf32, #tpu.memory_space<vmem_shared>>)
        tpu.yield
      }) : () -> ()
      %add3A_176 = arith.constant 4 : i32
      %add3A_177 = arith.addi %add3A_166, %add3A_176 : i32
      %lt3A = arith.constant 160 : i32
      %lt3A_178 = arith.cmpi slt, %add3A_177, %lt3A : i32
      %convert_element_type3A = arith.extui %lt3A_178 : i1 to i32
      %cond3A = arith.constant 0 : i32
      %cond3A_179 = arith.cmpi ne, %convert_element_type3A, %cond3A : i32
      scf.if %cond3A_179 {
        %add3A_377 = arith.constant 4 : i32
        %add3A_378 = arith.addi %add3A_166, %add3A_377 : i32
        %dma_wait3A_379 = arith.constant 0 : i32
        %dma_wait3A_380 = tpu.memref_slice %arg3[%arg0, %arg1, %add3A_378, %dma_wait3A_379] : memref<2x16x160x64xi32, #tpu.memory_space<hbm>> -> memref<1x1x1x64xi32, #tpu.memory_space<hbm>>
        %dma_wait3A_381 = tpu.memref_squeeze %dma_wait3A_380 : memref<1x1x1x64xi32, #tpu.memory_space<hbm>> -> memref<64xi32, #tpu.memory_space<hbm>>
        %dma_wait3A_382 = arith.constant 0 : i32
        %dma_wait3A_383 = tpu.memref_slice %arg3[%arg0, %arg1, %add3A_378, %dma_wait3A_382] : memref<2x16x160x64xi32, #tpu.memory_space<hbm>> -> memref<1x1x1x64xi32, #tpu.memory_space<hbm>>
        %dma_wait3A_384 = tpu.memref_squeeze %dma_wait3A_383 : memref<1x1x1x64xi32, #tpu.memory_space<hbm>> -> memref<64xi32, #tpu.memory_space<hbm>>
        tpu.wait_dma2 semaphore(%arg32 : memref<!tpu.dma_semaphore, #tpu.memory_space<semaphore_mem>>) src(%dma_wait3A_384 : memref<64xi32, #tpu.memory_space<hbm>>) dst(%arg11 : memref<64xi32, #tpu.memory_space<vmem>>)
        %dma_start3A_385 = arith.constant 0 : i32
        %dma_start3A_386 = arith.constant 0 : i32
        %dma_start3A_387 = tpu.memref_slice %arg2[%dma_start3A_385, %dma_start3A_386] : memref<20480x128xf32, #tpu.memory_space<hbm>> -> memref<20480x128xf32, #tpu.memory_space<hbm>>
        tpu.enqueue_indirect_dma source(%dma_start3A_387 : memref<20480x128xf32, #tpu.memory_space<hbm>>) target(%arg23 : memref<64x128xf32, #tpu.memory_space<vmem>>) offsets(%arg11 : memref<64xi32, #tpu.memory_space<vmem>>) semaphore(%arg44 : memref<!tpu.dma_semaphore, #tpu.memory_space<semaphore_mem>>)
      } else {
      }
      %add3A_180 = arith.constant 8 : i32
      %add3A_181 = arith.addi %add3A_166, %add3A_180 : i32
      %lt3A_182 = arith.constant 160 : i32
      %lt3A_183 = arith.cmpi slt, %add3A_181, %lt3A_182 : i32
      %convert_element_type3A_184 = arith.extui %lt3A_183 : i1 to i32
      %cond3A_185 = arith.constant 0 : i32
      %cond3A_186 = arith.cmpi ne, %convert_element_type3A_184, %cond3A_185 : i32
      scf.if %cond3A_186 {
        %add3A_377 = arith.constant 8 : i32
        %add3A_378 = arith.addi %add3A_166, %add3A_377 : i32
        %dma_start3A_379 = arith.constant 0 : i32
        %dma_start3A_380 = tpu.memref_slice %arg3[%arg0, %arg1, %add3A_378, %dma_start3A_379] : memref<2x16x160x64xi32, #tpu.memory_space<hbm>> -> memref<1x1x1x64xi32, #tpu.memory_space<hbm>>
        %dma_start3A_381 = tpu.memref_squeeze %dma_start3A_380 : memref<1x1x1x64xi32, #tpu.memory_space<hbm>> -> memref<64xi32, #tpu.memory_space<hbm>>
        %dma_start3A_382 = arith.constant 0 : i32
        %dma_start3A_383 = tpu.memref_slice %arg3[%arg0, %arg1, %add3A_378, %dma_start3A_382] : memref<2x16x160x64xi32, #tpu.memory_space<hbm>> -> memref<1x1x1x64xi32, #tpu.memory_space<hbm>>
        %dma_start3A_384 = tpu.memref_squeeze %dma_start3A_383 : memref<1x1x1x64xi32, #tpu.memory_space<hbm>> -> memref<64xi32, #tpu.memory_space<hbm>>
        tpu.enqueue_dma source(%dma_start3A_384 : memref<64xi32, #tpu.memory_space<hbm>>) target(%arg7 : memref<64xi32, #tpu.memory_space<vmem>>) target_semaphore(%arg28 : memref<!tpu.dma_semaphore, #tpu.memory_space<semaphore_mem>>)
        %add3A_385 = arith.constant 8 : i32
        %add3A_386 = arith.addi %add3A_166, %add3A_385 : i32
        %dma_start3A_387 = arith.constant 0 : i32
        %dma_start3A_388 = tpu.memref_slice %arg4[%arg1, %add3A_386, %dma_start3A_387] : memref<16x160x64xi32, #tpu.memory_space<hbm>> -> memref<1x1x64xi32, #tpu.memory_space<hbm>>
        %dma_start3A_389 = tpu.memref_squeeze %dma_start3A_388 : memref<1x1x64xi32, #tpu.memory_space<hbm>> -> memref<64xi32, #tpu.memory_space<hbm>>
        %dma_start3A_390 = arith.constant 0 : i32
        %dma_start3A_391 = tpu.memref_slice %arg4[%arg1, %add3A_386, %dma_start3A_390] : memref<16x160x64xi32, #tpu.memory_space<hbm>> -> memref<1x1x64xi32, #tpu.memory_space<hbm>>
        %dma_start3A_392 = tpu.memref_squeeze %dma_start3A_391 : memref<1x1x64xi32, #tpu.memory_space<hbm>> -> memref<64xi32, #tpu.memory_space<hbm>>
        tpu.enqueue_dma source(%dma_start3A_392 : memref<64xi32, #tpu.memory_space<hbm>>) target(%arg15 : memref<64xi32, #tpu.memory_space<vmem>>) target_semaphore(%arg36 : memref<!tpu.dma_semaphore, #tpu.memory_space<semaphore_mem>>)
      } else {
      }
      %mul3A_187 = arith.constant 8 : i32
      %mul3A_188 = arith.muli %scan3A_162, %mul3A_187 : i32
      %add3A_189 = arith.constant 1 : i32
      %add3A_190 = arith.addi %mul3A_188, %add3A_189 : i32
      %dma_wait3A_191 = arith.constant 0 : i32
      %dma_wait3A_192 = arith.constant 0 : i32
      %dma_wait3A_193 = tpu.memref_slice %arg2[%dma_wait3A_191, %dma_wait3A_192] : memref<20480x128xf32, #tpu.memory_space<hbm>> -> memref<20480x128xf32, #tpu.memory_space<hbm>>
      tpu.wait_indirect_dma semaphore(%arg45 : memref<!tpu.dma_semaphore, #tpu.memory_space<semaphore_mem>>) src(%dma_wait3A_193 : memref<20480x128xf32, #tpu.memory_space<hbm>>) dst(%arg24 : memref<64x128xf32, #tpu.memory_space<vmem>>)
      %dma_wait3A_194 = arith.constant 0 : i32
      %dma_wait3A_195 = tpu.memref_slice %arg4[%arg1, %add3A_190, %dma_wait3A_194] : memref<16x160x64xi32, #tpu.memory_space<hbm>> -> memref<1x1x64xi32, #tpu.memory_space<hbm>>
      %dma_wait3A_196 = tpu.memref_squeeze %dma_wait3A_195 : memref<1x1x64xi32, #tpu.memory_space<hbm>> -> memref<64xi32, #tpu.memory_space<hbm>>
      %dma_wait3A_197 = arith.constant 0 : i32
      %dma_wait3A_198 = tpu.memref_slice %arg4[%arg1, %add3A_190, %dma_wait3A_197] : memref<16x160x64xi32, #tpu.memory_space<hbm>> -> memref<1x1x64xi32, #tpu.memory_space<hbm>>
      %dma_wait3A_199 = tpu.memref_squeeze %dma_wait3A_198 : memref<1x1x64xi32, #tpu.memory_space<hbm>> -> memref<64xi32, #tpu.memory_space<hbm>>
      tpu.wait_dma2 semaphore(%arg37 : memref<!tpu.dma_semaphore, #tpu.memory_space<semaphore_mem>>) src(%dma_wait3A_199 : memref<64xi32, #tpu.memory_space<hbm>>) dst(%arg16 : memref<64xi32, #tpu.memory_space<vmem>>)
      "tpu.region"() ({
        %run_scoped3A = tpu.sem_alloc : memref<!tpu.dma_semaphore, #tpu.memory_space<semaphore_mem>>
        %dma_start3A_377 = arith.constant 0 : i32
        %dma_start3A_378 = arith.constant 0 : i32
        %dma_start3A_379 = tpu.memref_slice %arg27[%dma_start3A_377, %dma_start3A_378] : memref<10240x128xf32, #tpu.memory_space<vmem_shared>> -> memref<10240x128xf32, #tpu.memory_space<vmem_shared>>
        tpu.enqueue_indirect_dma source(%arg24 : memref<64x128xf32, #tpu.memory_space<vmem>>) target(%dma_start3A_379 : memref<10240x128xf32, #tpu.memory_space<vmem_shared>>) offsets(%arg16 : memref<64xi32, #tpu.memory_space<vmem>>) semaphore(%run_scoped3A : memref<!tpu.dma_semaphore, #tpu.memory_space<semaphore_mem>>) {add = true}
        %dma_wait3A_380 = arith.constant 0 : i32
        %dma_wait3A_381 = arith.constant 0 : i32
        %dma_wait3A_382 = tpu.memref_slice %arg27[%dma_wait3A_380, %dma_wait3A_381] : memref<10240x128xf32, #tpu.memory_space<vmem_shared>> -> memref<10240x128xf32, #tpu.memory_space<vmem_shared>>
        tpu.wait_indirect_dma semaphore(%run_scoped3A : memref<!tpu.dma_semaphore, #tpu.memory_space<semaphore_mem>>) src(%arg24 : memref<64x128xf32, #tpu.memory_space<vmem>>) dst(%dma_wait3A_382 : memref<10240x128xf32, #tpu.memory_space<vmem_shared>>)
        tpu.yield
      }) : () -> ()
      %add3A_200 = arith.constant 4 : i32
      %add3A_201 = arith.addi %add3A_190, %add3A_200 : i32
      %lt3A_202 = arith.constant 160 : i32
      %lt3A_203 = arith.cmpi slt, %add3A_201, %lt3A_202 : i32
      %convert_element_type3A_204 = arith.extui %lt3A_203 : i1 to i32
      %cond3A_205 = arith.constant 0 : i32
      %cond3A_206 = arith.cmpi ne, %convert_element_type3A_204, %cond3A_205 : i32
      scf.if %cond3A_206 {
        %add3A_377 = arith.constant 4 : i32
        %add3A_378 = arith.addi %add3A_190, %add3A_377 : i32
        %dma_wait3A_379 = arith.constant 0 : i32
        %dma_wait3A_380 = tpu.memref_slice %arg3[%arg0, %arg1, %add3A_378, %dma_wait3A_379] : memref<2x16x160x64xi32, #tpu.memory_space<hbm>> -> memref<1x1x1x64xi32, #tpu.memory_space<hbm>>
        %dma_wait3A_381 = tpu.memref_squeeze %dma_wait3A_380 : memref<1x1x1x64xi32, #tpu.memory_space<hbm>> -> memref<64xi32, #tpu.memory_space<hbm>>
        %dma_wait3A_382 = arith.constant 0 : i32
        %dma_wait3A_383 = tpu.memref_slice %arg3[%arg0, %arg1, %add3A_378, %dma_wait3A_382] : memref<2x16x160x64xi32, #tpu.memory_space<hbm>> -> memref<1x1x1x64xi32, #tpu.memory_space<hbm>>
        %dma_wait3A_384 = tpu.memref_squeeze %dma_wait3A_383 : memref<1x1x1x64xi32, #tpu.memory_space<hbm>> -> memref<64xi32, #tpu.memory_space<hbm>>
        tpu.wait_dma2 semaphore(%arg33 : memref<!tpu.dma_semaphore, #tpu.memory_space<semaphore_mem>>) src(%dma_wait3A_384 : memref<64xi32, #tpu.memory_space<hbm>>) dst(%arg12 : memref<64xi32, #tpu.memory_space<vmem>>)
        %dma_start3A_385 = arith.constant 0 : i32
        %dma_start3A_386 = arith.constant 0 : i32
        %dma_start3A_387 = tpu.memref_slice %arg2[%dma_start3A_385, %dma_start3A_386] : memref<20480x128xf32, #tpu.memory_space<hbm>> -> memref<20480x128xf32, #tpu.memory_space<hbm>>
        tpu.enqueue_indirect_dma source(%dma_start3A_387 : memref<20480x128xf32, #tpu.memory_space<hbm>>) target(%arg24 : memref<64x128xf32, #tpu.memory_space<vmem>>) offsets(%arg12 : memref<64xi32, #tpu.memory_space<vmem>>) semaphore(%arg45 : memref<!tpu.dma_semaphore, #tpu.memory_space<semaphore_mem>>)
      } else {
      }
      %add3A_207 = arith.constant 8 : i32
      %add3A_208 = arith.addi %add3A_190, %add3A_207 : i32
      %lt3A_209 = arith.constant 160 : i32
      %lt3A_210 = arith.cmpi slt, %add3A_208, %lt3A_209 : i32
      %convert_element_type3A_211 = arith.extui %lt3A_210 : i1 to i32
      %cond3A_212 = arith.constant 0 : i32
      %cond3A_213 = arith.cmpi ne, %convert_element_type3A_211, %cond3A_212 : i32
      scf.if %cond3A_213 {
        %add3A_377 = arith.constant 8 : i32
        %add3A_378 = arith.addi %add3A_190, %add3A_377 : i32
        %dma_start3A_379 = arith.constant 0 : i32
        %dma_start3A_380 = tpu.memref_slice %arg3[%arg0, %arg1, %add3A_378, %dma_start3A_379] : memref<2x16x160x64xi32, #tpu.memory_space<hbm>> -> memref<1x1x1x64xi32, #tpu.memory_space<hbm>>
        %dma_start3A_381 = tpu.memref_squeeze %dma_start3A_380 : memref<1x1x1x64xi32, #tpu.memory_space<hbm>> -> memref<64xi32, #tpu.memory_space<hbm>>
        %dma_start3A_382 = arith.constant 0 : i32
        %dma_start3A_383 = tpu.memref_slice %arg3[%arg0, %arg1, %add3A_378, %dma_start3A_382] : memref<2x16x160x64xi32, #tpu.memory_space<hbm>> -> memref<1x1x1x64xi32, #tpu.memory_space<hbm>>
        %dma_start3A_384 = tpu.memref_squeeze %dma_start3A_383 : memref<1x1x1x64xi32, #tpu.memory_space<hbm>> -> memref<64xi32, #tpu.memory_space<hbm>>
        tpu.enqueue_dma source(%dma_start3A_384 : memref<64xi32, #tpu.memory_space<hbm>>) target(%arg8 : memref<64xi32, #tpu.memory_space<vmem>>) target_semaphore(%arg29 : memref<!tpu.dma_semaphore, #tpu.memory_space<semaphore_mem>>)
        %add3A_385 = arith.constant 8 : i32
        %add3A_386 = arith.addi %add3A_190, %add3A_385 : i32
        %dma_start3A_387 = arith.constant 0 : i32
        %dma_start3A_388 = tpu.memref_slice %arg4[%arg1, %add3A_386, %dma_start3A_387] : memref<16x160x64xi32, #tpu.memory_space<hbm>> -> memref<1x1x64xi32, #tpu.memory_space<hbm>>
        %dma_start3A_389 = tpu.memref_squeeze %dma_start3A_388 : memref<1x1x64xi32, #tpu.memory_space<hbm>> -> memref<64xi32, #tpu.memory_space<hbm>>
        %dma_start3A_390 = arith.constant 0 : i32
        %dma_start3A_391 = tpu.memref_slice %arg4[%arg1, %add3A_386, %dma_start3A_390] : memref<16x160x64xi32, #tpu.memory_space<hbm>> -> memref<1x1x64xi32, #tpu.memory_space<hbm>>
        %dma_start3A_392 = tpu.memref_squeeze %dma_start3A_391 : memref<1x1x64xi32, #tpu.memory_space<hbm>> -> memref<64xi32, #tpu.memory_space<hbm>>
        tpu.enqueue_dma source(%dma_start3A_392 : memref<64xi32, #tpu.memory_space<hbm>>) target(%arg16 : memref<64xi32, #tpu.memory_space<vmem>>) target_semaphore(%arg37 : memref<!tpu.dma_semaphore, #tpu.memory_space<semaphore_mem>>)
      } else {
      }
      %mul3A_214 = arith.constant 8 : i32
      %mul3A_215 = arith.muli %scan3A_162, %mul3A_214 : i32
      %add3A_216 = arith.constant 2 : i32
      %add3A_217 = arith.addi %mul3A_215, %add3A_216 : i32
      %dma_wait3A_218 = arith.constant 0 : i32
      %dma_wait3A_219 = arith.constant 0 : i32
      %dma_wait3A_220 = tpu.memref_slice %arg2[%dma_wait3A_218, %dma_wait3A_219] : memref<20480x128xf32, #tpu.memory_space<hbm>> -> memref<20480x128xf32, #tpu.memory_space<hbm>>
      tpu.wait_indirect_dma semaphore(%arg46 : memref<!tpu.dma_semaphore, #tpu.memory_space<semaphore_mem>>) src(%dma_wait3A_220 : memref<20480x128xf32, #tpu.memory_space<hbm>>) dst(%arg25 : memref<64x128xf32, #tpu.memory_space<vmem>>)
      %dma_wait3A_221 = arith.constant 0 : i32
      %dma_wait3A_222 = tpu.memref_slice %arg4[%arg1, %add3A_217, %dma_wait3A_221] : memref<16x160x64xi32, #tpu.memory_space<hbm>> -> memref<1x1x64xi32, #tpu.memory_space<hbm>>
      %dma_wait3A_223 = tpu.memref_squeeze %dma_wait3A_222 : memref<1x1x64xi32, #tpu.memory_space<hbm>> -> memref<64xi32, #tpu.memory_space<hbm>>
      %dma_wait3A_224 = arith.constant 0 : i32
      %dma_wait3A_225 = tpu.memref_slice %arg4[%arg1, %add3A_217, %dma_wait3A_224] : memref<16x160x64xi32, #tpu.memory_space<hbm>> -> memref<1x1x64xi32, #tpu.memory_space<hbm>>
      %dma_wait3A_226 = tpu.memref_squeeze %dma_wait3A_225 : memref<1x1x64xi32, #tpu.memory_space<hbm>> -> memref<64xi32, #tpu.memory_space<hbm>>
      tpu.wait_dma2 semaphore(%arg38 : memref<!tpu.dma_semaphore, #tpu.memory_space<semaphore_mem>>) src(%dma_wait3A_226 : memref<64xi32, #tpu.memory_space<hbm>>) dst(%arg17 : memref<64xi32, #tpu.memory_space<vmem>>)
      "tpu.region"() ({
        %run_scoped3A = tpu.sem_alloc : memref<!tpu.dma_semaphore, #tpu.memory_space<semaphore_mem>>
        %dma_start3A_377 = arith.constant 0 : i32
        %dma_start3A_378 = arith.constant 0 : i32
        %dma_start3A_379 = tpu.memref_slice %arg27[%dma_start3A_377, %dma_start3A_378] : memref<10240x128xf32, #tpu.memory_space<vmem_shared>> -> memref<10240x128xf32, #tpu.memory_space<vmem_shared>>
        tpu.enqueue_indirect_dma source(%arg25 : memref<64x128xf32, #tpu.memory_space<vmem>>) target(%dma_start3A_379 : memref<10240x128xf32, #tpu.memory_space<vmem_shared>>) offsets(%arg17 : memref<64xi32, #tpu.memory_space<vmem>>) semaphore(%run_scoped3A : memref<!tpu.dma_semaphore, #tpu.memory_space<semaphore_mem>>) {add = true}
        %dma_wait3A_380 = arith.constant 0 : i32
        %dma_wait3A_381 = arith.constant 0 : i32
        %dma_wait3A_382 = tpu.memref_slice %arg27[%dma_wait3A_380, %dma_wait3A_381] : memref<10240x128xf32, #tpu.memory_space<vmem_shared>> -> memref<10240x128xf32, #tpu.memory_space<vmem_shared>>
        tpu.wait_indirect_dma semaphore(%run_scoped3A : memref<!tpu.dma_semaphore, #tpu.memory_space<semaphore_mem>>) src(%arg25 : memref<64x128xf32, #tpu.memory_space<vmem>>) dst(%dma_wait3A_382 : memref<10240x128xf32, #tpu.memory_space<vmem_shared>>)
        tpu.yield
      }) : () -> ()
      %add3A_227 = arith.constant 4 : i32
      %add3A_228 = arith.addi %add3A_217, %add3A_227 : i32
      %lt3A_229 = arith.constant 160 : i32
      %lt3A_230 = arith.cmpi slt, %add3A_228, %lt3A_229 : i32
      %convert_element_type3A_231 = arith.extui %lt3A_230 : i1 to i32
      %cond3A_232 = arith.constant 0 : i32
      %cond3A_233 = arith.cmpi ne, %convert_element_type3A_231, %cond3A_232 : i32
      scf.if %cond3A_233 {
        %add3A_377 = arith.constant 4 : i32
        %add3A_378 = arith.addi %add3A_217, %add3A_377 : i32
        %dma_wait3A_379 = arith.constant 0 : i32
        %dma_wait3A_380 = tpu.memref_slice %arg3[%arg0, %arg1, %add3A_378, %dma_wait3A_379] : memref<2x16x160x64xi32, #tpu.memory_space<hbm>> -> memref<1x1x1x64xi32, #tpu.memory_space<hbm>>
        %dma_wait3A_381 = tpu.memref_squeeze %dma_wait3A_380 : memref<1x1x1x64xi32, #tpu.memory_space<hbm>> -> memref<64xi32, #tpu.memory_space<hbm>>
        %dma_wait3A_382 = arith.constant 0 : i32
        %dma_wait3A_383 = tpu.memref_slice %arg3[%arg0, %arg1, %add3A_378, %dma_wait3A_382] : memref<2x16x160x64xi32, #tpu.memory_space<hbm>> -> memref<1x1x1x64xi32, #tpu.memory_space<hbm>>
        %dma_wait3A_384 = tpu.memref_squeeze %dma_wait3A_383 : memref<1x1x1x64xi32, #tpu.memory_space<hbm>> -> memref<64xi32, #tpu.memory_space<hbm>>
        tpu.wait_dma2 semaphore(%arg34 : memref<!tpu.dma_semaphore, #tpu.memory_space<semaphore_mem>>) src(%dma_wait3A_384 : memref<64xi32, #tpu.memory_space<hbm>>) dst(%arg13 : memref<64xi32, #tpu.memory_space<vmem>>)
        %dma_start3A_385 = arith.constant 0 : i32
        %dma_start3A_386 = arith.constant 0 : i32
        %dma_start3A_387 = tpu.memref_slice %arg2[%dma_start3A_385, %dma_start3A_386] : memref<20480x128xf32, #tpu.memory_space<hbm>> -> memref<20480x128xf32, #tpu.memory_space<hbm>>
        tpu.enqueue_indirect_dma source(%dma_start3A_387 : memref<20480x128xf32, #tpu.memory_space<hbm>>) target(%arg25 : memref<64x128xf32, #tpu.memory_space<vmem>>) offsets(%arg13 : memref<64xi32, #tpu.memory_space<vmem>>) semaphore(%arg46 : memref<!tpu.dma_semaphore, #tpu.memory_space<semaphore_mem>>)
      } else {
      }
      %add3A_234 = arith.constant 8 : i32
      %add3A_235 = arith.addi %add3A_217, %add3A_234 : i32
      %lt3A_236 = arith.constant 160 : i32
      %lt3A_237 = arith.cmpi slt, %add3A_235, %lt3A_236 : i32
      %convert_element_type3A_238 = arith.extui %lt3A_237 : i1 to i32
      %cond3A_239 = arith.constant 0 : i32
      %cond3A_240 = arith.cmpi ne, %convert_element_type3A_238, %cond3A_239 : i32
      scf.if %cond3A_240 {
        %add3A_377 = arith.constant 8 : i32
        %add3A_378 = arith.addi %add3A_217, %add3A_377 : i32
        %dma_start3A_379 = arith.constant 0 : i32
        %dma_start3A_380 = tpu.memref_slice %arg3[%arg0, %arg1, %add3A_378, %dma_start3A_379] : memref<2x16x160x64xi32, #tpu.memory_space<hbm>> -> memref<1x1x1x64xi32, #tpu.memory_space<hbm>>
        %dma_start3A_381 = tpu.memref_squeeze %dma_start3A_380 : memref<1x1x1x64xi32, #tpu.memory_space<hbm>> -> memref<64xi32, #tpu.memory_space<hbm>>
        %dma_start3A_382 = arith.constant 0 : i32
        %dma_start3A_383 = tpu.memref_slice %arg3[%arg0, %arg1, %add3A_378, %dma_start3A_382] : memref<2x16x160x64xi32, #tpu.memory_space<hbm>> -> memref<1x1x1x64xi32, #tpu.memory_space<hbm>>
        %dma_start3A_384 = tpu.memref_squeeze %dma_start3A_383 : memref<1x1x1x64xi32, #tpu.memory_space<hbm>> -> memref<64xi32, #tpu.memory_space<hbm>>
        tpu.enqueue_dma source(%dma_start3A_384 : memref<64xi32, #tpu.memory_space<hbm>>) target(%arg9 : memref<64xi32, #tpu.memory_space<vmem>>) target_semaphore(%arg30 : memref<!tpu.dma_semaphore, #tpu.memory_space<semaphore_mem>>)
        %add3A_385 = arith.constant 8 : i32
        %add3A_386 = arith.addi %add3A_217, %add3A_385 : i32
        %dma_start3A_387 = arith.constant 0 : i32
        %dma_start3A_388 = tpu.memref_slice %arg4[%arg1, %add3A_386, %dma_start3A_387] : memref<16x160x64xi32, #tpu.memory_space<hbm>> -> memref<1x1x64xi32, #tpu.memory_space<hbm>>
        %dma_start3A_389 = tpu.memref_squeeze %dma_start3A_388 : memref<1x1x64xi32, #tpu.memory_space<hbm>> -> memref<64xi32, #tpu.memory_space<hbm>>
        %dma_start3A_390 = arith.constant 0 : i32
        %dma_start3A_391 = tpu.memref_slice %arg4[%arg1, %add3A_386, %dma_start3A_390] : memref<16x160x64xi32, #tpu.memory_space<hbm>> -> memref<1x1x64xi32, #tpu.memory_space<hbm>>
        %dma_start3A_392 = tpu.memref_squeeze %dma_start3A_391 : memref<1x1x64xi32, #tpu.memory_space<hbm>> -> memref<64xi32, #tpu.memory_space<hbm>>
        tpu.enqueue_dma source(%dma_start3A_392 : memref<64xi32, #tpu.memory_space<hbm>>) target(%arg17 : memref<64xi32, #tpu.memory_space<vmem>>) target_semaphore(%arg38 : memref<!tpu.dma_semaphore, #tpu.memory_space<semaphore_mem>>)
      } else {
      }
      %mul3A_241 = arith.constant 8 : i32
      %mul3A_242 = arith.muli %scan3A_162, %mul3A_241 : i32
      %add3A_243 = arith.constant 3 : i32
      %add3A_244 = arith.addi %mul3A_242, %add3A_243 : i32
      %dma_wait3A_245 = arith.constant 0 : i32
      %dma_wait3A_246 = arith.constant 0 : i32
      %dma_wait3A_247 = tpu.memref_slice %arg2[%dma_wait3A_245, %dma_wait3A_246] : memref<20480x128xf32, #tpu.memory_space<hbm>> -> memref<20480x128xf32, #tpu.memory_space<hbm>>
      tpu.wait_indirect_dma semaphore(%arg47 : memref<!tpu.dma_semaphore, #tpu.memory_space<semaphore_mem>>) src(%dma_wait3A_247 : memref<20480x128xf32, #tpu.memory_space<hbm>>) dst(%arg26 : memref<64x128xf32, #tpu.memory_space<vmem>>)
      %dma_wait3A_248 = arith.constant 0 : i32
      %dma_wait3A_249 = tpu.memref_slice %arg4[%arg1, %add3A_244, %dma_wait3A_248] : memref<16x160x64xi32, #tpu.memory_space<hbm>> -> memref<1x1x64xi32, #tpu.memory_space<hbm>>
      %dma_wait3A_250 = tpu.memref_squeeze %dma_wait3A_249 : memref<1x1x64xi32, #tpu.memory_space<hbm>> -> memref<64xi32, #tpu.memory_space<hbm>>
      %dma_wait3A_251 = arith.constant 0 : i32
      %dma_wait3A_252 = tpu.memref_slice %arg4[%arg1, %add3A_244, %dma_wait3A_251] : memref<16x160x64xi32, #tpu.memory_space<hbm>> -> memref<1x1x64xi32, #tpu.memory_space<hbm>>
      %dma_wait3A_253 = tpu.memref_squeeze %dma_wait3A_252 : memref<1x1x64xi32, #tpu.memory_space<hbm>> -> memref<64xi32, #tpu.memory_space<hbm>>
      tpu.wait_dma2 semaphore(%arg39 : memref<!tpu.dma_semaphore, #tpu.memory_space<semaphore_mem>>) src(%dma_wait3A_253 : memref<64xi32, #tpu.memory_space<hbm>>) dst(%arg18 : memref<64xi32, #tpu.memory_space<vmem>>)
      "tpu.region"() ({
        %run_scoped3A = tpu.sem_alloc : memref<!tpu.dma_semaphore, #tpu.memory_space<semaphore_mem>>
        %dma_start3A_377 = arith.constant 0 : i32
        %dma_start3A_378 = arith.constant 0 : i32
        %dma_start3A_379 = tpu.memref_slice %arg27[%dma_start3A_377, %dma_start3A_378] : memref<10240x128xf32, #tpu.memory_space<vmem_shared>> -> memref<10240x128xf32, #tpu.memory_space<vmem_shared>>
        tpu.enqueue_indirect_dma source(%arg26 : memref<64x128xf32, #tpu.memory_space<vmem>>) target(%dma_start3A_379 : memref<10240x128xf32, #tpu.memory_space<vmem_shared>>) offsets(%arg18 : memref<64xi32, #tpu.memory_space<vmem>>) semaphore(%run_scoped3A : memref<!tpu.dma_semaphore, #tpu.memory_space<semaphore_mem>>) {add = true}
        %dma_wait3A_380 = arith.constant 0 : i32
        %dma_wait3A_381 = arith.constant 0 : i32
        %dma_wait3A_382 = tpu.memref_slice %arg27[%dma_wait3A_380, %dma_wait3A_381] : memref<10240x128xf32, #tpu.memory_space<vmem_shared>> -> memref<10240x128xf32, #tpu.memory_space<vmem_shared>>
        tpu.wait_indirect_dma semaphore(%run_scoped3A : memref<!tpu.dma_semaphore, #tpu.memory_space<semaphore_mem>>) src(%arg26 : memref<64x128xf32, #tpu.memory_space<vmem>>) dst(%dma_wait3A_382 : memref<10240x128xf32, #tpu.memory_space<vmem_shared>>)
        tpu.yield
      }) : () -> ()
      %add3A_254 = arith.constant 4 : i32
      %add3A_255 = arith.addi %add3A_244, %add3A_254 : i32
      %lt3A_256 = arith.constant 160 : i32
      %lt3A_257 = arith.cmpi slt, %add3A_255, %lt3A_256 : i32
      %convert_element_type3A_258 = arith.extui %lt3A_257 : i1 to i32
      %cond3A_259 = arith.constant 0 : i32
      %cond3A_260 = arith.cmpi ne, %convert_element_type3A_258, %cond3A_259 : i32
      scf.if %cond3A_260 {
        %add3A_377 = arith.constant 4 : i32
        %add3A_378 = arith.addi %add3A_244, %add3A_377 : i32
        %dma_wait3A_379 = arith.constant 0 : i32
        %dma_wait3A_380 = tpu.memref_slice %arg3[%arg0, %arg1, %add3A_378, %dma_wait3A_379] : memref<2x16x160x64xi32, #tpu.memory_space<hbm>> -> memref<1x1x1x64xi32, #tpu.memory_space<hbm>>
        %dma_wait3A_381 = tpu.memref_squeeze %dma_wait3A_380 : memref<1x1x1x64xi32, #tpu.memory_space<hbm>> -> memref<64xi32, #tpu.memory_space<hbm>>
        %dma_wait3A_382 = arith.constant 0 : i32
        %dma_wait3A_383 = tpu.memref_slice %arg3[%arg0, %arg1, %add3A_378, %dma_wait3A_382] : memref<2x16x160x64xi32, #tpu.memory_space<hbm>> -> memref<1x1x1x64xi32, #tpu.memory_space<hbm>>
        %dma_wait3A_384 = tpu.memref_squeeze %dma_wait3A_383 : memref<1x1x1x64xi32, #tpu.memory_space<hbm>> -> memref<64xi32, #tpu.memory_space<hbm>>
        tpu.wait_dma2 semaphore(%arg35 : memref<!tpu.dma_semaphore, #tpu.memory_space<semaphore_mem>>) src(%dma_wait3A_384 : memref<64xi32, #tpu.memory_space<hbm>>) dst(%arg14 : memref<64xi32, #tpu.memory_space<vmem>>)
        %dma_start3A_385 = arith.constant 0 : i32
        %dma_start3A_386 = arith.constant 0 : i32
        %dma_start3A_387 = tpu.memref_slice %arg2[%dma_start3A_385, %dma_start3A_386] : memref<20480x128xf32, #tpu.memory_space<hbm>> -> memref<20480x128xf32, #tpu.memory_space<hbm>>
        tpu.enqueue_indirect_dma source(%dma_start3A_387 : memref<20480x128xf32, #tpu.memory_space<hbm>>) target(%arg26 : memref<64x128xf32, #tpu.memory_space<vmem>>) offsets(%arg14 : memref<64xi32, #tpu.memory_space<vmem>>) semaphore(%arg47 : memref<!tpu.dma_semaphore, #tpu.memory_space<semaphore_mem>>)
      } else {
      }
      %add3A_261 = arith.constant 8 : i32
      %add3A_262 = arith.addi %add3A_244, %add3A_261 : i32
      %lt3A_263 = arith.constant 160 : i32
      %lt3A_264 = arith.cmpi slt, %add3A_262, %lt3A_263 : i32
      %convert_element_type3A_265 = arith.extui %lt3A_264 : i1 to i32
      %cond3A_266 = arith.constant 0 : i32
      %cond3A_267 = arith.cmpi ne, %convert_element_type3A_265, %cond3A_266 : i32
      scf.if %cond3A_267 {
        %add3A_377 = arith.constant 8 : i32
        %add3A_378 = arith.addi %add3A_244, %add3A_377 : i32
        %dma_start3A_379 = arith.constant 0 : i32
        %dma_start3A_380 = tpu.memref_slice %arg3[%arg0, %arg1, %add3A_378, %dma_start3A_379] : memref<2x16x160x64xi32, #tpu.memory_space<hbm>> -> memref<1x1x1x64xi32, #tpu.memory_space<hbm>>
        %dma_start3A_381 = tpu.memref_squeeze %dma_start3A_380 : memref<1x1x1x64xi32, #tpu.memory_space<hbm>> -> memref<64xi32, #tpu.memory_space<hbm>>
        %dma_start3A_382 = arith.constant 0 : i32
        %dma_start3A_383 = tpu.memref_slice %arg3[%arg0, %arg1, %add3A_378, %dma_start3A_382] : memref<2x16x160x64xi32, #tpu.memory_space<hbm>> -> memref<1x1x1x64xi32, #tpu.memory_space<hbm>>
        %dma_start3A_384 = tpu.memref_squeeze %dma_start3A_383 : memref<1x1x1x64xi32, #tpu.memory_space<hbm>> -> memref<64xi32, #tpu.memory_space<hbm>>
        tpu.enqueue_dma source(%dma_start3A_384 : memref<64xi32, #tpu.memory_space<hbm>>) target(%arg10 : memref<64xi32, #tpu.memory_space<vmem>>) target_semaphore(%arg31 : memref<!tpu.dma_semaphore, #tpu.memory_space<semaphore_mem>>)
        %add3A_385 = arith.constant 8 : i32
        %add3A_386 = arith.addi %add3A_244, %add3A_385 : i32
        %dma_start3A_387 = arith.constant 0 : i32
        %dma_start3A_388 = tpu.memref_slice %arg4[%arg1, %add3A_386, %dma_start3A_387] : memref<16x160x64xi32, #tpu.memory_space<hbm>> -> memref<1x1x64xi32, #tpu.memory_space<hbm>>
        %dma_start3A_389 = tpu.memref_squeeze %dma_start3A_388 : memref<1x1x64xi32, #tpu.memory_space<hbm>> -> memref<64xi32, #tpu.memory_space<hbm>>
        %dma_start3A_390 = arith.constant 0 : i32
        %dma_start3A_391 = tpu.memref_slice %arg4[%arg1, %add3A_386, %dma_start3A_390] : memref<16x160x64xi32, #tpu.memory_space<hbm>> -> memref<1x1x64xi32, #tpu.memory_space<hbm>>
        %dma_start3A_392 = tpu.memref_squeeze %dma_start3A_391 : memref<1x1x64xi32, #tpu.memory_space<hbm>> -> memref<64xi32, #tpu.memory_space<hbm>>
        tpu.enqueue_dma source(%dma_start3A_392 : memref<64xi32, #tpu.memory_space<hbm>>) target(%arg18 : memref<64xi32, #tpu.memory_space<vmem>>) target_semaphore(%arg39 : memref<!tpu.dma_semaphore, #tpu.memory_space<semaphore_mem>>)
      } else {
      }
      %mul3A_268 = arith.constant 8 : i32
      %mul3A_269 = arith.muli %scan3A_162, %mul3A_268 : i32
      %add3A_270 = arith.constant 4 : i32
      %add3A_271 = arith.addi %mul3A_269, %add3A_270 : i32
      %dma_wait3A_272 = arith.constant 0 : i32
      %dma_wait3A_273 = arith.constant 0 : i32
      %dma_wait3A_274 = tpu.memref_slice %arg2[%dma_wait3A_272, %dma_wait3A_273] : memref<20480x128xf32, #tpu.memory_space<hbm>> -> memref<20480x128xf32, #tpu.memory_space<hbm>>
      tpu.wait_indirect_dma semaphore(%arg44 : memref<!tpu.dma_semaphore, #tpu.memory_space<semaphore_mem>>) src(%dma_wait3A_274 : memref<20480x128xf32, #tpu.memory_space<hbm>>) dst(%arg23 : memref<64x128xf32, #tpu.memory_space<vmem>>)
      %dma_wait3A_275 = arith.constant 0 : i32
      %dma_wait3A_276 = tpu.memref_slice %arg4[%arg1, %add3A_271, %dma_wait3A_275] : memref<16x160x64xi32, #tpu.memory_space<hbm>> -> memref<1x1x64xi32, #tpu.memory_space<hbm>>
      %dma_wait3A_277 = tpu.memref_squeeze %dma_wait3A_276 : memref<1x1x64xi32, #tpu.memory_space<hbm>> -> memref<64xi32, #tpu.memory_space<hbm>>
      %dma_wait3A_278 = arith.constant 0 : i32
      %dma_wait3A_279 = tpu.memref_slice %arg4[%arg1, %add3A_271, %dma_wait3A_278] : memref<16x160x64xi32, #tpu.memory_space<hbm>> -> memref<1x1x64xi32, #tpu.memory_space<hbm>>
      %dma_wait3A_280 = tpu.memref_squeeze %dma_wait3A_279 : memref<1x1x64xi32, #tpu.memory_space<hbm>> -> memref<64xi32, #tpu.memory_space<hbm>>
      tpu.wait_dma2 semaphore(%arg40 : memref<!tpu.dma_semaphore, #tpu.memory_space<semaphore_mem>>) src(%dma_wait3A_280 : memref<64xi32, #tpu.memory_space<hbm>>) dst(%arg19 : memref<64xi32, #tpu.memory_space<vmem>>)
      "tpu.region"() ({
        %run_scoped3A = tpu.sem_alloc : memref<!tpu.dma_semaphore, #tpu.memory_space<semaphore_mem>>
        %dma_start3A_377 = arith.constant 0 : i32
        %dma_start3A_378 = arith.constant 0 : i32
        %dma_start3A_379 = tpu.memref_slice %arg27[%dma_start3A_377, %dma_start3A_378] : memref<10240x128xf32, #tpu.memory_space<vmem_shared>> -> memref<10240x128xf32, #tpu.memory_space<vmem_shared>>
        tpu.enqueue_indirect_dma source(%arg23 : memref<64x128xf32, #tpu.memory_space<vmem>>) target(%dma_start3A_379 : memref<10240x128xf32, #tpu.memory_space<vmem_shared>>) offsets(%arg19 : memref<64xi32, #tpu.memory_space<vmem>>) semaphore(%run_scoped3A : memref<!tpu.dma_semaphore, #tpu.memory_space<semaphore_mem>>) {add = true}
        %dma_wait3A_380 = arith.constant 0 : i32
        %dma_wait3A_381 = arith.constant 0 : i32
        %dma_wait3A_382 = tpu.memref_slice %arg27[%dma_wait3A_380, %dma_wait3A_381] : memref<10240x128xf32, #tpu.memory_space<vmem_shared>> -> memref<10240x128xf32, #tpu.memory_space<vmem_shared>>
        tpu.wait_indirect_dma semaphore(%run_scoped3A : memref<!tpu.dma_semaphore, #tpu.memory_space<semaphore_mem>>) src(%arg23 : memref<64x128xf32, #tpu.memory_space<vmem>>) dst(%dma_wait3A_382 : memref<10240x128xf32, #tpu.memory_space<vmem_shared>>)
        tpu.yield
      }) : () -> ()
      %add3A_281 = arith.constant 4 : i32
      %add3A_282 = arith.addi %add3A_271, %add3A_281 : i32
      %lt3A_283 = arith.constant 160 : i32
      %lt3A_284 = arith.cmpi slt, %add3A_282, %lt3A_283 : i32
      %convert_element_type3A_285 = arith.extui %lt3A_284 : i1 to i32
      %cond3A_286 = arith.constant 0 : i32
      %cond3A_287 = arith.cmpi ne, %convert_element_type3A_285, %cond3A_286 : i32
      scf.if %cond3A_287 {
        %add3A_377 = arith.constant 4 : i32
        %add3A_378 = arith.addi %add3A_271, %add3A_377 : i32
        %dma_wait3A_379 = arith.constant 0 : i32
        %dma_wait3A_380 = tpu.memref_slice %arg3[%arg0, %arg1, %add3A_378, %dma_wait3A_379] : memref<2x16x160x64xi32, #tpu.memory_space<hbm>> -> memref<1x1x1x64xi32, #tpu.memory_space<hbm>>
        %dma_wait3A_381 = tpu.memref_squeeze %dma_wait3A_380 : memref<1x1x1x64xi32, #tpu.memory_space<hbm>> -> memref<64xi32, #tpu.memory_space<hbm>>
        %dma_wait3A_382 = arith.constant 0 : i32
        %dma_wait3A_383 = tpu.memref_slice %arg3[%arg0, %arg1, %add3A_378, %dma_wait3A_382] : memref<2x16x160x64xi32, #tpu.memory_space<hbm>> -> memref<1x1x1x64xi32, #tpu.memory_space<hbm>>
        %dma_wait3A_384 = tpu.memref_squeeze %dma_wait3A_383 : memref<1x1x1x64xi32, #tpu.memory_space<hbm>> -> memref<64xi32, #tpu.memory_space<hbm>>
        tpu.wait_dma2 semaphore(%arg28 : memref<!tpu.dma_semaphore, #tpu.memory_space<semaphore_mem>>) src(%dma_wait3A_384 : memref<64xi32, #tpu.memory_space<hbm>>) dst(%arg7 : memref<64xi32, #tpu.memory_space<vmem>>)
        %dma_start3A_385 = arith.constant 0 : i32
        %dma_start3A_386 = arith.constant 0 : i32
        %dma_start3A_387 = tpu.memref_slice %arg2[%dma_start3A_385, %dma_start3A_386] : memref<20480x128xf32, #tpu.memory_space<hbm>> -> memref<20480x128xf32, #tpu.memory_space<hbm>>
        tpu.enqueue_indirect_dma source(%dma_start3A_387 : memref<20480x128xf32, #tpu.memory_space<hbm>>) target(%arg23 : memref<64x128xf32, #tpu.memory_space<vmem>>) offsets(%arg7 : memref<64xi32, #tpu.memory_space<vmem>>) semaphore(%arg44 : memref<!tpu.dma_semaphore, #tpu.memory_space<semaphore_mem>>)
      } else {
      }
      %add3A_288 = arith.constant 8 : i32
      %add3A_289 = arith.addi %add3A_271, %add3A_288 : i32
      %lt3A_290 = arith.constant 160 : i32
      %lt3A_291 = arith.cmpi slt, %add3A_289, %lt3A_290 : i32
      %convert_element_type3A_292 = arith.extui %lt3A_291 : i1 to i32
      %cond3A_293 = arith.constant 0 : i32
      %cond3A_294 = arith.cmpi ne, %convert_element_type3A_292, %cond3A_293 : i32
      scf.if %cond3A_294 {
        %add3A_377 = arith.constant 8 : i32
        %add3A_378 = arith.addi %add3A_271, %add3A_377 : i32
        %dma_start3A_379 = arith.constant 0 : i32
        %dma_start3A_380 = tpu.memref_slice %arg3[%arg0, %arg1, %add3A_378, %dma_start3A_379] : memref<2x16x160x64xi32, #tpu.memory_space<hbm>> -> memref<1x1x1x64xi32, #tpu.memory_space<hbm>>
        %dma_start3A_381 = tpu.memref_squeeze %dma_start3A_380 : memref<1x1x1x64xi32, #tpu.memory_space<hbm>> -> memref<64xi32, #tpu.memory_space<hbm>>
        %dma_start3A_382 = arith.constant 0 : i32
        %dma_start3A_383 = tpu.memref_slice %arg3[%arg0, %arg1, %add3A_378, %dma_start3A_382] : memref<2x16x160x64xi32, #tpu.memory_space<hbm>> -> memref<1x1x1x64xi32, #tpu.memory_space<hbm>>
        %dma_start3A_384 = tpu.memref_squeeze %dma_start3A_383 : memref<1x1x1x64xi32, #tpu.memory_space<hbm>> -> memref<64xi32, #tpu.memory_space<hbm>>
        tpu.enqueue_dma source(%dma_start3A_384 : memref<64xi32, #tpu.memory_space<hbm>>) target(%arg11 : memref<64xi32, #tpu.memory_space<vmem>>) target_semaphore(%arg32 : memref<!tpu.dma_semaphore, #tpu.memory_space<semaphore_mem>>)
        %add3A_385 = arith.constant 8 : i32
        %add3A_386 = arith.addi %add3A_271, %add3A_385 : i32
        %dma_start3A_387 = arith.constant 0 : i32
        %dma_start3A_388 = tpu.memref_slice %arg4[%arg1, %add3A_386, %dma_start3A_387] : memref<16x160x64xi32, #tpu.memory_space<hbm>> -> memref<1x1x64xi32, #tpu.memory_space<hbm>>
        %dma_start3A_389 = tpu.memref_squeeze %dma_start3A_388 : memref<1x1x64xi32, #tpu.memory_space<hbm>> -> memref<64xi32, #tpu.memory_space<hbm>>
        %dma_start3A_390 = arith.constant 0 : i32
        %dma_start3A_391 = tpu.memref_slice %arg4[%arg1, %add3A_386, %dma_start3A_390] : memref<16x160x64xi32, #tpu.memory_space<hbm>> -> memref<1x1x64xi32, #tpu.memory_space<hbm>>
        %dma_start3A_392 = tpu.memref_squeeze %dma_start3A_391 : memref<1x1x64xi32, #tpu.memory_space<hbm>> -> memref<64xi32, #tpu.memory_space<hbm>>
        tpu.enqueue_dma source(%dma_start3A_392 : memref<64xi32, #tpu.memory_space<hbm>>) target(%arg19 : memref<64xi32, #tpu.memory_space<vmem>>) target_semaphore(%arg40 : memref<!tpu.dma_semaphore, #tpu.memory_space<semaphore_mem>>)
      } else {
      }
      %mul3A_295 = arith.constant 8 : i32
      %mul3A_296 = arith.muli %scan3A_162, %mul3A_295 : i32
      %add3A_297 = arith.constant 5 : i32
      %add3A_298 = arith.addi %mul3A_296, %add3A_297 : i32
      %dma_wait3A_299 = arith.constant 0 : i32
      %dma_wait3A_300 = arith.constant 0 : i32
      %dma_wait3A_301 = tpu.memref_slice %arg2[%dma_wait3A_299, %dma_wait3A_300] : memref<20480x128xf32, #tpu.memory_space<hbm>> -> memref<20480x128xf32, #tpu.memory_space<hbm>>
      tpu.wait_indirect_dma semaphore(%arg45 : memref<!tpu.dma_semaphore, #tpu.memory_space<semaphore_mem>>) src(%dma_wait3A_301 : memref<20480x128xf32, #tpu.memory_space<hbm>>) dst(%arg24 : memref<64x128xf32, #tpu.memory_space<vmem>>)
      %dma_wait3A_302 = arith.constant 0 : i32
      %dma_wait3A_303 = tpu.memref_slice %arg4[%arg1, %add3A_298, %dma_wait3A_302] : memref<16x160x64xi32, #tpu.memory_space<hbm>> -> memref<1x1x64xi32, #tpu.memory_space<hbm>>
      %dma_wait3A_304 = tpu.memref_squeeze %dma_wait3A_303 : memref<1x1x64xi32, #tpu.memory_space<hbm>> -> memref<64xi32, #tpu.memory_space<hbm>>
      %dma_wait3A_305 = arith.constant 0 : i32
      %dma_wait3A_306 = tpu.memref_slice %arg4[%arg1, %add3A_298, %dma_wait3A_305] : memref<16x160x64xi32, #tpu.memory_space<hbm>> -> memref<1x1x64xi32, #tpu.memory_space<hbm>>
      %dma_wait3A_307 = tpu.memref_squeeze %dma_wait3A_306 : memref<1x1x64xi32, #tpu.memory_space<hbm>> -> memref<64xi32, #tpu.memory_space<hbm>>
      tpu.wait_dma2 semaphore(%arg41 : memref<!tpu.dma_semaphore, #tpu.memory_space<semaphore_mem>>) src(%dma_wait3A_307 : memref<64xi32, #tpu.memory_space<hbm>>) dst(%arg20 : memref<64xi32, #tpu.memory_space<vmem>>)
      "tpu.region"() ({
        %run_scoped3A = tpu.sem_alloc : memref<!tpu.dma_semaphore, #tpu.memory_space<semaphore_mem>>
        %dma_start3A_377 = arith.constant 0 : i32
        %dma_start3A_378 = arith.constant 0 : i32
        %dma_start3A_379 = tpu.memref_slice %arg27[%dma_start3A_377, %dma_start3A_378] : memref<10240x128xf32, #tpu.memory_space<vmem_shared>> -> memref<10240x128xf32, #tpu.memory_space<vmem_shared>>
        tpu.enqueue_indirect_dma source(%arg24 : memref<64x128xf32, #tpu.memory_space<vmem>>) target(%dma_start3A_379 : memref<10240x128xf32, #tpu.memory_space<vmem_shared>>) offsets(%arg20 : memref<64xi32, #tpu.memory_space<vmem>>) semaphore(%run_scoped3A : memref<!tpu.dma_semaphore, #tpu.memory_space<semaphore_mem>>) {add = true}
        %dma_wait3A_380 = arith.constant 0 : i32
        %dma_wait3A_381 = arith.constant 0 : i32
        %dma_wait3A_382 = tpu.memref_slice %arg27[%dma_wait3A_380, %dma_wait3A_381] : memref<10240x128xf32, #tpu.memory_space<vmem_shared>> -> memref<10240x128xf32, #tpu.memory_space<vmem_shared>>
        tpu.wait_indirect_dma semaphore(%run_scoped3A : memref<!tpu.dma_semaphore, #tpu.memory_space<semaphore_mem>>) src(%arg24 : memref<64x128xf32, #tpu.memory_space<vmem>>) dst(%dma_wait3A_382 : memref<10240x128xf32, #tpu.memory_space<vmem_shared>>)
        tpu.yield
      }) : () -> ()
      %add3A_308 = arith.constant 4 : i32
      %add3A_309 = arith.addi %add3A_298, %add3A_308 : i32
      %lt3A_310 = arith.constant 160 : i32
      %lt3A_311 = arith.cmpi slt, %add3A_309, %lt3A_310 : i32
      %convert_element_type3A_312 = arith.extui %lt3A_311 : i1 to i32
      %cond3A_313 = arith.constant 0 : i32
      %cond3A_314 = arith.cmpi ne, %convert_element_type3A_312, %cond3A_313 : i32
      scf.if %cond3A_314 {
        %add3A_377 = arith.constant 4 : i32
        %add3A_378 = arith.addi %add3A_298, %add3A_377 : i32
        %dma_wait3A_379 = arith.constant 0 : i32
        %dma_wait3A_380 = tpu.memref_slice %arg3[%arg0, %arg1, %add3A_378, %dma_wait3A_379] : memref<2x16x160x64xi32, #tpu.memory_space<hbm>> -> memref<1x1x1x64xi32, #tpu.memory_space<hbm>>
        %dma_wait3A_381 = tpu.memref_squeeze %dma_wait3A_380 : memref<1x1x1x64xi32, #tpu.memory_space<hbm>> -> memref<64xi32, #tpu.memory_space<hbm>>
        %dma_wait3A_382 = arith.constant 0 : i32
        %dma_wait3A_383 = tpu.memref_slice %arg3[%arg0, %arg1, %add3A_378, %dma_wait3A_382] : memref<2x16x160x64xi32, #tpu.memory_space<hbm>> -> memref<1x1x1x64xi32, #tpu.memory_space<hbm>>
        %dma_wait3A_384 = tpu.memref_squeeze %dma_wait3A_383 : memref<1x1x1x64xi32, #tpu.memory_space<hbm>> -> memref<64xi32, #tpu.memory_space<hbm>>
        tpu.wait_dma2 semaphore(%arg29 : memref<!tpu.dma_semaphore, #tpu.memory_space<semaphore_mem>>) src(%dma_wait3A_384 : memref<64xi32, #tpu.memory_space<hbm>>) dst(%arg8 : memref<64xi32, #tpu.memory_space<vmem>>)
        %dma_start3A_385 = arith.constant 0 : i32
        %dma_start3A_386 = arith.constant 0 : i32
        %dma_start3A_387 = tpu.memref_slice %arg2[%dma_start3A_385, %dma_start3A_386] : memref<20480x128xf32, #tpu.memory_space<hbm>> -> memref<20480x128xf32, #tpu.memory_space<hbm>>
        tpu.enqueue_indirect_dma source(%dma_start3A_387 : memref<20480x128xf32, #tpu.memory_space<hbm>>) target(%arg24 : memref<64x128xf32, #tpu.memory_space<vmem>>) offsets(%arg8 : memref<64xi32, #tpu.memory_space<vmem>>) semaphore(%arg45 : memref<!tpu.dma_semaphore, #tpu.memory_space<semaphore_mem>>)
      } else {
      }
      %add3A_315 = arith.constant 8 : i32
      %add3A_316 = arith.addi %add3A_298, %add3A_315 : i32
      %lt3A_317 = arith.constant 160 : i32
      %lt3A_318 = arith.cmpi slt, %add3A_316, %lt3A_317 : i32
      %convert_element_type3A_319 = arith.extui %lt3A_318 : i1 to i32
      %cond3A_320 = arith.constant 0 : i32
      %cond3A_321 = arith.cmpi ne, %convert_element_type3A_319, %cond3A_320 : i32
      scf.if %cond3A_321 {
        %add3A_377 = arith.constant 8 : i32
        %add3A_378 = arith.addi %add3A_298, %add3A_377 : i32
        %dma_start3A_379 = arith.constant 0 : i32
        %dma_start3A_380 = tpu.memref_slice %arg3[%arg0, %arg1, %add3A_378, %dma_start3A_379] : memref<2x16x160x64xi32, #tpu.memory_space<hbm>> -> memref<1x1x1x64xi32, #tpu.memory_space<hbm>>
        %dma_start3A_381 = tpu.memref_squeeze %dma_start3A_380 : memref<1x1x1x64xi32, #tpu.memory_space<hbm>> -> memref<64xi32, #tpu.memory_space<hbm>>
        %dma_start3A_382 = arith.constant 0 : i32
        %dma_start3A_383 = tpu.memref_slice %arg3[%arg0, %arg1, %add3A_378, %dma_start3A_382] : memref<2x16x160x64xi32, #tpu.memory_space<hbm>> -> memref<1x1x1x64xi32, #tpu.memory_space<hbm>>
        %dma_start3A_384 = tpu.memref_squeeze %dma_start3A_383 : memref<1x1x1x64xi32, #tpu.memory_space<hbm>> -> memref<64xi32, #tpu.memory_space<hbm>>
        tpu.enqueue_dma source(%dma_start3A_384 : memref<64xi32, #tpu.memory_space<hbm>>) target(%arg12 : memref<64xi32, #tpu.memory_space<vmem>>) target_semaphore(%arg33 : memref<!tpu.dma_semaphore, #tpu.memory_space<semaphore_mem>>)
        %add3A_385 = arith.constant 8 : i32
        %add3A_386 = arith.addi %add3A_298, %add3A_385 : i32
        %dma_start3A_387 = arith.constant 0 : i32
        %dma_start3A_388 = tpu.memref_slice %arg4[%arg1, %add3A_386, %dma_start3A_387] : memref<16x160x64xi32, #tpu.memory_space<hbm>> -> memref<1x1x64xi32, #tpu.memory_space<hbm>>
        %dma_start3A_389 = tpu.memref_squeeze %dma_start3A_388 : memref<1x1x64xi32, #tpu.memory_space<hbm>> -> memref<64xi32, #tpu.memory_space<hbm>>
        %dma_start3A_390 = arith.constant 0 : i32
        %dma_start3A_391 = tpu.memref_slice %arg4[%arg1, %add3A_386, %dma_start3A_390] : memref<16x160x64xi32, #tpu.memory_space<hbm>> -> memref<1x1x64xi32, #tpu.memory_space<hbm>>
        %dma_start3A_392 = tpu.memref_squeeze %dma_start3A_391 : memref<1x1x64xi32, #tpu.memory_space<hbm>> -> memref<64xi32, #tpu.memory_space<hbm>>
        tpu.enqueue_dma source(%dma_start3A_392 : memref<64xi32, #tpu.memory_space<hbm>>) target(%arg20 : memref<64xi32, #tpu.memory_space<vmem>>) target_semaphore(%arg41 : memref<!tpu.dma_semaphore, #tpu.memory_space<semaphore_mem>>)
      } else {
      }
      %mul3A_322 = arith.constant 8 : i32
      %mul3A_323 = arith.muli %scan3A_162, %mul3A_322 : i32
      %add3A_324 = arith.constant 6 : i32
      %add3A_325 = arith.addi %mul3A_323, %add3A_324 : i32
      %dma_wait3A_326 = arith.constant 0 : i32
      %dma_wait3A_327 = arith.constant 0 : i32
      %dma_wait3A_328 = tpu.memref_slice %arg2[%dma_wait3A_326, %dma_wait3A_327] : memref<20480x128xf32, #tpu.memory_space<hbm>> -> memref<20480x128xf32, #tpu.memory_space<hbm>>
      tpu.wait_indirect_dma semaphore(%arg46 : memref<!tpu.dma_semaphore, #tpu.memory_space<semaphore_mem>>) src(%dma_wait3A_328 : memref<20480x128xf32, #tpu.memory_space<hbm>>) dst(%arg25 : memref<64x128xf32, #tpu.memory_space<vmem>>)
      %dma_wait3A_329 = arith.constant 0 : i32
      %dma_wait3A_330 = tpu.memref_slice %arg4[%arg1, %add3A_325, %dma_wait3A_329] : memref<16x160x64xi32, #tpu.memory_space<hbm>> -> memref<1x1x64xi32, #tpu.memory_space<hbm>>
      %dma_wait3A_331 = tpu.memref_squeeze %dma_wait3A_330 : memref<1x1x64xi32, #tpu.memory_space<hbm>> -> memref<64xi32, #tpu.memory_space<hbm>>
      %dma_wait3A_332 = arith.constant 0 : i32
      %dma_wait3A_333 = tpu.memref_slice %arg4[%arg1, %add3A_325, %dma_wait3A_332] : memref<16x160x64xi32, #tpu.memory_space<hbm>> -> memref<1x1x64xi32, #tpu.memory_space<hbm>>
      %dma_wait3A_334 = tpu.memref_squeeze %dma_wait3A_333 : memref<1x1x64xi32, #tpu.memory_space<hbm>> -> memref<64xi32, #tpu.memory_space<hbm>>
      tpu.wait_dma2 semaphore(%arg42 : memref<!tpu.dma_semaphore, #tpu.memory_space<semaphore_mem>>) src(%dma_wait3A_334 : memref<64xi32, #tpu.memory_space<hbm>>) dst(%arg21 : memref<64xi32, #tpu.memory_space<vmem>>)
      "tpu.region"() ({
        %run_scoped3A = tpu.sem_alloc : memref<!tpu.dma_semaphore, #tpu.memory_space<semaphore_mem>>
        %dma_start3A_377 = arith.constant 0 : i32
        %dma_start3A_378 = arith.constant 0 : i32
        %dma_start3A_379 = tpu.memref_slice %arg27[%dma_start3A_377, %dma_start3A_378] : memref<10240x128xf32, #tpu.memory_space<vmem_shared>> -> memref<10240x128xf32, #tpu.memory_space<vmem_shared>>
        tpu.enqueue_indirect_dma source(%arg25 : memref<64x128xf32, #tpu.memory_space<vmem>>) target(%dma_start3A_379 : memref<10240x128xf32, #tpu.memory_space<vmem_shared>>) offsets(%arg21 : memref<64xi32, #tpu.memory_space<vmem>>) semaphore(%run_scoped3A : memref<!tpu.dma_semaphore, #tpu.memory_space<semaphore_mem>>) {add = true}
        %dma_wait3A_380 = arith.constant 0 : i32
        %dma_wait3A_381 = arith.constant 0 : i32
        %dma_wait3A_382 = tpu.memref_slice %arg27[%dma_wait3A_380, %dma_wait3A_381] : memref<10240x128xf32, #tpu.memory_space<vmem_shared>> -> memref<10240x128xf32, #tpu.memory_space<vmem_shared>>
        tpu.wait_indirect_dma semaphore(%run_scoped3A : memref<!tpu.dma_semaphore, #tpu.memory_space<semaphore_mem>>) src(%arg25 : memref<64x128xf32, #tpu.memory_space<vmem>>) dst(%dma_wait3A_382 : memref<10240x128xf32, #tpu.memory_space<vmem_shared>>)
        tpu.yield
      }) : () -> ()
      %add3A_335 = arith.constant 4 : i32
      %add3A_336 = arith.addi %add3A_325, %add3A_335 : i32
      %lt3A_337 = arith.constant 160 : i32
      %lt3A_338 = arith.cmpi slt, %add3A_336, %lt3A_337 : i32
      %convert_element_type3A_339 = arith.extui %lt3A_338 : i1 to i32
      %cond3A_340 = arith.constant 0 : i32
      %cond3A_341 = arith.cmpi ne, %convert_element_type3A_339, %cond3A_340 : i32
      scf.if %cond3A_341 {
        %add3A_377 = arith.constant 4 : i32
        %add3A_378 = arith.addi %add3A_325, %add3A_377 : i32
        %dma_wait3A_379 = arith.constant 0 : i32
        %dma_wait3A_380 = tpu.memref_slice %arg3[%arg0, %arg1, %add3A_378, %dma_wait3A_379] : memref<2x16x160x64xi32, #tpu.memory_space<hbm>> -> memref<1x1x1x64xi32, #tpu.memory_space<hbm>>
        %dma_wait3A_381 = tpu.memref_squeeze %dma_wait3A_380 : memref<1x1x1x64xi32, #tpu.memory_space<hbm>> -> memref<64xi32, #tpu.memory_space<hbm>>
        %dma_wait3A_382 = arith.constant 0 : i32
        %dma_wait3A_383 = tpu.memref_slice %arg3[%arg0, %arg1, %add3A_378, %dma_wait3A_382] : memref<2x16x160x64xi32, #tpu.memory_space<hbm>> -> memref<1x1x1x64xi32, #tpu.memory_space<hbm>>
        %dma_wait3A_384 = tpu.memref_squeeze %dma_wait3A_383 : memref<1x1x1x64xi32, #tpu.memory_space<hbm>> -> memref<64xi32, #tpu.memory_space<hbm>>
        tpu.wait_dma2 semaphore(%arg30 : memref<!tpu.dma_semaphore, #tpu.memory_space<semaphore_mem>>) src(%dma_wait3A_384 : memref<64xi32, #tpu.memory_space<hbm>>) dst(%arg9 : memref<64xi32, #tpu.memory_space<vmem>>)
        %dma_start3A_385 = arith.constant 0 : i32
        %dma_start3A_386 = arith.constant 0 : i32
        %dma_start3A_387 = tpu.memref_slice %arg2[%dma_start3A_385, %dma_start3A_386] : memref<20480x128xf32, #tpu.memory_space<hbm>> -> memref<20480x128xf32, #tpu.memory_space<hbm>>
        tpu.enqueue_indirect_dma source(%dma_start3A_387 : memref<20480x128xf32, #tpu.memory_space<hbm>>) target(%arg25 : memref<64x128xf32, #tpu.memory_space<vmem>>) offsets(%arg9 : memref<64xi32, #tpu.memory_space<vmem>>) semaphore(%arg46 : memref<!tpu.dma_semaphore, #tpu.memory_space<semaphore_mem>>)
      } else {
      }
      %add3A_342 = arith.constant 8 : i32
      %add3A_343 = arith.addi %add3A_325, %add3A_342 : i32
      %lt3A_344 = arith.constant 160 : i32
      %lt3A_345 = arith.cmpi slt, %add3A_343, %lt3A_344 : i32
      %convert_element_type3A_346 = arith.extui %lt3A_345 : i1 to i32
      %cond3A_347 = arith.constant 0 : i32
      %cond3A_348 = arith.cmpi ne, %convert_element_type3A_346, %cond3A_347 : i32
      scf.if %cond3A_348 {
        %add3A_377 = arith.constant 8 : i32
        %add3A_378 = arith.addi %add3A_325, %add3A_377 : i32
        %dma_start3A_379 = arith.constant 0 : i32
        %dma_start3A_380 = tpu.memref_slice %arg3[%arg0, %arg1, %add3A_378, %dma_start3A_379] : memref<2x16x160x64xi32, #tpu.memory_space<hbm>> -> memref<1x1x1x64xi32, #tpu.memory_space<hbm>>
        %dma_start3A_381 = tpu.memref_squeeze %dma_start3A_380 : memref<1x1x1x64xi32, #tpu.memory_space<hbm>> -> memref<64xi32, #tpu.memory_space<hbm>>
        %dma_start3A_382 = arith.constant 0 : i32
        %dma_start3A_383 = tpu.memref_slice %arg3[%arg0, %arg1, %add3A_378, %dma_start3A_382] : memref<2x16x160x64xi32, #tpu.memory_space<hbm>> -> memref<1x1x1x64xi32, #tpu.memory_space<hbm>>
        %dma_start3A_384 = tpu.memref_squeeze %dma_start3A_383 : memref<1x1x1x64xi32, #tpu.memory_space<hbm>> -> memref<64xi32, #tpu.memory_space<hbm>>
        tpu.enqueue_dma source(%dma_start3A_384 : memref<64xi32, #tpu.memory_space<hbm>>) target(%arg13 : memref<64xi32, #tpu.memory_space<vmem>>) target_semaphore(%arg34 : memref<!tpu.dma_semaphore, #tpu.memory_space<semaphore_mem>>)
        %add3A_385 = arith.constant 8 : i32
        %add3A_386 = arith.addi %add3A_325, %add3A_385 : i32
        %dma_start3A_387 = arith.constant 0 : i32
        %dma_start3A_388 = tpu.memref_slice %arg4[%arg1, %add3A_386, %dma_start3A_387] : memref<16x160x64xi32, #tpu.memory_space<hbm>> -> memref<1x1x64xi32, #tpu.memory_space<hbm>>
        %dma_start3A_389 = tpu.memref_squeeze %dma_start3A_388 : memref<1x1x64xi32, #tpu.memory_space<hbm>> -> memref<64xi32, #tpu.memory_space<hbm>>
        %dma_start3A_390 = arith.constant 0 : i32
        %dma_start3A_391 = tpu.memref_slice %arg4[%arg1, %add3A_386, %dma_start3A_390] : memref<16x160x64xi32, #tpu.memory_space<hbm>> -> memref<1x1x64xi32, #tpu.memory_space<hbm>>
        %dma_start3A_392 = tpu.memref_squeeze %dma_start3A_391 : memref<1x1x64xi32, #tpu.memory_space<hbm>> -> memref<64xi32, #tpu.memory_space<hbm>>
        tpu.enqueue_dma source(%dma_start3A_392 : memref<64xi32, #tpu.memory_space<hbm>>) target(%arg21 : memref<64xi32, #tpu.memory_space<vmem>>) target_semaphore(%arg42 : memref<!tpu.dma_semaphore, #tpu.memory_space<semaphore_mem>>)
      } else {
      }
      %mul3A_349 = arith.constant 8 : i32
      %mul3A_350 = arith.muli %scan3A_162, %mul3A_349 : i32
      %add3A_351 = arith.constant 7 : i32
      %add3A_352 = arith.addi %mul3A_350, %add3A_351 : i32
      %dma_wait3A_353 = arith.constant 0 : i32
      %dma_wait3A_354 = arith.constant 0 : i32
      %dma_wait3A_355 = tpu.memref_slice %arg2[%dma_wait3A_353, %dma_wait3A_354] : memref<20480x128xf32, #tpu.memory_space<hbm>> -> memref<20480x128xf32, #tpu.memory_space<hbm>>
      tpu.wait_indirect_dma semaphore(%arg47 : memref<!tpu.dma_semaphore, #tpu.memory_space<semaphore_mem>>) src(%dma_wait3A_355 : memref<20480x128xf32, #tpu.memory_space<hbm>>) dst(%arg26 : memref<64x128xf32, #tpu.memory_space<vmem>>)
      %dma_wait3A_356 = arith.constant 0 : i32
      %dma_wait3A_357 = tpu.memref_slice %arg4[%arg1, %add3A_352, %dma_wait3A_356] : memref<16x160x64xi32, #tpu.memory_space<hbm>> -> memref<1x1x64xi32, #tpu.memory_space<hbm>>
      %dma_wait3A_358 = tpu.memref_squeeze %dma_wait3A_357 : memref<1x1x64xi32, #tpu.memory_space<hbm>> -> memref<64xi32, #tpu.memory_space<hbm>>
      %dma_wait3A_359 = arith.constant 0 : i32
      %dma_wait3A_360 = tpu.memref_slice %arg4[%arg1, %add3A_352, %dma_wait3A_359] : memref<16x160x64xi32, #tpu.memory_space<hbm>> -> memref<1x1x64xi32, #tpu.memory_space<hbm>>
      %dma_wait3A_361 = tpu.memref_squeeze %dma_wait3A_360 : memref<1x1x64xi32, #tpu.memory_space<hbm>> -> memref<64xi32, #tpu.memory_space<hbm>>
      tpu.wait_dma2 semaphore(%arg43 : memref<!tpu.dma_semaphore, #tpu.memory_space<semaphore_mem>>) src(%dma_wait3A_361 : memref<64xi32, #tpu.memory_space<hbm>>) dst(%arg22 : memref<64xi32, #tpu.memory_space<vmem>>)
      "tpu.region"() ({
        %run_scoped3A = tpu.sem_alloc : memref<!tpu.dma_semaphore, #tpu.memory_space<semaphore_mem>>
        %dma_start3A_377 = arith.constant 0 : i32
        %dma_start3A_378 = arith.constant 0 : i32
        %dma_start3A_379 = tpu.memref_slice %arg27[%dma_start3A_377, %dma_start3A_378] : memref<10240x128xf32, #tpu.memory_space<vmem_shared>> -> memref<10240x128xf32, #tpu.memory_space<vmem_shared>>
        tpu.enqueue_indirect_dma source(%arg26 : memref<64x128xf32, #tpu.memory_space<vmem>>) target(%dma_start3A_379 : memref<10240x128xf32, #tpu.memory_space<vmem_shared>>) offsets(%arg22 : memref<64xi32, #tpu.memory_space<vmem>>) semaphore(%run_scoped3A : memref<!tpu.dma_semaphore, #tpu.memory_space<semaphore_mem>>) {add = true}
        %dma_wait3A_380 = arith.constant 0 : i32
        %dma_wait3A_381 = arith.constant 0 : i32
        %dma_wait3A_382 = tpu.memref_slice %arg27[%dma_wait3A_380, %dma_wait3A_381] : memref<10240x128xf32, #tpu.memory_space<vmem_shared>> -> memref<10240x128xf32, #tpu.memory_space<vmem_shared>>
        tpu.wait_indirect_dma semaphore(%run_scoped3A : memref<!tpu.dma_semaphore, #tpu.memory_space<semaphore_mem>>) src(%arg26 : memref<64x128xf32, #tpu.memory_space<vmem>>) dst(%dma_wait3A_382 : memref<10240x128xf32, #tpu.memory_space<vmem_shared>>)
        tpu.yield
      }) : () -> ()
      %add3A_362 = arith.constant 4 : i32
      %add3A_363 = arith.addi %add3A_352, %add3A_362 : i32
      %lt3A_364 = arith.constant 160 : i32
      %lt3A_365 = arith.cmpi slt, %add3A_363, %lt3A_364 : i32
      %convert_element_type3A_366 = arith.extui %lt3A_365 : i1 to i32
      %cond3A_367 = arith.constant 0 : i32
      %cond3A_368 = arith.cmpi ne, %convert_element_type3A_366, %cond3A_367 : i32
      scf.if %cond3A_368 {
        %add3A_377 = arith.constant 4 : i32
        %add3A_378 = arith.addi %add3A_352, %add3A_377 : i32
        %dma_wait3A_379 = arith.constant 0 : i32
        %dma_wait3A_380 = tpu.memref_slice %arg3[%arg0, %arg1, %add3A_378, %dma_wait3A_379] : memref<2x16x160x64xi32, #tpu.memory_space<hbm>> -> memref<1x1x1x64xi32, #tpu.memory_space<hbm>>
        %dma_wait3A_381 = tpu.memref_squeeze %dma_wait3A_380 : memref<1x1x1x64xi32, #tpu.memory_space<hbm>> -> memref<64xi32, #tpu.memory_space<hbm>>
        %dma_wait3A_382 = arith.constant 0 : i32
        %dma_wait3A_383 = tpu.memref_slice %arg3[%arg0, %arg1, %add3A_378, %dma_wait3A_382] : memref<2x16x160x64xi32, #tpu.memory_space<hbm>> -> memref<1x1x1x64xi32, #tpu.memory_space<hbm>>
        %dma_wait3A_384 = tpu.memref_squeeze %dma_wait3A_383 : memref<1x1x1x64xi32, #tpu.memory_space<hbm>> -> memref<64xi32, #tpu.memory_space<hbm>>
        tpu.wait_dma2 semaphore(%arg31 : memref<!tpu.dma_semaphore, #tpu.memory_space<semaphore_mem>>) src(%dma_wait3A_384 : memref<64xi32, #tpu.memory_space<hbm>>) dst(%arg10 : memref<64xi32, #tpu.memory_space<vmem>>)
        %dma_start3A_385 = arith.constant 0 : i32
        %dma_start3A_386 = arith.constant 0 : i32
        %dma_start3A_387 = tpu.memref_slice %arg2[%dma_start3A_385, %dma_start3A_386] : memref<20480x128xf32, #tpu.memory_space<hbm>> -> memref<20480x128xf32, #tpu.memory_space<hbm>>
        tpu.enqueue_indirect_dma source(%dma_start3A_387 : memref<20480x128xf32, #tpu.memory_space<hbm>>) target(%arg26 : memref<64x128xf32, #tpu.memory_space<vmem>>) offsets(%arg10 : memref<64xi32, #tpu.memory_space<vmem>>) semaphore(%arg47 : memref<!tpu.dma_semaphore, #tpu.memory_space<semaphore_mem>>)
      } else {
      }
      %add3A_369 = arith.constant 8 : i32
      %add3A_370 = arith.addi %add3A_352, %add3A_369 : i32
      %lt3A_371 = arith.constant 160 : i32
      %lt3A_372 = arith.cmpi slt, %add3A_370, %lt3A_371 : i32
      %convert_element_type3A_373 = arith.extui %lt3A_372 : i1 to i32
      %cond3A_374 = arith.constant 0 : i32
      %cond3A_375 = arith.cmpi ne, %convert_element_type3A_373, %cond3A_374 : i32
      scf.if %cond3A_375 {
        %add3A_377 = arith.constant 8 : i32
        %add3A_378 = arith.addi %add3A_352, %add3A_377 : i32
        %dma_start3A_379 = arith.constant 0 : i32
        %dma_start3A_380 = tpu.memref_slice %arg3[%arg0, %arg1, %add3A_378, %dma_start3A_379] : memref<2x16x160x64xi32, #tpu.memory_space<hbm>> -> memref<1x1x1x64xi32, #tpu.memory_space<hbm>>
        %dma_start3A_381 = tpu.memref_squeeze %dma_start3A_380 : memref<1x1x1x64xi32, #tpu.memory_space<hbm>> -> memref<64xi32, #tpu.memory_space<hbm>>
        %dma_start3A_382 = arith.constant 0 : i32
        %dma_start3A_383 = tpu.memref_slice %arg3[%arg0, %arg1, %add3A_378, %dma_start3A_382] : memref<2x16x160x64xi32, #tpu.memory_space<hbm>> -> memref<1x1x1x64xi32, #tpu.memory_space<hbm>>
        %dma_start3A_384 = tpu.memref_squeeze %dma_start3A_383 : memref<1x1x1x64xi32, #tpu.memory_space<hbm>> -> memref<64xi32, #tpu.memory_space<hbm>>
        tpu.enqueue_dma source(%dma_start3A_384 : memref<64xi32, #tpu.memory_space<hbm>>) target(%arg14 : memref<64xi32, #tpu.memory_space<vmem>>) target_semaphore(%arg35 : memref<!tpu.dma_semaphore, #tpu.memory_space<semaphore_mem>>)
        %add3A_385 = arith.constant 8 : i32
        %add3A_386 = arith.addi %add3A_352, %add3A_385 : i32
        %dma_start3A_387 = arith.constant 0 : i32
        %dma_start3A_388 = tpu.memref_slice %arg4[%arg1, %add3A_386, %dma_start3A_387] : memref<16x160x64xi32, #tpu.memory_space<hbm>> -> memref<1x1x64xi32, #tpu.memory_space<hbm>>
        %dma_start3A_389 = tpu.memref_squeeze %dma_start3A_388 : memref<1x1x64xi32, #tpu.memory_space<hbm>> -> memref<64xi32, #tpu.memory_space<hbm>>
        %dma_start3A_390 = arith.constant 0 : i32
        %dma_start3A_391 = tpu.memref_slice %arg4[%arg1, %add3A_386, %dma_start3A_390] : memref<16x160x64xi32, #tpu.memory_space<hbm>> -> memref<1x1x64xi32, #tpu.memory_space<hbm>>
        %dma_start3A_392 = tpu.memref_squeeze %dma_start3A_391 : memref<1x1x64xi32, #tpu.memory_space<hbm>> -> memref<64xi32, #tpu.memory_space<hbm>>
        tpu.enqueue_dma source(%dma_start3A_392 : memref<64xi32, #tpu.memory_space<hbm>>) target(%arg22 : memref<64xi32, #tpu.memory_space<vmem>>) target_semaphore(%arg43 : memref<!tpu.dma_semaphore, #tpu.memory_space<semaphore_mem>>)
      } else {
      }
      %scan3A_376 = arith.constant 0 : i32
      scf.yield %scan3A_376 : i32
    }
    %scan3A_156 = arith.constant 20 : i32
    %barrier3A_157 = arith.constant 0 : index
    tpu.barrier barrier_id(%barrier3A_157)
    %mul3A_158 = arith.constant 640 : i32
    %mul3A_159 = arith.muli %arg1, %mul3A_158 : i32
    %mul3A_160 = arith.constant 640 : i32
    %mul3A_161 = arith.muli %arg1, %mul3A_160 : i32
    "tpu.region"() ({
      %run_scoped3A = tpu.sem_alloc : memref<!tpu.dma_semaphore, #tpu.memory_space<semaphore_mem>>
      %dma_start3A_162 = arith.constant 0 : i32
      %dma_start3A_163 = arith.constant 0 : i32
      %dma_start3A_164 = tpu.memref_slice %arg6[%arg0, %dma_start3A_162, %dma_start3A_163] : memref<2x10240x128xf32, #tpu.memory_space<hbm>> -> memref<1x10240x128xf32, #tpu.memory_space<hbm>>
      %dma_start3A_165 = tpu.memref_squeeze %dma_start3A_164 : memref<1x10240x128xf32, #tpu.memory_space<hbm>> -> memref<10240x128xf32, #tpu.memory_space<hbm>>
      %dma_start3A_166 = arith.constant 0 : i32
      %dma_start3A_167 = tpu.memref_slice %dma_start3A_165[%mul3A_161, %dma_start3A_166] : memref<10240x128xf32, #tpu.memory_space<hbm>> -> memref<640x128xf32, #tpu.memory_space<hbm>>
      %dma_start3A_168 = arith.constant 0 : i32
      %dma_start3A_169 = tpu.memref_slice %arg27[%mul3A_159, %dma_start3A_168] : memref<10240x128xf32, #tpu.memory_space<vmem_shared>> -> memref<640x128xf32, #tpu.memory_space<vmem_shared>>
      tpu.enqueue_dma source(%dma_start3A_169 : memref<640x128xf32, #tpu.memory_space<vmem_shared>>) target(%dma_start3A_167 : memref<640x128xf32, #tpu.memory_space<hbm>>) target_semaphore(%run_scoped3A : memref<!tpu.dma_semaphore, #tpu.memory_space<semaphore_mem>>)
      %dma_wait3A_170 = arith.constant 0 : i32
      %dma_wait3A_171 = arith.constant 0 : i32
      %dma_wait3A_172 = tpu.memref_slice %arg6[%arg0, %dma_wait3A_170, %dma_wait3A_171] : memref<2x10240x128xf32, #tpu.memory_space<hbm>> -> memref<1x10240x128xf32, #tpu.memory_space<hbm>>
      %dma_wait3A_173 = tpu.memref_squeeze %dma_wait3A_172 : memref<1x10240x128xf32, #tpu.memory_space<hbm>> -> memref<10240x128xf32, #tpu.memory_space<hbm>>
      %dma_wait3A_174 = arith.constant 0 : i32
      %dma_wait3A_175 = tpu.memref_slice %dma_wait3A_173[%mul3A_161, %dma_wait3A_174] : memref<10240x128xf32, #tpu.memory_space<hbm>> -> memref<640x128xf32, #tpu.memory_space<hbm>>
      %dma_wait3A_176 = arith.constant 0 : i32
      %dma_wait3A_177 = tpu.memref_slice %arg27[%mul3A_159, %dma_wait3A_176] : memref<10240x128xf32, #tpu.memory_space<vmem_shared>> -> memref<640x128xf32, #tpu.memory_space<vmem_shared>>
      tpu.wait_dma2 semaphore(%run_scoped3A : memref<!tpu.dma_semaphore, #tpu.memory_space<semaphore_mem>>) src(%dma_wait3A_177 : memref<640x128xf32, #tpu.memory_space<vmem_shared>>) dst(%dma_wait3A_175 : memref<640x128xf32, #tpu.memory_space<hbm>>)
      tpu.yield
    }) : () -> ()
    return
  }
}

module attributes {stable_mosaic.version = 14 : i64} {
  func.func @_tc1_body(%arg0: i32, %arg1: memref<1024x256xf32, #tpu.memory_space<vmem>>, %arg2: memref<256x256xf32, #tpu.memory_space<vmem>>, %arg3: memref<2x1024x1xf32, #tpu.memory_space<vmem>>, %arg4: memref<2x1024x128xf32, #tpu.memory_space<vmem>>, %arg5: memref<1024x1xf32, #tpu.memory_space<vmem>>) attributes {dimension_semantics = [#tpu.dimension_semantics<arbitrary>], iteration_bounds = array<i64: 10>, scalar_prefetch = 0 : i64, scratch_operands = 0 : i64, tpu.core_type = #tpu.core_type<tc>, window_params = [{transform_indices = @transform_0, window_bounds = array<i64: 1024, 256>}, {pipeline_mode = #tpu.pipeline_mode<synchronous>, transform_indices = @transform_1, window_bounds = array<i64: 256, 256>}, {transform_indices = @transform_2, window_bounds = array<i64: 2, 1024, 1>}, {transform_indices = @transform_3, window_bounds = array<i64: 2, 1024, 128>}, {transform_indices = @transform_4, window_bounds = array<i64: 1024, 1>}]} {
    %get3A = arith.constant 0 : index
    %get3A_0 = arith.constant 0 : index
    %get3A_1 = arith.constant 0 : index
    %get3A_2 = vector.load %arg3[%get3A, %get3A_0, %get3A_1] : memref<2x1024x1xf32, #tpu.memory_space<vmem>>, vector<1x1024x1xf32>
    %get3A_3 = vector.shape_cast %get3A_2 : vector<1x1024x1xf32> to vector<1024x1xf32>
    %add3A = arith.constant 1.000000e+00 : f32
    %add3A_4 = vector.broadcast %add3A : f32 to vector<1024x1xf32>
    %add3A_5 = arith.addf %add3A_4, %get3A_3 : vector<1024x1xf32>
    %get3A_6 = arith.constant 1 : index
    %get3A_7 = arith.constant 0 : index
    %get3A_8 = arith.constant 0 : index
    %get3A_9 = vector.load %arg3[%get3A_6, %get3A_7, %get3A_8] : memref<2x1024x1xf32, #tpu.memory_space<vmem>>, vector<1x1024x1xf32>
    %get3A_10 = vector.shape_cast %get3A_9 : vector<1x1024x1xf32> to vector<1024x1xf32>
    %add3A_11 = arith.addf %add3A_5, %get3A_10 : vector<1024x1xf32>
    %rsqrt3A = math.rsqrt %add3A_11 : vector<1024x1xf32>
    %get3A_12 = arith.constant 0 : index
    %get3A_13 = arith.constant 0 : index
    %get3A_14 = vector.load %arg1[%get3A_12, %get3A_13] : memref<1024x256xf32, #tpu.memory_space<vmem>>, vector<1024x256xf32>
    %get3A_15 = arith.constant 0 : index
    %get3A_16 = arith.constant 0 : index
    %get3A_17 = vector.load %arg2[%get3A_15, %get3A_16] : memref<256x256xf32, #tpu.memory_space<vmem>>, vector<256x256xf32>
    %dot_general3A = arith.constant dense<0.000000e+00> : vector<1024x256xf32>
    %dot_general3A_18 = tpu.matmul %get3A_14, %get3A_17, %dot_general3A {dimension_numbers = #tpu.dot_dimension_numbers<[1], [0], [0], [1], [0, 0, 1, 1], [], []>, transpose_lhs_hint = false} : vector<1024x256xf32>, vector<256x256xf32>, vector<1024x256xf32> -> vector<1024x256xf32>
    %mul3A = vector.broadcast %rsqrt3A : vector<1024x1xf32> to vector<1024x256xf32>
    %mul3A_19 = arith.mulf %dot_general3A_18, %mul3A : vector<1024x256xf32>
    %slice3A = vector.extract_strided_slice %mul3A_19 {offsets = [0, 0], sizes = [1024, 128], strides = [1, 1]} : vector<1024x256xf32> to vector<1024x128xf32>
    %slice3A_20 = vector.extract_strided_slice %mul3A_19 {offsets = [0, 128], sizes = [1024, 128], strides = [1, 1]} : vector<1024x256xf32> to vector<1024x128xf32>
    %stack3A = vector.shape_cast %slice3A : vector<1024x128xf32> to vector<1x1024x128xf32>
    %stack3A_21 = vector.shape_cast %slice3A_20 : vector<1024x128xf32> to vector<1x1024x128xf32>
    %stack3A_22 = tpu.concatenate %stack3A, %stack3A_21 in 0 : vector<1x1024x128xf32>, vector<1x1024x128xf32> -> vector<2x1024x128xf32>
    %swap3A = arith.constant 0 : index
    %swap3A_23 = arith.constant 0 : index
    %swap3A_24 = arith.constant 0 : index
    %swap3A_25 = vector.load %arg4[%swap3A, %swap3A_23, %swap3A_24] : memref<2x1024x128xf32, #tpu.memory_space<vmem>>, vector<2x1024x128xf32>
    tpu.vector_store %arg4[%swap3A, %swap3A_23, %swap3A_24], %stack3A_22 {strides = array<i32>} : memref<2x1024x128xf32, #tpu.memory_space<vmem>>, vector<2x1024x128xf32>,
    %swap3A_26 = arith.constant 0 : index
    %swap3A_27 = arith.constant 0 : index
    %swap3A_28 = vector.load %arg5[%swap3A_26, %swap3A_27] : memref<1024x1xf32, #tpu.memory_space<vmem>>, vector<1024x1xf32>
    tpu.vector_store %arg5[%swap3A_26, %swap3A_27], %rsqrt3A {strides = array<i32>} : memref<1024x1xf32, #tpu.memory_space<vmem>>, vector<1024x1xf32>,
    return
  }
  func.func @transform_0(%arg0: i32) -> (i32, i32) {
    %c0_i32 = arith.constant 0 : i32
    %c0_i32_0 = arith.constant 0 : i32
    return %arg0, %c0_i32 : i32, i32
  }
  func.func @transform_1(%arg0: i32) -> (i32, i32) {
    %c0_i32 = arith.constant 0 : i32
    %c0_i32_0 = arith.constant 0 : i32
    %c0_i32_1 = arith.constant 0 : i32
    return %c0_i32, %c0_i32_0 : i32, i32
  }
  func.func @transform_2(%arg0: i32) -> (i32, i32, i32) {
    %c0_i32 = arith.constant 0 : i32
    %c0_i32_0 = arith.constant 0 : i32
    %c0_i32_1 = arith.constant 0 : i32
    return %c0_i32, %arg0, %c0_i32_0 : i32, i32, i32
  }
  func.func @transform_3(%arg0: i32) -> (i32, i32, i32) {
    %c0_i32 = arith.constant 0 : i32
    %c0_i32_0 = arith.constant 0 : i32
    %c0_i32_1 = arith.constant 0 : i32
    return %c0_i32, %arg0, %c0_i32_0 : i32, i32, i32
  }
  func.func @transform_4(%arg0: i32) -> (i32, i32) {
    %c0_i32 = arith.constant 0 : i32
    %c0_i32_0 = arith.constant 0 : i32
    return %arg0, %c0_i32 : i32, i32
  }
}

module attributes {stable_mosaic.version = 14 : i64} {
  func.func @_tc2_body(%arg0: i32, %arg1: memref<2x1024x128xf32, #tpu.memory_space<vmem>>, %arg2: memref<2x1024x128xf32, #tpu.memory_space<vmem>>, %arg3: memref<1024x1xf32, #tpu.memory_space<vmem>>, %arg4: memref<1x256xf32, #tpu.memory_space<vmem>>, %arg5: memref<256x256xf32, #tpu.memory_space<vmem>>, %arg6: memref<2x1024x128xf32, #tpu.memory_space<vmem>>) attributes {dimension_semantics = [#tpu.dimension_semantics<arbitrary>], iteration_bounds = array<i64: 10>, scalar_prefetch = 0 : i64, scratch_operands = 0 : i64, tpu.core_type = #tpu.core_type<tc>, window_params = [{transform_indices = @transform_0, window_bounds = array<i64: 2, 1024, 128>}, {transform_indices = @transform_1, window_bounds = array<i64: 2, 1024, 128>}, {transform_indices = @transform_2, window_bounds = array<i64: 1024, 1>}, {pipeline_mode = #tpu.pipeline_mode<synchronous>, transform_indices = @transform_3, window_bounds = array<i64: 1, 256>}, {pipeline_mode = #tpu.pipeline_mode<synchronous>, transform_indices = @transform_4, window_bounds = array<i64: 256, 256>}, {transform_indices = @transform_5, window_bounds = array<i64: 2, 1024, 128>}]} {
    %get3A = arith.constant 0 : index
    %get3A_0 = arith.constant 0 : index
    %get3A_1 = arith.constant 0 : index
    %get3A_2 = vector.load %arg2[%get3A, %get3A_0, %get3A_1] : memref<2x1024x128xf32, #tpu.memory_space<vmem>>, vector<2x1024x128xf32>
    %get3A_3 = arith.constant 0 : index
    %get3A_4 = arith.constant 0 : index
    %get3A_5 = arith.constant 0 : index
    %get3A_6 = vector.load %arg1[%get3A_3, %get3A_4, %get3A_5] : memref<2x1024x128xf32, #tpu.memory_space<vmem>>, vector<2x1024x128xf32>
    %add3A = arith.addf %get3A_2, %get3A_6 : vector<2x1024x128xf32>
    %slice3A = vector.extract_strided_slice %add3A {offsets = [0, 0, 0], sizes = [1, 1024, 128], strides = [1, 1, 1]} : vector<2x1024x128xf32> to vector<1x1024x128xf32>
    %squeeze3A = vector.shape_cast %slice3A : vector<1x1024x128xf32> to vector<1024x128xf32>
    %slice3A_7 = vector.extract_strided_slice %add3A {offsets = [1, 0, 0], sizes = [1, 1024, 128], strides = [1, 1, 1]} : vector<2x1024x128xf32> to vector<1x1024x128xf32>
    %squeeze3A_8 = vector.shape_cast %slice3A_7 : vector<1x1024x128xf32> to vector<1024x128xf32>
    %concatenate3A = tpu.concatenate %squeeze3A, %squeeze3A_8 in 1 : vector<1024x128xf32>, vector<1024x128xf32> -> vector<1024x256xf32>
    %get3A_9 = arith.constant 0 : index
    %get3A_10 = arith.constant 0 : index
    %get3A_11 = vector.load %arg3[%get3A_9, %get3A_10] : memref<1024x1xf32, #tpu.memory_space<vmem>>, vector<1024x1xf32>
    %mul3A = vector.broadcast %get3A_11 : vector<1024x1xf32> to vector<1024x256xf32>
    %mul3A_12 = arith.mulf %mul3A, %concatenate3A : vector<1024x256xf32>
    %get3A_13 = arith.constant 0 : index
    %get3A_14 = arith.constant 0 : index
    %get3A_15 = vector.load %arg4[%get3A_13, %get3A_14] : memref<1x256xf32, #tpu.memory_space<vmem>>, vector<1x256xf32>
    %add3A_16 = vector.broadcast %get3A_15 : vector<1x256xf32> to vector<1024x256xf32>
    %add3A_17 = arith.addf %mul3A_12, %add3A_16 : vector<1024x256xf32>
    %max3A = arith.constant 0.000000e+00 : f32
    %max3A_18 = vector.broadcast %max3A : f32 to vector<1024x256xf32>
    %max3A_19 = arith.maximumf %add3A_17, %max3A_18 : vector<1024x256xf32>
    %get3A_20 = arith.constant 0 : index
    %get3A_21 = arith.constant 0 : index
    %get3A_22 = vector.load %arg5[%get3A_20, %get3A_21] : memref<256x256xf32, #tpu.memory_space<vmem>>, vector<256x256xf32>
    %dot_general3A = arith.constant dense<0.000000e+00> : vector<1024x256xf32>
    %dot_general3A_23 = tpu.matmul %max3A_19, %get3A_22, %dot_general3A {dimension_numbers = #tpu.dot_dimension_numbers<[1], [0], [0], [1], [0, 0, 1, 1], [], []>, transpose_lhs_hint = false} : vector<1024x256xf32>, vector<256x256xf32>, vector<1024x256xf32> -> vector<1024x256xf32>
    %mul3A_24 = vector.broadcast %get3A_11 : vector<1024x1xf32> to vector<1024x256xf32>
    %mul3A_25 = arith.mulf %dot_general3A_23, %mul3A_24 : vector<1024x256xf32>
    %slice3A_26 = vector.extract_strided_slice %mul3A_25 {offsets = [0, 0], sizes = [1024, 128], strides = [1, 1]} : vector<1024x256xf32> to vector<1024x128xf32>
    %slice3A_27 = vector.extract_strided_slice %mul3A_25 {offsets = [0, 128], sizes = [1024, 128], strides = [1, 1]} : vector<1024x256xf32> to vector<1024x128xf32>
    %stack3A = vector.shape_cast %slice3A_26 : vector<1024x128xf32> to vector<1x1024x128xf32>
    %stack3A_28 = vector.shape_cast %slice3A_27 : vector<1024x128xf32> to vector<1x1024x128xf32>
    %stack3A_29 = tpu.concatenate %stack3A, %stack3A_28 in 0 : vector<1x1024x128xf32>, vector<1x1024x128xf32> -> vector<2x1024x128xf32>
    %swap3A = arith.constant 0 : index
    %swap3A_30 = arith.constant 0 : index
    %swap3A_31 = arith.constant 0 : index
    %swap3A_32 = vector.load %arg6[%swap3A, %swap3A_30, %swap3A_31] : memref<2x1024x128xf32, #tpu.memory_space<vmem>>, vector<2x1024x128xf32>
    tpu.vector_store %arg6[%swap3A, %swap3A_30, %swap3A_31], %stack3A_29 {strides = array<i32>} : memref<2x1024x128xf32, #tpu.memory_space<vmem>>, vector<2x1024x128xf32>,
    return
  }
  func.func @transform_0(%arg0: i32) -> (i32, i32, i32) {
    %c0_i32 = arith.constant 0 : i32
    %c0_i32_0 = arith.constant 0 : i32
    %c0_i32_1 = arith.constant 0 : i32
    return %c0_i32, %arg0, %c0_i32_0 : i32, i32, i32
  }
  func.func @transform_1(%arg0: i32) -> (i32, i32, i32) {
    %c0_i32 = arith.constant 0 : i32
    %c0_i32_0 = arith.constant 0 : i32
    %c0_i32_1 = arith.constant 0 : i32
    return %c0_i32, %arg0, %c0_i32_0 : i32, i32, i32
  }
  func.func @transform_2(%arg0: i32) -> (i32, i32) {
    %c0_i32 = arith.constant 0 : i32
    %c0_i32_0 = arith.constant 0 : i32
    return %arg0, %c0_i32 : i32, i32
  }
  func.func @transform_3(%arg0: i32) -> (i32, i32) {
    %c0_i32 = arith.constant 0 : i32
    %c0_i32_0 = arith.constant 0 : i32
    %c0_i32_1 = arith.constant 0 : i32
    return %c0_i32, %c0_i32_0 : i32, i32
  }
  func.func @transform_4(%arg0: i32) -> (i32, i32) {
    %c0_i32 = arith.constant 0 : i32
    %c0_i32_0 = arith.constant 0 : i32
    %c0_i32_1 = arith.constant 0 : i32
    return %c0_i32, %c0_i32_0 : i32, i32
  }
  func.func @transform_5(%arg0: i32) -> (i32, i32, i32) {
    %c0_i32 = arith.constant 0 : i32
    %c0_i32_0 = arith.constant 0 : i32
    %c0_i32_1 = arith.constant 0 : i32
    return %c0_i32, %arg0, %c0_i32_0 : i32, i32, i32
  }
}

module attributes {stable_mosaic.version = 14 : i64} {
  func.func @_tc3_body(%arg0: i32, %arg1: memref<2x1024x128xf32, #tpu.memory_space<vmem>>, %arg2: memref<2x1024x128xf32, #tpu.memory_space<vmem>>, %arg3: memref<1024x1xf32, #tpu.memory_space<vmem>>, %arg4: memref<1x256xf32, #tpu.memory_space<vmem>>, %arg5: memref<1024x256xf32, #tpu.memory_space<vmem>>) attributes {dimension_semantics = [#tpu.dimension_semantics<arbitrary>], iteration_bounds = array<i64: 10>, scalar_prefetch = 0 : i64, scratch_operands = 0 : i64, tpu.core_type = #tpu.core_type<tc>, window_params = [{transform_indices = @transform_0, window_bounds = array<i64: 2, 1024, 128>}, {transform_indices = @transform_1, window_bounds = array<i64: 2, 1024, 128>}, {transform_indices = @transform_2, window_bounds = array<i64: 1024, 1>}, {pipeline_mode = #tpu.pipeline_mode<synchronous>, transform_indices = @transform_3, window_bounds = array<i64: 1, 256>}, {transform_indices = @transform_4, window_bounds = array<i64: 1024, 256>}]} {
    %get3A = arith.constant 0 : index
    %get3A_0 = arith.constant 0 : index
    %get3A_1 = arith.constant 0 : index
    %get3A_2 = vector.load %arg2[%get3A, %get3A_0, %get3A_1] : memref<2x1024x128xf32, #tpu.memory_space<vmem>>, vector<2x1024x128xf32>
    %get3A_3 = arith.constant 0 : index
    %get3A_4 = arith.constant 0 : index
    %get3A_5 = arith.constant 0 : index
    %get3A_6 = vector.load %arg1[%get3A_3, %get3A_4, %get3A_5] : memref<2x1024x128xf32, #tpu.memory_space<vmem>>, vector<2x1024x128xf32>
    %add3A = arith.addf %get3A_2, %get3A_6 : vector<2x1024x128xf32>
    %slice3A = vector.extract_strided_slice %add3A {offsets = [0, 0, 0], sizes = [1, 1024, 128], strides = [1, 1, 1]} : vector<2x1024x128xf32> to vector<1x1024x128xf32>
    %squeeze3A = vector.shape_cast %slice3A : vector<1x1024x128xf32> to vector<1024x128xf32>
    %slice3A_7 = vector.extract_strided_slice %add3A {offsets = [1, 0, 0], sizes = [1, 1024, 128], strides = [1, 1, 1]} : vector<2x1024x128xf32> to vector<1x1024x128xf32>
    %squeeze3A_8 = vector.shape_cast %slice3A_7 : vector<1x1024x128xf32> to vector<1024x128xf32>
    %concatenate3A = tpu.concatenate %squeeze3A, %squeeze3A_8 in 1 : vector<1024x128xf32>, vector<1024x128xf32> -> vector<1024x256xf32>
    %get3A_9 = arith.constant 0 : index
    %get3A_10 = arith.constant 0 : index
    %get3A_11 = vector.load %arg3[%get3A_9, %get3A_10] : memref<1024x1xf32, #tpu.memory_space<vmem>>, vector<1024x1xf32>
    %mul3A = vector.broadcast %get3A_11 : vector<1024x1xf32> to vector<1024x256xf32>
    %mul3A_12 = arith.mulf %mul3A, %concatenate3A : vector<1024x256xf32>
    %get3A_13 = arith.constant 0 : index
    %get3A_14 = arith.constant 0 : index
    %get3A_15 = vector.load %arg4[%get3A_13, %get3A_14] : memref<1x256xf32, #tpu.memory_space<vmem>>, vector<1x256xf32>
    %add3A_16 = vector.broadcast %get3A_15 : vector<1x256xf32> to vector<1024x256xf32>
    %add3A_17 = arith.addf %mul3A_12, %add3A_16 : vector<1024x256xf32>
    %swap3A = arith.constant 0 : index
    %swap3A_18 = arith.constant 0 : index
    %swap3A_19 = vector.load %arg5[%swap3A, %swap3A_18] : memref<1024x256xf32, #tpu.memory_space<vmem>>, vector<1024x256xf32>
    tpu.vector_store %arg5[%swap3A, %swap3A_18], %add3A_17 {strides = array<i32>} : memref<1024x256xf32, #tpu.memory_space<vmem>>, vector<1024x256xf32>,
    return
  }
  func.func @transform_0(%arg0: i32) -> (i32, i32, i32) {
    %c0_i32 = arith.constant 0 : i32
    %c0_i32_0 = arith.constant 0 : i32
    %c0_i32_1 = arith.constant 0 : i32
    return %c0_i32, %arg0, %c0_i32_0 : i32, i32, i32
  }
  func.func @transform_1(%arg0: i32) -> (i32, i32, i32) {
    %c0_i32 = arith.constant 0 : i32
    %c0_i32_0 = arith.constant 0 : i32
    %c0_i32_1 = arith.constant 0 : i32
    return %c0_i32, %arg0, %c0_i32_0 : i32, i32, i32
  }
  func.func @transform_2(%arg0: i32) -> (i32, i32) {
    %c0_i32 = arith.constant 0 : i32
    %c0_i32_0 = arith.constant 0 : i32
    return %arg0, %c0_i32 : i32, i32
  }
  func.func @transform_3(%arg0: i32) -> (i32, i32) {
    %c0_i32 = arith.constant 0 : i32
    %c0_i32_0 = arith.constant 0 : i32
    %c0_i32_1 = arith.constant 0 : i32
    return %c0_i32, %c0_i32_0 : i32, i32
  }
  func.func @transform_4(%arg0: i32) -> (i32, i32) {
    %c0_i32 = arith.constant 0 : i32
    %c0_i32_0 = arith.constant 0 : i32
    return %arg0, %c0_i32 : i32, i32
  }
}

</mosaic_0001>

<sc_bundles>
// kernel: kernel.11.cloned.1.call-start
scs
__scs_entry_jumppad:
0x0: {  	(pc) =	sbr.rel $0x88, $3  }
0x1: {  	(tag) =	ssettag $0x0;
	lr =	simm.s32 $0x1  }
0x2: {  	[smem:$0x3F9B] =	sst lr;
	_ =	strace $0xD0000000  }
0x3: {  	_ = 	snop  }
0x4: {  	_ = 	snop  }
0x5: {  	_ = 	snop  }
0x6: {  	_ = 	snop  }
0x7: {  	_ = 	snop  }
__scs_overlays_trampoline_lowered:
0x8: {  	[smem:$0x3FAA] =	sst s0  }
0x9: {  	[smem:$0x3FAB] =	sst s1  }
0xa: {  	[smem:$0x3FAC] =	sst s2  }
0xb: {  	[smem:$0x3FAD] =	sst s3  }
0xc: {  	[smem:$0x3FAE] =	sst s4  }
0xd: {  	[smem:$0x3FAF] =	sst s5  }
0xe: {  	[smem:$0x3FB0] =	sst s6  }
0xf: {  	[smem:$0x3FB1] =	sst s7  }
0x10: {  	[smem:$0x3FB2] =	sst s8  }
0x11: {  	[smem:$0x3FB3] =	sst s9;
	s0 =	simm.s32 @!p0 $0x0  }
0x12: {  	s1 =	sld [smem:$0x3F99];
	s0 =	simm.s32 @p0 $0x1  }
0x13: {  	[smem:$0x3FB4] =	sst s0;
	s0 =	simm.s32 @!p1 $0x0  }
0x14: {  	s2 =	sld [smem:$0x3F98];
	s0 =	simm.s32 @p1 $0x1  }
0x15: {  	[smem:$0x3FB5] =	sst s0;
	s0 =	simm.s32 @!p2 $0x0  }
0x16: {  	s3 =	sld [smem:$0x3FDB];
	s0 =	simm.s32 @p2 $0x1  }
0x17: {  	s4 =	simm.s32 $0x1BF5;
	[smem:$0x3FB7] =	sst s0  }
0x18: {  	s0 =	sld [smem:$0x3F9A];
	_ =	swait.ge [sflag:s4], $0x0  }
0x19: {  	s7 =	sld [smem:$0x3F9B]  }
0x1a: {  	s8 =	sadd.s32 $0xFFFFE003, lr  }
0x1b: {  	s9 =	sadd.s32 $0xFFFFFEF7, lr;
	s5 =	simm.s32 $0xFFFFFFFF;
	p2 =	slt.u32 s8, $0xFFFFF086  }
0x1c: {  	p1 =	slt.u32 s9, $0xF7A;
	s5 =	simm.s32 @!p2 $0x0  }
0x1d: {  	s5 =	simm.s32 @p1 $0x1;
	p0 =	seq.s32 s7, s2  }
0x1e: {  	s7 =	smul.u32 @!p0 $0xF7A, s2;
	p2 =	seq.s32 @!p0 s5, $0x0  }
0x1f: {  	s9 =	smul.u32 $0xF7A, s1;
	s8 =	simm.s32 @!p0 $0x1BF5;
	p2 =	por !p2, p0  }
0x20: {  	[sflag:s8] =	ssyncset.s32 @!p0 $0xFFFFF086;
	s6 =	sadd.s32 @!p0 s3, s7;
	s7 =	simm.s32 @!p0 $0x108  }
0x21: {  	s3 =	sadd.s32 s3, s9;
	s6 =	sadd.s32 @!p0 $0x88, s6;
	s7 =	simm.s32 @p2 $0x1082  }
0x22: {  	[simem:s7], [sflag:s8] =	dma.local @!p0 [hbm:s6], $0xF7A  }
0x23: {  	s9 =	sor.u32 $0xD0000000, s2;
	s6 =	simm.s32 $0x108;
	_ =	swait.ge @!p0 [sflag:s8], $0x0  }
0x24: {  	s3 =	sadd.s32 $0x88, s3;
	s6 =	simm.s32 @!p1 $0x1082;
	[sflag:s4] =	ssyncset.s32 $0xFFFFF086  }
0x25: {  	[simem:s6], [sflag:s4] =	dma.local [hbm:s3], $0xF7A  }
0x26: {  	[smem:$0x3F9B] =	sst s1;
	(tag) =	ssettag s2;
	_ =	strace s9  }
0x27: {  	s1 =	sld [smem:$0x3FAB]  }
0x28: {  	s2 =	sld [smem:$0x3FAC]  }
0x29: {  	s4 =	sld [smem:$0x3FAE]  }
0x2a: {  	p0 =	seq.s32 s5, $0x0;
	s5 =	sld [smem:$0x3FAF]  }
0x2b: {  	s6 =	sld [smem:$0x3FB0]  }
0x2c: {  	s7 =	sld [smem:$0x3FB1]  }
0x2d: {  	s3 =	simm.s32 $0x108;
	s8 =	sld [smem:$0x3FB2]  }
0x2e: {  	s3 =	simm.s32 @!p0 $0x1082;
	s9 =	sld [smem:$0x3FB3]  }
0x2f: {  	lr =	sadd.s32 s0, s3;
	s0 =	sld [smem:$0x3FAA]  }
0x30: {  	s3 =	sld [smem:$0x3FAD]  }
0x31: {  	[smem:$0x3FB6] =	sst s10  }
0x32: {  	s10 =	sld [smem:$0x3FB4];
	_ =	sdelay $0x3  }
0x33: {  	p0 =	seq.s32 s10, $0x1;
	s10 =	sld [smem:$0x3FB6];
	_ =	sdelay $0x3  }
0x34: {  	[smem:$0x3FB6] =	sst s10  }
0x35: {  	s10 =	sld [smem:$0x3FB5];
	_ =	sdelay $0x3  }
0x36: {  	p1 =	seq.s32 s10, $0x1;
	s10 =	sld [smem:$0x3FB6];
	_ =	sdelay $0x3  }
0x37: {  	[smem:$0x3FB6] =	sst s10  }
0x38: {  	s10 =	sld [smem:$0x3FB7]  }
0x39: {  	_ = 	snop;
	(pc) =	sbr.ind lr, $3  }
0x3a: {  	_ = 	snop  }
0x3b: {  	_ = 	snop  }
0x3c: {  	p2 =	seq.s32 s10, $0x1;
	s10 =	sld [smem:$0x3FB6]  }
0x3d: {  	_ =	shalt  }
0x3e: {  	_ =	shalt  }
0x3f: {  	_ =	shalt  }
0x40: {  	_ =	shalt  }
0x41: {  	_ =	shalt  }
0x42: {  	_ =	shalt  }
0x43: {  	_ =	shalt  }
0x44: {  	_ =	shalt  }
0x45: {  	_ =	shalt  }
0x46: {  	_ =	shalt  }
0x47: {  	_ =	shalt  }
0x48: {  	_ =	shalt  }
0x49: {  	_ =	shalt  }
0x4a: {  	_ =	shalt  }
0x4b: {  	_ =	shalt  }
0x4c: {  	_ =	shalt  }
0x4d: {  	_ =	shalt  }
0x4e: {  	_ =	shalt  }
0x4f: {  	_ =	shalt  }
0x50: {  	_ =	shalt  }
0x51: {  	_ =	shalt  }
0x52: {  	_ =	shalt  }
0x53: {  	_ =	shalt  }
0x54: {  	_ =	shalt  }
0x55: {  	_ =	shalt  }
0x56: {  	_ =	shalt  }
0x57: {  	_ =	shalt  }
0x58: {  	_ =	shalt  }
0x59: {  	_ =	shalt  }
0x5a: {  	_ =	shalt  }
0x5b: {  	_ =	shalt  }
0x5c: {  	_ =	shalt  }
0x5d: {  	_ =	shalt  }
0x5e: {  	_ =	shalt  }
0x5f: {  	_ =	shalt  }
0x60: {  	_ =	shalt  }
0x61: {  	_ =	shalt  }
0x62: {  	_ =	shalt  }
0x63: {  	_ =	shalt  }
0x64: {  	_ =	shalt  }
0x65: {  	_ =	shalt  }
0x66: {  	_ =	shalt  }
0x67: {  	_ =	shalt  }
0x68: {  	_ =	shalt  }
0x69: {  	_ =	shalt  }
0x6a: {  	_ =	shalt  }
0x6b: {  	_ =	shalt  }
0x6c: {  	_ =	shalt  }
0x6d: {  	_ =	shalt  }
0x6e: {  	_ =	shalt  }
0x6f: {  	_ =	shalt  }
0x70: {  	_ =	shalt  }
0x71: {  	_ =	shalt  }
0x72: {  	_ =	shalt  }
0x73: {  	_ =	shalt  }
0x74: {  	_ =	shalt  }
0x75: {  	_ =	shalt  }
0x76: {  	_ =	shalt  }
0x77: {  	_ =	shalt  }
0x78: {  	_ =	shalt  }
0x79: {  	_ =	shalt  }
0x7a: {  	_ =	shalt  }
0x7b: {  	_ =	shalt  }
0x7c: {  	_ =	shalt  }
0x7d: {  	_ =	shalt  }
0x7e: {  	_ =	shalt  }
0x7f: {  	_ =	shalt  }
0x80: {  	_ =	shalt  }
0x81: {  	_ =	shalt  }
0x82: {  	_ =	shalt  }
0x83: {  	_ =	shalt  }
0x84: {  	_ =	shalt  }
0x85: {  	_ =	shalt  }
0x86: {  	_ =	shalt  }
0x87: {  	_ =	shalt  }
.Lfunc_end0:
.L_simem_size_0:
called_computation.1_lowered:
.L_overlay_start_0:
0x88: {  	s2 =	sld [smem:$0x3FD9]  }
0x89: {  	s3 =	sld [smem:$0x3FFE];
	_ =	sdelay $0x1  }
0x8a: {  	s1 =	srdreg.scid  }
0x8b: {  	s0 =	sand.u32 $0x1, s1  }
0x8c: {  	s17 =	sshll.u32 s0, $0xA;
	s2 =	sadd.s32 s3, s2  }
0x8d: {  	s2 =	sadd.s32 s2, s17  }
0x8e: {  	[smem:$0x3FC2] =	sst s2  }
0x8f: {  	_ = 	snop  }
0x90: {  	s2 =	sld [smem:$0x3FD0];
	(tm) =	ssettm $0x1  }
0x91: {  	s18 =	sld [smem:$0x3FFB];
	_ =	sdelay $0x3  }
0x92: {  	_ =	strace s18  }
0x93: {  	s3 =	sld [smem:$0x3FFC];
	_ =	sdelay $0x3  }
0x94: {  	_ =	strace s3  }
0x95: {  	s3 =	sld [smem:$0x3FFD];
	_ =	sdelay $0x3  }
0x96: {  	_ =	strace s3  }
0x97: {  	_ =	strace $0x8FFFFFFF  }
0x98: {  	s19 =	sld [smem:$0x3FDB];
	_ =	sdelay $0x1  }
0x99: {  	s4 =	simm.s32 $_scs_section_size  }
0x9a: {  	s5 =	simm.s32 $_size__tile_overlayer_lowered;
	s6 =	simm.s32 $_tile_overlayer_lowered  }
0x9b: {  	s22 =	simm.s32 $0x1BFF;
	s21 =	sshll.u32 s6, $0x1;
	s3 =	sadd.s32 s4, s19  }
0x9c: {  	s7 =	simm.s32 $0x0;
	s20 =	sshll.u32 s5, $0x1;
	s5 =	sadd.s32 s21, s3  }
0x9d: {  	[timem:s7], [sflag:s22] =	dma.local [hbm:s5], s20  }
0x9e: {  	_ =	swait.ge [sflag:s22], s20  }
0x9f: {  	s4 =	ssub.s32 $0x0, s20;
	[sflag:s22] =	ssyncset.done $0x0  }
0xa0: {  	[sflag:s22] =	ssyncadd.s32 s4;
	_ =	sdelay $0x1  }
0xa1: {  	s23 =	simm.s32 $0x1B8B  }
0xa2: {  	_ =	swait.ge [sflag:s23], $0x1  }
0xa3: {  	[sflag:s23] =	ssyncset.done $0x0  }
0xa4: {  	s25 =	simm.s32 $0x1B8E;
	s24 =	sld [smem:$0x3FFE];
	[sflag:s23] =	ssyncadd.s32 $0xFFFFFFFF  }
0xa5: {  	s26 =	simm.s32 $execute0_lowered;
	[smem:$0x3FD2] =	sst s25  }
0xa6: {  	s5 =	sshll.u32 s26, $0x1;
	_ =	strace $0x80000049;
	[dreg:$0x1] =	wrdreg $0xFFFFFFFF  }
0xa7: {  	s28 =	simm.s32 $_size_execute0_lowered;
	s3 =	sadd.s32 s3, s5;
	[dreg:$0x0] =	wrdreg $0x0  }
0xa8: {  	s5 =	sshll.u32 s28, $0x1;
	[dreg:$0x2] =	wrdreg s3  }
0xa9: {  	[dreg:$0x3] =	wrdreg s5  }
0xaa: {  	[dreg:$0x4] =	wrdreg $0xC0  }
0xab: {  	_ =	task [dreg:s7], $0x5FFFF  }
0xac: {  	[dreg:$0x1] =	wrdreg $0xFFFFFFFF  }
0xad: {  	[dreg:$0x0] =	wrdreg $0x60  }
0xae: {  	[dreg:$0x2] =	wrdreg s24  }
0xaf: {  	[dreg:$0x3] =	wrdreg s2  }
0xb0: {  	[dreg:$0x4] =	wrdreg $0x88000  }
0xb1: {  	[dreg:$0x5] =	wrdreg $0x9  }
0xb2: {  	_ =	task.clear_ibuf [dreg:s7], $0x6FFFF;
	_ =	strace $0x90000049  }
0xb3: {  	s29 =	simm.s32 $0x9;
	_ =	strace $0x8000004B  }
0xb4: {  	_ =	swait.ge [sflag:s29], $0x1  }
0xb5: {  	[sflag:s29] =	ssyncadd.s32 $0xFFFFFFFF  }
0xb6: {  	_ =	strace $0x9000004B  }
0xb7: {  	_ =	sfence  }
0xb8: {  	s30 =	sld [smem:$0x0];
	_ =	sdelay $0x2  }
0xb9: {  	s31 =	sshll.u32 s1, $0xD;
	s1 =	sshrl.u32 s1, $0x2  }
0xba: {  	s3 =	sand.u32 $0x4000, s31;
	s1 =	sadd.s32 s1, s30  }
0xbb: {  	s0 =	sor.u32 s3, s0;
	s1 =	sshll.u32 s1, $0x11  }
0xbc: {  	s0 =	sor.u32 s1, s0  }
0xbd: {  	s0 =	sadd.s32 $0x8F2B, s0  }
0xbe: {  	[sflag:s0] =	ssyncadd.remote.s32 $0x1  }
0xbf: {  	_ =	sfence.sel $0xFFFF  }
0xc0: {  	[dreg:$0x0] =	wrdreg $0xFFFFFFFF;
	(pc) =	sbr.abs _section_cstart, $3  }
0xc1: {  	[dreg:$0x1] =	wrdreg $0xFFFFFFFF  }
0xc2: {  	_ =	task.clear_ibuf [dreg:s7], $0x2FFFF;
	_ =	strace $0x9FFFFFFF  }
0xc3: {  	(tm) =	ssettm $0x7FFFFFFF  }
tec
execute0_lowered:
.L_overlay_start_1:
0x0: {  	(tag) =	ssettag $0x1  }
0x1: {  	s0 =	rddreg [dreg:$0x0]  }
0x2: {  	s2 =	rddreg [dreg:$0x1]  }
0x3: {  	s1 =	rddreg [dreg:$0x2];
	s4 =	simm.s32 $0x0  }
0x4: {  	s3 =	srdreg.scid;
	s10 =	stileid.u32;
	s29 =	simm.s32 $0x15  }
0x5: {  	s28 =	simm.s32 $0x2800;
	s30 =	simm.s32 $0x4800;
	s6 =	smul.u32 $0x50000, s10  }
0x6: {  	[smem:$0x7FF] =	sst s4;
	s3 =	sand.u32 $0x1, s3;
	s23 =	smul.u32 $0x5000, s10  }
0x7: {  	s4 =	sadd.s32 $0xB400, s0;
	s7 =	sadd.s32 $0x1400, s0;
	s21 =	smul.u32 $0xA00, s10  }
0x8: {  	s9 =	sadd.s32 $0x5B400, s0;
	s31 =	sshll.u32 s10, $0x6;
	s22 =	smul.u32 $0x2800, s10  }
0x9: {  	s10 =	simm.s32 $0xE;
	s5 =	smul.u32 $0x28000, s3;
	_ =	strace $0x8000004A  }
0xa: {  	s8 =	smul.u32 $0x50000, s3;
	[dreg:$0x4] =	wrdreg s9;
	s3 =	ssub.s32 $0x2, s3  }
0xb: {  	s12 =	sor.u32 $0x1C15, s31;
	s24 =	sshrl.u32 s3, $0x1;
	s6 =	sshrl.u32 s6, $0x2  }
0xc: {  	s9 =	sshrl.u32 s23, $0x3;
	[dreg:$0x6] =	wrdreg s12;
	s25 =	sadd.s32 s6, s1  }
0xd: {  	s21 =	sadd.s32 s21, s7;
	s9 =	sadd.s32 s7, s9;
	[dreg:$0x5] =	wrdreg s25  }
0xe: {  	s0 =	sadd.s32 s5, s0;
	s13 =	sadd.s32 $0x10, s9;
	[dreg:$0x8] =	wrdreg s9  }
0xf: {  	s3 =	ssub.s32 s3, s24;
	s15 =	sadd.s32 $0x20, s9;
	[dreg:$0xa] =	wrdreg s13  }
0x10: {  	s26 =	sadd.s32 s23, s8;
	s17 =	sadd.s32 $0x30, s9;
	[dreg:$0xc] =	wrdreg s15  }
0x11: {  	s6 =	simm.s32 $0x8;
	s19 =	sadd.s32 $0x40, s9;
	[dreg:$0xe] =	wrdreg s17  }
0x12: {  	s7 =	simm.s32 $0x2800;
	s24 =	sadd.s32 $0x60, s9;
	[dreg:$0x10] =	wrdreg s19  }
0x13: {  	s8 =	sshrl.u32 s26, $0x3;
	s25 =	smax.u32 s3, $0x1;
	[dreg:$0x15] =	wrdreg s24  }
0x14: {  	s0 =	sadd.s32 $0x5DC00, s0;
	s31 =	sadd.s32 $0x70, s9;
	[dreg:$0x16] =	wrdreg s25  }
0x15: {  	s5 =	sor.u32 $0x400, s26;
	s0 =	sadd.s32 s22, s0;
	[dreg:$0x18] =	wrdreg s31  }
0x16: {  	s3 =	simm.s32 $0x0;
	s8 =	sadd.s32 s2, s8;
	[dreg:$0x14] =	wrdreg s0  }
0x17: {  	s5 =	sshrl.u32 s5, $0x3;
	s11 =	sadd.s32 $0x10, s8;
	[dreg:$0x7] =	wrdreg s8  }
0x18: {  	s15 =	simm.s32 $0x780;
	s14 =	sadd.s32 $0x20, s8;
	[dreg:$0x9] =	wrdreg s11  }
0x19: {  	s24 =	simm.s32 $0x800;
	s16 =	sadd.s32 $0x30, s8;
	[dreg:$0xb] =	wrdreg s14  }
0x1a: {  	s17 =	simm.s32 $0x380;
	s18 =	sadd.s32 $0x40, s8;
	[dreg:$0xd] =	wrdreg s16  }
0x1b: {  	s20 =	sadd.s32 $0x50, s8;
	s23 =	sadd.s32 $0x60, s8;
	[dreg:$0xf] =	wrdreg s18  }
.Ltmp0:
0x1c: {  	s26 =	sadd.s32 $0x70, s8;
	[dreg:$0x11] =	wrdreg s20;
	(pc) =	sbr.rel .LBB2_1-.Ltmp0, $4  }
0x1d: {  	s0 =	simm.s32 $0x14;
	s11 =	sadd.s32 $0x50, s9;
	[dreg:$0x13] =	wrdreg s23  }
0x1e: {  	s20 =	sadd.s32 s5, s2;
	[dreg:$0x17] =	wrdreg s26;
	s23 =	simm.s32 $0x380  }
0x1f: {  	s18 =	simm.s32 $0x40;
	s26 =	simm.s32 $0x6800;
	s9 =	simm.s32 $0x12  }
0x20: {  	s5 =	simm.s32 $0xC;
	[dreg:$0x12] =	wrdreg s11;
	s11 =	simm.s32 $0x10  }
.LBB2_4:
0x21: {  	[bflag:$0x0] =	sbarrier.arrive $0xFFFF  }
0x22: {  	s12 =	rddreg [dreg:$0x6]  }
0x23: {  	s2 =	rddreg [dreg:$0x14]  }
0x24: {  	s3 =	rddreg [dreg:$0x1a]  }
0x25: {  	[hbm:s2], [sflag:s12] =	dma.local [spmem:s3], $0x2800  }
0x26: {  	_ =	swait.ge [sflag:s29], $0x2800  }
0x27: {  	s25 =	rddreg [dreg:$0x19]  }
0x28: {  	s31 =	rddreg [dreg:$0x16];
	s3 =	sadd.s32 $0x1, s25  }
0x29: {  	p0 =	sne.s32 s3, s31  }
.Ltmp1:
0x2a: {  	_ = 	snop;
	(pc) =	sbr.rel @!p0 .LBB2_5-.Ltmp1, $3  }
0x2b: {  	_ =	sdelay $0x1  }
0x2c: {  	[sflag:s29] =	ssyncset.done $0x0  }
0x2d: {  	s23 =	simm.s32 $0x380;
	[sflag:s29] =	ssyncadd.s32 $0xFFFFD800  }
.LBB2_1:
0x2e: {  	[dreg:$0x19] =	wrdreg s3  }
0x2f: {  	s2 =	rddreg [dreg:$0x5]  }
0x30: {  	s31 =	rddreg [dreg:$0x4];
	s25 =	sshrl.u32 s2, $0x3  }
0x31: {  	[dreg:$0x1a] =	wrdreg s25  }
0x32: {  	[spmem:s25], [sflag:s12] =	dma.local [hbm:s31], $0x2800  }
0x33: {  	_ =	swait.ge [sflag:s29], $0x2800  }
0x34: {  	[sflag:s29] =	ssyncset.done $0x0  }
0x35: {  	s2 =	simm.s32 $0x0;
	s8 =	rddreg [dreg:$0x7];
	[sflag:s29] =	ssyncadd.s32 $0xFFFFD800  }
0x36: {  	[tilespmem:s2], [sflag:$0x1] =	stream.linear.gather [hbm4b:s8+s2], $0x80, $0x38;
	[tilespmem:$0x1C800] =	vst v63  }
0x37: {  	s12 =	rddreg [dreg:$0x8];
	s8 =	simm.s32 $0x400  }
0x38: {  	[tilespmem:s8], [sflag:$0x9] =	stream.linear.gather [hbm4b:s12+s2], $0x80, $0x38;
	[tilespmem:$0x1C800] =	vst v63  }
0x39: {  	s13 =	rddreg [dreg:$0x9];
	s8 =	simm.s32 $0x80  }
0x3a: {  	[tilespmem:s8], [sflag:$0x2] =	stream.linear.gather [hbm4b:s13+s2], $0x80, $0x38;
	[tilespmem:$0x1C800] =	vst v63  }
0x3b: {  	s16 =	simm.s32 $0x480;
	s14 =	rddreg [dreg:$0xa]  }
0x3c: {  	[tilespmem:s16], [sflag:$0xA] =	stream.linear.gather [hbm4b:s14+s2], $0x80, $0x38;
	[tilespmem:$0x1C800] =	vst v63  }
0x3d: {  	s19 =	rddreg [dreg:$0xb];
	s12 =	simm.s32 $0x100  }
0x3e: {  	[tilespmem:s12], [sflag:$0x3] =	stream.linear.gather [hbm4b:s19+s2], $0x80, $0x38;
	[tilespmem:$0x1C800] =	vst v63  }
0x3f: {  	s22 =	rddreg [dreg:$0xc];
	s13 =	simm.s32 $0x500  }
0x40: {  	[tilespmem:s13], [sflag:$0xB] =	stream.linear.gather [hbm4b:s22+s2], $0x80, $0x38;
	[tilespmem:$0x1C800] =	vst v63  }
0x41: {  	s25 =	rddreg [dreg:$0xd];
	s13 =	simm.s32 $0x180  }
0x42: {  	[tilespmem:s13], [sflag:$0x4] =	stream.linear.gather [hbm4b:s25+s2], $0x80, $0x38;
	[tilespmem:$0x1C800] =	vst v63  }
0x43: {  	s31 =	rddreg [dreg:$0xe];
	s14 =	simm.s32 $0x580  }
0x44: {  	[tilespmem:s14], [sflag:$0xC] =	stream.linear.gather [hbm4b:s31+s2], $0x80, $0x38;
	[tilespmem:$0x1C800] =	vst v63  }
0x45: {  	s16 =	simm.s32 $0x200;
	s14 =	rddreg [dreg:$0xf]  }
0x46: {  	[tilespmem:s16], [sflag:$0x5] =	stream.linear.gather [hbm4b:s14+s2], $0x80, $0x38;
	[tilespmem:$0x1C800] =	vst v63  }
0x47: {  	s19 =	rddreg [dreg:$0x10];
	s22 =	simm.s32 $0x600  }
0x48: {  	[tilespmem:s22], [sflag:$0xD] =	stream.linear.gather [hbm4b:s19+s2], $0x80, $0x38;
	[tilespmem:$0x1C800] =	vst v63  }
0x49: {  	s25 =	rddreg [dreg:$0x11];
	s31 =	simm.s32 $0x280  }
0x4a: {  	[tilespmem:s31], [sflag:$0x6] =	stream.linear.gather [hbm4b:s25+s2], $0x80, $0x38;
	[tilespmem:$0x1C800] =	vst v63  }
0x4b: {  	s14 =	rddreg [dreg:$0x12];
	s16 =	simm.s32 $0x680  }
0x4c: {  	[tilespmem:s16], [sflag:$0xE] =	stream.linear.gather [hbm4b:s14+s2], $0x80, $0x38;
	[tilespmem:$0x1C800] =	vst v63  }
0x4d: {  	s19 =	rddreg [dreg:$0x13];
	s22 =	simm.s32 $0x300  }
0x4e: {  	[tilespmem:s22], [sflag:$0x7] =	stream.linear.gather [hbm4b:s19+s2], $0x80, $0x38;
	[tilespmem:$0x1C800] =	vst v63  }
0x4f: {  	s25 =	rddreg [dreg:$0x15];
	s31 =	simm.s32 $0x700  }
0x50: {  	[tilespmem:s31], [sflag:$0xF] =	stream.linear.gather [hbm4b:s25+s2], $0x80, $0x38;
	[tilespmem:$0x1C800] =	vst v63  }
0x51: {  	s16 =	rddreg [dreg:$0x17]  }
0x52: {  	[tilespmem:s23], [sflag:$0x8] =	stream.linear.gather [hbm4b:s16+s2], $0x80, $0x38;
	[tilespmem:$0x1C800] =	vst v63  }
0x53: {  	s19 =	rddreg [dreg:$0x18]  }
0x54: {  	[tilespmem:s15], [sflag:$0x10] =	stream.linear.gather [hbm4b:s19+s2], $0x80, $0x38;
	[tilespmem:$0x1C800] =	vst v63  }
0x55: {  	s22 =	simm.s32 $0x1;
	[bflag:$0x0] =	sbarrier.arrive $0xFFFF  }
0x56: {  	_ =	swait.ge [sflag:s22], $0x80  }
0x57: {  	[sflag:s22] =	ssyncset.done $0x0  }
0x58: {  	s25 =	simm.s32 $0x2;
	[sflag:s22] =	ssyncadd.s32 $0xFFFFFF80  }
0x59: {  	[tilespmem:s24], [sflag:$0x11] =	stream.indirect.gather [hbm4b:s4+s18], $0x80, s2, s18, $0xb8;
	[tilespmem:$0x1C800] =	vst v63  }
0x5a: {  	_ =	swait.ge [sflag:s25], $0x80  }
0x5b: {  	[sflag:s25] =	ssyncset.done $0x0  }
0x5c: {  	[sflag:s25] =	ssyncadd.s32 $0xFFFFFF80  }
0x5d: {  	[tilespmem:s28], [sflag:$0x12] =	stream.indirect.gather [hbm4b:s4+s18], $0x80, s8, s18, $0xb8;
	[tilespmem:$0x1C800] =	vst v63  }
0x5e: {  	s28 =	simm.s32 $0x3  }
0x5f: {  	_ =	swait.ge [sflag:s28], $0x80  }
0x60: {  	[sflag:s28] =	ssyncset.done $0x0  }
0x61: {  	s31 =	simm.s32 $0x4;
	[sflag:s28] =	ssyncadd.s32 $0xFFFFFF80  }
0x62: {  	[tilespmem:s30], [sflag:$0x13] =	stream.indirect.gather [hbm4b:s4+s18], $0x80, s12, s18, $0xb8;
	[tilespmem:$0x1C800] =	vst v63  }
0x63: {  	_ =	swait.ge [sflag:s31], $0x80  }
0x64: {  	[sflag:s31] =	ssyncset.done $0x0  }
0x65: {  	s22 =	simm.s32 $0x780;
	s12 =	simm.s32 $0x0;
	[sflag:s31] =	ssyncadd.s32 $0xFFFFFF80  }
0x66: {  	[tilespmem:s26], [sflag:$0x14] =	stream.indirect.gather [hbm4b:s4+s18], $0x80, s13, s18, $0xb8;
	[tilespmem:$0x1C800] =	vst v63  }
.LBB2_2:
0x67: {  	s2 =	simm.s32 $0x11  }
0x68: {  	_ =	swait.ge [sflag:s2], $0x2000  }
0x69: {  	[sflag:s2] =	ssyncset.done $0x0  }
0x6a: {  	s19 =	simm.s32 $0x9;
	[sflag:s2] =	ssyncadd.s32 $0xFFFFE000  }
0x6b: {  	_ =	swait.ge [sflag:s19], $0x80  }
0x6c: {  	[sflag:s19] =	ssyncset.done $0x0  }
0x6d: {  	s24 =	simm.s32 $0x400;
	s3 =	simm.s32 $0x800;
	[sflag:s19] =	ssyncadd.s32 $0xFFFFFF80  }
0x6e: {  	[spmem:s1] =	stream.indirect.scatter.add.f32 [tilespmem:s3], [sflag:$0x15], $0x80, s24, s18, $0xb8;
	[tilespmem:$0x1C800] =	vst v63  }
0x6f: {  	_ =	swait.ge [sflag:s29], $0x2000  }
0x70: {  	[sflag:s29] =	ssyncset.done $0x0  }
0x71: {  	s25 =	simm.s32 $0x5;
	[sflag:s29] =	ssyncadd.s32 $0xFFFFE000  }
0x72: {  	_ =	swait.ge [sflag:s25], $0x80  }
0x73: {  	[sflag:s25] =	ssyncset.done $0x0  }
0x74: {  	s31 =	simm.s32 $0x200;
	p0 =	seq.s32 s12, $0x980;
	[sflag:s25] =	ssyncadd.s32 $0xFFFFFF80  }
0x75: {  	[tilespmem:s3], [sflag:$0x11] =	stream.indirect.gather [hbm4b:s4+s18], $0x80, s31, s18, $0xb8;
	[tilespmem:$0x1C800] =	vst v63  }
0x76: {  	s14 =	sadd.s32 @!p0 s12, s20;
	s13 =	simm.s32 @!p0 $0x0;
	s15 =	sadd.s32 @!p0 s12, s21  }
0x77: {  	[tilespmem:s13], [sflag:$0x1] =	stream.linear.gather @!p0 [hbm4b:s14+s13], $0x80, $0x38;
	[tilespmem:$0x1C800] =	vst v63  }
0x78: {  	s16 =	simm.s32 @!p0 $0x400;
	s2 =	sadd.s32 @!p0 $0x80, s15  }
0x79: {  	[tilespmem:s16], [sflag:$0x9] =	stream.linear.gather @!p0 [hbm4b:s2+s13], $0x80, $0x38;
	[tilespmem:$0x1C800] =	vst v63  }
0x7a: {  	_ =	swait.ge [sflag:s9], $0x2000  }
0x7b: {  	[sflag:s9] =	ssyncset.done $0x0  }
0x7c: {  	s8 =	simm.s32 $0xA;
	[sflag:s9] =	ssyncadd.s32 $0xFFFFE000  }
0x7d: {  	_ =	swait.ge [sflag:s8], $0x80  }
0x7e: {  	[sflag:s8] =	ssyncset.done $0x0  }
0x7f: {  	s16 =	simm.s32 $0x480;
	[sflag:s8] =	ssyncadd.s32 $0xFFFFFF80  }
0x80: {  	[spmem:s1] =	stream.indirect.scatter.add.f32 [tilespmem:s7], [sflag:$0x15], $0x80, s16, s18, $0xb8;
	[tilespmem:$0x1C800] =	vst v63  }
0x81: {  	_ =	swait.ge [sflag:s29], $0x2000  }
0x82: {  	[sflag:s29] =	ssyncset.done $0x0  }
0x83: {  	s19 =	simm.s32 $0x6;
	[sflag:s29] =	ssyncadd.s32 $0xFFFFE000  }
0x84: {  	_ =	swait.ge [sflag:s19], $0x80  }
0x85: {  	[sflag:s19] =	ssyncset.done $0x0  }
0x86: {  	s25 =	simm.s32 $0x280;
	[sflag:s19] =	ssyncadd.s32 $0xFFFFFF80  }
0x87: {  	[tilespmem:s7], [sflag:$0x12] =	stream.indirect.gather [hbm4b:s4+s18], $0x80, s25, s18, $0xb8;
	[tilespmem:$0x1C800] =	vst v63  }
0x88: {  	s2 =	simm.s32 @!p0 $0x80;
	s16 =	sadd.s32 @!p0 $0x10, s14  }
0x89: {  	[tilespmem:s2], [sflag:$0x2] =	stream.linear.gather @!p0 [hbm4b:s16+s13], $0x80, $0x38;
	[tilespmem:$0x1C800] =	vst v63  }
0x8a: {  	s31 =	simm.s32 $0x13;
	s19 =	simm.s32 @!p0 $0x480;
	s16 =	sadd.s32 @!p0 $0x90, s15  }
0x8b: {  	[tilespmem:s19], [sflag:$0xA] =	stream.linear.gather @!p0 [hbm4b:s16+s13], $0x80, $0x38;
	[tilespmem:$0x1C800] =	vst v63  }
0x8c: {  	_ =	swait.ge [sflag:s31], $0x2000  }
0x8d: {  	[sflag:s31] =	ssyncset.done $0x0  }
0x8e: {  	s8 =	simm.s32 $0xB;
	[sflag:s31] =	ssyncadd.s32 $0xFFFFE000  }
0x8f: {  	_ =	swait.ge [sflag:s8], $0x80  }
0x90: {  	[sflag:s8] =	ssyncset.done $0x0  }
0x91: {  	s16 =	simm.s32 $0x500;
	[sflag:s8] =	ssyncadd.s32 $0xFFFFFF80;
	s8 =	simm.s32 $0x4800  }
0x92: {  	[spmem:s1] =	stream.indirect.scatter.add.f32 [tilespmem:s8], [sflag:$0x15], $0x80, s16, s18, $0xb8;
	[tilespmem:$0x1C800] =	vst v63  }
0x93: {  	_ =	swait.ge [sflag:s29], $0x2000  }
0x94: {  	[sflag:s29] =	ssyncset.done $0x0  }
0x95: {  	s19 =	simm.s32 $0x7;
	[sflag:s29] =	ssyncadd.s32 $0xFFFFE000  }
0x96: {  	_ =	swait.ge [sflag:s19], $0x80  }
0x97: {  	[sflag:s19] =	ssyncset.done $0x0  }
0x98: {  	s25 =	simm.s32 $0x300;
	[sflag:s19] =	ssyncadd.s32 $0xFFFFFF80  }
0x99: {  	[tilespmem:s8], [sflag:$0x13] =	stream.indirect.gather [hbm4b:s4+s18], $0x80, s25, s18, $0xb8;
	[tilespmem:$0x1C800] =	vst v63  }
0x9a: {  	s16 =	simm.s32 @!p0 $0x100;
	s19 =	sadd.s32 @!p0 $0x20, s14  }
0x9b: {  	[tilespmem:s16], [sflag:$0x3] =	stream.linear.gather @!p0 [hbm4b:s19+s13], $0x80, $0x38;
	[tilespmem:$0x1C800] =	vst v63  }
0x9c: {  	s25 =	simm.s32 @!p0 $0x500;
	s19 =	sadd.s32 @!p0 $0xA0, s15  }
0x9d: {  	[tilespmem:s25], [sflag:$0xB] =	stream.linear.gather @!p0 [hbm4b:s19+s13], $0x80, $0x38;
	[tilespmem:$0x1C800] =	vst v63  }
0x9e: {  	_ =	swait.ge [sflag:s0], $0x2000  }
0x9f: {  	[sflag:s0] =	ssyncset.done $0x0  }
0xa0: {  	[sflag:s0] =	ssyncadd.s32 $0xFFFFE000  }
0xa1: {  	_ =	swait.ge [sflag:s5], $0x80  }
0xa2: {  	[sflag:s5] =	ssyncset.done $0x0  }
0xa3: {  	s31 =	simm.s32 $0x580;
	[sflag:s5] =	ssyncadd.s32 $0xFFFFFF80  }
0xa4: {  	[spmem:s1] =	stream.indirect.scatter.add.f32 [tilespmem:s26], [sflag:$0x15], $0x80, s31, s18, $0xb8;
	[tilespmem:$0x1C800] =	vst v63  }
0xa5: {  	_ =	swait.ge [sflag:s29], $0x2000  }
0xa6: {  	[sflag:s29] =	ssyncset.done $0x0  }
0xa7: {  	[sflag:s29] =	ssyncadd.s32 $0xFFFFE000  }
0xa8: {  	_ =	swait.ge [sflag:s6], $0x80  }
0xa9: {  	[sflag:s6] =	ssyncset.done $0x0  }
0xaa: {  	s19 =	simm.s32 @p0 $0x11;
	[sflag:s6] =	ssyncadd.s32 $0xFFFFFF80  }
0xab: {  	[tilespmem:s26], [sflag:$0x14] =	stream.indirect.gather [hbm4b:s4+s18], $0x80, s23, s18, $0xb8;
	[tilespmem:$0x1C800] =	vst v63  }
0xac: {  	_ =	swait.ge @p0 [sflag:s19], $0x2000  }
0xad: {  	[sflag:s19] =	ssyncset.done @p0 $0x0  }
0xae: {  	[sflag:s19] =	ssyncadd.s32 @p0 $0xFFFFE000;
	s19 =	simm.s32 @p0 $0xD  }
0xaf: {  	_ =	swait.ge @p0 [sflag:s19], $0x80  }
0xb0: {  	s25 =	simm.s32 @p0 $0x800;
	s31 =	simm.s32 @p0 $0x40;
	[sflag:s19] =	ssyncset.done @p0 $0x0  }
0xb1: {  	s23 =	simm.s32 @p0 $0x15;
	[sflag:s19] =	ssyncadd.s32 @p0 $0xFFFFFF80;
	s19 =	simm.s32 @p0 $0x600  }
0xb2: {  	[spmem:s1] =	stream.indirect.scatter.add.f32 @p0 [tilespmem:s25], [sflag:$0x15], $0x80, s19, s31, $0xb8;
	[tilespmem:$0x1C800] =	vst v63  }
0xb3: {  	_ =	swait.ge @p0 [sflag:s23], $0x2000  }
0xb4: {  	[sflag:s23] =	ssyncset.done @p0 $0x0  }
0xb5: {  	s19 =	sadd.s32 @!p0 $0x30, s14;
	s25 =	simm.s32 @!p0 $0x180;
	[sflag:s23] =	ssyncadd.s32 @p0 $0xFFFFE000  }
0xb6: {  	[tilespmem:s25], [sflag:$0x4] =	stream.linear.gather @!p0 [hbm4b:s19+s13], $0x80, $0x38;
	[tilespmem:$0x1C800] =	vst v63  }
0xb7: {  	s19 =	sadd.s32 @!p0 $0xB0, s15;
	s25 =	simm.s32 @!p0 $0x580  }
0xb8: {  	[tilespmem:s25], [sflag:$0xC] =	stream.linear.gather @!p0 [hbm4b:s19+s13], $0x80, $0x38;
	[tilespmem:$0x1C800] =	vst v63  }
0xb9: {  	s19 =	simm.s32 @!p0 $0x11  }
0xba: {  	_ =	swait.ge @!p0 [sflag:s19], $0x2000  }
0xbb: {  	[sflag:s19] =	ssyncset.done @!p0 $0x0  }
0xbc: {  	[sflag:s19] =	ssyncadd.s32 @!p0 $0xFFFFE000;
	s19 =	simm.s32 @!p0 $0xD  }
0xbd: {  	_ =	swait.ge @!p0 [sflag:s19], $0x80  }
0xbe: {  	s28 =	simm.s32 @!p0 $0x600;
	s3 =	simm.s32 @!p0 $0x800;
	[sflag:s19] =	ssyncset.done @!p0 $0x0  }
0xbf: {  	s25 =	simm.s32 @!p0 $0x15;
	[sflag:s19] =	ssyncadd.s32 @!p0 $0xFFFFFF80;
	s19 =	simm.s32 @!p0 $0x40  }
0xc0: {  	[spmem:s1] =	stream.indirect.scatter.add.f32 @!p0 [tilespmem:s3], [sflag:$0x15], $0x80, s28, s19, $0xb8;
	[tilespmem:$0x1C800] =	vst v63  }
0xc1: {  	_ =	swait.ge @!p0 [sflag:s25], $0x2000  }
0xc2: {  	[sflag:s25] =	ssyncset.done @!p0 $0x0  }
0xc3: {  	s8 =	simm.s32 @!p0 $0x1;
	[sflag:s25] =	ssyncadd.s32 @!p0 $0xFFFFE000  }
0xc4: {  	_ =	swait.ge @!p0 [sflag:s8], $0x80  }
0xc5: {  	[sflag:s8] =	ssyncset.done @!p0 $0x0  }
0xc6: {  	[sflag:s8] =	ssyncadd.s32 @!p0 $0xFFFFFF80  }
0xc7: {  	[tilespmem:s3], [sflag:$0x11] =	stream.indirect.gather @!p0 [hbm4b:s4+s19], $0x80, s13, s19, $0xb8;
	[tilespmem:$0x1C800] =	vst v63  }
0xc8: {  	s8 =	simm.s32 @!p0 $0x200;
	s3 =	sadd.s32 @!p0 $0x40, s14  }
0xc9: {  	[tilespmem:s8], [sflag:$0x5] =	stream.linear.gather @!p0 [hbm4b:s3+s13], $0x80, $0x38;
	[tilespmem:$0x1C800] =	vst v63  }
0xca: {  	s3 =	sadd.s32 @!p0 $0xC0, s15  }
0xcb: {  	[tilespmem:s28], [sflag:$0xD] =	stream.linear.gather @!p0 [hbm4b:s3+s13], $0x80, $0x38;
	[tilespmem:$0x1C800] =	vst v63  }
0xcc: {  	_ =	swait.ge [sflag:s9], $0x2000  }
0xcd: {  	[sflag:s9] =	ssyncset.done $0x0  }
0xce: {  	[sflag:s9] =	ssyncadd.s32 $0xFFFFE000  }
0xcf: {  	_ =	swait.ge [sflag:s10], $0x80  }
0xd0: {  	[sflag:s10] =	ssyncset.done $0x0  }
0xd1: {  	s8 =	simm.s32 $0x680;
	[sflag:s10] =	ssyncadd.s32 $0xFFFFFF80  }
0xd2: {  	[spmem:s1] =	stream.indirect.scatter.add.f32 [tilespmem:s7], [sflag:$0x15], $0x80, s8, s18, $0xb8;
	[tilespmem:$0x1C800] =	vst v63  }
0xd3: {  	_ =	swait.ge [sflag:s29], $0x2000  }
0xd4: {  	[sflag:s29] =	ssyncset.done $0x0  }
0xd5: {  	s3 =	simm.s32 @p0 $0x13;
	[sflag:s29] =	ssyncadd.s32 $0xFFFFE000  }
0xd6: {  	_ =	swait.ge @p0 [sflag:s3], $0x2000  }
0xd7: {  	[sflag:s3] =	ssyncset.done @p0 $0x0  }
0xd8: {  	[sflag:s3] =	ssyncadd.s32 @p0 $0xFFFFE000;
	s3 =	simm.s32 @p0 $0xF  }
0xd9: {  	_ =	swait.ge @p0 [sflag:s3], $0x80  }
0xda: {  	[sflag:s3] =	ssyncset.done @p0 $0x0  }
0xdb: {  	s8 =	simm.s32 @p0 $0x4800;
	[sflag:s3] =	ssyncadd.s32 @p0 $0xFFFFFF80;
	s3 =	simm.s32 @p0 $0x700  }
0xdc: {  	[spmem:s1] =	stream.indirect.scatter.add.f32 @p0 [tilespmem:s8], [sflag:$0x15], $0x80, s3, s31, $0xb8;
	[tilespmem:$0x1C800] =	vst v63  }
0xdd: {  	_ =	swait.ge @p0 [sflag:s23], $0x2000  }
0xde: {  	[sflag:s23] =	ssyncset.done @p0 $0x0  }
0xdf: {  	s3 =	simm.s32 @!p0 $0x2;
	[sflag:s23] =	ssyncadd.s32 @p0 $0xFFFFE000  }
0xe0: {  	_ =	swait.ge @!p0 [sflag:s3], $0x80  }
0xe1: {  	[sflag:s3] =	ssyncset.done @!p0 $0x0  }
0xe2: {  	[sflag:s3] =	ssyncadd.s32 @!p0 $0xFFFFFF80;
	s3 =	simm.s32 @!p0 $0x2800  }
0xe3: {  	[tilespmem:s3], [sflag:$0x12] =	stream.indirect.gather @!p0 [hbm4b:s4+s19], $0x80, s2, s19, $0xb8;
	[tilespmem:$0x1C800] =	vst v63  }
0xe4: {  	s2 =	sadd.s32 @!p0 $0x50, s14;
	s3 =	simm.s32 @!p0 $0x280  }
0xe5: {  	[tilespmem:s3], [sflag:$0x6] =	stream.linear.gather @!p0 [hbm4b:s2+s13], $0x80, $0x38;
	[tilespmem:$0x1C800] =	vst v63  }
0xe6: {  	s2 =	sadd.s32 @!p0 $0xD0, s15;
	s3 =	simm.s32 @!p0 $0x680  }
0xe7: {  	[tilespmem:s3], [sflag:$0xE] =	stream.linear.gather @!p0 [hbm4b:s2+s13], $0x80, $0x38;
	[tilespmem:$0x1C800] =	vst v63  }
0xe8: {  	s2 =	simm.s32 @!p0 $0x13  }
0xe9: {  	_ =	swait.ge @!p0 [sflag:s2], $0x2000  }
0xea: {  	[sflag:s2] =	ssyncset.done @!p0 $0x0  }
0xeb: {  	[sflag:s2] =	ssyncadd.s32 @!p0 $0xFFFFE000;
	s2 =	simm.s32 @!p0 $0xF  }
0xec: {  	_ =	swait.ge @!p0 [sflag:s2], $0x80  }
0xed: {  	[sflag:s2] =	ssyncset.done @!p0 $0x0  }
0xee: {  	s3 =	simm.s32 @!p0 $0x4800;
	[sflag:s2] =	ssyncadd.s32 @!p0 $0xFFFFFF80;
	s2 =	simm.s32 @!p0 $0x700  }
0xef: {  	[spmem:s1] =	stream.indirect.scatter.add.f32 @!p0 [tilespmem:s3], [sflag:$0x15], $0x80, s2, s19, $0xb8;
	[tilespmem:$0x1C800] =	vst v63  }
0xf0: {  	_ =	swait.ge @!p0 [sflag:s25], $0x2000  }
0xf1: {  	[sflag:s25] =	ssyncset.done @!p0 $0x0  }
0xf2: {  	s8 =	simm.s32 @!p0 $0x3;
	[sflag:s25] =	ssyncadd.s32 @!p0 $0xFFFFE000  }
0xf3: {  	_ =	swait.ge @!p0 [sflag:s8], $0x80  }
0xf4: {  	[sflag:s8] =	ssyncset.done @!p0 $0x0  }
0xf5: {  	[sflag:s8] =	ssyncadd.s32 @!p0 $0xFFFFFF80  }
0xf6: {  	[tilespmem:s3], [sflag:$0x13] =	stream.indirect.gather @!p0 [hbm4b:s4+s19], $0x80, s16, s19, $0xb8;
	[tilespmem:$0x1C800] =	vst v63  }
0xf7: {  	s8 =	simm.s32 @!p0 $0x300;
	s3 =	sadd.s32 @!p0 $0x60, s14  }
0xf8: {  	[tilespmem:s8], [sflag:$0x7] =	stream.linear.gather @!p0 [hbm4b:s3+s13], $0x80, $0x38;
	[tilespmem:$0x1C800] =	vst v63  }
0xf9: {  	s3 =	sadd.s32 @!p0 $0xE0, s15  }
0xfa: {  	[tilespmem:s2], [sflag:$0xF] =	stream.linear.gather @!p0 [hbm4b:s3+s13], $0x80, $0x38;
	[tilespmem:$0x1C800] =	vst v63  }
0xfb: {  	_ =	swait.ge [sflag:s0], $0x2000  }
0xfc: {  	[sflag:s0] =	ssyncset.done $0x0  }
0xfd: {  	[sflag:s0] =	ssyncadd.s32 $0xFFFFE000  }
0xfe: {  	_ =	swait.ge [sflag:s11], $0x80  }
0xff: {  	[sflag:s11] =	ssyncset.done $0x0  }
.Ltmp2:
0x100: {  	[sflag:s11] =	ssyncadd.s32 $0xFFFFFF80;
	(pc) =	sbr.rel @p0 .LBB2_4-.Ltmp2, $4  }
0x101: {  	[spmem:s1] =	stream.indirect.scatter.add.f32 [tilespmem:s26], [sflag:$0x15], $0x80, s22, s18, $0xb8;
	[tilespmem:$0x1C800] =	vst v63  }
0x102: {  	_ =	swait.ge [sflag:s29], $0x2000  }
0x103: {  	s30 =	simm.s32 $0x4800;
	s24 =	simm.s32 $0x800;
	[sflag:s29] =	ssyncset.done $0x0  }
0x104: {  	s28 =	simm.s32 $0x2800;
	s15 =	simm.s32 $0x780;
	[sflag:s29] =	ssyncadd.s32 $0xFFFFE000  }
0x105: {  	s2 =	simm.s32 $0x4  }
0x106: {  	_ =	swait.ge [sflag:s2], $0x80  }
0x107: {  	[sflag:s2] =	ssyncset.done $0x0  }
0x108: {  	s28 =	simm.s32 $0x180;
	[sflag:s2] =	ssyncadd.s32 $0xFFFFFF80  }
0x109: {  	[tilespmem:s26], [sflag:$0x14] =	stream.indirect.gather [hbm4b:s4+s18], $0x80, s28, s18, $0xb8;
	[tilespmem:$0x1C800] =	vst v63  }
.Ltmp3:
0x10a: {  	s30 =	sadd.s32 s12, s20;
	s3 =	simm.s32 $0x0;
	(pc) =	sbr.rel .LBB2_2-.Ltmp3, $4  }
0x10b: {  	s31 =	sadd.s32 s12, s21;
	s12 =	sadd.s32 $0x80, s12;
	s2 =	sadd.s32 $0x70, s30  }
0x10c: {  	[tilespmem:s17], [sflag:$0x8] =	stream.linear.gather [hbm4b:s2+s3], $0x80, $0x38;
	[tilespmem:$0x1C800] =	vst v63  }
0x10d: {  	s23 =	simm.s32 $0x380;
	s22 =	simm.s32 $0x780;
	s2 =	sadd.s32 $0xF0, s31  }
0x10e: {  	[tilespmem:s15], [sflag:$0x10] =	stream.linear.gather [hbm4b:s2+s3], $0x80, $0x38;
	[tilespmem:$0x1C800] =	vst v63  }
.LBB2_5:
0x10f: {  	_ =	sfence.sel $0x180000  }
0x110: {  	[bflag:$0x0] =	sbarrier.arrive $0xFFFF  }
0x111: {  	_ =	strace $0x9000004A  }
0x112: {  	s0 =	stileid.u32;
	[bflag:$0x2] =	sbarrier.arrive $0xFFFF  }
0x113: {  	p0 =	sne.s32 s0, $0x0;
	s0 =	rddreg [dreg:$0x3]  }
0x114: {  	s0 =	sadd.s32 @!p0 $0x100000, s0  }
0x115: {  	[sflag:s0] =	ssyncadd.tile.s32 @!p0 $0x1;
	_ =	shalt  }
.Lfunc_end2:
_tile_overlayer_lowered:
.L_overlay_start_2:
0x116: {  	(tag) =	ssettag $0x2  }
0x117: {  	s0 =	rddreg [dreg:$0x0];
	s2 =	stileid.u32  }
0x118: {  	s1 =	rddreg [dreg:$0x1];
	p0 =	sne.s32 s2, $0x0  }
0x119: {  	s3 =	rddreg [dreg:$0x2];
	[bflag:$0x3] =	sbarrier.arrive $0xFFFF;
	s2 =	simm.s32 @!p0 $0x1C15  }
0x11a: {  	[timem:s3], [sflag:s2] =	dma.local @!p0 [hbm:s0], s1  }
0x11b: {  	s0 =	simm.s32 @!p0 $0x15  }
0x11c: {  	_ =	swait.ge @!p0 [sflag:s0], s1  }
0x11d: {  	s1 =	ssub.s32 @!p0 $0x0, s1;
	[sflag:s0] =	ssyncset.done @!p0 $0x0  }
0x11e: {  	[sflag:s0] =	ssyncadd.s32 @!p0 s1  }
0x11f: {  	[bflag:$0x3] =	sbarrier.arrive $0xFFFF  }
0x120: {  	_ =	shalt  }

// kernel: kernel.14.cloned.1.call-start
scs
__scs_entry_jumppad:
0x0: {  	(pc) =	sbr.rel $0x88, $3  }
0x1: {  	(tag) =	ssettag $0x0;
	lr =	simm.s32 $0x1  }
0x2: {  	[smem:$0x3F9B] =	sst lr;
	_ =	strace $0xD0000000  }
0x3: {  	_ = 	snop  }
0x4: {  	_ = 	snop  }
0x5: {  	_ = 	snop  }
0x6: {  	_ = 	snop  }
0x7: {  	_ = 	snop  }
__scs_overlays_trampoline_lowered:
0x8: {  	[smem:$0x3FAA] =	sst s0  }
0x9: {  	[smem:$0x3FAB] =	sst s1  }
0xa: {  	[smem:$0x3FAC] =	sst s2  }
0xb: {  	[smem:$0x3FAD] =	sst s3  }
0xc: {  	[smem:$0x3FAE] =	sst s4  }
0xd: {  	[smem:$0x3FAF] =	sst s5  }
0xe: {  	[smem:$0x3FB0] =	sst s6  }
0xf: {  	[smem:$0x3FB1] =	sst s7  }
0x10: {  	[smem:$0x3FB2] =	sst s8  }
0x11: {  	[smem:$0x3FB3] =	sst s9;
	s0 =	simm.s32 @!p0 $0x0  }
0x12: {  	s1 =	sld [smem:$0x3F99];
	s0 =	simm.s32 @p0 $0x1  }
0x13: {  	[smem:$0x3FB4] =	sst s0;
	s0 =	simm.s32 @!p1 $0x0  }
0x14: {  	s2 =	sld [smem:$0x3F98];
	s0 =	simm.s32 @p1 $0x1  }
0x15: {  	[smem:$0x3FB5] =	sst s0;
	s0 =	simm.s32 @!p2 $0x0  }
0x16: {  	s3 =	sld [smem:$0x3FDB];
	s0 =	simm.s32 @p2 $0x1  }
0x17: {  	s4 =	simm.s32 $0x1BF5;
	[smem:$0x3FB7] =	sst s0  }
0x18: {  	s0 =	sld [smem:$0x3F9A];
	_ =	swait.ge [sflag:s4], $0x0  }
0x19: {  	s7 =	sld [smem:$0x3F9B]  }
0x1a: {  	s8 =	sadd.s32 $0xFFFFE003, lr  }
0x1b: {  	s9 =	sadd.s32 $0xFFFFFEF7, lr;
	s5 =	simm.s32 $0xFFFFFFFF;
	p2 =	slt.u32 s8, $0xFFFFF086  }
0x1c: {  	p1 =	slt.u32 s9, $0xF7A;
	s5 =	simm.s32 @!p2 $0x0  }
0x1d: {  	s5 =	simm.s32 @p1 $0x1;
	p0 =	seq.s32 s7, s2  }
0x1e: {  	s7 =	smul.u32 @!p0 $0xF7A, s2;
	p2 =	seq.s32 @!p0 s5, $0x0  }
0x1f: {  	s9 =	smul.u32 $0xF7A, s1;
	s8 =	simm.s32 @!p0 $0x1BF5;
	p2 =	por !p2, p0  }
0x20: {  	[sflag:s8] =	ssyncset.s32 @!p0 $0xFFFFF086;
	s6 =	sadd.s32 @!p0 s3, s7;
	s7 =	simm.s32 @!p0 $0x108  }
0x21: {  	s3 =	sadd.s32 s3, s9;
	s6 =	sadd.s32 @!p0 $0x88, s6;
	s7 =	simm.s32 @p2 $0x1082  }
0x22: {  	[simem:s7], [sflag:s8] =	dma.local @!p0 [hbm:s6], $0xF7A  }
0x23: {  	s9 =	sor.u32 $0xD0000000, s2;
	s6 =	simm.s32 $0x108;
	_ =	swait.ge @!p0 [sflag:s8], $0x0  }
0x24: {  	s3 =	sadd.s32 $0x88, s3;
	s6 =	simm.s32 @!p1 $0x1082;
	[sflag:s4] =	ssyncset.s32 $0xFFFFF086  }
0x25: {  	[simem:s6], [sflag:s4] =	dma.local [hbm:s3], $0xF7A  }
0x26: {  	[smem:$0x3F9B] =	sst s1;
	(tag) =	ssettag s2;
	_ =	strace s9  }
0x27: {  	s1 =	sld [smem:$0x3FAB]  }
0x28: {  	s2 =	sld [smem:$0x3FAC]  }
0x29: {  	s4 =	sld [smem:$0x3FAE]  }
0x2a: {  	p0 =	seq.s32 s5, $0x0;
	s5 =	sld [smem:$0x3FAF]  }
0x2b: {  	s6 =	sld [smem:$0x3FB0]  }
0x2c: {  	s7 =	sld [smem:$0x3FB1]  }
0x2d: {  	s3 =	simm.s32 $0x108;
	s8 =	sld [smem:$0x3FB2]  }
0x2e: {  	s3 =	simm.s32 @!p0 $0x1082;
	s9 =	sld [smem:$0x3FB3]  }
0x2f: {  	lr =	sadd.s32 s0, s3;
	s0 =	sld [smem:$0x3FAA]  }
0x30: {  	s3 =	sld [smem:$0x3FAD]  }
0x31: {  	[smem:$0x3FB6] =	sst s10  }
0x32: {  	s10 =	sld [smem:$0x3FB4];
	_ =	sdelay $0x3  }
0x33: {  	p0 =	seq.s32 s10, $0x1;
	s10 =	sld [smem:$0x3FB6];
	_ =	sdelay $0x3  }
0x34: {  	[smem:$0x3FB6] =	sst s10  }
0x35: {  	s10 =	sld [smem:$0x3FB5];
	_ =	sdelay $0x3  }
0x36: {  	p1 =	seq.s32 s10, $0x1;
	s10 =	sld [smem:$0x3FB6];
	_ =	sdelay $0x3  }
0x37: {  	[smem:$0x3FB6] =	sst s10  }
0x38: {  	s10 =	sld [smem:$0x3FB7]  }
0x39: {  	_ = 	snop;
	(pc) =	sbr.ind lr, $3  }
0x3a: {  	_ = 	snop  }
0x3b: {  	_ = 	snop  }
0x3c: {  	p2 =	seq.s32 s10, $0x1;
	s10 =	sld [smem:$0x3FB6]  }
0x3d: {  	_ =	shalt  }
0x3e: {  	_ =	shalt  }
0x3f: {  	_ =	shalt  }
0x40: {  	_ =	shalt  }
0x41: {  	_ =	shalt  }
0x42: {  	_ =	shalt  }
0x43: {  	_ =	shalt  }
0x44: {  	_ =	shalt  }
0x45: {  	_ =	shalt  }
0x46: {  	_ =	shalt  }
0x47: {  	_ =	shalt  }
0x48: {  	_ =	shalt  }
0x49: {  	_ =	shalt  }
0x4a: {  	_ =	shalt  }
0x4b: {  	_ =	shalt  }
0x4c: {  	_ =	shalt  }
0x4d: {  	_ =	shalt  }
0x4e: {  	_ =	shalt  }
0x4f: {  	_ =	shalt  }
0x50: {  	_ =	shalt  }
0x51: {  	_ =	shalt  }
0x52: {  	_ =	shalt  }
0x53: {  	_ =	shalt  }
0x54: {  	_ =	shalt  }
0x55: {  	_ =	shalt  }
0x56: {  	_ =	shalt  }
0x57: {  	_ =	shalt  }
0x58: {  	_ =	shalt  }
0x59: {  	_ =	shalt  }
0x5a: {  	_ =	shalt  }
0x5b: {  	_ =	shalt  }
0x5c: {  	_ =	shalt  }
0x5d: {  	_ =	shalt  }
0x5e: {  	_ =	shalt  }
0x5f: {  	_ =	shalt  }
0x60: {  	_ =	shalt  }
0x61: {  	_ =	shalt  }
0x62: {  	_ =	shalt  }
0x63: {  	_ =	shalt  }
0x64: {  	_ =	shalt  }
0x65: {  	_ =	shalt  }
0x66: {  	_ =	shalt  }
0x67: {  	_ =	shalt  }
0x68: {  	_ =	shalt  }
0x69: {  	_ =	shalt  }
0x6a: {  	_ =	shalt  }
0x6b: {  	_ =	shalt  }
0x6c: {  	_ =	shalt  }
0x6d: {  	_ =	shalt  }
0x6e: {  	_ =	shalt  }
0x6f: {  	_ =	shalt  }
0x70: {  	_ =	shalt  }
0x71: {  	_ =	shalt  }
0x72: {  	_ =	shalt  }
0x73: {  	_ =	shalt  }
0x74: {  	_ =	shalt  }
0x75: {  	_ =	shalt  }
0x76: {  	_ =	shalt  }
0x77: {  	_ =	shalt  }
0x78: {  	_ =	shalt  }
0x79: {  	_ =	shalt  }
0x7a: {  	_ =	shalt  }
0x7b: {  	_ =	shalt  }
0x7c: {  	_ =	shalt  }
0x7d: {  	_ =	shalt  }
0x7e: {  	_ =	shalt  }
0x7f: {  	_ =	shalt  }
0x80: {  	_ =	shalt  }
0x81: {  	_ =	shalt  }
0x82: {  	_ =	shalt  }
0x83: {  	_ =	shalt  }
0x84: {  	_ =	shalt  }
0x85: {  	_ =	shalt  }
0x86: {  	_ =	shalt  }
0x87: {  	_ =	shalt  }
.Lfunc_end0:
.L_simem_size_0:
called_computation.2_lowered:
.L_overlay_start_0:
0x88: {  	s2 =	sld [smem:$0x3FD9]  }
0x89: {  	s3 =	sld [smem:$0x3FFE];
	_ =	sdelay $0x1  }
0x8a: {  	s1 =	srdreg.scid  }
0x8b: {  	s0 =	sand.u32 $0x1, s1  }
0x8c: {  	s17 =	sshll.u32 s0, $0xA;
	s2 =	sadd.s32 s3, s2  }
0x8d: {  	s2 =	sadd.s32 s2, s17  }
0x8e: {  	[smem:$0x3FC2] =	sst s2  }
0x8f: {  	_ = 	snop  }
0x90: {  	s2 =	sld [smem:$0x3FD0];
	(tm) =	ssettm $0x1  }
0x91: {  	s18 =	sld [smem:$0x3FFB];
	_ =	sdelay $0x3  }
0x92: {  	_ =	strace s18  }
0x93: {  	s3 =	sld [smem:$0x3FFC];
	_ =	sdelay $0x3  }
0x94: {  	_ =	strace s3  }
0x95: {  	s3 =	sld [smem:$0x3FFD];
	_ =	sdelay $0x3  }
0x96: {  	_ =	strace s3  }
0x97: {  	_ =	strace $0x8FFFFFFF  }
0x98: {  	s19 =	sld [smem:$0x3FDB];
	_ =	sdelay $0x1  }
0x99: {  	s4 =	simm.s32 $_scs_section_size  }
0x9a: {  	s5 =	simm.s32 $_size__tile_overlayer_lowered;
	s6 =	simm.s32 $_tile_overlayer_lowered  }
0x9b: {  	s22 =	simm.s32 $0x1BFF;
	s21 =	sshll.u32 s6, $0x1;
	s3 =	sadd.s32 s4, s19  }
0x9c: {  	s7 =	simm.s32 $0x0;
	s20 =	sshll.u32 s5, $0x1;
	s5 =	sadd.s32 s21, s3  }
0x9d: {  	[timem:s7], [sflag:s22] =	dma.local [hbm:s5], s20  }
0x9e: {  	_ =	swait.ge [sflag:s22], s20  }
0x9f: {  	s4 =	ssub.s32 $0x0, s20;
	[sflag:s22] =	ssyncset.done $0x0  }
0xa0: {  	[sflag:s22] =	ssyncadd.s32 s4;
	_ =	sdelay $0x1  }
0xa1: {  	s23 =	simm.s32 $0x1B8B  }
0xa2: {  	_ =	swait.ge [sflag:s23], $0x1  }
0xa3: {  	[sflag:s23] =	ssyncset.done $0x0  }
0xa4: {  	s25 =	simm.s32 $0x1B8E;
	s24 =	sld [smem:$0x3FFE];
	[sflag:s23] =	ssyncadd.s32 $0xFFFFFFFF  }
0xa5: {  	s26 =	simm.s32 $execute0_lowered;
	[smem:$0x3FD2] =	sst s25  }
0xa6: {  	s5 =	sshll.u32 s26, $0x1;
	_ =	strace $0x8000004C;
	[dreg:$0x1] =	wrdreg $0xFFFFFFFF  }
0xa7: {  	s28 =	simm.s32 $_size_execute0_lowered;
	s3 =	sadd.s32 s3, s5;
	[dreg:$0x0] =	wrdreg $0x0  }
0xa8: {  	s5 =	sshll.u32 s28, $0x1;
	[dreg:$0x2] =	wrdreg s3  }
0xa9: {  	[dreg:$0x3] =	wrdreg s5  }
0xaa: {  	[dreg:$0x4] =	wrdreg $0xC0  }
0xab: {  	_ =	task [dreg:s7], $0x5FFFF  }
0xac: {  	[dreg:$0x1] =	wrdreg $0xFFFFFFFF  }
0xad: {  	[dreg:$0x0] =	wrdreg $0x60  }
0xae: {  	[dreg:$0x2] =	wrdreg s24  }
0xaf: {  	[dreg:$0x3] =	wrdreg s2  }
0xb0: {  	[dreg:$0x4] =	wrdreg $0x88000  }
0xb1: {  	[dreg:$0x5] =	wrdreg $0x9  }
0xb2: {  	_ =	task.clear_ibuf [dreg:s7], $0x6FFFF;
	_ =	strace $0x9000004C  }
0xb3: {  	s29 =	simm.s32 $0x9;
	_ =	strace $0x8000004E  }
0xb4: {  	_ =	swait.ge [sflag:s29], $0x1  }
0xb5: {  	[sflag:s29] =	ssyncadd.s32 $0xFFFFFFFF  }
0xb6: {  	_ =	strace $0x9000004E  }
0xb7: {  	_ =	sfence  }
0xb8: {  	s30 =	sld [smem:$0x0];
	_ =	sdelay $0x2  }
0xb9: {  	s31 =	sshll.u32 s1, $0xD;
	s1 =	sshrl.u32 s1, $0x2  }
0xba: {  	s3 =	sand.u32 $0x4000, s31;
	s1 =	sadd.s32 s1, s30  }
0xbb: {  	s0 =	sor.u32 s3, s0;
	s1 =	sshll.u32 s1, $0x11  }
0xbc: {  	s0 =	sor.u32 s1, s0  }
0xbd: {  	s0 =	sadd.s32 $0x8F2B, s0  }
0xbe: {  	[sflag:s0] =	ssyncadd.remote.s32 $0x1  }
0xbf: {  	_ =	sfence.sel $0xFFFF  }
0xc0: {  	[dreg:$0x0] =	wrdreg $0xFFFFFFFF;
	(pc) =	sbr.abs _section_cstart, $3  }
0xc1: {  	[dreg:$0x1] =	wrdreg $0xFFFFFFFF  }
0xc2: {  	_ =	task.clear_ibuf [dreg:s7], $0x2FFFF;
	_ =	strace $0x9FFFFFFF  }
0xc3: {  	(tm) =	ssettm $0x7FFFFFFF  }
tec
execute0_lowered:
.L_overlay_start_1:
0x0: {  	(tag) =	ssettag $0x1  }
0x1: {  	s0 =	rddreg [dreg:$0x0]  }
0x2: {  	s2 =	rddreg [dreg:$0x1]  }
0x3: {  	s1 =	rddreg [dreg:$0x2];
	s4 =	simm.s32 $0x0  }
0x4: {  	s3 =	srdreg.scid;
	s10 =	stileid.u32;
	s29 =	simm.s32 $0x15  }
0x5: {  	s28 =	simm.s32 $0x2800;
	s30 =	simm.s32 $0x4800;
	s6 =	smul.u32 $0x50000, s10  }
0x6: {  	[smem:$0x7FF] =	sst s4;
	s3 =	sand.u32 $0x1, s3;
	s23 =	smul.u32 $0x5000, s10  }
0x7: {  	s4 =	sadd.s32 $0xB400, s0;
	s7 =	sadd.s32 $0x1400, s0;
	s21 =	smul.u32 $0xA00, s10  }
0x8: {  	s9 =	sadd.s32 $0x5B400, s0;
	s31 =	sshll.u32 s10, $0x6;
	s22 =	smul.u32 $0x2800, s10  }
0x9: {  	s10 =	simm.s32 $0xE;
	s5 =	smul.u32 $0x28000, s3;
	_ =	strace $0x8000004D  }
0xa: {  	s8 =	smul.u32 $0x50000, s3;
	[dreg:$0x4] =	wrdreg s9;
	s3 =	ssub.s32 $0x2, s3  }
0xb: {  	s12 =	sor.u32 $0x1C15, s31;
	s24 =	sshrl.u32 s3, $0x1;
	s6 =	sshrl.u32 s6, $0x2  }
0xc: {  	s9 =	sshrl.u32 s23, $0x3;
	[dreg:$0x6] =	wrdreg s12;
	s25 =	sadd.s32 s6, s1  }
0xd: {  	s21 =	sadd.s32 s21, s7;
	s9 =	sadd.s32 s7, s9;
	[dreg:$0x5] =	wrdreg s25  }
0xe: {  	s0 =	sadd.s32 s5, s0;
	s13 =	sadd.s32 $0x10, s9;
	[dreg:$0x8] =	wrdreg s9  }
0xf: {  	s3 =	ssub.s32 s3, s24;
	s15 =	sadd.s32 $0x20, s9;
	[dreg:$0xa] =	wrdreg s13  }
0x10: {  	s26 =	sadd.s32 s23, s8;
	s17 =	sadd.s32 $0x30, s9;
	[dreg:$0xc] =	wrdreg s15  }
0x11: {  	s6 =	simm.s32 $0x8;
	s19 =	sadd.s32 $0x40, s9;
	[dreg:$0xe] =	wrdreg s17  }
0x12: {  	s7 =	simm.s32 $0x2800;
	s24 =	sadd.s32 $0x60, s9;
	[dreg:$0x10] =	wrdreg s19  }
0x13: {  	s8 =	sshrl.u32 s26, $0x3;
	s25 =	smax.u32 s3, $0x1;
	[dreg:$0x15] =	wrdreg s24  }
0x14: {  	s0 =	sadd.s32 $0x5DC00, s0;
	s31 =	sadd.s32 $0x70, s9;
	[dreg:$0x16] =	wrdreg s25  }
0x15: {  	s5 =	sor.u32 $0x400, s26;
	s0 =	sadd.s32 s22, s0;
	[dreg:$0x18] =	wrdreg s31  }
0x16: {  	s3 =	simm.s32 $0x0;
	s8 =	sadd.s32 s2, s8;
	[dreg:$0x14] =	wrdreg s0  }
0x17: {  	s5 =	sshrl.u32 s5, $0x3;
	s11 =	sadd.s32 $0x10, s8;
	[dreg:$0x7] =	wrdreg s8  }
0x18: {  	s15 =	simm.s32 $0x780;
	s14 =	sadd.s32 $0x20, s8;
	[dreg:$0x9] =	wrdreg s11  }
0x19: {  	s24 =	simm.s32 $0x800;
	s16 =	sadd.s32 $0x30, s8;
	[dreg:$0xb] =	wrdreg s14  }
0x1a: {  	s17 =	simm.s32 $0x380;
	s18 =	sadd.s32 $0x40, s8;
	[dreg:$0xd] =	wrdreg s16  }
0x1b: {  	s20 =	sadd.s32 $0x50, s8;
	s23 =	sadd.s32 $0x60, s8;
	[dreg:$0xf] =	wrdreg s18  }
.Ltmp0:
0x1c: {  	s26 =	sadd.s32 $0x70, s8;
	[dreg:$0x11] =	wrdreg s20;
	(pc) =	sbr.rel .LBB2_1-.Ltmp0, $4  }
0x1d: {  	s0 =	simm.s32 $0x14;
	s11 =	sadd.s32 $0x50, s9;
	[dreg:$0x13] =	wrdreg s23  }
0x1e: {  	s20 =	sadd.s32 s5, s2;
	[dreg:$0x17] =	wrdreg s26;
	s23 =	simm.s32 $0x380  }
0x1f: {  	s18 =	simm.s32 $0x40;
	s26 =	simm.s32 $0x6800;
	s9 =	simm.s32 $0x12  }
0x20: {  	s5 =	simm.s32 $0xC;
	[dreg:$0x12] =	wrdreg s11;
	s11 =	simm.s32 $0x10  }
.LBB2_4:
0x21: {  	[bflag:$0x0] =	sbarrier.arrive $0xFFFF  }
0x22: {  	s12 =	rddreg [dreg:$0x6]  }
0x23: {  	s2 =	rddreg [dreg:$0x14]  }
0x24: {  	s3 =	rddreg [dreg:$0x1a]  }
0x25: {  	[hbm:s2], [sflag:s12] =	dma.local [spmem:s3], $0x2800  }
0x26: {  	_ =	swait.ge [sflag:s29], $0x2800  }
0x27: {  	s25 =	rddreg [dreg:$0x19]  }
0x28: {  	s31 =	rddreg [dreg:$0x16];
	s3 =	sadd.s32 $0x1, s25  }
0x29: {  	p0 =	sne.s32 s3, s31  }
.Ltmp1:
0x2a: {  	_ = 	snop;
	(pc) =	sbr.rel @!p0 .LBB2_5-.Ltmp1, $3  }
0x2b: {  	_ =	sdelay $0x1  }
0x2c: {  	[sflag:s29] =	ssyncset.done $0x0  }
0x2d: {  	s23 =	simm.s32 $0x380;
	[sflag:s29] =	ssyncadd.s32 $0xFFFFD800  }
.LBB2_1:
0x2e: {  	[dreg:$0x19] =	wrdreg s3  }
0x2f: {  	s2 =	rddreg [dreg:$0x5]  }
0x30: {  	s31 =	rddreg [dreg:$0x4];
	s25 =	sshrl.u32 s2, $0x3  }
0x31: {  	[dreg:$0x1a] =	wrdreg s25  }
0x32: {  	[spmem:s25], [sflag:s12] =	dma.local [hbm:s31], $0x2800  }
0x33: {  	_ =	swait.ge [sflag:s29], $0x2800  }
0x34: {  	[sflag:s29] =	ssyncset.done $0x0  }
0x35: {  	s2 =	simm.s32 $0x0;
	s8 =	rddreg [dreg:$0x7];
	[sflag:s29] =	ssyncadd.s32 $0xFFFFD800  }
0x36: {  	[tilespmem:s2], [sflag:$0x1] =	stream.linear.gather [hbm4b:s8+s2], $0x80, $0x38;
	[tilespmem:$0x1C800] =	vst v63  }
0x37: {  	s12 =	rddreg [dreg:$0x8];
	s8 =	simm.s32 $0x400  }
0x38: {  	[tilespmem:s8], [sflag:$0x9] =	stream.linear.gather [hbm4b:s12+s2], $0x80, $0x38;
	[tilespmem:$0x1C800] =	vst v63  }
0x39: {  	s13 =	rddreg [dreg:$0x9];
	s8 =	simm.s32 $0x80  }
0x3a: {  	[tilespmem:s8], [sflag:$0x2] =	stream.linear.gather [hbm4b:s13+s2], $0x80, $0x38;
	[tilespmem:$0x1C800] =	vst v63  }
0x3b: {  	s16 =	simm.s32 $0x480;
	s14 =	rddreg [dreg:$0xa]  }
0x3c: {  	[tilespmem:s16], [sflag:$0xA] =	stream.linear.gather [hbm4b:s14+s2], $0x80, $0x38;
	[tilespmem:$0x1C800] =	vst v63  }
0x3d: {  	s19 =	rddreg [dreg:$0xb];
	s12 =	simm.s32 $0x100  }
0x3e: {  	[tilespmem:s12], [sflag:$0x3] =	stream.linear.gather [hbm4b:s19+s2], $0x80, $0x38;
	[tilespmem:$0x1C800] =	vst v63  }
0x3f: {  	s22 =	rddreg [dreg:$0xc];
	s13 =	simm.s32 $0x500  }
0x40: {  	[tilespmem:s13], [sflag:$0xB] =	stream.linear.gather [hbm4b:s22+s2], $0x80, $0x38;
	[tilespmem:$0x1C800] =	vst v63  }
0x41: {  	s25 =	rddreg [dreg:$0xd];
	s13 =	simm.s32 $0x180  }
0x42: {  	[tilespmem:s13], [sflag:$0x4] =	stream.linear.gather [hbm4b:s25+s2], $0x80, $0x38;
	[tilespmem:$0x1C800] =	vst v63  }
0x43: {  	s31 =	rddreg [dreg:$0xe];
	s14 =	simm.s32 $0x580  }
0x44: {  	[tilespmem:s14], [sflag:$0xC] =	stream.linear.gather [hbm4b:s31+s2], $0x80, $0x38;
	[tilespmem:$0x1C800] =	vst v63  }
0x45: {  	s16 =	simm.s32 $0x200;
	s14 =	rddreg [dreg:$0xf]  }
0x46: {  	[tilespmem:s16], [sflag:$0x5] =	stream.linear.gather [hbm4b:s14+s2], $0x80, $0x38;
	[tilespmem:$0x1C800] =	vst v63  }
0x47: {  	s19 =	rddreg [dreg:$0x10];
	s22 =	simm.s32 $0x600  }
0x48: {  	[tilespmem:s22], [sflag:$0xD] =	stream.linear.gather [hbm4b:s19+s2], $0x80, $0x38;
	[tilespmem:$0x1C800] =	vst v63  }
0x49: {  	s25 =	rddreg [dreg:$0x11];
	s31 =	simm.s32 $0x280  }
0x4a: {  	[tilespmem:s31], [sflag:$0x6] =	stream.linear.gather [hbm4b:s25+s2], $0x80, $0x38;
	[tilespmem:$0x1C800] =	vst v63  }
0x4b: {  	s14 =	rddreg [dreg:$0x12];
	s16 =	simm.s32 $0x680  }
0x4c: {  	[tilespmem:s16], [sflag:$0xE] =	stream.linear.gather [hbm4b:s14+s2], $0x80, $0x38;
	[tilespmem:$0x1C800] =	vst v63  }
0x4d: {  	s19 =	rddreg [dreg:$0x13];
	s22 =	simm.s32 $0x300  }
0x4e: {  	[tilespmem:s22], [sflag:$0x7] =	stream.linear.gather [hbm4b:s19+s2], $0x80, $0x38;
	[tilespmem:$0x1C800] =	vst v63  }
0x4f: {  	s25 =	rddreg [dreg:$0x15];
	s31 =	simm.s32 $0x700  }
0x50: {  	[tilespmem:s31], [sflag:$0xF] =	stream.linear.gather [hbm4b:s25+s2], $0x80, $0x38;
	[tilespmem:$0x1C800] =	vst v63  }
0x51: {  	s16 =	rddreg [dreg:$0x17]  }
0x52: {  	[tilespmem:s23], [sflag:$0x8] =	stream.linear.gather [hbm4b:s16+s2], $0x80, $0x38;
	[tilespmem:$0x1C800] =	vst v63  }
0x53: {  	s19 =	rddreg [dreg:$0x18]  }
0x54: {  	[tilespmem:s15], [sflag:$0x10] =	stream.linear.gather [hbm4b:s19+s2], $0x80, $0x38;
	[tilespmem:$0x1C800] =	vst v63  }
0x55: {  	s22 =	simm.s32 $0x1;
	[bflag:$0x0] =	sbarrier.arrive $0xFFFF  }
0x56: {  	_ =	swait.ge [sflag:s22], $0x80  }
0x57: {  	[sflag:s22] =	ssyncset.done $0x0  }
0x58: {  	s25 =	simm.s32 $0x2;
	[sflag:s22] =	ssyncadd.s32 $0xFFFFFF80  }
0x59: {  	[tilespmem:s24], [sflag:$0x11] =	stream.indirect.gather [hbm4b:s4+s18], $0x80, s2, s18, $0xb8;
	[tilespmem:$0x1C800] =	vst v63  }
0x5a: {  	_ =	swait.ge [sflag:s25], $0x80  }
0x5b: {  	[sflag:s25] =	ssyncset.done $0x0  }
0x5c: {  	[sflag:s25] =	ssyncadd.s32 $0xFFFFFF80  }
0x5d: {  	[tilespmem:s28], [sflag:$0x12] =	stream.indirect.gather [hbm4b:s4+s18], $0x80, s8, s18, $0xb8;
	[tilespmem:$0x1C800] =	vst v63  }
0x5e: {  	s28 =	simm.s32 $0x3  }
0x5f: {  	_ =	swait.ge [sflag:s28], $0x80  }
0x60: {  	[sflag:s28] =	ssyncset.done $0x0  }
0x61: {  	s31 =	simm.s32 $0x4;
	[sflag:s28] =	ssyncadd.s32 $0xFFFFFF80  }
0x62: {  	[tilespmem:s30], [sflag:$0x13] =	stream.indirect.gather [hbm4b:s4+s18], $0x80, s12, s18, $0xb8;
	[tilespmem:$0x1C800] =	vst v63  }
0x63: {  	_ =	swait.ge [sflag:s31], $0x80  }
0x64: {  	[sflag:s31] =	ssyncset.done $0x0  }
0x65: {  	s22 =	simm.s32 $0x780;
	s12 =	simm.s32 $0x0;
	[sflag:s31] =	ssyncadd.s32 $0xFFFFFF80  }
0x66: {  	[tilespmem:s26], [sflag:$0x14] =	stream.indirect.gather [hbm4b:s4+s18], $0x80, s13, s18, $0xb8;
	[tilespmem:$0x1C800] =	vst v63  }
.LBB2_2:
0x67: {  	s2 =	simm.s32 $0x11  }
0x68: {  	_ =	swait.ge [sflag:s2], $0x2000  }
0x69: {  	[sflag:s2] =	ssyncset.done $0x0  }
0x6a: {  	s19 =	simm.s32 $0x9;
	[sflag:s2] =	ssyncadd.s32 $0xFFFFE000  }
0x6b: {  	_ =	swait.ge [sflag:s19], $0x80  }
0x6c: {  	[sflag:s19] =	ssyncset.done $0x0  }
0x6d: {  	s24 =	simm.s32 $0x400;
	s3 =	simm.s32 $0x800;
	[sflag:s19] =	ssyncadd.s32 $0xFFFFFF80  }
0x6e: {  	[spmem:s1] =	stream.indirect.scatter.add.f32 [tilespmem:s3], [sflag:$0x15], $0x80, s24, s18, $0xb8;
	[tilespmem:$0x1C800] =	vst v63  }
0x6f: {  	_ =	swait.ge [sflag:s29], $0x2000  }
0x70: {  	[sflag:s29] =	ssyncset.done $0x0  }
0x71: {  	s25 =	simm.s32 $0x5;
	[sflag:s29] =	ssyncadd.s32 $0xFFFFE000  }
0x72: {  	_ =	swait.ge [sflag:s25], $0x80  }
0x73: {  	[sflag:s25] =	ssyncset.done $0x0  }
0x74: {  	s31 =	simm.s32 $0x200;
	p0 =	seq.s32 s12, $0x980;
	[sflag:s25] =	ssyncadd.s32 $0xFFFFFF80  }
0x75: {  	[tilespmem:s3], [sflag:$0x11] =	stream.indirect.gather [hbm4b:s4+s18], $0x80, s31, s18, $0xb8;
	[tilespmem:$0x1C800] =	vst v63  }
0x76: {  	s14 =	sadd.s32 @!p0 s12, s20;
	s13 =	simm.s32 @!p0 $0x0;
	s15 =	sadd.s32 @!p0 s12, s21  }
0x77: {  	[tilespmem:s13], [sflag:$0x1] =	stream.linear.gather @!p0 [hbm4b:s14+s13], $0x80, $0x38;
	[tilespmem:$0x1C800] =	vst v63  }
0x78: {  	s16 =	simm.s32 @!p0 $0x400;
	s2 =	sadd.s32 @!p0 $0x80, s15  }
0x79: {  	[tilespmem:s16], [sflag:$0x9] =	stream.linear.gather @!p0 [hbm4b:s2+s13], $0x80, $0x38;
	[tilespmem:$0x1C800] =	vst v63  }
0x7a: {  	_ =	swait.ge [sflag:s9], $0x2000  }
0x7b: {  	[sflag:s9] =	ssyncset.done $0x0  }
0x7c: {  	s8 =	simm.s32 $0xA;
	[sflag:s9] =	ssyncadd.s32 $0xFFFFE000  }
0x7d: {  	_ =	swait.ge [sflag:s8], $0x80  }
0x7e: {  	[sflag:s8] =	ssyncset.done $0x0  }
0x7f: {  	s16 =	simm.s32 $0x480;
	[sflag:s8] =	ssyncadd.s32 $0xFFFFFF80  }
0x80: {  	[spmem:s1] =	stream.indirect.scatter.add.f32 [tilespmem:s7], [sflag:$0x15], $0x80, s16, s18, $0xb8;
	[tilespmem:$0x1C800] =	vst v63  }
0x81: {  	_ =	swait.ge [sflag:s29], $0x2000  }
0x82: {  	[sflag:s29] =	ssyncset.done $0x0  }
0x83: {  	s19 =	simm.s32 $0x6;
	[sflag:s29] =	ssyncadd.s32 $0xFFFFE000  }
0x84: {  	_ =	swait.ge [sflag:s19], $0x80  }
0x85: {  	[sflag:s19] =	ssyncset.done $0x0  }
0x86: {  	s25 =	simm.s32 $0x280;
	[sflag:s19] =	ssyncadd.s32 $0xFFFFFF80  }
0x87: {  	[tilespmem:s7], [sflag:$0x12] =	stream.indirect.gather [hbm4b:s4+s18], $0x80, s25, s18, $0xb8;
	[tilespmem:$0x1C800] =	vst v63  }
0x88: {  	s2 =	simm.s32 @!p0 $0x80;
	s16 =	sadd.s32 @!p0 $0x10, s14  }
0x89: {  	[tilespmem:s2], [sflag:$0x2] =	stream.linear.gather @!p0 [hbm4b:s16+s13], $0x80, $0x38;
	[tilespmem:$0x1C800] =	vst v63  }
0x8a: {  	s31 =	simm.s32 $0x13;
	s19 =	simm.s32 @!p0 $0x480;
	s16 =	sadd.s32 @!p0 $0x90, s15  }
0x8b: {  	[tilespmem:s19], [sflag:$0xA] =	stream.linear.gather @!p0 [hbm4b:s16+s13], $0x80, $0x38;
	[tilespmem:$0x1C800] =	vst v63  }
0x8c: {  	_ =	swait.ge [sflag:s31], $0x2000  }
0x8d: {  	[sflag:s31] =	ssyncset.done $0x0  }
0x8e: {  	s8 =	simm.s32 $0xB;
	[sflag:s31] =	ssyncadd.s32 $0xFFFFE000  }
0x8f: {  	_ =	swait.ge [sflag:s8], $0x80  }
0x90: {  	[sflag:s8] =	ssyncset.done $0x0  }
0x91: {  	s16 =	simm.s32 $0x500;
	[sflag:s8] =	ssyncadd.s32 $0xFFFFFF80;
	s8 =	simm.s32 $0x4800  }
0x92: {  	[spmem:s1] =	stream.indirect.scatter.add.f32 [tilespmem:s8], [sflag:$0x15], $0x80, s16, s18, $0xb8;
	[tilespmem:$0x1C800] =	vst v63  }
0x93: {  	_ =	swait.ge [sflag:s29], $0x2000  }
0x94: {  	[sflag:s29] =	ssyncset.done $0x0  }
0x95: {  	s19 =	simm.s32 $0x7;
	[sflag:s29] =	ssyncadd.s32 $0xFFFFE000  }
0x96: {  	_ =	swait.ge [sflag:s19], $0x80  }
0x97: {  	[sflag:s19] =	ssyncset.done $0x0  }
0x98: {  	s25 =	simm.s32 $0x300;
	[sflag:s19] =	ssyncadd.s32 $0xFFFFFF80  }
0x99: {  	[tilespmem:s8], [sflag:$0x13] =	stream.indirect.gather [hbm4b:s4+s18], $0x80, s25, s18, $0xb8;
	[tilespmem:$0x1C800] =	vst v63  }
0x9a: {  	s16 =	simm.s32 @!p0 $0x100;
	s19 =	sadd.s32 @!p0 $0x20, s14  }
0x9b: {  	[tilespmem:s16], [sflag:$0x3] =	stream.linear.gather @!p0 [hbm4b:s19+s13], $0x80, $0x38;
	[tilespmem:$0x1C800] =	vst v63  }
0x9c: {  	s25 =	simm.s32 @!p0 $0x500;
	s19 =	sadd.s32 @!p0 $0xA0, s15  }
0x9d: {  	[tilespmem:s25], [sflag:$0xB] =	stream.linear.gather @!p0 [hbm4b:s19+s13], $0x80, $0x38;
	[tilespmem:$0x1C800] =	vst v63  }
0x9e: {  	_ =	swait.ge [sflag:s0], $0x2000  }
0x9f: {  	[sflag:s0] =	ssyncset.done $0x0  }
0xa0: {  	[sflag:s0] =	ssyncadd.s32 $0xFFFFE000  }
0xa1: {  	_ =	swait.ge [sflag:s5], $0x80  }
0xa2: {  	[sflag:s5] =	ssyncset.done $0x0  }
0xa3: {  	s31 =	simm.s32 $0x580;
	[sflag:s5] =	ssyncadd.s32 $0xFFFFFF80  }
0xa4: {  	[spmem:s1] =	stream.indirect.scatter.add.f32 [tilespmem:s26], [sflag:$0x15], $0x80, s31, s18, $0xb8;
	[tilespmem:$0x1C800] =	vst v63  }
0xa5: {  	_ =	swait.ge [sflag:s29], $0x2000  }
0xa6: {  	[sflag:s29] =	ssyncset.done $0x0  }
0xa7: {  	[sflag:s29] =	ssyncadd.s32 $0xFFFFE000  }
0xa8: {  	_ =	swait.ge [sflag:s6], $0x80  }
0xa9: {  	[sflag:s6] =	ssyncset.done $0x0  }
0xaa: {  	s19 =	simm.s32 @p0 $0x11;
	[sflag:s6] =	ssyncadd.s32 $0xFFFFFF80  }
0xab: {  	[tilespmem:s26], [sflag:$0x14] =	stream.indirect.gather [hbm4b:s4+s18], $0x80, s23, s18, $0xb8;
	[tilespmem:$0x1C800] =	vst v63  }
0xac: {  	_ =	swait.ge @p0 [sflag:s19], $0x2000  }
0xad: {  	[sflag:s19] =	ssyncset.done @p0 $0x0  }
0xae: {  	[sflag:s19] =	ssyncadd.s32 @p0 $0xFFFFE000;
	s19 =	simm.s32 @p0 $0xD  }
0xaf: {  	_ =	swait.ge @p0 [sflag:s19], $0x80  }
0xb0: {  	s25 =	simm.s32 @p0 $0x800;
	s31 =	simm.s32 @p0 $0x40;
	[sflag:s19] =	ssyncset.done @p0 $0x0  }
0xb1: {  	s23 =	simm.s32 @p0 $0x15;
	[sflag:s19] =	ssyncadd.s32 @p0 $0xFFFFFF80;
	s19 =	simm.s32 @p0 $0x600  }
0xb2: {  	[spmem:s1] =	stream.indirect.scatter.add.f32 @p0 [tilespmem:s25], [sflag:$0x15], $0x80, s19, s31, $0xb8;
	[tilespmem:$0x1C800] =	vst v63  }
0xb3: {  	_ =	swait.ge @p0 [sflag:s23], $0x2000  }
0xb4: {  	[sflag:s23] =	ssyncset.done @p0 $0x0  }
0xb5: {  	s19 =	sadd.s32 @!p0 $0x30, s14;
	s25 =	simm.s32 @!p0 $0x180;
	[sflag:s23] =	ssyncadd.s32 @p0 $0xFFFFE000  }
0xb6: {  	[tilespmem:s25], [sflag:$0x4] =	stream.linear.gather @!p0 [hbm4b:s19+s13], $0x80, $0x38;
	[tilespmem:$0x1C800] =	vst v63  }
0xb7: {  	s19 =	sadd.s32 @!p0 $0xB0, s15;
	s25 =	simm.s32 @!p0 $0x580  }
0xb8: {  	[tilespmem:s25], [sflag:$0xC] =	stream.linear.gather @!p0 [hbm4b:s19+s13], $0x80, $0x38;
	[tilespmem:$0x1C800] =	vst v63  }
0xb9: {  	s19 =	simm.s32 @!p0 $0x11  }
0xba: {  	_ =	swait.ge @!p0 [sflag:s19], $0x2000  }
0xbb: {  	[sflag:s19] =	ssyncset.done @!p0 $0x0  }
0xbc: {  	[sflag:s19] =	ssyncadd.s32 @!p0 $0xFFFFE000;
	s19 =	simm.s32 @!p0 $0xD  }
0xbd: {  	_ =	swait.ge @!p0 [sflag:s19], $0x80  }
0xbe: {  	s28 =	simm.s32 @!p0 $0x600;
	s3 =	simm.s32 @!p0 $0x800;
	[sflag:s19] =	ssyncset.done @!p0 $0x0  }
0xbf: {  	s25 =	simm.s32 @!p0 $0x15;
	[sflag:s19] =	ssyncadd.s32 @!p0 $0xFFFFFF80;
	s19 =	simm.s32 @!p0 $0x40  }
0xc0: {  	[spmem:s1] =	stream.indirect.scatter.add.f32 @!p0 [tilespmem:s3], [sflag:$0x15], $0x80, s28, s19, $0xb8;
	[tilespmem:$0x1C800] =	vst v63  }
0xc1: {  	_ =	swait.ge @!p0 [sflag:s25], $0x2000  }
0xc2: {  	[sflag:s25] =	ssyncset.done @!p0 $0x0  }
0xc3: {  	s8 =	simm.s32 @!p0 $0x1;
	[sflag:s25] =	ssyncadd.s32 @!p0 $0xFFFFE000  }
0xc4: {  	_ =	swait.ge @!p0 [sflag:s8], $0x80  }
0xc5: {  	[sflag:s8] =	ssyncset.done @!p0 $0x0  }
0xc6: {  	[sflag:s8] =	ssyncadd.s32 @!p0 $0xFFFFFF80  }
0xc7: {  	[tilespmem:s3], [sflag:$0x11] =	stream.indirect.gather @!p0 [hbm4b:s4+s19], $0x80, s13, s19, $0xb8;
	[tilespmem:$0x1C800] =	vst v63  }
0xc8: {  	s8 =	simm.s32 @!p0 $0x200;
	s3 =	sadd.s32 @!p0 $0x40, s14  }
0xc9: {  	[tilespmem:s8], [sflag:$0x5] =	stream.linear.gather @!p0 [hbm4b:s3+s13], $0x80, $0x38;
	[tilespmem:$0x1C800] =	vst v63  }
0xca: {  	s3 =	sadd.s32 @!p0 $0xC0, s15  }
0xcb: {  	[tilespmem:s28], [sflag:$0xD] =	stream.linear.gather @!p0 [hbm4b:s3+s13], $0x80, $0x38;
	[tilespmem:$0x1C800] =	vst v63  }
0xcc: {  	_ =	swait.ge [sflag:s9], $0x2000  }
0xcd: {  	[sflag:s9] =	ssyncset.done $0x0  }
0xce: {  	[sflag:s9] =	ssyncadd.s32 $0xFFFFE000  }
0xcf: {  	_ =	swait.ge [sflag:s10], $0x80  }
0xd0: {  	[sflag:s10] =	ssyncset.done $0x0  }
0xd1: {  	s8 =	simm.s32 $0x680;
	[sflag:s10] =	ssyncadd.s32 $0xFFFFFF80  }
0xd2: {  	[spmem:s1] =	stream.indirect.scatter.add.f32 [tilespmem:s7], [sflag:$0x15], $0x80, s8, s18, $0xb8;
	[tilespmem:$0x1C800] =	vst v63  }
0xd3: {  	_ =	swait.ge [sflag:s29], $0x2000  }
0xd4: {  	[sflag:s29] =	ssyncset.done $0x0  }
0xd5: {  	s3 =	simm.s32 @p0 $0x13;
	[sflag:s29] =	ssyncadd.s32 $0xFFFFE000  }
0xd6: {  	_ =	swait.ge @p0 [sflag:s3], $0x2000  }
0xd7: {  	[sflag:s3] =	ssyncset.done @p0 $0x0  }
0xd8: {  	[sflag:s3] =	ssyncadd.s32 @p0 $0xFFFFE000;
	s3 =	simm.s32 @p0 $0xF  }
0xd9: {  	_ =	swait.ge @p0 [sflag:s3], $0x80  }
0xda: {  	[sflag:s3] =	ssyncset.done @p0 $0x0  }
0xdb: {  	s8 =	simm.s32 @p0 $0x4800;
	[sflag:s3] =	ssyncadd.s32 @p0 $0xFFFFFF80;
	s3 =	simm.s32 @p0 $0x700  }
0xdc: {  	[spmem:s1] =	stream.indirect.scatter.add.f32 @p0 [tilespmem:s8], [sflag:$0x15], $0x80, s3, s31, $0xb8;
	[tilespmem:$0x1C800] =	vst v63  }
0xdd: {  	_ =	swait.ge @p0 [sflag:s23], $0x2000  }
0xde: {  	[sflag:s23] =	ssyncset.done @p0 $0x0  }
0xdf: {  	s3 =	simm.s32 @!p0 $0x2;
	[sflag:s23] =	ssyncadd.s32 @p0 $0xFFFFE000  }
0xe0: {  	_ =	swait.ge @!p0 [sflag:s3], $0x80  }
0xe1: {  	[sflag:s3] =	ssyncset.done @!p0 $0x0  }
0xe2: {  	[sflag:s3] =	ssyncadd.s32 @!p0 $0xFFFFFF80;
	s3 =	simm.s32 @!p0 $0x2800  }
0xe3: {  	[tilespmem:s3], [sflag:$0x12] =	stream.indirect.gather @!p0 [hbm4b:s4+s19], $0x80, s2, s19, $0xb8;
	[tilespmem:$0x1C800] =	vst v63  }
0xe4: {  	s2 =	sadd.s32 @!p0 $0x50, s14;
	s3 =	simm.s32 @!p0 $0x280  }
0xe5: {  	[tilespmem:s3], [sflag:$0x6] =	stream.linear.gather @!p0 [hbm4b:s2+s13], $0x80, $0x38;
	[tilespmem:$0x1C800] =	vst v63  }
0xe6: {  	s2 =	sadd.s32 @!p0 $0xD0, s15;
	s3 =	simm.s32 @!p0 $0x680  }
0xe7: {  	[tilespmem:s3], [sflag:$0xE] =	stream.linear.gather @!p0 [hbm4b:s2+s13], $0x80, $0x38;
	[tilespmem:$0x1C800] =	vst v63  }
0xe8: {  	s2 =	simm.s32 @!p0 $0x13  }
0xe9: {  	_ =	swait.ge @!p0 [sflag:s2], $0x2000  }
0xea: {  	[sflag:s2] =	ssyncset.done @!p0 $0x0  }
0xeb: {  	[sflag:s2] =	ssyncadd.s32 @!p0 $0xFFFFE000;
	s2 =	simm.s32 @!p0 $0xF  }
0xec: {  	_ =	swait.ge @!p0 [sflag:s2], $0x80  }
0xed: {  	[sflag:s2] =	ssyncset.done @!p0 $0x0  }
0xee: {  	s3 =	simm.s32 @!p0 $0x4800;
	[sflag:s2] =	ssyncadd.s32 @!p0 $0xFFFFFF80;
	s2 =	simm.s32 @!p0 $0x700  }
0xef: {  	[spmem:s1] =	stream.indirect.scatter.add.f32 @!p0 [tilespmem:s3], [sflag:$0x15], $0x80, s2, s19, $0xb8;
	[tilespmem:$0x1C800] =	vst v63  }
0xf0: {  	_ =	swait.ge @!p0 [sflag:s25], $0x2000  }
0xf1: {  	[sflag:s25] =	ssyncset.done @!p0 $0x0  }
0xf2: {  	s8 =	simm.s32 @!p0 $0x3;
	[sflag:s25] =	ssyncadd.s32 @!p0 $0xFFFFE000  }
0xf3: {  	_ =	swait.ge @!p0 [sflag:s8], $0x80  }
0xf4: {  	[sflag:s8] =	ssyncset.done @!p0 $0x0  }
0xf5: {  	[sflag:s8] =	ssyncadd.s32 @!p0 $0xFFFFFF80  }
0xf6: {  	[tilespmem:s3], [sflag:$0x13] =	stream.indirect.gather @!p0 [hbm4b:s4+s19], $0x80, s16, s19, $0xb8;
	[tilespmem:$0x1C800] =	vst v63  }
0xf7: {  	s8 =	simm.s32 @!p0 $0x300;
	s3 =	sadd.s32 @!p0 $0x60, s14  }
0xf8: {  	[tilespmem:s8], [sflag:$0x7] =	stream.linear.gather @!p0 [hbm4b:s3+s13], $0x80, $0x38;
	[tilespmem:$0x1C800] =	vst v63  }
0xf9: {  	s3 =	sadd.s32 @!p0 $0xE0, s15  }
0xfa: {  	[tilespmem:s2], [sflag:$0xF] =	stream.linear.gather @!p0 [hbm4b:s3+s13], $0x80, $0x38;
	[tilespmem:$0x1C800] =	vst v63  }
0xfb: {  	_ =	swait.ge [sflag:s0], $0x2000  }
0xfc: {  	[sflag:s0] =	ssyncset.done $0x0  }
0xfd: {  	[sflag:s0] =	ssyncadd.s32 $0xFFFFE000  }
0xfe: {  	_ =	swait.ge [sflag:s11], $0x80  }
0xff: {  	[sflag:s11] =	ssyncset.done $0x0  }
.Ltmp2:
0x100: {  	[sflag:s11] =	ssyncadd.s32 $0xFFFFFF80;
	(pc) =	sbr.rel @p0 .LBB2_4-.Ltmp2, $4  }
0x101: {  	[spmem:s1] =	stream.indirect.scatter.add.f32 [tilespmem:s26], [sflag:$0x15], $0x80, s22, s18, $0xb8;
	[tilespmem:$0x1C800] =	vst v63  }
0x102: {  	_ =	swait.ge [sflag:s29], $0x2000  }
0x103: {  	s30 =	simm.s32 $0x4800;
	s24 =	simm.s32 $0x800;
	[sflag:s29] =	ssyncset.done $0x0  }
0x104: {  	s28 =	simm.s32 $0x2800;
	s15 =	simm.s32 $0x780;
	[sflag:s29] =	ssyncadd.s32 $0xFFFFE000  }
0x105: {  	s2 =	simm.s32 $0x4  }
0x106: {  	_ =	swait.ge [sflag:s2], $0x80  }
0x107: {  	[sflag:s2] =	ssyncset.done $0x0  }
0x108: {  	s28 =	simm.s32 $0x180;
	[sflag:s2] =	ssyncadd.s32 $0xFFFFFF80  }
0x109: {  	[tilespmem:s26], [sflag:$0x14] =	stream.indirect.gather [hbm4b:s4+s18], $0x80, s28, s18, $0xb8;
	[tilespmem:$0x1C800] =	vst v63  }
.Ltmp3:
0x10a: {  	s30 =	sadd.s32 s12, s20;
	s3 =	simm.s32 $0x0;
	(pc) =	sbr.rel .LBB2_2-.Ltmp3, $4  }
0x10b: {  	s31 =	sadd.s32 s12, s21;
	s12 =	sadd.s32 $0x80, s12;
	s2 =	sadd.s32 $0x70, s30  }
0x10c: {  	[tilespmem:s17], [sflag:$0x8] =	stream.linear.gather [hbm4b:s2+s3], $0x80, $0x38;
	[tilespmem:$0x1C800] =	vst v63  }
0x10d: {  	s23 =	simm.s32 $0x380;
	s22 =	simm.s32 $0x780;
	s2 =	sadd.s32 $0xF0, s31  }
0x10e: {  	[tilespmem:s15], [sflag:$0x10] =	stream.linear.gather [hbm4b:s2+s3], $0x80, $0x38;
	[tilespmem:$0x1C800] =	vst v63  }
.LBB2_5:
0x10f: {  	_ =	sfence.sel $0x180000  }
0x110: {  	[bflag:$0x0] =	sbarrier.arrive $0xFFFF  }
0x111: {  	_ =	strace $0x9000004D  }
0x112: {  	s0 =	stileid.u32;
	[bflag:$0x2] =	sbarrier.arrive $0xFFFF  }
0x113: {  	p0 =	sne.s32 s0, $0x0;
	s0 =	rddreg [dreg:$0x3]  }
0x114: {  	s0 =	sadd.s32 @!p0 $0x100000, s0  }
0x115: {  	[sflag:s0] =	ssyncadd.tile.s32 @!p0 $0x1;
	_ =	shalt  }
.Lfunc_end2:
_tile_overlayer_lowered:
.L_overlay_start_2:
0x116: {  	(tag) =	ssettag $0x2  }
0x117: {  	s0 =	rddreg [dreg:$0x0];
	s2 =	stileid.u32  }
0x118: {  	s1 =	rddreg [dreg:$0x1];
	p0 =	sne.s32 s2, $0x0  }
0x119: {  	s3 =	rddreg [dreg:$0x2];
	[bflag:$0x3] =	sbarrier.arrive $0xFFFF;
	s2 =	simm.s32 @!p0 $0x1C15  }
0x11a: {  	[timem:s3], [sflag:s2] =	dma.local @!p0 [hbm:s0], s1  }
0x11b: {  	s0 =	simm.s32 @!p0 $0x15  }
0x11c: {  	_ =	swait.ge @!p0 [sflag:s0], s1  }
0x11d: {  	s1 =	ssub.s32 @!p0 $0x0, s1;
	[sflag:s0] =	ssyncset.done @!p0 $0x0  }
0x11e: {  	[sflag:s0] =	ssyncadd.s32 @!p0 s1  }
0x11f: {  	[bflag:$0x3] =	sbarrier.arrive $0xFFFF  }
0x120: {  	_ =	shalt  }

// kernel: kernel.8.cloned.1.call-start
scs
__scs_entry_jumppad:
0x0: {  	(pc) =	sbr.rel $0x88, $3  }
0x1: {  	(tag) =	ssettag $0x0;
	lr =	simm.s32 $0x1  }
0x2: {  	[smem:$0x3F9B] =	sst lr;
	_ =	strace $0xD0000000  }
0x3: {  	_ = 	snop  }
0x4: {  	_ = 	snop  }
0x5: {  	_ = 	snop  }
0x6: {  	_ = 	snop  }
0x7: {  	_ = 	snop  }
__scs_overlays_trampoline_lowered:
0x8: {  	[smem:$0x3FAA] =	sst s0  }
0x9: {  	[smem:$0x3FAB] =	sst s1  }
0xa: {  	[smem:$0x3FAC] =	sst s2  }
0xb: {  	[smem:$0x3FAD] =	sst s3  }
0xc: {  	[smem:$0x3FAE] =	sst s4  }
0xd: {  	[smem:$0x3FAF] =	sst s5  }
0xe: {  	[smem:$0x3FB0] =	sst s6  }
0xf: {  	[smem:$0x3FB1] =	sst s7  }
0x10: {  	[smem:$0x3FB2] =	sst s8  }
0x11: {  	[smem:$0x3FB3] =	sst s9;
	s0 =	simm.s32 @!p0 $0x0  }
0x12: {  	s1 =	sld [smem:$0x3F99];
	s0 =	simm.s32 @p0 $0x1  }
0x13: {  	[smem:$0x3FB4] =	sst s0;
	s0 =	simm.s32 @!p1 $0x0  }
0x14: {  	s2 =	sld [smem:$0x3F98];
	s0 =	simm.s32 @p1 $0x1  }
0x15: {  	[smem:$0x3FB5] =	sst s0;
	s0 =	simm.s32 @!p2 $0x0  }
0x16: {  	s3 =	sld [smem:$0x3FDB];
	s0 =	simm.s32 @p2 $0x1  }
0x17: {  	s4 =	simm.s32 $0x1BF5;
	[smem:$0x3FB7] =	sst s0  }
0x18: {  	s0 =	sld [smem:$0x3F9A];
	_ =	swait.ge [sflag:s4], $0x0  }
0x19: {  	s7 =	sld [smem:$0x3F9B]  }
0x1a: {  	s8 =	sadd.s32 $0xFFFFE003, lr  }
0x1b: {  	s9 =	sadd.s32 $0xFFFFFEF7, lr;
	s5 =	simm.s32 $0xFFFFFFFF;
	p2 =	slt.u32 s8, $0xFFFFF086  }
0x1c: {  	p1 =	slt.u32 s9, $0xF7A;
	s5 =	simm.s32 @!p2 $0x0  }
0x1d: {  	s5 =	simm.s32 @p1 $0x1;
	p0 =	seq.s32 s7, s2  }
0x1e: {  	s7 =	smul.u32 @!p0 $0xF7A, s2;
	p2 =	seq.s32 @!p0 s5, $0x0  }
0x1f: {  	s9 =	smul.u32 $0xF7A, s1;
	s8 =	simm.s32 @!p0 $0x1BF5;
	p2 =	por !p2, p0  }
0x20: {  	[sflag:s8] =	ssyncset.s32 @!p0 $0xFFFFF086;
	s6 =	sadd.s32 @!p0 s3, s7;
	s7 =	simm.s32 @!p0 $0x108  }
0x21: {  	s3 =	sadd.s32 s3, s9;
	s6 =	sadd.s32 @!p0 $0x88, s6;
	s7 =	simm.s32 @p2 $0x1082  }
0x22: {  	[simem:s7], [sflag:s8] =	dma.local @!p0 [hbm:s6], $0xF7A  }
0x23: {  	s9 =	sor.u32 $0xD0000000, s2;
	s6 =	simm.s32 $0x108;
	_ =	swait.ge @!p0 [sflag:s8], $0x0  }
0x24: {  	s3 =	sadd.s32 $0x88, s3;
	s6 =	simm.s32 @!p1 $0x1082;
	[sflag:s4] =	ssyncset.s32 $0xFFFFF086  }
0x25: {  	[simem:s6], [sflag:s4] =	dma.local [hbm:s3], $0xF7A  }
0x26: {  	[smem:$0x3F9B] =	sst s1;
	(tag) =	ssettag s2;
	_ =	strace s9  }
0x27: {  	s1 =	sld [smem:$0x3FAB]  }
0x28: {  	s2 =	sld [smem:$0x3FAC]  }
0x29: {  	s4 =	sld [smem:$0x3FAE]  }
0x2a: {  	p0 =	seq.s32 s5, $0x0;
	s5 =	sld [smem:$0x3FAF]  }
0x2b: {  	s6 =	sld [smem:$0x3FB0]  }
0x2c: {  	s7 =	sld [smem:$0x3FB1]  }
0x2d: {  	s3 =	simm.s32 $0x108;
	s8 =	sld [smem:$0x3FB2]  }
0x2e: {  	s3 =	simm.s32 @!p0 $0x1082;
	s9 =	sld [smem:$0x3FB3]  }
0x2f: {  	lr =	sadd.s32 s0, s3;
	s0 =	sld [smem:$0x3FAA]  }
0x30: {  	s3 =	sld [smem:$0x3FAD]  }
0x31: {  	[smem:$0x3FB6] =	sst s10  }
0x32: {  	s10 =	sld [smem:$0x3FB4];
	_ =	sdelay $0x3  }
0x33: {  	p0 =	seq.s32 s10, $0x1;
	s10 =	sld [smem:$0x3FB6];
	_ =	sdelay $0x3  }
0x34: {  	[smem:$0x3FB6] =	sst s10  }
0x35: {  	s10 =	sld [smem:$0x3FB5];
	_ =	sdelay $0x3  }
0x36: {  	p1 =	seq.s32 s10, $0x1;
	s10 =	sld [smem:$0x3FB6];
	_ =	sdelay $0x3  }
0x37: {  	[smem:$0x3FB6] =	sst s10  }
0x38: {  	s10 =	sld [smem:$0x3FB7]  }
0x39: {  	_ = 	snop;
	(pc) =	sbr.ind lr, $3  }
0x3a: {  	_ = 	snop  }
0x3b: {  	_ = 	snop  }
0x3c: {  	p2 =	seq.s32 s10, $0x1;
	s10 =	sld [smem:$0x3FB6]  }
0x3d: {  	_ =	shalt  }
0x3e: {  	_ =	shalt  }
0x3f: {  	_ =	shalt  }
0x40: {  	_ =	shalt  }
0x41: {  	_ =	shalt  }
0x42: {  	_ =	shalt  }
0x43: {  	_ =	shalt  }
0x44: {  	_ =	shalt  }
0x45: {  	_ =	shalt  }
0x46: {  	_ =	shalt  }
0x47: {  	_ =	shalt  }
0x48: {  	_ =	shalt  }
0x49: {  	_ =	shalt  }
0x4a: {  	_ =	shalt  }
0x4b: {  	_ =	shalt  }
0x4c: {  	_ =	shalt  }
0x4d: {  	_ =	shalt  }
0x4e: {  	_ =	shalt  }
0x4f: {  	_ =	shalt  }
0x50: {  	_ =	shalt  }
0x51: {  	_ =	shalt  }
0x52: {  	_ =	shalt  }
0x53: {  	_ =	shalt  }
0x54: {  	_ =	shalt  }
0x55: {  	_ =	shalt  }
0x56: {  	_ =	shalt  }
0x57: {  	_ =	shalt  }
0x58: {  	_ =	shalt  }
0x59: {  	_ =	shalt  }
0x5a: {  	_ =	shalt  }
0x5b: {  	_ =	shalt  }
0x5c: {  	_ =	shalt  }
0x5d: {  	_ =	shalt  }
0x5e: {  	_ =	shalt  }
0x5f: {  	_ =	shalt  }
0x60: {  	_ =	shalt  }
0x61: {  	_ =	shalt  }
0x62: {  	_ =	shalt  }
0x63: {  	_ =	shalt  }
0x64: {  	_ =	shalt  }
0x65: {  	_ =	shalt  }
0x66: {  	_ =	shalt  }
0x67: {  	_ =	shalt  }
0x68: {  	_ =	shalt  }
0x69: {  	_ =	shalt  }
0x6a: {  	_ =	shalt  }
0x6b: {  	_ =	shalt  }
0x6c: {  	_ =	shalt  }
0x6d: {  	_ =	shalt  }
0x6e: {  	_ =	shalt  }
0x6f: {  	_ =	shalt  }
0x70: {  	_ =	shalt  }
0x71: {  	_ =	shalt  }
0x72: {  	_ =	shalt  }
0x73: {  	_ =	shalt  }
0x74: {  	_ =	shalt  }
0x75: {  	_ =	shalt  }
0x76: {  	_ =	shalt  }
0x77: {  	_ =	shalt  }
0x78: {  	_ =	shalt  }
0x79: {  	_ =	shalt  }
0x7a: {  	_ =	shalt  }
0x7b: {  	_ =	shalt  }
0x7c: {  	_ =	shalt  }
0x7d: {  	_ =	shalt  }
0x7e: {  	_ =	shalt  }
0x7f: {  	_ =	shalt  }
0x80: {  	_ =	shalt  }
0x81: {  	_ =	shalt  }
0x82: {  	_ =	shalt  }
0x83: {  	_ =	shalt  }
0x84: {  	_ =	shalt  }
0x85: {  	_ =	shalt  }
0x86: {  	_ =	shalt  }
0x87: {  	_ =	shalt  }
.Lfunc_end0:
.L_simem_size_0:
called_computation_lowered:
.L_overlay_start_0:
0x88: {  	s2 =	sld [smem:$0x3FD9]  }
0x89: {  	s3 =	sld [smem:$0x3FFE];
	_ =	sdelay $0x1  }
0x8a: {  	s1 =	srdreg.scid  }
0x8b: {  	s0 =	sand.u32 $0x1, s1  }
0x8c: {  	s16 =	sshll.u32 s0, $0xA;
	s2 =	sadd.s32 s3, s2  }
0x8d: {  	s2 =	sadd.s32 s2, s16  }
0x8e: {  	[smem:$0x3FC2] =	sst s2  }
0x8f: {  	_ = 	snop  }
0x90: {  	(tm) =	ssettm $0x1  }
0x91: {  	s17 =	sld [smem:$0x3FFB];
	_ =	sdelay $0x3  }
0x92: {  	_ =	strace s17  }
0x93: {  	s2 =	sld [smem:$0x3FFC];
	_ =	sdelay $0x3  }
0x94: {  	_ =	strace s2  }
0x95: {  	s2 =	sld [smem:$0x3FFD];
	_ =	sdelay $0x3  }
0x96: {  	_ =	strace s2  }
0x97: {  	_ =	strace $0x8FFFFFFF  }
0x98: {  	s18 =	sld [smem:$0x3FDB];
	_ =	sdelay $0x1  }
0x99: {  	s19 =	simm.s32 $_scs_section_size  }
0x9a: {  	s4 =	simm.s32 $_size__tile_overlayer_lowered;
	s5 =	simm.s32 $_tile_overlayer_lowered  }
0x9b: {  	s22 =	simm.s32 $0x1BFF;
	s21 =	sshll.u32 s5, $0x1;
	s2 =	sadd.s32 s19, s18  }
0x9c: {  	s6 =	simm.s32 $0x0;
	s20 =	sshll.u32 s4, $0x1;
	s4 =	sadd.s32 s21, s2  }
0x9d: {  	[timem:s6], [sflag:s22] =	dma.local [hbm:s4], s20  }
0x9e: {  	_ =	swait.ge [sflag:s22], s20  }
0x9f: {  	s3 =	ssub.s32 $0x0, s20;
	[sflag:s22] =	ssyncset.done $0x0  }
0xa0: {  	[sflag:s22] =	ssyncadd.s32 s3;
	_ =	sdelay $0x1  }
0xa1: {  	s23 =	simm.s32 $0x1B8B  }
0xa2: {  	_ =	swait.ge [sflag:s23], $0x1  }
0xa3: {  	[sflag:s23] =	ssyncset.done $0x0  }
0xa4: {  	s25 =	simm.s32 $0x1B8E;
	s24 =	sld [smem:$0x3FFE];
	[sflag:s23] =	ssyncadd.s32 $0xFFFFFFFF  }
0xa5: {  	s26 =	simm.s32 $execute0_lowered;
	[smem:$0x3FD2] =	sst s25  }
0xa6: {  	s4 =	sshll.u32 s26, $0x1;
	_ =	strace $0x80000046;
	[dreg:$0x1] =	wrdreg $0xFFFFFFFF  }
0xa7: {  	s28 =	simm.s32 $_size_execute0_lowered;
	s2 =	sadd.s32 s2, s4;
	[dreg:$0x0] =	wrdreg $0x0  }
0xa8: {  	s4 =	sshll.u32 s28, $0x1;
	[dreg:$0x2] =	wrdreg s2  }
0xa9: {  	[dreg:$0x3] =	wrdreg s4  }
0xaa: {  	[dreg:$0x4] =	wrdreg $0xC0  }
0xab: {  	_ =	task [dreg:s6], $0x5FFFF  }
0xac: {  	[dreg:$0x1] =	wrdreg $0xFFFFFFFF  }
0xad: {  	[dreg:$0x0] =	wrdreg $0x60  }
0xae: {  	[dreg:$0x2] =	wrdreg s24  }
0xaf: {  	[dreg:$0x3] =	wrdreg $0x7A800  }
0xb0: {  	[dreg:$0x4] =	wrdreg $0x9  }
0xb1: {  	_ =	task.clear_ibuf [dreg:s6], $0x5FFFF;
	_ =	strace $0x90000046  }
0xb2: {  	s29 =	simm.s32 $0x9;
	_ =	strace $0x80000048  }
0xb3: {  	_ =	swait.ge [sflag:s29], $0x1  }
0xb4: {  	[sflag:s29] =	ssyncadd.s32 $0xFFFFFFFF  }
0xb5: {  	_ =	strace $0x90000048  }
0xb6: {  	_ =	sfence  }
0xb7: {  	s30 =	sld [smem:$0x0];
	_ =	sdelay $0x2  }
0xb8: {  	s31 =	sshll.u32 s1, $0xD;
	s1 =	sshrl.u32 s1, $0x2  }
0xb9: {  	s3 =	sand.u32 $0x4000, s31;
	s1 =	sadd.s32 s1, s30  }
0xba: {  	s0 =	sor.u32 s3, s0;
	s1 =	sshll.u32 s1, $0x11  }
0xbb: {  	s0 =	sor.u32 s1, s0  }
0xbc: {  	s0 =	sadd.s32 $0x8F2B, s0  }
0xbd: {  	[sflag:s0] =	ssyncadd.remote.s32 $0x1  }
0xbe: {  	_ =	sfence.sel $0xFFFF  }
0xbf: {  	[dreg:$0x0] =	wrdreg $0xFFFFFFFF;
	(pc) =	sbr.abs _section_cstart, $3  }
0xc0: {  	[dreg:$0x1] =	wrdreg $0xFFFFFFFF  }
0xc1: {  	_ =	task.clear_ibuf [dreg:s6], $0x2FFFF;
	_ =	strace $0x9FFFFFFF  }
0xc2: {  	(tm) =	ssettm $0x7FFFFFFF  }
0xc3: {  	_ =	shalt  }
tec
execute0_lowered:
.L_overlay_start_1:
0x0: {  	(tag) =	ssettag $0x1  }
0x1: {  	s3 =	rddreg [dreg:$0x0];
	s1 =	srdreg.scid  }
0x2: {  	s0 =	stileid.u32;
	s5 =	rddreg [dreg:$0x1];
	s2 =	simm.s32 $0x0  }
0x3: {  	s11 =	simm.s32 $0x400;
	s12 =	simm.s32 $0x1400;
	s13 =	simm.s32 $0x14000  }
0x4: {  	s14 =	simm.s32 $0x5000;
	s15 =	simm.s32 $0x100;
	s16 =	simm.s32 $0x7800  }
0x5: {  	s4 =	sand.u32 $0x1, s1;
	s6 =	smul.u32 $0x5000, s0;
	s1 =	rddreg [dreg:$0x2]  }
0x6: {  	s17 =	simm.s32 $0x0;
	[smem:$0x7FF] =	sst s2;
	s8 =	smul.u32 $0x500, s0  }
0x7: {  	s26 =	sshrl.u32 s0, $0x3;
	s29 =	sshll.u32 s0, $0x7;
	s7 =	smul.u32 $0x2800, s4  }
0x8: {  	_ =	strace $0x80000047;
	s9 =	sshll.u32 s4, $0x7;
	s4 =	ssub.s32 $0x2, s4  }
0x9: {  	s31 =	sand.u32 $0x380, s29;
	s8 =	sor.u32 s9, s8;
	s9 =	smul.u32 $0x50000, s26  }
0xa: {  	s28 =	sshrl.u32 s4, $0x1;
	s7 =	sadd.s32 s7, s6;
	s8 =	sshrl.u32 s8, $0x3  }
0xb: {  	s10 =	ssub.s32 s4, s28;
	s6 =	sshrl.u32 s6, $0x2;
	s7 =	sshrl.u32 s7, $0x3  }
0xc: {  	s8 =	sadd.s32 s8, s3;
	s30 =	sshrl.u32 s9, $0x2;
	s9 =	simm.s32 $0x2800  }
0xd: {  	s7 =	sadd.s32 s7, s3;
	s4 =	sadd.s32 s30, s5;
	s5 =	sadd.s32 s6, s5  }
0xe: {  	s6 =	sadd.s32 $0xB400, s8;
	s8 =	simm.s32 $0x1;
	s3 =	sadd.s32 $0x1400, s7  }
0xf: {  	v0 =	vimm.f32 $0.0e+00;
	v1 =	vimm.f32 $1.000000000e+00;
	s4 =	sadd.s32 s31, s4;
	s7 =	smax.u32 s10, $0x1;
	s10 =	simm.s32 $0x80  }
.LBB2_1:
0x10: {  	[tilespmem:s2], [sflag:$0x1] =	stream.linear.gather [hbm4b:s3+s2], $0x2800, $0x38;
	[tilespmem:$0xA280] =	vst v63  }
0x11: {  	_ =	swait.ge [sflag:s8], $0x2800  }
0x12: {  	[sflag:s8] =	ssyncset.done $0x0  }
0x13: {  	s18 =	simm.s32 $0x0;
	[sflag:s8] =	ssyncadd.s32 $0xFFFFD800  }
.LBB2_2:
0x14: {  	p0 =	sne.s32 s18, $0x9FC0  }
.Ltmp0:
0x15: {  	_ = 	snop;
	(pc) =	sbr.rel @p0 .LBB2_2-.Ltmp0, $3  }
0x16: {  	_ =	sdelay $0x1  }
0x17: {  	s19 =	sshra.s32 s18, $0x2  }
0x18: {  	s18 =	sadd.s32 $0x40, s18;
	[tilespmem:s19+$0x2800] =	vst v0  }
0x19: {  	s18 =	simm.s32 $0x0  }
.LBB2_4:
0x1a: {  	s19 =	sshra.s32 s18, $0x2  }
0x1b: {  	v2 =	vld [tilespmem:s19+$0x0];
	_ =	sdelay $0x7  }
0x1c: {  	[tilespmem:v2+s9+$0x0] =	vst.idx.add.f32.msk $0xffff, v1  }
0x1d: {  	v2 =	vld [tilespmem:s19+$0x10];
	_ =	sdelay $0x7  }
0x1e: {  	[tilespmem:v2+s9+$0x0] =	vst.idx.add.f32.msk $0xffff, v1  }
0x1f: {  	v2 =	vld [tilespmem:s19+$0x20];
	_ =	sdelay $0x7  }
0x20: {  	[tilespmem:v2+s9+$0x0] =	vst.idx.add.f32.msk $0xffff, v1  }
0x21: {  	v2 =	vld [tilespmem:s19+$0x30];
	_ =	sdelay $0x2  }
0x22: {  	p0 =	sne.s32 s18, $0x9E00  }
.Ltmp1:
0x23: {  	_ = 	snop;
	(pc) =	sbr.rel @p0 .LBB2_4-.Ltmp1, $2  }
0x24: {  	_ =	sdelay $0x2  }
0x25: {  	s18 =	sadd.s32 $0x200, s18;
	[tilespmem:v2+s9+$0x0] =	vst.idx.add.f32.msk $0xffff, v1  }
0x26: {  	[spmem:s4] =	stream.strided.scatter [tilespmem:s9], [sflag:$0x1], $0x2800, s11, s10, $0x38;
	[tilespmem:$0xA280] =	vst v63  }
0x27: {  	_ =	swait.ge [sflag:s8], $0x2800  }
0x28: {  	[sflag:s8] =	ssyncset.done $0x0  }
0x29: {  	[sflag:s8] =	ssyncadd.s32 $0xFFFFD800  }
0x2a: {  	[bflag:$0x0] =	sbarrier.arrive $0xFFFF  }
0x2b: {  	[tilespmem:s14], [sflag:$0x1] =	stream.strided.gather [spmem:s5], $0x2800, s13, s12, $0x38;
	[tilespmem:$0xA280] =	vst v63  }
0x2c: {  	s18 =	simm.s32 $0x0;
	_ =	swait.ge [sflag:s8], $0x2800  }
0x2d: {  	s19 =	sand.u32 $0x70, s18;
	s18 =	sand.u32 $0x1C00, s18;
	[sflag:s8] =	ssyncset.done $0x0  }
0x2e: {  	s18 =	sor.u32 s19, s18;
	[sflag:s8] =	ssyncadd.s32 $0xFFFFD800  }
0x2f: {  	v2 =	vld [tilespmem:s18+$0x5000];
	_ =	sdelay $0x1  }
0x30: {  	v3 =	vld [tilespmem:s18+$0x5080];
	_ =	sdelay $0x1  }
0x31: {  	v4 =	vld [tilespmem:s18+$0x5100]  }
0x32: {  	v2 =	vadd.f32 $0.0e+00, v2  }
0x33: {  	v5 =	vld [tilespmem:s18+$0x5180]  }
0x34: {  	v2 =	vadd.f32 v3, v2  }
0x35: {  	v3 =	vld [tilespmem:s18+$0x5200]  }
0x36: {  	v2 =	vadd.f32 v4, v2  }
0x37: {  	v56 =	vld [tilespmem:s18+$0x5280]  }
0x38: {  	v2 =	vadd.f32 v5, v2  }
0x39: {  	v57 =	vld [tilespmem:s18+$0x5300]  }
0x3a: {  	v2 =	vadd.f32 v3, v2  }
0x3b: {  	v3 =	vld [tilespmem:s18+$0x5380]  }
0x3c: {  	v2 =	vadd.f32 v56, v2  }
0x3d: {  	v58 =	vld [tilespmem:s18+$0x6400]  }
0x3e: {  	v2 =	vadd.f32 v57, v2  }
0x3f: {  	v59 =	vld [tilespmem:s18+$0x6480]  }
0x40: {  	v2 =	vadd.f32 v3, v2  }
0x41: {  	v3 =	vld [tilespmem:s18+$0x6500]  }
0x42: {  	v2 =	vadd.f32 v58, v2  }
0x43: {  	v60 =	vld [tilespmem:s18+$0x6580]  }
0x44: {  	v2 =	vadd.f32 v59, v2  }
0x45: {  	v61 =	vld [tilespmem:s18+$0x6600]  }
0x46: {  	v2 =	vadd.f32 v3, v2  }
0x47: {  	v3 =	vld [tilespmem:s18+$0x6680]  }
0x48: {  	v2 =	vadd.f32 v60, v2  }
0x49: {  	v62 =	vld [tilespmem:s18+$0x6700]  }
0x4a: {  	v2 =	vadd.f32 v61, v2  }
0x4b: {  	v63 =	vld [tilespmem:s18+$0x6780]  }
0x4c: {  	v2 =	vadd.f32 v3, v2;
	_ =	sdelay $0x1  }
0x4d: {  	v2 =	vadd.f32 v62, v2  }
0x4e: {  	s20 =	simm.s32 $0x10  }
0x4f: {  	s21 =	sand.u32 $0x70, s20;
	s19 =	simm.s32 $0x80;
	v2 =	vadd.f32 v63, v2  }
0x50: {  	s20 =	simm.s32 $0x20;
	s22 =	sand.u32 $0x1C00, s19;
	s18 =	simm.s32 $0x7800  }
.LBB2_6:
0x51: {  	p0 =	sne.s32 s20, $0x270;
	s21 =	sor.u32 s21, s22;
	[tilespmem:s18+$0x0] =	vst v2  }
0x52: {  	v2 =	vld [tilespmem:s21+$0x5000];
	_ =	sdelay $0x1  }
0x53: {  	v3 =	vld [tilespmem:s21+$0x5080];
	_ =	sdelay $0x1  }
0x54: {  	v4 =	vld [tilespmem:s21+$0x5100]  }
0x55: {  	v2 =	vadd.f32 $0.0e+00, v2  }
0x56: {  	v5 =	vld [tilespmem:s21+$0x5180]  }
0x57: {  	v2 =	vadd.f32 v3, v2  }
0x58: {  	v3 =	vld [tilespmem:s21+$0x5200]  }
0x59: {  	v2 =	vadd.f32 v4, v2  }
0x5a: {  	v4 =	vld [tilespmem:s21+$0x5280]  }
0x5b: {  	v2 =	vadd.f32 v5, v2  }
0x5c: {  	v5 =	vld [tilespmem:s21+$0x5300]  }
0x5d: {  	v2 =	vadd.f32 v3, v2  }
0x5e: {  	v3 =	vld [tilespmem:s21+$0x5380]  }
0x5f: {  	v2 =	vadd.f32 v4, v2  }
0x60: {  	v4 =	vld [tilespmem:s21+$0x6400]  }
0x61: {  	v2 =	vadd.f32 v5, v2  }
0x62: {  	v5 =	vld [tilespmem:s21+$0x6480]  }
0x63: {  	v2 =	vadd.f32 v3, v2  }
0x64: {  	v3 =	vld [tilespmem:s21+$0x6500]  }
0x65: {  	v2 =	vadd.f32 v4, v2  }
0x66: {  	v4 =	vld [tilespmem:s21+$0x6580]  }
0x67: {  	v2 =	vadd.f32 v5, v2  }
0x68: {  	v5 =	vld [tilespmem:s21+$0x6600]  }
0x69: {  	v2 =	vadd.f32 v3, v2  }
0x6a: {  	v3 =	vld [tilespmem:s21+$0x6680]  }
0x6b: {  	v2 =	vadd.f32 v4, v2  }
0x6c: {  	v4 =	vld [tilespmem:s21+$0x6700]  }
0x6d: {  	v2 =	vadd.f32 v5, v2  }
0x6e: {  	v5 =	vld [tilespmem:s21+$0x6780]  }
0x6f: {  	v2 =	vadd.f32 v3, v2  }
.Ltmp2:
0x70: {  	(pc) =	sbr.rel @p0 .LBB2_6-.Ltmp2, $3  }
0x71: {  	v2 =	vadd.f32 v4, v2;
	_ =	sdelay $0x1  }
0x72: {  	s19 =	sadd.s32 $0x80, s19;
	s18 =	sadd.s32 $0x10, s18;
	v2 =	vadd.f32 v5, v2  }
0x73: {  	s22 =	sand.u32 $0x1C00, s19;
	s21 =	sand.u32 $0x70, s20;
	s20 =	sadd.s32 $0x10, s20  }
0x74: {  	s19 =	sor.u32 s21, s22;
	[tilespmem:s18+$0x0] =	vst v2  }
0x75: {  	v2 =	vld [tilespmem:s19+$0x5000];
	_ =	sdelay $0x1  }
0x76: {  	v3 =	vld [tilespmem:s19+$0x5080];
	_ =	sdelay $0x1  }
0x77: {  	v4 =	vld [tilespmem:s19+$0x5100]  }
0x78: {  	v2 =	vadd.f32 $0.0e+00, v2  }
0x79: {  	v5 =	vld [tilespmem:s19+$0x5180]  }
0x7a: {  	v2 =	vadd.f32 v3, v2  }
0x7b: {  	v3 =	vld [tilespmem:s19+$0x5200]  }
0x7c: {  	v2 =	vadd.f32 v4, v2  }
0x7d: {  	v56 =	vld [tilespmem:s19+$0x5280]  }
0x7e: {  	v2 =	vadd.f32 v5, v2  }
0x7f: {  	v57 =	vld [tilespmem:s19+$0x5300]  }
0x80: {  	v2 =	vadd.f32 v3, v2  }
0x81: {  	v3 =	vld [tilespmem:s19+$0x5380]  }
0x82: {  	v2 =	vadd.f32 v56, v2  }
0x83: {  	v58 =	vld [tilespmem:s19+$0x6400]  }
0x84: {  	v2 =	vadd.f32 v57, v2  }
0x85: {  	v59 =	vld [tilespmem:s19+$0x6480]  }
0x86: {  	v2 =	vadd.f32 v3, v2  }
0x87: {  	v3 =	vld [tilespmem:s19+$0x6500]  }
0x88: {  	v2 =	vadd.f32 v58, v2  }
0x89: {  	v60 =	vld [tilespmem:s19+$0x6580]  }
0x8a: {  	v2 =	vadd.f32 v59, v2  }
0x8b: {  	v61 =	vld [tilespmem:s19+$0x6600]  }
0x8c: {  	v2 =	vadd.f32 v3, v2  }
0x8d: {  	v3 =	vld [tilespmem:s19+$0x6680]  }
0x8e: {  	v2 =	vadd.f32 v60, v2  }
0x8f: {  	v62 =	vld [tilespmem:s19+$0x6700]  }
0x90: {  	v2 =	vadd.f32 v61, v2  }
0x91: {  	v63 =	vld [tilespmem:s19+$0x6780]  }
0x92: {  	v2 =	vadd.f32 v3, v2;
	_ =	sdelay $0x1  }
0x93: {  	v2 =	vadd.f32 v62, v2;
	_ =	sdelay $0x1  }
0x94: {  	s17 =	sadd.s32 $0x1, s17;
	v2 =	vadd.f32 v63, v2  }
0x95: {  	s31 =	sadd.s32 $0x10, s18;
	p0 =	sne.s32 s17, s7  }
.Ltmp3:
0x96: {  	[tilespmem:s31+$0x0] =	vst v2;
	(pc) =	sbr.rel @p0 .LBB2_1-.Ltmp3, $4  }
0x97: {  	[hbm4b:s6+s10] =	stream.strided.scatter [tilespmem:s16], [sflag:$0x1], $0x280, s15, s10, $0x38;
	[tilespmem:$0xA280] =	vst v63  }
0x98: {  	_ =	swait.ge [sflag:s8], $0x280  }
0x99: {  	[sflag:s8] =	ssyncset.done $0x0  }
0x9a: {  	[sflag:s8] =	ssyncadd.s32 $0xFFFFFD80  }
0x9b: {  	_ =	sfence.sel $0x180000  }
0x9c: {  	[bflag:$0x0] =	sbarrier.arrive $0xFFFF  }
0x9d: {  	p0 =	sne.s32 s0, $0x0;
	_ =	strace $0x90000047  }
0x9e: {  	s0 =	sadd.s32 @!p0 $0x100000, s1;
	[bflag:$0x2] =	sbarrier.arrive $0xFFFF  }
0x9f: {  	[sflag:s0] =	ssyncadd.tile.s32 @!p0 $0x1;
	_ =	shalt  }
.Lfunc_end2:
_tile_overlayer_lowered:
.L_overlay_start_2:
0xa0: {  	(tag) =	ssettag $0x2  }
0xa1: {  	s0 =	rddreg [dreg:$0x0];
	s2 =	stileid.u32  }
0xa2: {  	s1 =	rddreg [dreg:$0x1];
	p0 =	sne.s32 s2, $0x0  }
0xa3: {  	s3 =	rddreg [dreg:$0x2];
	[bflag:$0x3] =	sbarrier.arrive $0xFFFF;
	s2 =	simm.s32 @!p0 $0x1C01  }
0xa4: {  	[timem:s3], [sflag:s2] =	dma.local @!p0 [hbm:s0], s1  }
0xa5: {  	s0 =	simm.s32 @!p0 $0x1  }
0xa6: {  	_ =	swait.ge @!p0 [sflag:s0], s1  }
0xa7: {  	s1 =	ssub.s32 @!p0 $0x0, s1;
	[sflag:s0] =	ssyncset.done @!p0 $0x0  }
0xa8: {  	[sflag:s0] =	ssyncadd.s32 @!p0 s1  }
0xa9: {  	[bflag:$0x3] =	sbarrier.arrive $0xFFFF  }
0xaa: {  	_ =	shalt  }

</sc_bundles>
